<compile_context>
chip_gen: v7x
topology: tpu7x:2x2x1
jax: 0.10.2.dev20260603
libtpu: 0.0.44.dev20260713+nightly
codegen_flags: <defaults>
</compile_context>

<pallas_src>
import functools

import jax
import jax.numpy as jnp
from jax import lax
from jax.experimental import pallas as pl
from jax.experimental.pallas import tpu as pltpu
from jax.experimental.pallas import tpu_sc as plsc

NUM_Q = 300
KPAD = 304
CPAD = 320
LANES = 16
MIN32 = -(2 ** 31)


def _bc(n, like):
    return jnp.broadcast_to(jnp.asarray(n, like.dtype), like.shape)


def _srl(x, n):
    return lax.shift_right_logical(x, _bc(n, x))


def _sra(x, n):
    return lax.shift_right_arithmetic(x, _bc(n, x))


def _shl(x, n):
    return lax.shift_left(x, _bc(n, x))


def _tc_cls_max_keys(x, coords):
    B, N, L = x.shape
    BN = 8400

    def body(x_ref, c_ref, o_ref, p_ref):
        xb = x_ref[...]
        mx = jnp.max(xb, axis=-1)
        kk = lax.bitcast_convert_type(mx, jnp.int32)
        s = kk ^ (lax.shift_right_arithmetic(kk, 31) & jnp.int32(0x7FFFFFFF))
        o_ref[...] = s.reshape(1, 1, 1, BN)
        p_ref[...] = jnp.concatenate(
            [xb, c_ref[...],
             jnp.zeros((1, BN, 128 - L - 4), jnp.float32)], axis=-1)

    keys, classpad = pl.pallas_call(
        body,
        grid=(B, N // BN),
        in_specs=[
            pl.BlockSpec((1, BN, L), lambda b, n: (b, n, 0)),
            pl.BlockSpec((1, BN, 4), lambda b, n: (b, n, 0)),
        ],
        out_specs=[
            pl.BlockSpec((1, 1, 1, BN), lambda b, n: (b, n, 0, 0)),
            pl.BlockSpec((1, BN, 128), lambda b, n: (b, n, 0)),
        ],
        out_shape=[
            jax.ShapeDtypeStruct((B, N // BN, 1, BN), jnp.int32),
            jax.ShapeDtypeStruct((B, N, 128), jnp.float32),
        ],
    )(x, coords)
    return keys.reshape(B, N), classpad.reshape(B * N, 128)


def _sc_topk_gather(cls_keys1d, class2d, mem2d):
    BN_total = cls_keys1d.shape[0]
    D = mem2d.shape[-1]
    B = 16
    N = BN_total // B
    NV = N // LANES

    mesh = plsc.VectorSubcoreMesh(core_axis_name="c", subcore_axis_name="s")

    @functools.partial(
        pl.kernel,
        mesh=mesh,
        compiler_params=pltpu.CompilerParams(needs_layout_passes=False),
        out_type=[
            jax.ShapeDtypeStruct((B, 1, KPAD * 4), jnp.float32),
            jax.ShapeDtypeStruct((B, KPAD, D), jnp.float32),
            jax.ShapeDtypeStruct((B, KPAD, 128), jnp.float32),
            jax.ShapeDtypeStruct((B, 1, KPAD * 4), jnp.float32),
        ],
        scratch_types=[
            pltpu.VMEM((N,), jnp.int32),
            pltpu.VMEM((4096,), jnp.int32),
            pltpu.VMEM((CPAD,), jnp.int32),
            pltpu.VMEM((CPAD,), jnp.int32),
            pltpu.VMEM((CPAD,), jnp.int32),
            pltpu.VMEM((CPAD,), jnp.int32),
            pltpu.VMEM((KPAD,), jnp.int32),
            pltpu.VMEM((KPAD,), jnp.int32),
            pltpu.VMEM((1, KPAD * 4), jnp.float32),
            pltpu.VMEM((1, KPAD * 4), jnp.float32),
            pltpu.VMEM((152, 128), jnp.float32),
            pltpu.VMEM((152, D), jnp.float32),
            pltpu.SemaphoreType.DMA,
        ],
    )
    def k(cls_hbm, class_hbm, mem_hbm,
          o_ref, o_tgt, o_log, o_bbox,
          skeys, hist, cs_a, ci_a, cs_b, ci_b,
          selidx_l, selidx_g, coordbuf, bboxbuf, logbuf, membuf,
          sem):
        wid = lax.axis_index("s") * 2 + lax.axis_index("c")

        @pl.when(wid < B)
        def _():
            b = wid
            lane = lax.broadcasted_iota(jnp.int32, (LANES,), 0)
            lane256 = lane * 256

            pltpu.sync_copy(cls_hbm.at[pl.ds(b * N, N)], skeys)

            ones16 = jnp.ones((LANES,), jnp.int32)
            zeros16 = jnp.zeros((LANES,), jnp.int32)
            prefix = jnp.int32(0)
            rr = jnp.int32(NUM_Q)

            for sh in (24, 16, 8, 0):
                def clr(i, _):
                    hist[pl.ds(i * LANES, LANES)] = zeros16
                    return 0
                lax.fori_loop(0, 256, clr, 0)

                phi = _srl(prefix, sh + 8) if sh < 24 else None

                def hupd(i, _, _sh=sh, _phi=phi):
                    s = skeys[pl.ds(i * LANES, LANES)]
                    u = s ^ MIN32
                    bkt = _srl(u, _sh) & jnp.int32(255)
                    flat = lane256 + bkt
                    if _phi is None:
                        plsc.addupdate_scatter(hist, [flat], ones16)
                    else:
                        m = _srl(u, _sh + 8) == _phi
                        plsc.addupdate_scatter(hist, [flat], ones16, mask=m)
                    return 0
                lax.fori_loop(0, NV, hupd, 0)

                def bscan(gi, carry, _rr_in=rr):
                    acc_after, j0, sj0 = carry
                    g = 15 - gi
                    h = hist[pl.ds(g * LANES, LANES)]
                    for l in range(1, LANES):
                        h = h + hist[pl.ds(l * 256 + g * LANES, LANES)]
                    incl = lax.rev(jnp.cumsum(lax.rev(h, (0,)), axis=0), (0,))
                    S = (incl - h) + acc_after
                    mlt = S < _rr_in
                    pc = jnp.sum(mlt.astype(jnp.int32))
                    anyb = pc > 0
                    j0l = jnp.minimum(jnp.int32(16) - pc, jnp.int32(15))
                    s_at = jnp.max(
                        S.at[jnp.broadcast_to(j0l, (LANES,))]
                        .get(mode="promise_in_bounds"))
                    j0 = lax.select(anyb, g * LANES + j0l, j0)
                    sj0 = lax.select(anyb, s_at, sj0)
                    acc_after = acc_after + jnp.max(incl)
                    return acc_after, j0, sj0

                _, j0, sj0 = lax.fori_loop(
                    0, 16, bscan,
                    (jnp.int32(0), jnp.int32(0), jnp.int32(0)))
                prefix = prefix | _shl(j0, sh)
                rr = rr - sj0

            ts = prefix ^ MIN32

            def pre(i, _):
                cs_a[pl.ds(i * LANES, LANES)] = jnp.full(
                    (LANES,), MIN32, jnp.int32)
                ci_a[pl.ds(i * LANES, LANES)] = zeros16
                return 0
            lax.fori_loop(0, CPAD // LANES, pre, 0)

            def compact(i, off):
                s = skeys[pl.ds(i * LANES, LANES)]
                m = s >= ts
                mi = m.astype(jnp.int32)
                csum = jnp.cumsum(mi, axis=0)
                pos = off + (csum - mi)
                safe = m & (pos < CPAD)
                plsc.store_scatter(cs_a, [pos], s, mask=safe)
                plsc.store_scatter(ci_a, [pos], i * LANES + lane, mask=safe)
                return off + jnp.max(csum)
            lax.fori_loop(0, NV, compact, jnp.int32(0))

            NCV = CPAD // LANES

            def zcount(i, z):
                s = cs_a[pl.ds(i * LANES, LANES)]
                v = ~(s ^ MIN32)
                bit = v & 1
                return z + (1 - bit)
            z0 = jnp.sum(lax.fori_loop(0, NCV, zcount, zeros16))

            idx15 = jnp.full((LANES,), 15, jnp.int32)

            def bitpass(src_s, src_i, dst_s, dst_i, p, z):
                pn = jnp.minimum(p + 1, jnp.int32(31))

                def mv(i, carry):
                    c0, c1, zn = carry
                    s = src_s[pl.ds(i * LANES, LANES)]
                    ix = src_i[pl.ds(i * LANES, LANES)]
                    v = ~(s ^ MIN32)
                    bit = _srl(v, p) & 1
                    mzi = 1 - bit
                    cs0 = jnp.cumsum(mzi, axis=0)
                    cs1 = jnp.cumsum(bit, axis=0)
                    pos = jnp.where(
                        bit == 0, c0 + (cs0 - mzi), z + c1 + (cs1 - bit))
                    plsc.store_scatter(dst_s, [pos], s)
                    plsc.store_scatter(dst_i, [pos], ix)
                    bn = lax.shift_right_logical(v, pn) & 1
                    t0 = cs0.at[idx15].get(mode="promise_in_bounds")
                    t1 = cs1.at[idx15].get(mode="promise_in_bounds")
                    return c0 + t0, c1 + t1, zn + (1 - bn)

                _, _, zn = lax.fori_loop(
                    0, NCV, mv, (zeros16, zeros16, zeros16))
                return jnp.sum(zn)

            def sortpair(it, z):
                z = bitpass(cs_a, ci_a, cs_b, ci_b, it * 2, z)
                z = bitpass(cs_b, ci_b, cs_a, ci_a, it * 2 + 1, z)
                return z
            lax.fori_loop(0, 16, sortpair, z0)

            def selw(g, _):
                v = ci_a[pl.ds(g * LANES, LANES)]
                selidx_l[pl.ds(g * LANES, LANES)] = v
                selidx_g[pl.ds(g * LANES, LANES)] = v + b * N
                return 0
            lax.fori_loop(0, KPAD // LANES, selw, 0)

            pltpu.async_copy(
                mem_hbm.at[selidx_g.at[pl.ds(0, 152)]], membuf, sem).wait()
            pltpu.sync_copy(membuf, o_tgt.at[b, pl.ds(0, 152)])
            pltpu.async_copy(
                mem_hbm.at[selidx_g.at[pl.ds(152, 152)]], membuf, sem).wait()
            pltpu.sync_copy(membuf, o_tgt.at[b, pl.ds(152, 152)])

            zrow = jnp.zeros((LANES,), jnp.int32)
            for off in (0, 152):
                pltpu.async_copy(
                    class_hbm.at[selidx_g.at[pl.ds(off, 152)]],
                    logbuf, sem).wait()
                pltpu.sync_copy(logbuf, o_log.at[b, pl.ds(off, 152)])

                def cext(gg, _, _off=off):
                    p = gg * LANES + lane
                    ps = jnp.minimum(p, 151)
                    ok = p < 152
                    fpos = (_off + p) * 4
                    for c in range(4):
                        cc = jnp.broadcast_to(jnp.int32(80 + c), (LANES,))
                        vals = plsc.load_gather(logbuf, [ps, cc])
                        plsc.store_scatter(
                            coordbuf, [zrow, fpos + c], vals, mask=ok)
                        sig = 1.0 / (1.0 + jnp.exp(-vals))
                        plsc.store_scatter(
                            bboxbuf, [zrow, fpos + c], sig, mask=ok)
                    return 0
                lax.fori_loop(0, 10, cext, 0)

            pltpu.sync_copy(coordbuf, o_ref.at[b])
            pltpu.sync_copy(bboxbuf, o_bbox.at[b])

    return k(cls_keys1d, class2d, mem2d)


def kernel(enc_outputs_class, enc_outputs_coord_logits_plus_anchors,
           output_memory, sources_last_element):
    del sources_last_element
    B, N, L = enc_outputs_class.shape
    D = output_memory.shape[-1]

    cls_keys, classpad = _tc_cls_max_keys(
        enc_outputs_class, enc_outputs_coord_logits_plus_anchors)
    refp, tgt, logit, bbox = _sc_topk_gather(
        cls_keys.reshape(B * N),
        classpad,
        output_memory.reshape(B * N, D),
    )
    return (refp.reshape(B, KPAD, 4)[:, :NUM_Q],
            tgt[:, :NUM_Q],
            logit[:, :NUM_Q, :L],
            bbox.reshape(B, KPAD, 4)[:, :NUM_Q])

# --- scband reference (transcript-rebuilt; emitter-appended) ---
"""Pipeline reference for scband-dfine-initial-query-and-reference-generator-56100862821020 (READ-ONLY COPY).

The authoritative reference and input builder live on the scoring server;
editing this copy changes nothing except your own understanding.
"""

import jax, jax.numpy as jnp
import numpy as np

NUM_QUERIES = 300

def setup_inputs(seed: int = 0) -> dict:
    key = jax.random.key(seed)
    k1, k2, k3, k4 = jax.random.split(key, 4)
    B, N, L, D = 16, 8400, 80, 256
    return {
        "enc_outputs_class": jax.random.normal(k1, (B, N, L), dtype=jnp.float32),
        "enc_outputs_coord_logits_plus_anchors": jax.random.normal(k2, (B, N, 4), dtype=jnp.float32),
        "output_memory": jax.random.normal(k3, (B, N, D), dtype=jnp.float32),
        "sources_last_element": jax.random.normal(k4, (B, D, 20, 20), dtype=jnp.float32),
    }

def reference(enc_outputs_class, enc_outputs_coord_logits_plus_anchors, output_memory, sources_last_element):
    # max over class dim, then top-k over anchor dim
    cls_max = jnp.max(enc_outputs_class, axis=-1)
    _, topk_ind = jax.lax.top_k(cls_max, NUM_QUERIES)
    idx = topk_ind[:, :, None]
    # per-batch gather (equivalent of keras.ops.map(gather_batch, ...))
    reference_points_unact = jnp.take_along_axis(
        enc_outputs_coord_logits_plus_anchors, idx, axis=1)
    enc_topk_logits = jnp.take_along_axis(enc_outputs_class, idx, axis=1)
    enc_topk_bboxes = jax.nn.sigmoid(reference_points_unact)
    # learn_initial_query=False -> target gathered from encoder memory, detached
    target = jax.lax.stop_gradient(jnp.take_along_axis(output_memory, idx, axis=1))
    init_reference_points = jax.lax.stop_gradient(reference_points_unact)
    return (init_reference_points, target, enc_topk_logits, enc_topk_bboxes)

if __name__ == "__main__":
    import jax
    _d = setup_inputs()
    print(jax.jit(kernel)(*tuple(_d.values())))

</pallas_src>

<mosaic_0001>
#map = affine_map<(d0, d1) -> (0)>
#map1 = affine_map<(d0, d1) -> (0, 0)>
#map2 = affine_map<(d0, d1) -> (0, 0, 0)>
module attributes {stable_mosaic.version = 14 : i64} {
  func.func @k(%arg0: i32, %arg1: i32, %arg2: memref<134400xi32, #tpu.memory_space<hbm>>, %arg3: memref<134400x128xf32, #tpu.memory_space<hbm>>, %arg4: memref<134400x256xf32, #tpu.memory_space<hbm>>, %arg5: memref<16x1x1216xf32, #tpu.memory_space<hbm>>, %arg6: memref<16x304x256xf32, #tpu.memory_space<hbm>>, %arg7: memref<16x304x128xf32, #tpu.memory_space<hbm>>, %arg8: memref<16x1x1216xf32, #tpu.memory_space<hbm>>, %arg9: memref<8400xi32, #tpu.memory_space<vmem>>, %arg10: memref<4096xi32, #tpu.memory_space<vmem>>, %arg11: memref<320xi32, #tpu.memory_space<vmem>>, %arg12: memref<320xi32, #tpu.memory_space<vmem>>, %arg13: memref<320xi32, #tpu.memory_space<vmem>>, %arg14: memref<320xi32, #tpu.memory_space<vmem>>, %arg15: memref<304xi32, #tpu.memory_space<vmem>>, %arg16: memref<304xi32, #tpu.memory_space<vmem>>, %arg17: memref<1x1216xf32, #tpu.memory_space<vmem>>, %arg18: memref<1x1216xf32, #tpu.memory_space<vmem>>, %arg19: memref<152x128xf32, #tpu.memory_space<vmem>>, %arg20: memref<152x256xf32, #tpu.memory_space<vmem>>, %arg21: memref<!tpu.dma_semaphore, #tpu.memory_space<semaphore_mem>>) attributes {dimension_semantics = [#tpu.dimension_semantics<core_parallel>, #tpu.dimension_semantics<subcore_parallel>], iteration_bounds = array<i64: 2, 16>, scalar_prefetch = 0 : i64, scratch_operands = 13 : i64, tpu.core_type = #tpu.core_type<sc_vector_subcore>, window_params = [{transform_indices = #map}, {transform_indices = #map1}, {transform_indices = #map1}, {transform_indices = #map2}, {transform_indices = #map2}, {transform_indices = #map2}, {transform_indices = #map2}]} {
    %mul3A = arith.constant 2 : i32
    %mul3A_0 = arith.muli %arg1, %mul3A : i32
    %add3A = arith.addi %mul3A_0, %arg0 : i32
    %lt3A = arith.constant 16 : i32
    %lt3A_1 = arith.cmpi slt, %add3A, %lt3A : i32
    %convert_element_type3A = arith.extui %lt3A_1 : i1 to i32
    %cond3A = arith.constant 0 : i32
    %cond3A_2 = arith.cmpi ne, %convert_element_type3A, %cond3A : i32
    scf.if %cond3A_2 {
      %iota3A = tpu.iota {dimensions = array<i32: 0>} : vector<16xi32>
      %mul3A_3 = arith.constant 256 : i32
      %mul3A_4 = vector.broadcast %mul3A_3 : i32 to vector<16xi32>
      %mul3A_5 = arith.muli %iota3A, %mul3A_4 : vector<16xi32>
      %mul3A_6 = arith.constant 8400 : i32
      %mul3A_7 = arith.muli %add3A, %mul3A_6 : i32
      "tpu.region"() ({
        %run_scoped3A = tpu.sem_alloc : memref<!tpu.dma_semaphore, #tpu.memory_space<semaphore_mem>>
        %dma_start3A_216 = tpu.memref_slice %arg2[%mul3A_7] : memref<134400xi32, #tpu.memory_space<hbm>> -> memref<8400xi32, #tpu.memory_space<hbm>>
        %dma_start3A_217 = tpu.memref_slice %arg2[%mul3A_7] : memref<134400xi32, #tpu.memory_space<hbm>> -> memref<8400xi32, #tpu.memory_space<hbm>>
        tpu.enqueue_dma source(%dma_start3A_217 : memref<8400xi32, #tpu.memory_space<hbm>>) target(%arg9 : memref<8400xi32, #tpu.memory_space<vmem>>) target_semaphore(%run_scoped3A : memref<!tpu.dma_semaphore, #tpu.memory_space<semaphore_mem>>)
        %dma_wait3A_218 = tpu.memref_slice %arg2[%mul3A_7] : memref<134400xi32, #tpu.memory_space<hbm>> -> memref<8400xi32, #tpu.memory_space<hbm>>
        %dma_wait3A_219 = tpu.memref_slice %arg2[%mul3A_7] : memref<134400xi32, #tpu.memory_space<hbm>> -> memref<8400xi32, #tpu.memory_space<hbm>>
        tpu.wait_dma2 semaphore(%run_scoped3A : memref<!tpu.dma_semaphore, #tpu.memory_space<semaphore_mem>>) src(%dma_wait3A_219 : memref<8400xi32, #tpu.memory_space<hbm>>) dst(%arg9 : memref<8400xi32, #tpu.memory_space<vmem>>)
        tpu.yield
      }) : () -> ()
      %broadcast_in_dim3A = arith.constant 1 : i32
      %broadcast_in_dim3A_8 = vector.broadcast %broadcast_in_dim3A : i32 to vector<16xi32>
      %broadcast_in_dim3A_9 = arith.constant 0 : i32
      %broadcast_in_dim3A_10 = vector.broadcast %broadcast_in_dim3A_9 : i32 to vector<16xi32>
      %scan3A = arith.constant 0 : i32
      %scan3A_11 = arith.constant 0 : i32
      %scan3A_12 = arith.constant 256 : i32
      %scan3A_13 = arith.addi %scan3A_11, %scan3A_12 : i32
      %scan3A_14 = arith.constant 1 : i32
      %scan3A_15 = scf.for %scan3A_216 = %scan3A_11 to %scan3A_13 step %scan3A_14 iter_args(%scan3A_217 = %scan3A) -> (i32)  : i32 {
        %mul3A_218 = arith.constant 16 : i32
        %mul3A_219 = arith.muli %scan3A_216, %mul3A_218 : i32
        %swap3A = arith.index_cast %mul3A_219 : i32 to index
        %swap3A_220 = tpu.vector_load %arg10[%swap3A] {strides = array<i32>} : memref<4096xi32, #tpu.memory_space<vmem>>, vector<16xi32>,
        tpu.vector_store %arg10[%swap3A], %broadcast_in_dim3A_10 {strides = array<i32>} : memref<4096xi32, #tpu.memory_space<vmem>>, vector<16xi32>,
        %scan3A_221 = arith.constant 0 : i32
        scf.yield %scan3A_221 : i32
      }
      %scan3A_16 = arith.constant 256 : i32
      %scan3A_17 = arith.constant 0 : i32
      %scan3A_18 = arith.constant 0 : i32
      %scan3A_19 = arith.constant 525 : i32
      %scan3A_20 = arith.addi %scan3A_18, %scan3A_19 : i32
      %scan3A_21 = arith.constant 1 : i32
      %scan3A_22 = scf.for %scan3A_216 = %scan3A_18 to %scan3A_20 step %scan3A_21 iter_args(%scan3A_217 = %scan3A_17) -> (i32)  : i32 {
        %mul3A_218 = arith.constant 16 : i32
        %mul3A_219 = arith.muli %scan3A_216, %mul3A_218 : i32
        %get3A = arith.index_cast %mul3A_219 : i32 to index
        %get3A_220 = tpu.vector_load %arg9[%get3A] {strides = array<i32>} : memref<8400xi32, #tpu.memory_space<vmem>>, vector<16xi32>,
        %xor3A_221 = arith.constant -2147483648 : i32
        %xor3A_222 = vector.broadcast %xor3A_221 : i32 to vector<16xi32>
        %xor3A_223 = arith.xori %get3A_220, %xor3A_222 : vector<16xi32>
        %broadcast_in_dim3A_224 = arith.constant 24 : i32
        %broadcast_in_dim3A_225 = vector.broadcast %broadcast_in_dim3A_224 : i32 to vector<16xi32>
        %shift_right_logical3A_226 = arith.shrui %xor3A_223, %broadcast_in_dim3A_225 : vector<16xi32>
        %and3A = arith.constant 255 : i32
        %and3A_227 = vector.broadcast %and3A : i32 to vector<16xi32>
        %and3A_228 = arith.andi %shift_right_logical3A_226, %and3A_227 : vector<16xi32>
        %add3A_229 = arith.addi %mul3A_5, %and3A_228 : vector<16xi32>
        tpu.vector_store_idx %arg10[%add3A_229], %broadcast_in_dim3A_8 {add = true} : memref<4096xi32, #tpu.memory_space<vmem>>[vector<16xi32>], vector<16xi32>,
        %scan3A_230 = arith.constant 0 : i32
        scf.yield %scan3A_230 : i32
      }
      %scan3A_23 = arith.constant 525 : i32
      %scan3A_24 = arith.constant 300 : i32
      %scan3A_25 = arith.constant 0 : i32
      %scan3A_26 = arith.constant 0 : i32
      %scan3A_27 = arith.constant 0 : i32
      %scan3A_28 = arith.constant 0 : i32
      %scan3A_29 = arith.constant 16 : i32
      %scan3A_30 = arith.addi %scan3A_28, %scan3A_29 : i32
      %scan3A_31 = arith.constant 1 : i32
      %scan3A_32:3 = scf.for %scan3A_216 = %scan3A_28 to %scan3A_30 step %scan3A_31 iter_args(%scan3A_217 = %scan3A_25, %scan3A_218 = %scan3A_26, %scan3A_219 = %scan3A_27) -> (i32, i32, i32)  : i32 {
        %sub3A_220 = arith.constant 15 : i32
        %sub3A_221 = arith.subi %sub3A_220, %scan3A_216 : i32
        %mul3A_222 = arith.constant 16 : i32
        %mul3A_223 = arith.muli %sub3A_221, %mul3A_222 : i32
        %get3A = arith.index_cast %mul3A_223 : i32 to index
        %get3A_224 = tpu.vector_load %arg10[%get3A] {strides = array<i32>} : memref<4096xi32, #tpu.memory_space<vmem>>, vector<16xi32>,
        %mul3A_225 = arith.constant 16 : i32
        %mul3A_226 = arith.muli %sub3A_221, %mul3A_225 : i32
        %add3A_227 = arith.constant 256 : i32
        %add3A_228 = arith.addi %add3A_227, %mul3A_226 : i32
        %get3A_229 = arith.index_cast %add3A_228 : i32 to index
        %get3A_230 = tpu.vector_load %arg10[%get3A_229] {strides = array<i32>} : memref<4096xi32, #tpu.memory_space<vmem>>, vector<16xi32>,
        %add3A_231 = arith.addi %get3A_224, %get3A_230 : vector<16xi32>
        %mul3A_232 = arith.constant 16 : i32
        %mul3A_233 = arith.muli %sub3A_221, %mul3A_232 : i32
        %add3A_234 = arith.constant 512 : i32
        %add3A_235 = arith.addi %add3A_234, %mul3A_233 : i32
        %get3A_236 = arith.index_cast %add3A_235 : i32 to index
        %get3A_237 = tpu.vector_load %arg10[%get3A_236] {strides = array<i32>} : memref<4096xi32, #tpu.memory_space<vmem>>, vector<16xi32>,
        %add3A_238 = arith.addi %add3A_231, %get3A_237 : vector<16xi32>
        %mul3A_239 = arith.constant 16 : i32
        %mul3A_240 = arith.muli %sub3A_221, %mul3A_239 : i32
        %add3A_241 = arith.constant 768 : i32
        %add3A_242 = arith.addi %add3A_241, %mul3A_240 : i32
        %get3A_243 = arith.index_cast %add3A_242 : i32 to index
        %get3A_244 = tpu.vector_load %arg10[%get3A_243] {strides = array<i32>} : memref<4096xi32, #tpu.memory_space<vmem>>, vector<16xi32>,
        %add3A_245 = arith.addi %add3A_238, %get3A_244 : vector<16xi32>
        %mul3A_246 = arith.constant 16 : i32
        %mul3A_247 = arith.muli %sub3A_221, %mul3A_246 : i32
        %add3A_248 = arith.constant 1024 : i32
        %add3A_249 = arith.addi %add3A_248, %mul3A_247 : i32
        %get3A_250 = arith.index_cast %add3A_249 : i32 to index
        %get3A_251 = tpu.vector_load %arg10[%get3A_250] {strides = array<i32>} : memref<4096xi32, #tpu.memory_space<vmem>>, vector<16xi32>,
        %add3A_252 = arith.addi %add3A_245, %get3A_251 : vector<16xi32>
        %mul3A_253 = arith.constant 16 : i32
        %mul3A_254 = arith.muli %sub3A_221, %mul3A_253 : i32
        %add3A_255 = arith.constant 1280 : i32
        %add3A_256 = arith.addi %add3A_255, %mul3A_254 : i32
        %get3A_257 = arith.index_cast %add3A_256 : i32 to index
        %get3A_258 = tpu.vector_load %arg10[%get3A_257] {strides = array<i32>} : memref<4096xi32, #tpu.memory_space<vmem>>, vector<16xi32>,
        %add3A_259 = arith.addi %add3A_252, %get3A_258 : vector<16xi32>
        %mul3A_260 = arith.constant 16 : i32
        %mul3A_261 = arith.muli %sub3A_221, %mul3A_260 : i32
        %add3A_262 = arith.constant 1536 : i32
        %add3A_263 = arith.addi %add3A_262, %mul3A_261 : i32
        %get3A_264 = arith.index_cast %add3A_263 : i32 to index
        %get3A_265 = tpu.vector_load %arg10[%get3A_264] {strides = array<i32>} : memref<4096xi32, #tpu.memory_space<vmem>>, vector<16xi32>,
        %add3A_266 = arith.addi %add3A_259, %get3A_265 : vector<16xi32>
        %mul3A_267 = arith.constant 16 : i32
        %mul3A_268 = arith.muli %sub3A_221, %mul3A_267 : i32
        %add3A_269 = arith.constant 1792 : i32
        %add3A_270 = arith.addi %add3A_269, %mul3A_268 : i32
        %get3A_271 = arith.index_cast %add3A_270 : i32 to index
        %get3A_272 = tpu.vector_load %arg10[%get3A_271] {strides = array<i32>} : memref<4096xi32, #tpu.memory_space<vmem>>, vector<16xi32>,
        %add3A_273 = arith.addi %add3A_266, %get3A_272 : vector<16xi32>
        %mul3A_274 = arith.constant 16 : i32
        %mul3A_275 = arith.muli %sub3A_221, %mul3A_274 : i32
        %add3A_276 = arith.constant 2048 : i32
        %add3A_277 = arith.addi %add3A_276, %mul3A_275 : i32
        %get3A_278 = arith.index_cast %add3A_277 : i32 to index
        %get3A_279 = tpu.vector_load %arg10[%get3A_278] {strides = array<i32>} : memref<4096xi32, #tpu.memory_space<vmem>>, vector<16xi32>,
        %add3A_280 = arith.addi %add3A_273, %get3A_279 : vector<16xi32>
        %mul3A_281 = arith.constant 16 : i32
        %mul3A_282 = arith.muli %sub3A_221, %mul3A_281 : i32
        %add3A_283 = arith.constant 2304 : i32
        %add3A_284 = arith.addi %add3A_283, %mul3A_282 : i32
        %get3A_285 = arith.index_cast %add3A_284 : i32 to index
        %get3A_286 = tpu.vector_load %arg10[%get3A_285] {strides = array<i32>} : memref<4096xi32, #tpu.memory_space<vmem>>, vector<16xi32>,
        %add3A_287 = arith.addi %add3A_280, %get3A_286 : vector<16xi32>
        %mul3A_288 = arith.constant 16 : i32
        %mul3A_289 = arith.muli %sub3A_221, %mul3A_288 : i32
        %add3A_290 = arith.constant 2560 : i32
        %add3A_291 = arith.addi %add3A_290, %mul3A_289 : i32
        %get3A_292 = arith.index_cast %add3A_291 : i32 to index
        %get3A_293 = tpu.vector_load %arg10[%get3A_292] {strides = array<i32>} : memref<4096xi32, #tpu.memory_space<vmem>>, vector<16xi32>,
        %add3A_294 = arith.addi %add3A_287, %get3A_293 : vector<16xi32>
        %mul3A_295 = arith.constant 16 : i32
        %mul3A_296 = arith.muli %sub3A_221, %mul3A_295 : i32
        %add3A_297 = arith.constant 2816 : i32
        %add3A_298 = arith.addi %add3A_297, %mul3A_296 : i32
        %get3A_299 = arith.index_cast %add3A_298 : i32 to index
        %get3A_300 = tpu.vector_load %arg10[%get3A_299] {strides = array<i32>} : memref<4096xi32, #tpu.memory_space<vmem>>, vector<16xi32>,
        %add3A_301 = arith.addi %add3A_294, %get3A_300 : vector<16xi32>
        %mul3A_302 = arith.constant 16 : i32
        %mul3A_303 = arith.muli %sub3A_221, %mul3A_302 : i32
        %add3A_304 = arith.constant 3072 : i32
        %add3A_305 = arith.addi %add3A_304, %mul3A_303 : i32
        %get3A_306 = arith.index_cast %add3A_305 : i32 to index
        %get3A_307 = tpu.vector_load %arg10[%get3A_306] {strides = array<i32>} : memref<4096xi32, #tpu.memory_space<vmem>>, vector<16xi32>,
        %add3A_308 = arith.addi %add3A_301, %get3A_307 : vector<16xi32>
        %mul3A_309 = arith.constant 16 : i32
        %mul3A_310 = arith.muli %sub3A_221, %mul3A_309 : i32
        %add3A_311 = arith.constant 3328 : i32
        %add3A_312 = arith.addi %add3A_311, %mul3A_310 : i32
        %get3A_313 = arith.index_cast %add3A_312 : i32 to index
        %get3A_314 = tpu.vector_load %arg10[%get3A_313] {strides = array<i32>} : memref<4096xi32, #tpu.memory_space<vmem>>, vector<16xi32>,
        %add3A_315 = arith.addi %add3A_308, %get3A_314 : vector<16xi32>
        %mul3A_316 = arith.constant 16 : i32
        %mul3A_317 = arith.muli %sub3A_221, %mul3A_316 : i32
        %add3A_318 = arith.constant 3584 : i32
        %add3A_319 = arith.addi %add3A_318, %mul3A_317 : i32
        %get3A_320 = arith.index_cast %add3A_319 : i32 to index
        %get3A_321 = tpu.vector_load %arg10[%get3A_320] {strides = array<i32>} : memref<4096xi32, #tpu.memory_space<vmem>>, vector<16xi32>,
        %add3A_322 = arith.addi %add3A_315, %get3A_321 : vector<16xi32>
        %mul3A_323 = arith.constant 16 : i32
        %mul3A_324 = arith.muli %sub3A_221, %mul3A_323 : i32
        %add3A_325 = arith.constant 3840 : i32
        %add3A_326 = arith.addi %add3A_325, %mul3A_324 : i32
        %get3A_327 = arith.index_cast %add3A_326 : i32 to index
        %get3A_328 = tpu.vector_load %arg10[%get3A_327] {strides = array<i32>} : memref<4096xi32, #tpu.memory_space<vmem>>, vector<16xi32>,
        %add3A_329 = arith.addi %add3A_322, %get3A_328 : vector<16xi32>
        %rev3A = arith.constant 15 : i32
        %rev3A_330 = vector.broadcast %rev3A : i32 to vector<16xi32>
        %rev3A_331 = tpu.iota {dimensions = array<i32: 0>} : vector<16xi32>
        %rev3A_332 = arith.subi %rev3A_330, %rev3A_331 : vector<16xi32>
        %rev3A_333 = tpu.dynamic_gather %add3A_329[%rev3A_332] in [0] : vector<16xi32>, vector<16xi32> -> vector<16xi32>
        %cumsum3A = arith.constant true
        %cumsum3A_334 = vector.broadcast %cumsum3A : i1 to vector<16xi1>
        %cumsum3A_335 = tpu.scan <sum>, %rev3A_333 masked %cumsum3A_334 : vector<16xi32>, vector<16xi1> -> vector<16xi32>
        %rev3A_336 = arith.constant 15 : i32
        %rev3A_337 = vector.broadcast %rev3A_336 : i32 to vector<16xi32>
        %rev3A_338 = tpu.iota {dimensions = array<i32: 0>} : vector<16xi32>
        %rev3A_339 = arith.subi %rev3A_337, %rev3A_338 : vector<16xi32>
        %rev3A_340 = tpu.dynamic_gather %cumsum3A_335[%rev3A_339] in [0] : vector<16xi32>, vector<16xi32> -> vector<16xi32>
        %sub3A_341 = arith.subi %rev3A_340, %add3A_329 : vector<16xi32>
        %add3A_342 = vector.broadcast %scan3A_217 : i32 to vector<16xi32>
        %add3A_343 = arith.addi %sub3A_341, %add3A_342 : vector<16xi32>
        %lt3A_344 = vector.broadcast %scan3A_24 : i32 to vector<16xi32>
        %lt3A_345 = arith.cmpi slt, %add3A_343, %lt3A_344 : vector<16xi32>
        %convert_element_type3A_346 = arith.extui %lt3A_345 : vector<16xi1> to vector<16xi32>
        %reduce_sum3A_347 = arith.constant true
        %reduce_sum3A_348 = vector.broadcast %reduce_sum3A_347 : i1 to vector<16xi1>
        %reduce_sum3A_349 = tpu.scan <sum>, %convert_element_type3A_346 masked %reduce_sum3A_348 : vector<16xi32>, vector<16xi1> -> vector<16xi32>
        %reduce_sum3A_350 = vector.extract %reduce_sum3A_349[15] : i32 from vector<16xi32>
        %gt3A = arith.constant 0 : i32
        %gt3A_351 = arith.cmpi sgt, %reduce_sum3A_350, %gt3A : i32
        %sub3A_352 = arith.constant 16 : i32
        %sub3A_353 = arith.subi %sub3A_352, %reduce_sum3A_350 : i32
        %min3A = arith.constant 15 : i32
        %min3A_354 = arith.minsi %sub3A_353, %min3A : i32
        %broadcast_in_dim3A_355 = vector.broadcast %min3A_354 : i32 to vector<16xi32>
        %lt3A_356 = arith.constant 0 : i32
        %lt3A_357 = vector.broadcast %lt3A_356 : i32 to vector<16xi32>
        %lt3A_358 = arith.cmpi slt, %broadcast_in_dim3A_355, %lt3A_357 : vector<16xi32>
        %add3A_359 = arith.constant 16 : i32
        %add3A_360 = vector.broadcast %add3A_359 : i32 to vector<16xi32>
        %add3A_361 = arith.addi %broadcast_in_dim3A_355, %add3A_360 : vector<16xi32>
        %select_n3A = arith.select %lt3A_358, %add3A_361, %broadcast_in_dim3A_355 : vector<16xi1>, vector<16xi32>
        %broadcast_in_dim3A_362 = vector.shape_cast %select_n3A : vector<16xi32> to vector<16x1xi32>
        %gather3A = vector.shape_cast %broadcast_in_dim3A_362 : vector<16x1xi32> to vector<16xi32>
        %gather3A_363 = tpu.dynamic_gather %add3A_343[%gather3A] in [0] : vector<16xi32>, vector<16xi32> -> vector<16xi32>
        %reduce_max3A = arith.constant true
        %reduce_max3A_364 = vector.broadcast %reduce_max3A : i1 to vector<16xi1>
        %reduce_max3A_365 = arith.constant -2147483648 : i32
        %reduce_max3A_366 = vector.broadcast %reduce_max3A_365 : i32 to vector<16xi32>
        %reduce_max3A_367 = arith.xori %gather3A_363, %reduce_max3A_366 : vector<16xi32>
        %reduce_max3A_368 = tpu.scan <max>, %reduce_max3A_367 masked %reduce_max3A_364 : vector<16xi32>, vector<16xi1> -> vector<16xi32>
        %reduce_max3A_369 = arith.xori %reduce_max3A_368, %reduce_max3A_366 : vector<16xi32>
        %reduce_max3A_370 = vector.extract %reduce_max3A_369[15] : i32 from vector<16xi32>
        %mul3A_371 = arith.constant 16 : i32
        %mul3A_372 = arith.muli %sub3A_221, %mul3A_371 : i32
        %add3A_373 = arith.addi %mul3A_372, %min3A_354 : i32
        %select_n3A_374 = arith.select %gt3A_351, %add3A_373, %scan3A_218 : i32
        %select_n3A_375 = arith.select %gt3A_351, %reduce_max3A_370, %scan3A_219 : i32
        %reduce_max3A_376 = arith.constant true
        %reduce_max3A_377 = vector.broadcast %reduce_max3A_376 : i1 to vector<16xi1>
        %reduce_max3A_378 = arith.constant -2147483648 : i32
        %reduce_max3A_379 = vector.broadcast %reduce_max3A_378 : i32 to vector<16xi32>
        %reduce_max3A_380 = arith.xori %rev3A_340, %reduce_max3A_379 : vector<16xi32>
        %reduce_max3A_381 = tpu.scan <max>, %reduce_max3A_380 masked %reduce_max3A_377 : vector<16xi32>, vector<16xi1> -> vector<16xi32>
        %reduce_max3A_382 = arith.xori %reduce_max3A_381, %reduce_max3A_379 : vector<16xi32>
        %reduce_max3A_383 = vector.extract %reduce_max3A_382[15] : i32 from vector<16xi32>
        %add3A_384 = arith.addi %scan3A_217, %reduce_max3A_383 : i32
        scf.yield %add3A_384, %select_n3A_374, %select_n3A_375 : i32, i32, i32
      }
      %scan3A_33 = arith.constant 16 : i32
      %shift_left3A = arith.constant 24 : i32
      %shift_left3A_34 = arith.shli %scan3A_32#1, %shift_left3A : i32
      %or3A = arith.constant 0 : i32
      %or3A_35 = arith.ori %or3A, %shift_left3A_34 : i32
      %sub3A = arith.constant 300 : i32
      %sub3A_36 = arith.subi %sub3A, %scan3A_32#2 : i32
      %scan3A_37 = arith.constant 0 : i32
      %scan3A_38 = arith.constant 0 : i32
      %scan3A_39 = arith.constant 256 : i32
      %scan3A_40 = arith.addi %scan3A_38, %scan3A_39 : i32
      %scan3A_41 = arith.constant 1 : i32
      %scan3A_42 = scf.for %scan3A_216 = %scan3A_38 to %scan3A_40 step %scan3A_41 iter_args(%scan3A_217 = %scan3A_37) -> (i32)  : i32 {
        %mul3A_218 = arith.constant 16 : i32
        %mul3A_219 = arith.muli %scan3A_216, %mul3A_218 : i32
        %swap3A = arith.index_cast %mul3A_219 : i32 to index
        %swap3A_220 = tpu.vector_load %arg10[%swap3A] {strides = array<i32>} : memref<4096xi32, #tpu.memory_space<vmem>>, vector<16xi32>,
        tpu.vector_store %arg10[%swap3A], %broadcast_in_dim3A_10 {strides = array<i32>} : memref<4096xi32, #tpu.memory_space<vmem>>, vector<16xi32>,
        %scan3A_221 = arith.constant 0 : i32
        scf.yield %scan3A_221 : i32
      }
      %scan3A_43 = arith.constant 256 : i32
      %shift_right_logical3A = arith.constant 24 : i32
      %shift_right_logical3A_44 = arith.shrui %or3A_35, %shift_right_logical3A : i32
      %scan3A_45 = arith.constant 0 : i32
      %scan3A_46 = arith.constant 0 : i32
      %scan3A_47 = arith.constant 525 : i32
      %scan3A_48 = arith.addi %scan3A_46, %scan3A_47 : i32
      %scan3A_49 = arith.constant 1 : i32
      %scan3A_50 = scf.for %scan3A_216 = %scan3A_46 to %scan3A_48 step %scan3A_49 iter_args(%scan3A_217 = %scan3A_45) -> (i32)  : i32 {
        %mul3A_218 = arith.constant 16 : i32
        %mul3A_219 = arith.muli %scan3A_216, %mul3A_218 : i32
        %get3A = arith.index_cast %mul3A_219 : i32 to index
        %get3A_220 = tpu.vector_load %arg9[%get3A] {strides = array<i32>} : memref<8400xi32, #tpu.memory_space<vmem>>, vector<16xi32>,
        %xor3A_221 = arith.constant -2147483648 : i32
        %xor3A_222 = vector.broadcast %xor3A_221 : i32 to vector<16xi32>
        %xor3A_223 = arith.xori %get3A_220, %xor3A_222 : vector<16xi32>
        %broadcast_in_dim3A_224 = arith.constant 16 : i32
        %broadcast_in_dim3A_225 = vector.broadcast %broadcast_in_dim3A_224 : i32 to vector<16xi32>
        %shift_right_logical3A_226 = arith.shrui %xor3A_223, %broadcast_in_dim3A_225 : vector<16xi32>
        %and3A = arith.constant 255 : i32
        %and3A_227 = vector.broadcast %and3A : i32 to vector<16xi32>
        %and3A_228 = arith.andi %shift_right_logical3A_226, %and3A_227 : vector<16xi32>
        %add3A_229 = arith.addi %mul3A_5, %and3A_228 : vector<16xi32>
        %broadcast_in_dim3A_230 = arith.constant 24 : i32
        %broadcast_in_dim3A_231 = vector.broadcast %broadcast_in_dim3A_230 : i32 to vector<16xi32>
        %shift_right_logical3A_232 = arith.shrui %xor3A_223, %broadcast_in_dim3A_231 : vector<16xi32>
        %eq3A = vector.broadcast %shift_right_logical3A_44 : i32 to vector<16xi32>
        %eq3A_233 = arith.cmpi eq, %shift_right_logical3A_232, %eq3A : vector<16xi32>
        tpu.vector_store_idx %arg10[%add3A_229], %broadcast_in_dim3A_8 masked %eq3A_233 {add = true} : memref<4096xi32, #tpu.memory_space<vmem>>[vector<16xi32>], vector<16xi32>, vector<16xi1>
        %scan3A_234 = arith.constant 0 : i32
        scf.yield %scan3A_234 : i32
      }
      %scan3A_51 = arith.constant 525 : i32
      %scan3A_52 = arith.constant 0 : i32
      %scan3A_53 = arith.constant 0 : i32
      %scan3A_54 = arith.constant 0 : i32
      %scan3A_55 = arith.constant 0 : i32
      %scan3A_56 = arith.constant 16 : i32
      %scan3A_57 = arith.addi %scan3A_55, %scan3A_56 : i32
      %scan3A_58 = arith.constant 1 : i32
      %scan3A_59:3 = scf.for %scan3A_216 = %scan3A_55 to %scan3A_57 step %scan3A_58 iter_args(%scan3A_217 = %scan3A_52, %scan3A_218 = %scan3A_53, %scan3A_219 = %scan3A_54) -> (i32, i32, i32)  : i32 {
        %sub3A_220 = arith.constant 15 : i32
        %sub3A_221 = arith.subi %sub3A_220, %scan3A_216 : i32
        %mul3A_222 = arith.constant 16 : i32
        %mul3A_223 = arith.muli %sub3A_221, %mul3A_222 : i32
        %get3A = arith.index_cast %mul3A_223 : i32 to index
        %get3A_224 = tpu.vector_load %arg10[%get3A] {strides = array<i32>} : memref<4096xi32, #tpu.memory_space<vmem>>, vector<16xi32>,
        %mul3A_225 = arith.constant 16 : i32
        %mul3A_226 = arith.muli %sub3A_221, %mul3A_225 : i32
        %add3A_227 = arith.constant 256 : i32
        %add3A_228 = arith.addi %add3A_227, %mul3A_226 : i32
        %get3A_229 = arith.index_cast %add3A_228 : i32 to index
        %get3A_230 = tpu.vector_load %arg10[%get3A_229] {strides = array<i32>} : memref<4096xi32, #tpu.memory_space<vmem>>, vector<16xi32>,
        %add3A_231 = arith.addi %get3A_224, %get3A_230 : vector<16xi32>
        %mul3A_232 = arith.constant 16 : i32
        %mul3A_233 = arith.muli %sub3A_221, %mul3A_232 : i32
        %add3A_234 = arith.constant 512 : i32
        %add3A_235 = arith.addi %add3A_234, %mul3A_233 : i32
        %get3A_236 = arith.index_cast %add3A_235 : i32 to index
        %get3A_237 = tpu.vector_load %arg10[%get3A_236] {strides = array<i32>} : memref<4096xi32, #tpu.memory_space<vmem>>, vector<16xi32>,
        %add3A_238 = arith.addi %add3A_231, %get3A_237 : vector<16xi32>
        %mul3A_239 = arith.constant 16 : i32
        %mul3A_240 = arith.muli %sub3A_221, %mul3A_239 : i32
        %add3A_241 = arith.constant 768 : i32
        %add3A_242 = arith.addi %add3A_241, %mul3A_240 : i32
        %get3A_243 = arith.index_cast %add3A_242 : i32 to index
        %get3A_244 = tpu.vector_load %arg10[%get3A_243] {strides = array<i32>} : memref<4096xi32, #tpu.memory_space<vmem>>, vector<16xi32>,
        %add3A_245 = arith.addi %add3A_238, %get3A_244 : vector<16xi32>
        %mul3A_246 = arith.constant 16 : i32
        %mul3A_247 = arith.muli %sub3A_221, %mul3A_246 : i32
        %add3A_248 = arith.constant 1024 : i32
        %add3A_249 = arith.addi %add3A_248, %mul3A_247 : i32
        %get3A_250 = arith.index_cast %add3A_249 : i32 to index
        %get3A_251 = tpu.vector_load %arg10[%get3A_250] {strides = array<i32>} : memref<4096xi32, #tpu.memory_space<vmem>>, vector<16xi32>,
        %add3A_252 = arith.addi %add3A_245, %get3A_251 : vector<16xi32>
        %mul3A_253 = arith.constant 16 : i32
        %mul3A_254 = arith.muli %sub3A_221, %mul3A_253 : i32
        %add3A_255 = arith.constant 1280 : i32
        %add3A_256 = arith.addi %add3A_255, %mul3A_254 : i32
        %get3A_257 = arith.index_cast %add3A_256 : i32 to index
        %get3A_258 = tpu.vector_load %arg10[%get3A_257] {strides = array<i32>} : memref<4096xi32, #tpu.memory_space<vmem>>, vector<16xi32>,
        %add3A_259 = arith.addi %add3A_252, %get3A_258 : vector<16xi32>
        %mul3A_260 = arith.constant 16 : i32
        %mul3A_261 = arith.muli %sub3A_221, %mul3A_260 : i32
        %add3A_262 = arith.constant 1536 : i32
        %add3A_263 = arith.addi %add3A_262, %mul3A_261 : i32
        %get3A_264 = arith.index_cast %add3A_263 : i32 to index
        %get3A_265 = tpu.vector_load %arg10[%get3A_264] {strides = array<i32>} : memref<4096xi32, #tpu.memory_space<vmem>>, vector<16xi32>,
        %add3A_266 = arith.addi %add3A_259, %get3A_265 : vector<16xi32>
        %mul3A_267 = arith.constant 16 : i32
        %mul3A_268 = arith.muli %sub3A_221, %mul3A_267 : i32
        %add3A_269 = arith.constant 1792 : i32
        %add3A_270 = arith.addi %add3A_269, %mul3A_268 : i32
        %get3A_271 = arith.index_cast %add3A_270 : i32 to index
        %get3A_272 = tpu.vector_load %arg10[%get3A_271] {strides = array<i32>} : memref<4096xi32, #tpu.memory_space<vmem>>, vector<16xi32>,
        %add3A_273 = arith.addi %add3A_266, %get3A_272 : vector<16xi32>
        %mul3A_274 = arith.constant 16 : i32
        %mul3A_275 = arith.muli %sub3A_221, %mul3A_274 : i32
        %add3A_276 = arith.constant 2048 : i32
        %add3A_277 = arith.addi %add3A_276, %mul3A_275 : i32
        %get3A_278 = arith.index_cast %add3A_277 : i32 to index
        %get3A_279 = tpu.vector_load %arg10[%get3A_278] {strides = array<i32>} : memref<4096xi32, #tpu.memory_space<vmem>>, vector<16xi32>,
        %add3A_280 = arith.addi %add3A_273, %get3A_279 : vector<16xi32>
        %mul3A_281 = arith.constant 16 : i32
        %mul3A_282 = arith.muli %sub3A_221, %mul3A_281 : i32
        %add3A_283 = arith.constant 2304 : i32
        %add3A_284 = arith.addi %add3A_283, %mul3A_282 : i32
        %get3A_285 = arith.index_cast %add3A_284 : i32 to index
        %get3A_286 = tpu.vector_load %arg10[%get3A_285] {strides = array<i32>} : memref<4096xi32, #tpu.memory_space<vmem>>, vector<16xi32>,
        %add3A_287 = arith.addi %add3A_280, %get3A_286 : vector<16xi32>
        %mul3A_288 = arith.constant 16 : i32
        %mul3A_289 = arith.muli %sub3A_221, %mul3A_288 : i32
        %add3A_290 = arith.constant 2560 : i32
        %add3A_291 = arith.addi %add3A_290, %mul3A_289 : i32
        %get3A_292 = arith.index_cast %add3A_291 : i32 to index
        %get3A_293 = tpu.vector_load %arg10[%get3A_292] {strides = array<i32>} : memref<4096xi32, #tpu.memory_space<vmem>>, vector<16xi32>,
        %add3A_294 = arith.addi %add3A_287, %get3A_293 : vector<16xi32>
        %mul3A_295 = arith.constant 16 : i32
        %mul3A_296 = arith.muli %sub3A_221, %mul3A_295 : i32
        %add3A_297 = arith.constant 2816 : i32
        %add3A_298 = arith.addi %add3A_297, %mul3A_296 : i32
        %get3A_299 = arith.index_cast %add3A_298 : i32 to index
        %get3A_300 = tpu.vector_load %arg10[%get3A_299] {strides = array<i32>} : memref<4096xi32, #tpu.memory_space<vmem>>, vector<16xi32>,
        %add3A_301 = arith.addi %add3A_294, %get3A_300 : vector<16xi32>
        %mul3A_302 = arith.constant 16 : i32
        %mul3A_303 = arith.muli %sub3A_221, %mul3A_302 : i32
        %add3A_304 = arith.constant 3072 : i32
        %add3A_305 = arith.addi %add3A_304, %mul3A_303 : i32
        %get3A_306 = arith.index_cast %add3A_305 : i32 to index
        %get3A_307 = tpu.vector_load %arg10[%get3A_306] {strides = array<i32>} : memref<4096xi32, #tpu.memory_space<vmem>>, vector<16xi32>,
        %add3A_308 = arith.addi %add3A_301, %get3A_307 : vector<16xi32>
        %mul3A_309 = arith.constant 16 : i32
        %mul3A_310 = arith.muli %sub3A_221, %mul3A_309 : i32
        %add3A_311 = arith.constant 3328 : i32
        %add3A_312 = arith.addi %add3A_311, %mul3A_310 : i32
        %get3A_313 = arith.index_cast %add3A_312 : i32 to index
        %get3A_314 = tpu.vector_load %arg10[%get3A_313] {strides = array<i32>} : memref<4096xi32, #tpu.memory_space<vmem>>, vector<16xi32>,
        %add3A_315 = arith.addi %add3A_308, %get3A_314 : vector<16xi32>
        %mul3A_316 = arith.constant 16 : i32
        %mul3A_317 = arith.muli %sub3A_221, %mul3A_316 : i32
        %add3A_318 = arith.constant 3584 : i32
        %add3A_319 = arith.addi %add3A_318, %mul3A_317 : i32
        %get3A_320 = arith.index_cast %add3A_319 : i32 to index
        %get3A_321 = tpu.vector_load %arg10[%get3A_320] {strides = array<i32>} : memref<4096xi32, #tpu.memory_space<vmem>>, vector<16xi32>,
        %add3A_322 = arith.addi %add3A_315, %get3A_321 : vector<16xi32>
        %mul3A_323 = arith.constant 16 : i32
        %mul3A_324 = arith.muli %sub3A_221, %mul3A_323 : i32
        %add3A_325 = arith.constant 3840 : i32
        %add3A_326 = arith.addi %add3A_325, %mul3A_324 : i32
        %get3A_327 = arith.index_cast %add3A_326 : i32 to index
        %get3A_328 = tpu.vector_load %arg10[%get3A_327] {strides = array<i32>} : memref<4096xi32, #tpu.memory_space<vmem>>, vector<16xi32>,
        %add3A_329 = arith.addi %add3A_322, %get3A_328 : vector<16xi32>
        %rev3A = arith.constant 15 : i32
        %rev3A_330 = vector.broadcast %rev3A : i32 to vector<16xi32>
        %rev3A_331 = tpu.iota {dimensions = array<i32: 0>} : vector<16xi32>
        %rev3A_332 = arith.subi %rev3A_330, %rev3A_331 : vector<16xi32>
        %rev3A_333 = tpu.dynamic_gather %add3A_329[%rev3A_332] in [0] : vector<16xi32>, vector<16xi32> -> vector<16xi32>
        %cumsum3A = arith.constant true
        %cumsum3A_334 = vector.broadcast %cumsum3A : i1 to vector<16xi1>
        %cumsum3A_335 = tpu.scan <sum>, %rev3A_333 masked %cumsum3A_334 : vector<16xi32>, vector<16xi1> -> vector<16xi32>
        %rev3A_336 = arith.constant 15 : i32
        %rev3A_337 = vector.broadcast %rev3A_336 : i32 to vector<16xi32>
        %rev3A_338 = tpu.iota {dimensions = array<i32: 0>} : vector<16xi32>
        %rev3A_339 = arith.subi %rev3A_337, %rev3A_338 : vector<16xi32>
        %rev3A_340 = tpu.dynamic_gather %cumsum3A_335[%rev3A_339] in [0] : vector<16xi32>, vector<16xi32> -> vector<16xi32>
        %sub3A_341 = arith.subi %rev3A_340, %add3A_329 : vector<16xi32>
        %add3A_342 = vector.broadcast %scan3A_217 : i32 to vector<16xi32>
        %add3A_343 = arith.addi %sub3A_341, %add3A_342 : vector<16xi32>
        %lt3A_344 = vector.broadcast %sub3A_36 : i32 to vector<16xi32>
        %lt3A_345 = arith.cmpi slt, %add3A_343, %lt3A_344 : vector<16xi32>
        %convert_element_type3A_346 = arith.extui %lt3A_345 : vector<16xi1> to vector<16xi32>
        %reduce_sum3A_347 = arith.constant true
        %reduce_sum3A_348 = vector.broadcast %reduce_sum3A_347 : i1 to vector<16xi1>
        %reduce_sum3A_349 = tpu.scan <sum>, %convert_element_type3A_346 masked %reduce_sum3A_348 : vector<16xi32>, vector<16xi1> -> vector<16xi32>
        %reduce_sum3A_350 = vector.extract %reduce_sum3A_349[15] : i32 from vector<16xi32>
        %gt3A = arith.constant 0 : i32
        %gt3A_351 = arith.cmpi sgt, %reduce_sum3A_350, %gt3A : i32
        %sub3A_352 = arith.constant 16 : i32
        %sub3A_353 = arith.subi %sub3A_352, %reduce_sum3A_350 : i32
        %min3A = arith.constant 15 : i32
        %min3A_354 = arith.minsi %sub3A_353, %min3A : i32
        %broadcast_in_dim3A_355 = vector.broadcast %min3A_354 : i32 to vector<16xi32>
        %lt3A_356 = arith.constant 0 : i32
        %lt3A_357 = vector.broadcast %lt3A_356 : i32 to vector<16xi32>
        %lt3A_358 = arith.cmpi slt, %broadcast_in_dim3A_355, %lt3A_357 : vector<16xi32>
        %add3A_359 = arith.constant 16 : i32
        %add3A_360 = vector.broadcast %add3A_359 : i32 to vector<16xi32>
        %add3A_361 = arith.addi %broadcast_in_dim3A_355, %add3A_360 : vector<16xi32>
        %select_n3A = arith.select %lt3A_358, %add3A_361, %broadcast_in_dim3A_355 : vector<16xi1>, vector<16xi32>
        %broadcast_in_dim3A_362 = vector.shape_cast %select_n3A : vector<16xi32> to vector<16x1xi32>
        %gather3A = vector.shape_cast %broadcast_in_dim3A_362 : vector<16x1xi32> to vector<16xi32>
        %gather3A_363 = tpu.dynamic_gather %add3A_343[%gather3A] in [0] : vector<16xi32>, vector<16xi32> -> vector<16xi32>
        %reduce_max3A = arith.constant true
        %reduce_max3A_364 = vector.broadcast %reduce_max3A : i1 to vector<16xi1>
        %reduce_max3A_365 = arith.constant -2147483648 : i32
        %reduce_max3A_366 = vector.broadcast %reduce_max3A_365 : i32 to vector<16xi32>
        %reduce_max3A_367 = arith.xori %gather3A_363, %reduce_max3A_366 : vector<16xi32>
        %reduce_max3A_368 = tpu.scan <max>, %reduce_max3A_367 masked %reduce_max3A_364 : vector<16xi32>, vector<16xi1> -> vector<16xi32>
        %reduce_max3A_369 = arith.xori %reduce_max3A_368, %reduce_max3A_366 : vector<16xi32>
        %reduce_max3A_370 = vector.extract %reduce_max3A_369[15] : i32 from vector<16xi32>
        %mul3A_371 = arith.constant 16 : i32
        %mul3A_372 = arith.muli %sub3A_221, %mul3A_371 : i32
        %add3A_373 = arith.addi %mul3A_372, %min3A_354 : i32
        %select_n3A_374 = arith.select %gt3A_351, %add3A_373, %scan3A_218 : i32
        %select_n3A_375 = arith.select %gt3A_351, %reduce_max3A_370, %scan3A_219 : i32
        %reduce_max3A_376 = arith.constant true
        %reduce_max3A_377 = vector.broadcast %reduce_max3A_376 : i1 to vector<16xi1>
        %reduce_max3A_378 = arith.constant -2147483648 : i32
        %reduce_max3A_379 = vector.broadcast %reduce_max3A_378 : i32 to vector<16xi32>
        %reduce_max3A_380 = arith.xori %rev3A_340, %reduce_max3A_379 : vector<16xi32>
        %reduce_max3A_381 = tpu.scan <max>, %reduce_max3A_380 masked %reduce_max3A_377 : vector<16xi32>, vector<16xi1> -> vector<16xi32>
        %reduce_max3A_382 = arith.xori %reduce_max3A_381, %reduce_max3A_379 : vector<16xi32>
        %reduce_max3A_383 = vector.extract %reduce_max3A_382[15] : i32 from vector<16xi32>
        %add3A_384 = arith.addi %scan3A_217, %reduce_max3A_383 : i32
        scf.yield %add3A_384, %select_n3A_374, %select_n3A_375 : i32, i32, i32
      }
      %scan3A_60 = arith.constant 16 : i32
      %shift_left3A_61 = arith.constant 16 : i32
      %shift_left3A_62 = arith.shli %scan3A_59#1, %shift_left3A_61 : i32
      %or3A_63 = arith.ori %or3A_35, %shift_left3A_62 : i32
      %sub3A_64 = arith.subi %sub3A_36, %scan3A_59#2 : i32
      %scan3A_65 = arith.constant 0 : i32
      %scan3A_66 = arith.constant 0 : i32
      %scan3A_67 = arith.constant 256 : i32
      %scan3A_68 = arith.addi %scan3A_66, %scan3A_67 : i32
      %scan3A_69 = arith.constant 1 : i32
      %scan3A_70 = scf.for %scan3A_216 = %scan3A_66 to %scan3A_68 step %scan3A_69 iter_args(%scan3A_217 = %scan3A_65) -> (i32)  : i32 {
        %mul3A_218 = arith.constant 16 : i32
        %mul3A_219 = arith.muli %scan3A_216, %mul3A_218 : i32
        %swap3A = arith.index_cast %mul3A_219 : i32 to index
        %swap3A_220 = tpu.vector_load %arg10[%swap3A] {strides = array<i32>} : memref<4096xi32, #tpu.memory_space<vmem>>, vector<16xi32>,
        tpu.vector_store %arg10[%swap3A], %broadcast_in_dim3A_10 {strides = array<i32>} : memref<4096xi32, #tpu.memory_space<vmem>>, vector<16xi32>,
        %scan3A_221 = arith.constant 0 : i32
        scf.yield %scan3A_221 : i32
      }
      %scan3A_71 = arith.constant 256 : i32
      %shift_right_logical3A_72 = arith.constant 16 : i32
      %shift_right_logical3A_73 = arith.shrui %or3A_63, %shift_right_logical3A_72 : i32
      %scan3A_74 = arith.constant 0 : i32
      %scan3A_75 = arith.constant 0 : i32
      %scan3A_76 = arith.constant 525 : i32
      %scan3A_77 = arith.addi %scan3A_75, %scan3A_76 : i32
      %scan3A_78 = arith.constant 1 : i32
      %scan3A_79 = scf.for %scan3A_216 = %scan3A_75 to %scan3A_77 step %scan3A_78 iter_args(%scan3A_217 = %scan3A_74) -> (i32)  : i32 {
        %mul3A_218 = arith.constant 16 : i32
        %mul3A_219 = arith.muli %scan3A_216, %mul3A_218 : i32
        %get3A = arith.index_cast %mul3A_219 : i32 to index
        %get3A_220 = tpu.vector_load %arg9[%get3A] {strides = array<i32>} : memref<8400xi32, #tpu.memory_space<vmem>>, vector<16xi32>,
        %xor3A_221 = arith.constant -2147483648 : i32
        %xor3A_222 = vector.broadcast %xor3A_221 : i32 to vector<16xi32>
        %xor3A_223 = arith.xori %get3A_220, %xor3A_222 : vector<16xi32>
        %broadcast_in_dim3A_224 = arith.constant 8 : i32
        %broadcast_in_dim3A_225 = vector.broadcast %broadcast_in_dim3A_224 : i32 to vector<16xi32>
        %shift_right_logical3A_226 = arith.shrui %xor3A_223, %broadcast_in_dim3A_225 : vector<16xi32>
        %and3A = arith.constant 255 : i32
        %and3A_227 = vector.broadcast %and3A : i32 to vector<16xi32>
        %and3A_228 = arith.andi %shift_right_logical3A_226, %and3A_227 : vector<16xi32>
        %add3A_229 = arith.addi %mul3A_5, %and3A_228 : vector<16xi32>
        %broadcast_in_dim3A_230 = arith.constant 16 : i32
        %broadcast_in_dim3A_231 = vector.broadcast %broadcast_in_dim3A_230 : i32 to vector<16xi32>
        %shift_right_logical3A_232 = arith.shrui %xor3A_223, %broadcast_in_dim3A_231 : vector<16xi32>
        %eq3A = vector.broadcast %shift_right_logical3A_73 : i32 to vector<16xi32>
        %eq3A_233 = arith.cmpi eq, %shift_right_logical3A_232, %eq3A : vector<16xi32>
        tpu.vector_store_idx %arg10[%add3A_229], %broadcast_in_dim3A_8 masked %eq3A_233 {add = true} : memref<4096xi32, #tpu.memory_space<vmem>>[vector<16xi32>], vector<16xi32>, vector<16xi1>
        %scan3A_234 = arith.constant 0 : i32
        scf.yield %scan3A_234 : i32
      }
      %scan3A_80 = arith.constant 525 : i32
      %scan3A_81 = arith.constant 0 : i32
      %scan3A_82 = arith.constant 0 : i32
      %scan3A_83 = arith.constant 0 : i32
      %scan3A_84 = arith.constant 0 : i32
      %scan3A_85 = arith.constant 16 : i32
      %scan3A_86 = arith.addi %scan3A_84, %scan3A_85 : i32
      %scan3A_87 = arith.constant 1 : i32
      %scan3A_88:3 = scf.for %scan3A_216 = %scan3A_84 to %scan3A_86 step %scan3A_87 iter_args(%scan3A_217 = %scan3A_81, %scan3A_218 = %scan3A_82, %scan3A_219 = %scan3A_83) -> (i32, i32, i32)  : i32 {
        %sub3A_220 = arith.constant 15 : i32
        %sub3A_221 = arith.subi %sub3A_220, %scan3A_216 : i32
        %mul3A_222 = arith.constant 16 : i32
        %mul3A_223 = arith.muli %sub3A_221, %mul3A_222 : i32
        %get3A = arith.index_cast %mul3A_223 : i32 to index
        %get3A_224 = tpu.vector_load %arg10[%get3A] {strides = array<i32>} : memref<4096xi32, #tpu.memory_space<vmem>>, vector<16xi32>,
        %mul3A_225 = arith.constant 16 : i32
        %mul3A_226 = arith.muli %sub3A_221, %mul3A_225 : i32
        %add3A_227 = arith.constant 256 : i32
        %add3A_228 = arith.addi %add3A_227, %mul3A_226 : i32
        %get3A_229 = arith.index_cast %add3A_228 : i32 to index
        %get3A_230 = tpu.vector_load %arg10[%get3A_229] {strides = array<i32>} : memref<4096xi32, #tpu.memory_space<vmem>>, vector<16xi32>,
        %add3A_231 = arith.addi %get3A_224, %get3A_230 : vector<16xi32>
        %mul3A_232 = arith.constant 16 : i32
        %mul3A_233 = arith.muli %sub3A_221, %mul3A_232 : i32
        %add3A_234 = arith.constant 512 : i32
        %add3A_235 = arith.addi %add3A_234, %mul3A_233 : i32
        %get3A_236 = arith.index_cast %add3A_235 : i32 to index
        %get3A_237 = tpu.vector_load %arg10[%get3A_236] {strides = array<i32>} : memref<4096xi32, #tpu.memory_space<vmem>>, vector<16xi32>,
        %add3A_238 = arith.addi %add3A_231, %get3A_237 : vector<16xi32>
        %mul3A_239 = arith.constant 16 : i32
        %mul3A_240 = arith.muli %sub3A_221, %mul3A_239 : i32
        %add3A_241 = arith.constant 768 : i32
        %add3A_242 = arith.addi %add3A_241, %mul3A_240 : i32
        %get3A_243 = arith.index_cast %add3A_242 : i32 to index
        %get3A_244 = tpu.vector_load %arg10[%get3A_243] {strides = array<i32>} : memref<4096xi32, #tpu.memory_space<vmem>>, vector<16xi32>,
        %add3A_245 = arith.addi %add3A_238, %get3A_244 : vector<16xi32>
        %mul3A_246 = arith.constant 16 : i32
        %mul3A_247 = arith.muli %sub3A_221, %mul3A_246 : i32
        %add3A_248 = arith.constant 1024 : i32
        %add3A_249 = arith.addi %add3A_248, %mul3A_247 : i32
        %get3A_250 = arith.index_cast %add3A_249 : i32 to index
        %get3A_251 = tpu.vector_load %arg10[%get3A_250] {strides = array<i32>} : memref<4096xi32, #tpu.memory_space<vmem>>, vector<16xi32>,
        %add3A_252 = arith.addi %add3A_245, %get3A_251 : vector<16xi32>
        %mul3A_253 = arith.constant 16 : i32
        %mul3A_254 = arith.muli %sub3A_221, %mul3A_253 : i32
        %add3A_255 = arith.constant 1280 : i32
        %add3A_256 = arith.addi %add3A_255, %mul3A_254 : i32
        %get3A_257 = arith.index_cast %add3A_256 : i32 to index
        %get3A_258 = tpu.vector_load %arg10[%get3A_257] {strides = array<i32>} : memref<4096xi32, #tpu.memory_space<vmem>>, vector<16xi32>,
        %add3A_259 = arith.addi %add3A_252, %get3A_258 : vector<16xi32>
        %mul3A_260 = arith.constant 16 : i32
        %mul3A_261 = arith.muli %sub3A_221, %mul3A_260 : i32
        %add3A_262 = arith.constant 1536 : i32
        %add3A_263 = arith.addi %add3A_262, %mul3A_261 : i32
        %get3A_264 = arith.index_cast %add3A_263 : i32 to index
        %get3A_265 = tpu.vector_load %arg10[%get3A_264] {strides = array<i32>} : memref<4096xi32, #tpu.memory_space<vmem>>, vector<16xi32>,
        %add3A_266 = arith.addi %add3A_259, %get3A_265 : vector<16xi32>
        %mul3A_267 = arith.constant 16 : i32
        %mul3A_268 = arith.muli %sub3A_221, %mul3A_267 : i32
        %add3A_269 = arith.constant 1792 : i32
        %add3A_270 = arith.addi %add3A_269, %mul3A_268 : i32
        %get3A_271 = arith.index_cast %add3A_270 : i32 to index
        %get3A_272 = tpu.vector_load %arg10[%get3A_271] {strides = array<i32>} : memref<4096xi32, #tpu.memory_space<vmem>>, vector<16xi32>,
        %add3A_273 = arith.addi %add3A_266, %get3A_272 : vector<16xi32>
        %mul3A_274 = arith.constant 16 : i32
        %mul3A_275 = arith.muli %sub3A_221, %mul3A_274 : i32
        %add3A_276 = arith.constant 2048 : i32
        %add3A_277 = arith.addi %add3A_276, %mul3A_275 : i32
        %get3A_278 = arith.index_cast %add3A_277 : i32 to index
        %get3A_279 = tpu.vector_load %arg10[%get3A_278] {strides = array<i32>} : memref<4096xi32, #tpu.memory_space<vmem>>, vector<16xi32>,
        %add3A_280 = arith.addi %add3A_273, %get3A_279 : vector<16xi32>
        %mul3A_281 = arith.constant 16 : i32
        %mul3A_282 = arith.muli %sub3A_221, %mul3A_281 : i32
        %add3A_283 = arith.constant 2304 : i32
        %add3A_284 = arith.addi %add3A_283, %mul3A_282 : i32
        %get3A_285 = arith.index_cast %add3A_284 : i32 to index
        %get3A_286 = tpu.vector_load %arg10[%get3A_285] {strides = array<i32>} : memref<4096xi32, #tpu.memory_space<vmem>>, vector<16xi32>,
        %add3A_287 = arith.addi %add3A_280, %get3A_286 : vector<16xi32>
        %mul3A_288 = arith.constant 16 : i32
        %mul3A_289 = arith.muli %sub3A_221, %mul3A_288 : i32
        %add3A_290 = arith.constant 2560 : i32
        %add3A_291 = arith.addi %add3A_290, %mul3A_289 : i32
        %get3A_292 = arith.index_cast %add3A_291 : i32 to index
        %get3A_293 = tpu.vector_load %arg10[%get3A_292] {strides = array<i32>} : memref<4096xi32, #tpu.memory_space<vmem>>, vector<16xi32>,
        %add3A_294 = arith.addi %add3A_287, %get3A_293 : vector<16xi32>
        %mul3A_295 = arith.constant 16 : i32
        %mul3A_296 = arith.muli %sub3A_221, %mul3A_295 : i32
        %add3A_297 = arith.constant 2816 : i32
        %add3A_298 = arith.addi %add3A_297, %mul3A_296 : i32
        %get3A_299 = arith.index_cast %add3A_298 : i32 to index
        %get3A_300 = tpu.vector_load %arg10[%get3A_299] {strides = array<i32>} : memref<4096xi32, #tpu.memory_space<vmem>>, vector<16xi32>,
        %add3A_301 = arith.addi %add3A_294, %get3A_300 : vector<16xi32>
        %mul3A_302 = arith.constant 16 : i32
        %mul3A_303 = arith.muli %sub3A_221, %mul3A_302 : i32
        %add3A_304 = arith.constant 3072 : i32
        %add3A_305 = arith.addi %add3A_304, %mul3A_303 : i32
        %get3A_306 = arith.index_cast %add3A_305 : i32 to index
        %get3A_307 = tpu.vector_load %arg10[%get3A_306] {strides = array<i32>} : memref<4096xi32, #tpu.memory_space<vmem>>, vector<16xi32>,
        %add3A_308 = arith.addi %add3A_301, %get3A_307 : vector<16xi32>
        %mul3A_309 = arith.constant 16 : i32
        %mul3A_310 = arith.muli %sub3A_221, %mul3A_309 : i32
        %add3A_311 = arith.constant 3328 : i32
        %add3A_312 = arith.addi %add3A_311, %mul3A_310 : i32
        %get3A_313 = arith.index_cast %add3A_312 : i32 to index
        %get3A_314 = tpu.vector_load %arg10[%get3A_313] {strides = array<i32>} : memref<4096xi32, #tpu.memory_space<vmem>>, vector<16xi32>,
        %add3A_315 = arith.addi %add3A_308, %get3A_314 : vector<16xi32>
        %mul3A_316 = arith.constant 16 : i32
        %mul3A_317 = arith.muli %sub3A_221, %mul3A_316 : i32
        %add3A_318 = arith.constant 3584 : i32
        %add3A_319 = arith.addi %add3A_318, %mul3A_317 : i32
        %get3A_320 = arith.index_cast %add3A_319 : i32 to index
        %get3A_321 = tpu.vector_load %arg10[%get3A_320] {strides = array<i32>} : memref<4096xi32, #tpu.memory_space<vmem>>, vector<16xi32>,
        %add3A_322 = arith.addi %add3A_315, %get3A_321 : vector<16xi32>
        %mul3A_323 = arith.constant 16 : i32
        %mul3A_324 = arith.muli %sub3A_221, %mul3A_323 : i32
        %add3A_325 = arith.constant 3840 : i32
        %add3A_326 = arith.addi %add3A_325, %mul3A_324 : i32
        %get3A_327 = arith.index_cast %add3A_326 : i32 to index
        %get3A_328 = tpu.vector_load %arg10[%get3A_327] {strides = array<i32>} : memref<4096xi32, #tpu.memory_space<vmem>>, vector<16xi32>,
        %add3A_329 = arith.addi %add3A_322, %get3A_328 : vector<16xi32>
        %rev3A = arith.constant 15 : i32
        %rev3A_330 = vector.broadcast %rev3A : i32 to vector<16xi32>
        %rev3A_331 = tpu.iota {dimensions = array<i32: 0>} : vector<16xi32>
        %rev3A_332 = arith.subi %rev3A_330, %rev3A_331 : vector<16xi32>
        %rev3A_333 = tpu.dynamic_gather %add3A_329[%rev3A_332] in [0] : vector<16xi32>, vector<16xi32> -> vector<16xi32>
        %cumsum3A = arith.constant true
        %cumsum3A_334 = vector.broadcast %cumsum3A : i1 to vector<16xi1>
        %cumsum3A_335 = tpu.scan <sum>, %rev3A_333 masked %cumsum3A_334 : vector<16xi32>, vector<16xi1> -> vector<16xi32>
        %rev3A_336 = arith.constant 15 : i32
        %rev3A_337 = vector.broadcast %rev3A_336 : i32 to vector<16xi32>
        %rev3A_338 = tpu.iota {dimensions = array<i32: 0>} : vector<16xi32>
        %rev3A_339 = arith.subi %rev3A_337, %rev3A_338 : vector<16xi32>
        %rev3A_340 = tpu.dynamic_gather %cumsum3A_335[%rev3A_339] in [0] : vector<16xi32>, vector<16xi32> -> vector<16xi32>
        %sub3A_341 = arith.subi %rev3A_340, %add3A_329 : vector<16xi32>
        %add3A_342 = vector.broadcast %scan3A_217 : i32 to vector<16xi32>
        %add3A_343 = arith.addi %sub3A_341, %add3A_342 : vector<16xi32>
        %lt3A_344 = vector.broadcast %sub3A_64 : i32 to vector<16xi32>
        %lt3A_345 = arith.cmpi slt, %add3A_343, %lt3A_344 : vector<16xi32>
        %convert_element_type3A_346 = arith.extui %lt3A_345 : vector<16xi1> to vector<16xi32>
        %reduce_sum3A_347 = arith.constant true
        %reduce_sum3A_348 = vector.broadcast %reduce_sum3A_347 : i1 to vector<16xi1>
        %reduce_sum3A_349 = tpu.scan <sum>, %convert_element_type3A_346 masked %reduce_sum3A_348 : vector<16xi32>, vector<16xi1> -> vector<16xi32>
        %reduce_sum3A_350 = vector.extract %reduce_sum3A_349[15] : i32 from vector<16xi32>
        %gt3A = arith.constant 0 : i32
        %gt3A_351 = arith.cmpi sgt, %reduce_sum3A_350, %gt3A : i32
        %sub3A_352 = arith.constant 16 : i32
        %sub3A_353 = arith.subi %sub3A_352, %reduce_sum3A_350 : i32
        %min3A = arith.constant 15 : i32
        %min3A_354 = arith.minsi %sub3A_353, %min3A : i32
        %broadcast_in_dim3A_355 = vector.broadcast %min3A_354 : i32 to vector<16xi32>
        %lt3A_356 = arith.constant 0 : i32
        %lt3A_357 = vector.broadcast %lt3A_356 : i32 to vector<16xi32>
        %lt3A_358 = arith.cmpi slt, %broadcast_in_dim3A_355, %lt3A_357 : vector<16xi32>
        %add3A_359 = arith.constant 16 : i32
        %add3A_360 = vector.broadcast %add3A_359 : i32 to vector<16xi32>
        %add3A_361 = arith.addi %broadcast_in_dim3A_355, %add3A_360 : vector<16xi32>
        %select_n3A = arith.select %lt3A_358, %add3A_361, %broadcast_in_dim3A_355 : vector<16xi1>, vector<16xi32>
        %broadcast_in_dim3A_362 = vector.shape_cast %select_n3A : vector<16xi32> to vector<16x1xi32>
        %gather3A = vector.shape_cast %broadcast_in_dim3A_362 : vector<16x1xi32> to vector<16xi32>
        %gather3A_363 = tpu.dynamic_gather %add3A_343[%gather3A] in [0] : vector<16xi32>, vector<16xi32> -> vector<16xi32>
        %reduce_max3A = arith.constant true
        %reduce_max3A_364 = vector.broadcast %reduce_max3A : i1 to vector<16xi1>
        %reduce_max3A_365 = arith.constant -2147483648 : i32
        %reduce_max3A_366 = vector.broadcast %reduce_max3A_365 : i32 to vector<16xi32>
        %reduce_max3A_367 = arith.xori %gather3A_363, %reduce_max3A_366 : vector<16xi32>
        %reduce_max3A_368 = tpu.scan <max>, %reduce_max3A_367 masked %reduce_max3A_364 : vector<16xi32>, vector<16xi1> -> vector<16xi32>
        %reduce_max3A_369 = arith.xori %reduce_max3A_368, %reduce_max3A_366 : vector<16xi32>
        %reduce_max3A_370 = vector.extract %reduce_max3A_369[15] : i32 from vector<16xi32>
        %mul3A_371 = arith.constant 16 : i32
        %mul3A_372 = arith.muli %sub3A_221, %mul3A_371 : i32
        %add3A_373 = arith.addi %mul3A_372, %min3A_354 : i32
        %select_n3A_374 = arith.select %gt3A_351, %add3A_373, %scan3A_218 : i32
        %select_n3A_375 = arith.select %gt3A_351, %reduce_max3A_370, %scan3A_219 : i32
        %reduce_max3A_376 = arith.constant true
        %reduce_max3A_377 = vector.broadcast %reduce_max3A_376 : i1 to vector<16xi1>
        %reduce_max3A_378 = arith.constant -2147483648 : i32
        %reduce_max3A_379 = vector.broadcast %reduce_max3A_378 : i32 to vector<16xi32>
        %reduce_max3A_380 = arith.xori %rev3A_340, %reduce_max3A_379 : vector<16xi32>
        %reduce_max3A_381 = tpu.scan <max>, %reduce_max3A_380 masked %reduce_max3A_377 : vector<16xi32>, vector<16xi1> -> vector<16xi32>
        %reduce_max3A_382 = arith.xori %reduce_max3A_381, %reduce_max3A_379 : vector<16xi32>
        %reduce_max3A_383 = vector.extract %reduce_max3A_382[15] : i32 from vector<16xi32>
        %add3A_384 = arith.addi %scan3A_217, %reduce_max3A_383 : i32
        scf.yield %add3A_384, %select_n3A_374, %select_n3A_375 : i32, i32, i32
      }
      %scan3A_89 = arith.constant 16 : i32
      %shift_left3A_90 = arith.constant 8 : i32
      %shift_left3A_91 = arith.shli %scan3A_88#1, %shift_left3A_90 : i32
      %or3A_92 = arith.ori %or3A_63, %shift_left3A_91 : i32
      %sub3A_93 = arith.subi %sub3A_64, %scan3A_88#2 : i32
      %scan3A_94 = arith.constant 0 : i32
      %scan3A_95 = arith.constant 0 : i32
      %scan3A_96 = arith.constant 256 : i32
      %scan3A_97 = arith.addi %scan3A_95, %scan3A_96 : i32
      %scan3A_98 = arith.constant 1 : i32
      %scan3A_99 = scf.for %scan3A_216 = %scan3A_95 to %scan3A_97 step %scan3A_98 iter_args(%scan3A_217 = %scan3A_94) -> (i32)  : i32 {
        %mul3A_218 = arith.constant 16 : i32
        %mul3A_219 = arith.muli %scan3A_216, %mul3A_218 : i32
        %swap3A = arith.index_cast %mul3A_219 : i32 to index
        %swap3A_220 = tpu.vector_load %arg10[%swap3A] {strides = array<i32>} : memref<4096xi32, #tpu.memory_space<vmem>>, vector<16xi32>,
        tpu.vector_store %arg10[%swap3A], %broadcast_in_dim3A_10 {strides = array<i32>} : memref<4096xi32, #tpu.memory_space<vmem>>, vector<16xi32>,
        %scan3A_221 = arith.constant 0 : i32
        scf.yield %scan3A_221 : i32
      }
      %scan3A_100 = arith.constant 256 : i32
      %shift_right_logical3A_101 = arith.constant 8 : i32
      %shift_right_logical3A_102 = arith.shrui %or3A_92, %shift_right_logical3A_101 : i32
      %scan3A_103 = arith.constant 0 : i32
      %scan3A_104 = arith.constant 0 : i32
      %scan3A_105 = arith.constant 525 : i32
      %scan3A_106 = arith.addi %scan3A_104, %scan3A_105 : i32
      %scan3A_107 = arith.constant 1 : i32
      %scan3A_108 = scf.for %scan3A_216 = %scan3A_104 to %scan3A_106 step %scan3A_107 iter_args(%scan3A_217 = %scan3A_103) -> (i32)  : i32 {
        %mul3A_218 = arith.constant 16 : i32
        %mul3A_219 = arith.muli %scan3A_216, %mul3A_218 : i32
        %get3A = arith.index_cast %mul3A_219 : i32 to index
        %get3A_220 = tpu.vector_load %arg9[%get3A] {strides = array<i32>} : memref<8400xi32, #tpu.memory_space<vmem>>, vector<16xi32>,
        %xor3A_221 = arith.constant -2147483648 : i32
        %xor3A_222 = vector.broadcast %xor3A_221 : i32 to vector<16xi32>
        %xor3A_223 = arith.xori %get3A_220, %xor3A_222 : vector<16xi32>
        %broadcast_in_dim3A_224 = arith.constant 0 : i32
        %broadcast_in_dim3A_225 = vector.broadcast %broadcast_in_dim3A_224 : i32 to vector<16xi32>
        %shift_right_logical3A_226 = arith.shrui %xor3A_223, %broadcast_in_dim3A_225 : vector<16xi32>
        %and3A = arith.constant 255 : i32
        %and3A_227 = vector.broadcast %and3A : i32 to vector<16xi32>
        %and3A_228 = arith.andi %shift_right_logical3A_226, %and3A_227 : vector<16xi32>
        %add3A_229 = arith.addi %mul3A_5, %and3A_228 : vector<16xi32>
        %broadcast_in_dim3A_230 = arith.constant 8 : i32
        %broadcast_in_dim3A_231 = vector.broadcast %broadcast_in_dim3A_230 : i32 to vector<16xi32>
        %shift_right_logical3A_232 = arith.shrui %xor3A_223, %broadcast_in_dim3A_231 : vector<16xi32>
        %eq3A = vector.broadcast %shift_right_logical3A_102 : i32 to vector<16xi32>
        %eq3A_233 = arith.cmpi eq, %shift_right_logical3A_232, %eq3A : vector<16xi32>
        tpu.vector_store_idx %arg10[%add3A_229], %broadcast_in_dim3A_8 masked %eq3A_233 {add = true} : memref<4096xi32, #tpu.memory_space<vmem>>[vector<16xi32>], vector<16xi32>, vector<16xi1>
        %scan3A_234 = arith.constant 0 : i32
        scf.yield %scan3A_234 : i32
      }
      %scan3A_109 = arith.constant 525 : i32
      %scan3A_110 = arith.constant 0 : i32
      %scan3A_111 = arith.constant 0 : i32
      %scan3A_112 = arith.constant 0 : i32
      %scan3A_113 = arith.constant 0 : i32
      %scan3A_114 = arith.constant 16 : i32
      %scan3A_115 = arith.addi %scan3A_113, %scan3A_114 : i32
      %scan3A_116 = arith.constant 1 : i32
      %scan3A_117:3 = scf.for %scan3A_216 = %scan3A_113 to %scan3A_115 step %scan3A_116 iter_args(%scan3A_217 = %scan3A_110, %scan3A_218 = %scan3A_111, %scan3A_219 = %scan3A_112) -> (i32, i32, i32)  : i32 {
        %sub3A_220 = arith.constant 15 : i32
        %sub3A_221 = arith.subi %sub3A_220, %scan3A_216 : i32
        %mul3A_222 = arith.constant 16 : i32
        %mul3A_223 = arith.muli %sub3A_221, %mul3A_222 : i32
        %get3A = arith.index_cast %mul3A_223 : i32 to index
        %get3A_224 = tpu.vector_load %arg10[%get3A] {strides = array<i32>} : memref<4096xi32, #tpu.memory_space<vmem>>, vector<16xi32>,
        %mul3A_225 = arith.constant 16 : i32
        %mul3A_226 = arith.muli %sub3A_221, %mul3A_225 : i32
        %add3A_227 = arith.constant 256 : i32
        %add3A_228 = arith.addi %add3A_227, %mul3A_226 : i32
        %get3A_229 = arith.index_cast %add3A_228 : i32 to index
        %get3A_230 = tpu.vector_load %arg10[%get3A_229] {strides = array<i32>} : memref<4096xi32, #tpu.memory_space<vmem>>, vector<16xi32>,
        %add3A_231 = arith.addi %get3A_224, %get3A_230 : vector<16xi32>
        %mul3A_232 = arith.constant 16 : i32
        %mul3A_233 = arith.muli %sub3A_221, %mul3A_232 : i32
        %add3A_234 = arith.constant 512 : i32
        %add3A_235 = arith.addi %add3A_234, %mul3A_233 : i32
        %get3A_236 = arith.index_cast %add3A_235 : i32 to index
        %get3A_237 = tpu.vector_load %arg10[%get3A_236] {strides = array<i32>} : memref<4096xi32, #tpu.memory_space<vmem>>, vector<16xi32>,
        %add3A_238 = arith.addi %add3A_231, %get3A_237 : vector<16xi32>
        %mul3A_239 = arith.constant 16 : i32
        %mul3A_240 = arith.muli %sub3A_221, %mul3A_239 : i32
        %add3A_241 = arith.constant 768 : i32
        %add3A_242 = arith.addi %add3A_241, %mul3A_240 : i32
        %get3A_243 = arith.index_cast %add3A_242 : i32 to index
        %get3A_244 = tpu.vector_load %arg10[%get3A_243] {strides = array<i32>} : memref<4096xi32, #tpu.memory_space<vmem>>, vector<16xi32>,
        %add3A_245 = arith.addi %add3A_238, %get3A_244 : vector<16xi32>
        %mul3A_246 = arith.constant 16 : i32
        %mul3A_247 = arith.muli %sub3A_221, %mul3A_246 : i32
        %add3A_248 = arith.constant 1024 : i32
        %add3A_249 = arith.addi %add3A_248, %mul3A_247 : i32
        %get3A_250 = arith.index_cast %add3A_249 : i32 to index
        %get3A_251 = tpu.vector_load %arg10[%get3A_250] {strides = array<i32>} : memref<4096xi32, #tpu.memory_space<vmem>>, vector<16xi32>,
        %add3A_252 = arith.addi %add3A_245, %get3A_251 : vector<16xi32>
        %mul3A_253 = arith.constant 16 : i32
        %mul3A_254 = arith.muli %sub3A_221, %mul3A_253 : i32
        %add3A_255 = arith.constant 1280 : i32
        %add3A_256 = arith.addi %add3A_255, %mul3A_254 : i32
        %get3A_257 = arith.index_cast %add3A_256 : i32 to index
        %get3A_258 = tpu.vector_load %arg10[%get3A_257] {strides = array<i32>} : memref<4096xi32, #tpu.memory_space<vmem>>, vector<16xi32>,
        %add3A_259 = arith.addi %add3A_252, %get3A_258 : vector<16xi32>
        %mul3A_260 = arith.constant 16 : i32
        %mul3A_261 = arith.muli %sub3A_221, %mul3A_260 : i32
        %add3A_262 = arith.constant 1536 : i32
        %add3A_263 = arith.addi %add3A_262, %mul3A_261 : i32
        %get3A_264 = arith.index_cast %add3A_263 : i32 to index
        %get3A_265 = tpu.vector_load %arg10[%get3A_264] {strides = array<i32>} : memref<4096xi32, #tpu.memory_space<vmem>>, vector<16xi32>,
        %add3A_266 = arith.addi %add3A_259, %get3A_265 : vector<16xi32>
        %mul3A_267 = arith.constant 16 : i32
        %mul3A_268 = arith.muli %sub3A_221, %mul3A_267 : i32
        %add3A_269 = arith.constant 1792 : i32
        %add3A_270 = arith.addi %add3A_269, %mul3A_268 : i32
        %get3A_271 = arith.index_cast %add3A_270 : i32 to index
        %get3A_272 = tpu.vector_load %arg10[%get3A_271] {strides = array<i32>} : memref<4096xi32, #tpu.memory_space<vmem>>, vector<16xi32>,
        %add3A_273 = arith.addi %add3A_266, %get3A_272 : vector<16xi32>
        %mul3A_274 = arith.constant 16 : i32
        %mul3A_275 = arith.muli %sub3A_221, %mul3A_274 : i32
        %add3A_276 = arith.constant 2048 : i32
        %add3A_277 = arith.addi %add3A_276, %mul3A_275 : i32
        %get3A_278 = arith.index_cast %add3A_277 : i32 to index
        %get3A_279 = tpu.vector_load %arg10[%get3A_278] {strides = array<i32>} : memref<4096xi32, #tpu.memory_space<vmem>>, vector<16xi32>,
        %add3A_280 = arith.addi %add3A_273, %get3A_279 : vector<16xi32>
        %mul3A_281 = arith.constant 16 : i32
        %mul3A_282 = arith.muli %sub3A_221, %mul3A_281 : i32
        %add3A_283 = arith.constant 2304 : i32
        %add3A_284 = arith.addi %add3A_283, %mul3A_282 : i32
        %get3A_285 = arith.index_cast %add3A_284 : i32 to index
        %get3A_286 = tpu.vector_load %arg10[%get3A_285] {strides = array<i32>} : memref<4096xi32, #tpu.memory_space<vmem>>, vector<16xi32>,
        %add3A_287 = arith.addi %add3A_280, %get3A_286 : vector<16xi32>
        %mul3A_288 = arith.constant 16 : i32
        %mul3A_289 = arith.muli %sub3A_221, %mul3A_288 : i32
        %add3A_290 = arith.constant 2560 : i32
        %add3A_291 = arith.addi %add3A_290, %mul3A_289 : i32
        %get3A_292 = arith.index_cast %add3A_291 : i32 to index
        %get3A_293 = tpu.vector_load %arg10[%get3A_292] {strides = array<i32>} : memref<4096xi32, #tpu.memory_space<vmem>>, vector<16xi32>,
        %add3A_294 = arith.addi %add3A_287, %get3A_293 : vector<16xi32>
        %mul3A_295 = arith.constant 16 : i32
        %mul3A_296 = arith.muli %sub3A_221, %mul3A_295 : i32
        %add3A_297 = arith.constant 2816 : i32
        %add3A_298 = arith.addi %add3A_297, %mul3A_296 : i32
        %get3A_299 = arith.index_cast %add3A_298 : i32 to index
        %get3A_300 = tpu.vector_load %arg10[%get3A_299] {strides = array<i32>} : memref<4096xi32, #tpu.memory_space<vmem>>, vector<16xi32>,
        %add3A_301 = arith.addi %add3A_294, %get3A_300 : vector<16xi32>
        %mul3A_302 = arith.constant 16 : i32
        %mul3A_303 = arith.muli %sub3A_221, %mul3A_302 : i32
        %add3A_304 = arith.constant 3072 : i32
        %add3A_305 = arith.addi %add3A_304, %mul3A_303 : i32
        %get3A_306 = arith.index_cast %add3A_305 : i32 to index
        %get3A_307 = tpu.vector_load %arg10[%get3A_306] {strides = array<i32>} : memref<4096xi32, #tpu.memory_space<vmem>>, vector<16xi32>,
        %add3A_308 = arith.addi %add3A_301, %get3A_307 : vector<16xi32>
        %mul3A_309 = arith.constant 16 : i32
        %mul3A_310 = arith.muli %sub3A_221, %mul3A_309 : i32
        %add3A_311 = arith.constant 3328 : i32
        %add3A_312 = arith.addi %add3A_311, %mul3A_310 : i32
        %get3A_313 = arith.index_cast %add3A_312 : i32 to index
        %get3A_314 = tpu.vector_load %arg10[%get3A_313] {strides = array<i32>} : memref<4096xi32, #tpu.memory_space<vmem>>, vector<16xi32>,
        %add3A_315 = arith.addi %add3A_308, %get3A_314 : vector<16xi32>
        %mul3A_316 = arith.constant 16 : i32
        %mul3A_317 = arith.muli %sub3A_221, %mul3A_316 : i32
        %add3A_318 = arith.constant 3584 : i32
        %add3A_319 = arith.addi %add3A_318, %mul3A_317 : i32
        %get3A_320 = arith.index_cast %add3A_319 : i32 to index
        %get3A_321 = tpu.vector_load %arg10[%get3A_320] {strides = array<i32>} : memref<4096xi32, #tpu.memory_space<vmem>>, vector<16xi32>,
        %add3A_322 = arith.addi %add3A_315, %get3A_321 : vector<16xi32>
        %mul3A_323 = arith.constant 16 : i32
        %mul3A_324 = arith.muli %sub3A_221, %mul3A_323 : i32
        %add3A_325 = arith.constant 3840 : i32
        %add3A_326 = arith.addi %add3A_325, %mul3A_324 : i32
        %get3A_327 = arith.index_cast %add3A_326 : i32 to index
        %get3A_328 = tpu.vector_load %arg10[%get3A_327] {strides = array<i32>} : memref<4096xi32, #tpu.memory_space<vmem>>, vector<16xi32>,
        %add3A_329 = arith.addi %add3A_322, %get3A_328 : vector<16xi32>
        %rev3A = arith.constant 15 : i32
        %rev3A_330 = vector.broadcast %rev3A : i32 to vector<16xi32>
        %rev3A_331 = tpu.iota {dimensions = array<i32: 0>} : vector<16xi32>
        %rev3A_332 = arith.subi %rev3A_330, %rev3A_331 : vector<16xi32>
        %rev3A_333 = tpu.dynamic_gather %add3A_329[%rev3A_332] in [0] : vector<16xi32>, vector<16xi32> -> vector<16xi32>
        %cumsum3A = arith.constant true
        %cumsum3A_334 = vector.broadcast %cumsum3A : i1 to vector<16xi1>
        %cumsum3A_335 = tpu.scan <sum>, %rev3A_333 masked %cumsum3A_334 : vector<16xi32>, vector<16xi1> -> vector<16xi32>
        %rev3A_336 = arith.constant 15 : i32
        %rev3A_337 = vector.broadcast %rev3A_336 : i32 to vector<16xi32>
        %rev3A_338 = tpu.iota {dimensions = array<i32: 0>} : vector<16xi32>
        %rev3A_339 = arith.subi %rev3A_337, %rev3A_338 : vector<16xi32>
        %rev3A_340 = tpu.dynamic_gather %cumsum3A_335[%rev3A_339] in [0] : vector<16xi32>, vector<16xi32> -> vector<16xi32>
        %sub3A_341 = arith.subi %rev3A_340, %add3A_329 : vector<16xi32>
        %add3A_342 = vector.broadcast %scan3A_217 : i32 to vector<16xi32>
        %add3A_343 = arith.addi %sub3A_341, %add3A_342 : vector<16xi32>
        %lt3A_344 = vector.broadcast %sub3A_93 : i32 to vector<16xi32>
        %lt3A_345 = arith.cmpi slt, %add3A_343, %lt3A_344 : vector<16xi32>
        %convert_element_type3A_346 = arith.extui %lt3A_345 : vector<16xi1> to vector<16xi32>
        %reduce_sum3A_347 = arith.constant true
        %reduce_sum3A_348 = vector.broadcast %reduce_sum3A_347 : i1 to vector<16xi1>
        %reduce_sum3A_349 = tpu.scan <sum>, %convert_element_type3A_346 masked %reduce_sum3A_348 : vector<16xi32>, vector<16xi1> -> vector<16xi32>
        %reduce_sum3A_350 = vector.extract %reduce_sum3A_349[15] : i32 from vector<16xi32>
        %gt3A = arith.constant 0 : i32
        %gt3A_351 = arith.cmpi sgt, %reduce_sum3A_350, %gt3A : i32
        %sub3A_352 = arith.constant 16 : i32
        %sub3A_353 = arith.subi %sub3A_352, %reduce_sum3A_350 : i32
        %min3A = arith.constant 15 : i32
        %min3A_354 = arith.minsi %sub3A_353, %min3A : i32
        %broadcast_in_dim3A_355 = vector.broadcast %min3A_354 : i32 to vector<16xi32>
        %lt3A_356 = arith.constant 0 : i32
        %lt3A_357 = vector.broadcast %lt3A_356 : i32 to vector<16xi32>
        %lt3A_358 = arith.cmpi slt, %broadcast_in_dim3A_355, %lt3A_357 : vector<16xi32>
        %add3A_359 = arith.constant 16 : i32
        %add3A_360 = vector.broadcast %add3A_359 : i32 to vector<16xi32>
        %add3A_361 = arith.addi %broadcast_in_dim3A_355, %add3A_360 : vector<16xi32>
        %select_n3A = arith.select %lt3A_358, %add3A_361, %broadcast_in_dim3A_355 : vector<16xi1>, vector<16xi32>
        %broadcast_in_dim3A_362 = vector.shape_cast %select_n3A : vector<16xi32> to vector<16x1xi32>
        %gather3A = vector.shape_cast %broadcast_in_dim3A_362 : vector<16x1xi32> to vector<16xi32>
        %gather3A_363 = tpu.dynamic_gather %add3A_343[%gather3A] in [0] : vector<16xi32>, vector<16xi32> -> vector<16xi32>
        %reduce_max3A = arith.constant true
        %reduce_max3A_364 = vector.broadcast %reduce_max3A : i1 to vector<16xi1>
        %reduce_max3A_365 = arith.constant -2147483648 : i32
        %reduce_max3A_366 = vector.broadcast %reduce_max3A_365 : i32 to vector<16xi32>
        %reduce_max3A_367 = arith.xori %gather3A_363, %reduce_max3A_366 : vector<16xi32>
        %reduce_max3A_368 = tpu.scan <max>, %reduce_max3A_367 masked %reduce_max3A_364 : vector<16xi32>, vector<16xi1> -> vector<16xi32>
        %reduce_max3A_369 = arith.xori %reduce_max3A_368, %reduce_max3A_366 : vector<16xi32>
        %reduce_max3A_370 = vector.extract %reduce_max3A_369[15] : i32 from vector<16xi32>
        %mul3A_371 = arith.constant 16 : i32
        %mul3A_372 = arith.muli %sub3A_221, %mul3A_371 : i32
        %add3A_373 = arith.addi %mul3A_372, %min3A_354 : i32
        %select_n3A_374 = arith.select %gt3A_351, %add3A_373, %scan3A_218 : i32
        %select_n3A_375 = arith.select %gt3A_351, %reduce_max3A_370, %scan3A_219 : i32
        %reduce_max3A_376 = arith.constant true
        %reduce_max3A_377 = vector.broadcast %reduce_max3A_376 : i1 to vector<16xi1>
        %reduce_max3A_378 = arith.constant -2147483648 : i32
        %reduce_max3A_379 = vector.broadcast %reduce_max3A_378 : i32 to vector<16xi32>
        %reduce_max3A_380 = arith.xori %rev3A_340, %reduce_max3A_379 : vector<16xi32>
        %reduce_max3A_381 = tpu.scan <max>, %reduce_max3A_380 masked %reduce_max3A_377 : vector<16xi32>, vector<16xi1> -> vector<16xi32>
        %reduce_max3A_382 = arith.xori %reduce_max3A_381, %reduce_max3A_379 : vector<16xi32>
        %reduce_max3A_383 = vector.extract %reduce_max3A_382[15] : i32 from vector<16xi32>
        %add3A_384 = arith.addi %scan3A_217, %reduce_max3A_383 : i32
        scf.yield %add3A_384, %select_n3A_374, %select_n3A_375 : i32, i32, i32
      }
      %scan3A_118 = arith.constant 16 : i32
      %shift_left3A_119 = arith.constant 0 : i32
      %shift_left3A_120 = arith.shli %scan3A_117#1, %shift_left3A_119 : i32
      %or3A_121 = arith.ori %or3A_92, %shift_left3A_120 : i32
      %sub3A_122 = arith.subi %sub3A_93, %scan3A_117#2 : i32
      %xor3A = arith.constant -2147483648 : i32
      %xor3A_123 = arith.xori %or3A_121, %xor3A : i32
      %scan3A_124 = arith.constant 0 : i32
      %scan3A_125 = arith.constant 0 : i32
      %scan3A_126 = arith.constant 20 : i32
      %scan3A_127 = arith.addi %scan3A_125, %scan3A_126 : i32
      %scan3A_128 = arith.constant 1 : i32
      %scan3A_129 = scf.for %scan3A_216 = %scan3A_125 to %scan3A_127 step %scan3A_128 iter_args(%scan3A_217 = %scan3A_124) -> (i32)  : i32 {
        %broadcast_in_dim3A_218 = arith.constant -2147483648 : i32
        %broadcast_in_dim3A_219 = vector.broadcast %broadcast_in_dim3A_218 : i32 to vector<16xi32>
        %mul3A_220 = arith.constant 16 : i32
        %mul3A_221 = arith.muli %scan3A_216, %mul3A_220 : i32
        %swap3A = arith.index_cast %mul3A_221 : i32 to index
        %swap3A_222 = tpu.vector_load %arg11[%swap3A] {strides = array<i32>} : memref<320xi32, #tpu.memory_space<vmem>>, vector<16xi32>,
        tpu.vector_store %arg11[%swap3A], %broadcast_in_dim3A_219 {strides = array<i32>} : memref<320xi32, #tpu.memory_space<vmem>>, vector<16xi32>,
        %mul3A_223 = arith.constant 16 : i32
        %mul3A_224 = arith.muli %scan3A_216, %mul3A_223 : i32
        %swap3A_225 = arith.index_cast %mul3A_224 : i32 to index
        %swap3A_226 = tpu.vector_load %arg12[%swap3A_225] {strides = array<i32>} : memref<320xi32, #tpu.memory_space<vmem>>, vector<16xi32>,
        tpu.vector_store %arg12[%swap3A_225], %broadcast_in_dim3A_10 {strides = array<i32>} : memref<320xi32, #tpu.memory_space<vmem>>, vector<16xi32>,
        %scan3A_227 = arith.constant 0 : i32
        scf.yield %scan3A_227 : i32
      }
      %scan3A_130 = arith.constant 20 : i32
      %scan3A_131 = arith.constant 0 : i32
      %scan3A_132 = arith.constant 0 : i32
      %scan3A_133 = arith.constant 525 : i32
      %scan3A_134 = arith.addi %scan3A_132, %scan3A_133 : i32
      %scan3A_135 = arith.constant 1 : i32
      %scan3A_136 = scf.for %scan3A_216 = %scan3A_132 to %scan3A_134 step %scan3A_135 iter_args(%scan3A_217 = %scan3A_131) -> (i32)  : i32 {
        %mul3A_218 = arith.constant 16 : i32
        %mul3A_219 = arith.muli %scan3A_216, %mul3A_218 : i32
        %get3A = arith.index_cast %mul3A_219 : i32 to index
        %get3A_220 = tpu.vector_load %arg9[%get3A] {strides = array<i32>} : memref<8400xi32, #tpu.memory_space<vmem>>, vector<16xi32>,
        %ge3A = vector.broadcast %xor3A_123 : i32 to vector<16xi32>
        %ge3A_221 = arith.cmpi sge, %get3A_220, %ge3A : vector<16xi32>
        %convert_element_type3A_222 = arith.extui %ge3A_221 : vector<16xi1> to vector<16xi32>
        %cumsum3A = arith.constant true
        %cumsum3A_223 = vector.broadcast %cumsum3A : i1 to vector<16xi1>
        %cumsum3A_224 = tpu.scan <sum>, %convert_element_type3A_222 masked %cumsum3A_223 : vector<16xi32>, vector<16xi1> -> vector<16xi32>
        %sub3A_225 = arith.subi %cumsum3A_224, %convert_element_type3A_222 : vector<16xi32>
        %add3A_226 = vector.broadcast %scan3A_217 : i32 to vector<16xi32>
        %add3A_227 = arith.addi %add3A_226, %sub3A_225 : vector<16xi32>
        %lt3A_228 = arith.constant 320 : i32
        %lt3A_229 = vector.broadcast %lt3A_228 : i32 to vector<16xi32>
        %lt3A_230 = arith.cmpi slt, %add3A_227, %lt3A_229 : vector<16xi32>
        %and3A = arith.andi %ge3A_221, %lt3A_230 : vector<16xi1>
        tpu.vector_store_idx %arg11[%add3A_227], %get3A_220 masked %and3A : memref<320xi32, #tpu.memory_space<vmem>>[vector<16xi32>], vector<16xi32>, vector<16xi1>
        %mul3A_231 = arith.constant 16 : i32
        %mul3A_232 = arith.muli %scan3A_216, %mul3A_231 : i32
        %add3A_233 = vector.broadcast %mul3A_232 : i32 to vector<16xi32>
        %add3A_234 = arith.addi %add3A_233, %iota3A : vector<16xi32>
        tpu.vector_store_idx %arg12[%add3A_227], %add3A_234 masked %and3A : memref<320xi32, #tpu.memory_space<vmem>>[vector<16xi32>], vector<16xi32>, vector<16xi1>
        %reduce_max3A = arith.constant true
        %reduce_max3A_235 = vector.broadcast %reduce_max3A : i1 to vector<16xi1>
        %reduce_max3A_236 = arith.constant -2147483648 : i32
        %reduce_max3A_237 = vector.broadcast %reduce_max3A_236 : i32 to vector<16xi32>
        %reduce_max3A_238 = arith.xori %cumsum3A_224, %reduce_max3A_237 : vector<16xi32>
        %reduce_max3A_239 = tpu.scan <max>, %reduce_max3A_238 masked %reduce_max3A_235 : vector<16xi32>, vector<16xi1> -> vector<16xi32>
        %reduce_max3A_240 = arith.xori %reduce_max3A_239, %reduce_max3A_237 : vector<16xi32>
        %reduce_max3A_241 = vector.extract %reduce_max3A_240[15] : i32 from vector<16xi32>
        %add3A_242 = arith.addi %scan3A_217, %reduce_max3A_241 : i32
        scf.yield %add3A_242 : i32
      }
      %scan3A_137 = arith.constant 525 : i32
      %scan3A_138 = arith.constant 0 : i32
      %scan3A_139 = arith.constant 20 : i32
      %scan3A_140 = arith.addi %scan3A_138, %scan3A_139 : i32
      %scan3A_141 = arith.constant 1 : i32
      %scan3A_142 = scf.for %scan3A_216 = %scan3A_138 to %scan3A_140 step %scan3A_141 iter_args(%scan3A_217 = %broadcast_in_dim3A_10) -> (vector<16xi32>)  : i32 {
        %mul3A_218 = arith.constant 16 : i32
        %mul3A_219 = arith.muli %scan3A_216, %mul3A_218 : i32
        %get3A = arith.index_cast %mul3A_219 : i32 to index
        %get3A_220 = tpu.vector_load %arg11[%get3A] {strides = array<i32>} : memref<320xi32, #tpu.memory_space<vmem>>, vector<16xi32>,
        %xor3A_221 = arith.constant -2147483648 : i32
        %xor3A_222 = vector.broadcast %xor3A_221 : i32 to vector<16xi32>
        %xor3A_223 = arith.xori %get3A_220, %xor3A_222 : vector<16xi32>
        %not3A = arith.constant dense<-1> : vector<16xi32>
        %not3A_224 = arith.xori %xor3A_223, %not3A : vector<16xi32>
        %and3A = arith.constant 1 : i32
        %and3A_225 = vector.broadcast %and3A : i32 to vector<16xi32>
        %and3A_226 = arith.andi %not3A_224, %and3A_225 : vector<16xi32>
        %sub3A_227 = arith.constant 1 : i32
        %sub3A_228 = vector.broadcast %sub3A_227 : i32 to vector<16xi32>
        %sub3A_229 = arith.subi %sub3A_228, %and3A_226 : vector<16xi32>
        %add3A_230 = arith.addi %scan3A_217, %sub3A_229 : vector<16xi32>
        scf.yield %add3A_230 : vector<16xi32>
      }
      %scan3A_143 = arith.constant 20 : i32
      %reduce_sum3A = arith.constant true
      %reduce_sum3A_144 = vector.broadcast %reduce_sum3A : i1 to vector<16xi1>
      %reduce_sum3A_145 = tpu.scan <sum>, %scan3A_142 masked %reduce_sum3A_144 : vector<16xi32>, vector<16xi1> -> vector<16xi32>
      %reduce_sum3A_146 = vector.extract %reduce_sum3A_145[15] : i32 from vector<16xi32>
      %broadcast_in_dim3A_147 = arith.constant 15 : i32
      %broadcast_in_dim3A_148 = vector.broadcast %broadcast_in_dim3A_147 : i32 to vector<16xi32>
      %scan3A_149 = arith.constant 0 : i32
      %scan3A_150 = arith.constant 16 : i32
      %scan3A_151 = arith.addi %scan3A_149, %scan3A_150 : i32
      %scan3A_152 = arith.constant 1 : i32
      %scan3A_153 = scf.for %scan3A_216 = %scan3A_149 to %scan3A_151 step %scan3A_152 iter_args(%scan3A_217 = %reduce_sum3A_146) -> (i32)  : i32 {
        %mul3A_218 = arith.constant 2 : i32
        %mul3A_219 = arith.muli %scan3A_216, %mul3A_218 : i32
        %add3A_220 = arith.constant 1 : i32
        %add3A_221 = arith.addi %mul3A_219, %add3A_220 : i32
        %min3A = arith.constant 31 : i32
        %min3A_222 = arith.minsi %add3A_221, %min3A : i32
        %scan3A_223 = arith.constant 0 : i32
        %scan3A_224 = arith.constant 20 : i32
        %scan3A_225 = arith.addi %scan3A_223, %scan3A_224 : i32
        %scan3A_226 = arith.constant 1 : i32
        %scan3A_227:3 = scf.for %scan3A_251 = %scan3A_223 to %scan3A_225 step %scan3A_226 iter_args(%scan3A_252 = %broadcast_in_dim3A_10, %scan3A_253 = %broadcast_in_dim3A_10, %scan3A_254 = %broadcast_in_dim3A_10) -> (vector<16xi32>, vector<16xi32>, vector<16xi32>)  : i32 {
          %mul3A_255 = arith.constant 16 : i32
          %mul3A_256 = arith.muli %scan3A_251, %mul3A_255 : i32
          %get3A = arith.index_cast %mul3A_256 : i32 to index
          %get3A_257 = tpu.vector_load %arg11[%get3A] {strides = array<i32>} : memref<320xi32, #tpu.memory_space<vmem>>, vector<16xi32>,
          %mul3A_258 = arith.constant 16 : i32
          %mul3A_259 = arith.muli %scan3A_251, %mul3A_258 : i32
          %get3A_260 = arith.index_cast %mul3A_259 : i32 to index
          %get3A_261 = tpu.vector_load %arg12[%get3A_260] {strides = array<i32>} : memref<320xi32, #tpu.memory_space<vmem>>, vector<16xi32>,
          %xor3A_262 = arith.constant -2147483648 : i32
          %xor3A_263 = vector.broadcast %xor3A_262 : i32 to vector<16xi32>
          %xor3A_264 = arith.xori %get3A_257, %xor3A_263 : vector<16xi32>
          %not3A = arith.constant dense<-1> : vector<16xi32>
          %not3A_265 = arith.xori %xor3A_264, %not3A : vector<16xi32>
          %broadcast_in_dim3A_266 = vector.broadcast %mul3A_219 : i32 to vector<16xi32>
          %shift_right_logical3A_267 = arith.shrui %not3A_265, %broadcast_in_dim3A_266 : vector<16xi32>
          %and3A = arith.constant 1 : i32
          %and3A_268 = vector.broadcast %and3A : i32 to vector<16xi32>
          %and3A_269 = arith.andi %shift_right_logical3A_267, %and3A_268 : vector<16xi32>
          %sub3A_270 = arith.constant 1 : i32
          %sub3A_271 = vector.broadcast %sub3A_270 : i32 to vector<16xi32>
          %sub3A_272 = arith.subi %sub3A_271, %and3A_269 : vector<16xi32>
          %cumsum3A = arith.constant true
          %cumsum3A_273 = vector.broadcast %cumsum3A : i1 to vector<16xi1>
          %cumsum3A_274 = tpu.scan <sum>, %sub3A_272 masked %cumsum3A_273 : vector<16xi32>, vector<16xi1> -> vector<16xi32>
          %cumsum3A_275 = arith.constant true
          %cumsum3A_276 = vector.broadcast %cumsum3A_275 : i1 to vector<16xi1>
          %cumsum3A_277 = tpu.scan <sum>, %and3A_269 masked %cumsum3A_276 : vector<16xi32>, vector<16xi1> -> vector<16xi32>
          %eq3A = arith.constant 0 : i32
          %eq3A_278 = vector.broadcast %eq3A : i32 to vector<16xi32>
          %eq3A_279 = arith.cmpi eq, %and3A_269, %eq3A_278 : vector<16xi32>
          %sub3A_280 = arith.subi %cumsum3A_274, %sub3A_272 : vector<16xi32>
          %add3A_281 = arith.addi %scan3A_252, %sub3A_280 : vector<16xi32>
          %add3A_282 = vector.broadcast %scan3A_217 : i32 to vector<16xi32>
          %add3A_283 = arith.addi %add3A_282, %scan3A_253 : vector<16xi32>
          %sub3A_284 = arith.subi %cumsum3A_277, %and3A_269 : vector<16xi32>
          %add3A_285 = arith.addi %add3A_283, %sub3A_284 : vector<16xi32>
          %select_n3A = arith.select %eq3A_279, %add3A_281, %add3A_285 : vector<16xi1>, vector<16xi32>
          tpu.vector_store_idx %arg13[%select_n3A], %get3A_257 : memref<320xi32, #tpu.memory_space<vmem>>[vector<16xi32>], vector<16xi32>,
          tpu.vector_store_idx %arg14[%select_n3A], %get3A_261 : memref<320xi32, #tpu.memory_space<vmem>>[vector<16xi32>], vector<16xi32>,
          %shift_right_logical3A_286 = vector.broadcast %min3A_222 : i32 to vector<16xi32>
          %shift_right_logical3A_287 = arith.shrui %not3A_265, %shift_right_logical3A_286 : vector<16xi32>
          %and3A_288 = arith.constant 1 : i32
          %and3A_289 = vector.broadcast %and3A_288 : i32 to vector<16xi32>
          %and3A_290 = arith.andi %shift_right_logical3A_287, %and3A_289 : vector<16xi32>
          %lt3A_291 = arith.constant 0 : i32
          %lt3A_292 = vector.broadcast %lt3A_291 : i32 to vector<16xi32>
          %lt3A_293 = arith.cmpi slt, %broadcast_in_dim3A_148, %lt3A_292 : vector<16xi32>
          %add3A_294 = arith.constant 16 : i32
          %add3A_295 = vector.broadcast %add3A_294 : i32 to vector<16xi32>
          %add3A_296 = arith.addi %broadcast_in_dim3A_148, %add3A_295 : vector<16xi32>
          %select_n3A_297 = arith.select %lt3A_293, %add3A_296, %broadcast_in_dim3A_148 : vector<16xi1>, vector<16xi32>
          %broadcast_in_dim3A_298 = vector.shape_cast %select_n3A_297 : vector<16xi32> to vector<16x1xi32>
          %gather3A = vector.shape_cast %broadcast_in_dim3A_298 : vector<16x1xi32> to vector<16xi32>
          %gather3A_299 = tpu.dynamic_gather %cumsum3A_274[%gather3A] in [0] : vector<16xi32>, vector<16xi32> -> vector<16xi32>
          %lt3A_300 = arith.constant 0 : i32
          %lt3A_301 = vector.broadcast %lt3A_300 : i32 to vector<16xi32>
          %lt3A_302 = arith.cmpi slt, %broadcast_in_dim3A_148, %lt3A_301 : vector<16xi32>
          %add3A_303 = arith.constant 16 : i32
          %add3A_304 = vector.broadcast %add3A_303 : i32 to vector<16xi32>
          %add3A_305 = arith.addi %broadcast_in_dim3A_148, %add3A_304 : vector<16xi32>
          %select_n3A_306 = arith.select %lt3A_302, %add3A_305, %broadcast_in_dim3A_148 : vector<16xi1>, vector<16xi32>
          %broadcast_in_dim3A_307 = vector.shape_cast %select_n3A_306 : vector<16xi32> to vector<16x1xi32>
          %gather3A_308 = vector.shape_cast %broadcast_in_dim3A_307 : vector<16x1xi32> to vector<16xi32>
          %gather3A_309 = tpu.dynamic_gather %cumsum3A_277[%gather3A_308] in [0] : vector<16xi32>, vector<16xi32> -> vector<16xi32>
          %add3A_310 = arith.addi %scan3A_252, %gather3A_299 : vector<16xi32>
          %add3A_311 = arith.addi %scan3A_253, %gather3A_309 : vector<16xi32>
          %sub3A_312 = arith.constant 1 : i32
          %sub3A_313 = vector.broadcast %sub3A_312 : i32 to vector<16xi32>
          %sub3A_314 = arith.subi %sub3A_313, %and3A_290 : vector<16xi32>
          %add3A_315 = arith.addi %scan3A_254, %sub3A_314 : vector<16xi32>
          scf.yield %add3A_310, %add3A_311, %add3A_315 : vector<16xi32>, vector<16xi32>, vector<16xi32>
        }
        %scan3A_228 = arith.constant 20 : i32
        %reduce_sum3A_229 = arith.constant true
        %reduce_sum3A_230 = vector.broadcast %reduce_sum3A_229 : i1 to vector<16xi1>
        %reduce_sum3A_231 = tpu.scan <sum>, %scan3A_227#2 masked %reduce_sum3A_230 : vector<16xi32>, vector<16xi1> -> vector<16xi32>
        %reduce_sum3A_232 = vector.extract %reduce_sum3A_231[15] : i32 from vector<16xi32>
        %mul3A_233 = arith.constant 2 : i32
        %mul3A_234 = arith.muli %scan3A_216, %mul3A_233 : i32
        %add3A_235 = arith.constant 1 : i32
        %add3A_236 = arith.addi %mul3A_234, %add3A_235 : i32
        %add3A_237 = arith.constant 1 : i32
        %add3A_238 = arith.addi %add3A_236, %add3A_237 : i32
        %min3A_239 = arith.constant 31 : i32
        %min3A_240 = arith.minsi %add3A_238, %min3A_239 : i32
        %scan3A_241 = arith.constant 0 : i32
        %scan3A_242 = arith.constant 20 : i32
        %scan3A_243 = arith.addi %scan3A_241, %scan3A_242 : i32
        %scan3A_244 = arith.constant 1 : i32
        %scan3A_245:3 = scf.for %scan3A_251 = %scan3A_241 to %scan3A_243 step %scan3A_244 iter_args(%scan3A_252 = %broadcast_in_dim3A_10, %scan3A_253 = %broadcast_in_dim3A_10, %scan3A_254 = %broadcast_in_dim3A_10) -> (vector<16xi32>, vector<16xi32>, vector<16xi32>)  : i32 {
          %mul3A_255 = arith.constant 16 : i32
          %mul3A_256 = arith.muli %scan3A_251, %mul3A_255 : i32
          %get3A = arith.index_cast %mul3A_256 : i32 to index
          %get3A_257 = tpu.vector_load %arg13[%get3A] {strides = array<i32>} : memref<320xi32, #tpu.memory_space<vmem>>, vector<16xi32>,
          %mul3A_258 = arith.constant 16 : i32
          %mul3A_259 = arith.muli %scan3A_251, %mul3A_258 : i32
          %get3A_260 = arith.index_cast %mul3A_259 : i32 to index
          %get3A_261 = tpu.vector_load %arg14[%get3A_260] {strides = array<i32>} : memref<320xi32, #tpu.memory_space<vmem>>, vector<16xi32>,
          %xor3A_262 = arith.constant -2147483648 : i32
          %xor3A_263 = vector.broadcast %xor3A_262 : i32 to vector<16xi32>
          %xor3A_264 = arith.xori %get3A_257, %xor3A_263 : vector<16xi32>
          %not3A = arith.constant dense<-1> : vector<16xi32>
          %not3A_265 = arith.xori %xor3A_264, %not3A : vector<16xi32>
          %broadcast_in_dim3A_266 = vector.broadcast %add3A_236 : i32 to vector<16xi32>
          %shift_right_logical3A_267 = arith.shrui %not3A_265, %broadcast_in_dim3A_266 : vector<16xi32>
          %and3A = arith.constant 1 : i32
          %and3A_268 = vector.broadcast %and3A : i32 to vector<16xi32>
          %and3A_269 = arith.andi %shift_right_logical3A_267, %and3A_268 : vector<16xi32>
          %sub3A_270 = arith.constant 1 : i32
          %sub3A_271 = vector.broadcast %sub3A_270 : i32 to vector<16xi32>
          %sub3A_272 = arith.subi %sub3A_271, %and3A_269 : vector<16xi32>
          %cumsum3A = arith.constant true
          %cumsum3A_273 = vector.broadcast %cumsum3A : i1 to vector<16xi1>
          %cumsum3A_274 = tpu.scan <sum>, %sub3A_272 masked %cumsum3A_273 : vector<16xi32>, vector<16xi1> -> vector<16xi32>
          %cumsum3A_275 = arith.constant true
          %cumsum3A_276 = vector.broadcast %cumsum3A_275 : i1 to vector<16xi1>
          %cumsum3A_277 = tpu.scan <sum>, %and3A_269 masked %cumsum3A_276 : vector<16xi32>, vector<16xi1> -> vector<16xi32>
          %eq3A = arith.constant 0 : i32
          %eq3A_278 = vector.broadcast %eq3A : i32 to vector<16xi32>
          %eq3A_279 = arith.cmpi eq, %and3A_269, %eq3A_278 : vector<16xi32>
          %sub3A_280 = arith.subi %cumsum3A_274, %sub3A_272 : vector<16xi32>
          %add3A_281 = arith.addi %scan3A_252, %sub3A_280 : vector<16xi32>
          %add3A_282 = vector.broadcast %reduce_sum3A_232 : i32 to vector<16xi32>
          %add3A_283 = arith.addi %add3A_282, %scan3A_253 : vector<16xi32>
          %sub3A_284 = arith.subi %cumsum3A_277, %and3A_269 : vector<16xi32>
          %add3A_285 = arith.addi %add3A_283, %sub3A_284 : vector<16xi32>
          %select_n3A = arith.select %eq3A_279, %add3A_281, %add3A_285 : vector<16xi1>, vector<16xi32>
          tpu.vector_store_idx %arg11[%select_n3A], %get3A_257 : memref<320xi32, #tpu.memory_space<vmem>>[vector<16xi32>], vector<16xi32>,
          tpu.vector_store_idx %arg12[%select_n3A], %get3A_261 : memref<320xi32, #tpu.memory_space<vmem>>[vector<16xi32>], vector<16xi32>,
          %shift_right_logical3A_286 = vector.broadcast %min3A_240 : i32 to vector<16xi32>
          %shift_right_logical3A_287 = arith.shrui %not3A_265, %shift_right_logical3A_286 : vector<16xi32>
          %and3A_288 = arith.constant 1 : i32
          %and3A_289 = vector.broadcast %and3A_288 : i32 to vector<16xi32>
          %and3A_290 = arith.andi %shift_right_logical3A_287, %and3A_289 : vector<16xi32>
          %lt3A_291 = arith.constant 0 : i32
          %lt3A_292 = vector.broadcast %lt3A_291 : i32 to vector<16xi32>
          %lt3A_293 = arith.cmpi slt, %broadcast_in_dim3A_148, %lt3A_292 : vector<16xi32>
          %add3A_294 = arith.constant 16 : i32
          %add3A_295 = vector.broadcast %add3A_294 : i32 to vector<16xi32>
          %add3A_296 = arith.addi %broadcast_in_dim3A_148, %add3A_295 : vector<16xi32>
          %select_n3A_297 = arith.select %lt3A_293, %add3A_296, %broadcast_in_dim3A_148 : vector<16xi1>, vector<16xi32>
          %broadcast_in_dim3A_298 = vector.shape_cast %select_n3A_297 : vector<16xi32> to vector<16x1xi32>
          %gather3A = vector.shape_cast %broadcast_in_dim3A_298 : vector<16x1xi32> to vector<16xi32>
          %gather3A_299 = tpu.dynamic_gather %cumsum3A_274[%gather3A] in [0] : vector<16xi32>, vector<16xi32> -> vector<16xi32>
          %lt3A_300 = arith.constant 0 : i32
          %lt3A_301 = vector.broadcast %lt3A_300 : i32 to vector<16xi32>
          %lt3A_302 = arith.cmpi slt, %broadcast_in_dim3A_148, %lt3A_301 : vector<16xi32>
          %add3A_303 = arith.constant 16 : i32
          %add3A_304 = vector.broadcast %add3A_303 : i32 to vector<16xi32>
          %add3A_305 = arith.addi %broadcast_in_dim3A_148, %add3A_304 : vector<16xi32>
          %select_n3A_306 = arith.select %lt3A_302, %add3A_305, %broadcast_in_dim3A_148 : vector<16xi1>, vector<16xi32>
          %broadcast_in_dim3A_307 = vector.shape_cast %select_n3A_306 : vector<16xi32> to vector<16x1xi32>
          %gather3A_308 = vector.shape_cast %broadcast_in_dim3A_307 : vector<16x1xi32> to vector<16xi32>
          %gather3A_309 = tpu.dynamic_gather %cumsum3A_277[%gather3A_308] in [0] : vector<16xi32>, vector<16xi32> -> vector<16xi32>
          %add3A_310 = arith.addi %scan3A_252, %gather3A_299 : vector<16xi32>
          %add3A_311 = arith.addi %scan3A_253, %gather3A_309 : vector<16xi32>
          %sub3A_312 = arith.constant 1 : i32
          %sub3A_313 = vector.broadcast %sub3A_312 : i32 to vector<16xi32>
          %sub3A_314 = arith.subi %sub3A_313, %and3A_290 : vector<16xi32>
          %add3A_315 = arith.addi %scan3A_254, %sub3A_314 : vector<16xi32>
          scf.yield %add3A_310, %add3A_311, %add3A_315 : vector<16xi32>, vector<16xi32>, vector<16xi32>
        }
        %scan3A_246 = arith.constant 20 : i32
        %reduce_sum3A_247 = arith.constant true
        %reduce_sum3A_248 = vector.broadcast %reduce_sum3A_247 : i1 to vector<16xi1>
        %reduce_sum3A_249 = tpu.scan <sum>, %scan3A_245#2 masked %reduce_sum3A_248 : vector<16xi32>, vector<16xi1> -> vector<16xi32>
        %reduce_sum3A_250 = vector.extract %reduce_sum3A_249[15] : i32 from vector<16xi32>
        scf.yield %reduce_sum3A_250 : i32
      }
      %scan3A_154 = arith.constant 16 : i32
      %scan3A_155 = arith.constant 0 : i32
      %scan3A_156 = arith.constant 0 : i32
      %scan3A_157 = arith.constant 19 : i32
      %scan3A_158 = arith.addi %scan3A_156, %scan3A_157 : i32
      %scan3A_159 = arith.constant 1 : i32
      %scan3A_160 = scf.for %scan3A_216 = %scan3A_156 to %scan3A_158 step %scan3A_159 iter_args(%scan3A_217 = %scan3A_155) -> (i32)  : i32 {
        %mul3A_218 = arith.constant 16 : i32
        %mul3A_219 = arith.muli %scan3A_216, %mul3A_218 : i32
        %get3A = arith.index_cast %mul3A_219 : i32 to index
        %get3A_220 = tpu.vector_load %arg12[%get3A] {strides = array<i32>} : memref<320xi32, #tpu.memory_space<vmem>>, vector<16xi32>,
        %mul3A_221 = arith.constant 16 : i32
        %mul3A_222 = arith.muli %scan3A_216, %mul3A_221 : i32
        %swap3A = arith.index_cast %mul3A_222 : i32 to index
        %swap3A_223 = tpu.vector_load %arg15[%swap3A] {strides = array<i32>} : memref<304xi32, #tpu.memory_space<vmem>>, vector<16xi32>,
        tpu.vector_store %arg15[%swap3A], %get3A_220 {strides = array<i32>} : memref<304xi32, #tpu.memory_space<vmem>>, vector<16xi32>,
        %mul3A_224 = arith.constant 8400 : i32
        %mul3A_225 = arith.muli %add3A, %mul3A_224 : i32
        %add3A_226 = vector.broadcast %mul3A_225 : i32 to vector<16xi32>
        %add3A_227 = arith.addi %get3A_220, %add3A_226 : vector<16xi32>
        %mul3A_228 = arith.constant 16 : i32
        %mul3A_229 = arith.muli %scan3A_216, %mul3A_228 : i32
        %swap3A_230 = arith.index_cast %mul3A_229 : i32 to index
        %swap3A_231 = tpu.vector_load %arg16[%swap3A_230] {strides = array<i32>} : memref<304xi32, #tpu.memory_space<vmem>>, vector<16xi32>,
        tpu.vector_store %arg16[%swap3A_230], %add3A_227 {strides = array<i32>} : memref<304xi32, #tpu.memory_space<vmem>>, vector<16xi32>,
        %scan3A_232 = arith.constant 0 : i32
        scf.yield %scan3A_232 : i32
      }
      %scan3A_161 = arith.constant 19 : i32
      %dma_start3A = arith.constant 0 : i32
      %dma_start3A_162 = tpu.memref_slice %arg16[%dma_start3A] : memref<304xi32, #tpu.memory_space<vmem>> -> memref<152xi32, #tpu.memory_space<vmem>>
      %dma_start3A_163 = arith.constant 0 : i32
      %dma_start3A_164 = arith.constant 0 : i32
      %dma_start3A_165 = tpu.memref_slice %arg4[%dma_start3A_163, %dma_start3A_164] : memref<134400x256xf32, #tpu.memory_space<hbm>> -> memref<134400x256xf32, #tpu.memory_space<hbm>>
      tpu.enqueue_indirect_dma source(%dma_start3A_165 : memref<134400x256xf32, #tpu.memory_space<hbm>>) target(%arg20 : memref<152x256xf32, #tpu.memory_space<vmem>>) offsets(%dma_start3A_162 : memref<152xi32, #tpu.memory_space<vmem>>) semaphore(%arg21 : memref<!tpu.dma_semaphore, #tpu.memory_space<semaphore_mem>>)
      %dma_wait3A = arith.constant 0 : i32
      %dma_wait3A_166 = tpu.memref_slice %arg16[%dma_wait3A] : memref<304xi32, #tpu.memory_space<vmem>> -> memref<152xi32, #tpu.memory_space<vmem>>
      %dma_wait3A_167 = arith.constant 0 : i32
      %dma_wait3A_168 = arith.constant 0 : i32
      %dma_wait3A_169 = tpu.memref_slice %arg4[%dma_wait3A_167, %dma_wait3A_168] : memref<134400x256xf32, #tpu.memory_space<hbm>> -> memref<134400x256xf32, #tpu.memory_space<hbm>>
      tpu.wait_indirect_dma semaphore(%arg21 : memref<!tpu.dma_semaphore, #tpu.memory_space<semaphore_mem>>) src(%dma_wait3A_169 : memref<134400x256xf32, #tpu.memory_space<hbm>>) dst(%arg20 : memref<152x256xf32, #tpu.memory_space<vmem>>)
      "tpu.region"() ({
        %run_scoped3A = tpu.sem_alloc : memref<!tpu.dma_semaphore, #tpu.memory_space<semaphore_mem>>
        %dma_start3A_216 = arith.constant 0 : i32
        %dma_start3A_217 = arith.constant 0 : i32
        %dma_start3A_218 = tpu.memref_slice %arg6[%add3A, %dma_start3A_216, %dma_start3A_217] : memref<16x304x256xf32, #tpu.memory_space<hbm>> -> memref<1x152x256xf32, #tpu.memory_space<hbm>>
        %dma_start3A_219 = tpu.memref_squeeze %dma_start3A_218 : memref<1x152x256xf32, #tpu.memory_space<hbm>> -> memref<152x256xf32, #tpu.memory_space<hbm>>
        %dma_start3A_220 = arith.constant 0 : i32
        %dma_start3A_221 = arith.constant 0 : i32
        %dma_start3A_222 = tpu.memref_slice %arg6[%add3A, %dma_start3A_220, %dma_start3A_221] : memref<16x304x256xf32, #tpu.memory_space<hbm>> -> memref<1x152x256xf32, #tpu.memory_space<hbm>>
        %dma_start3A_223 = tpu.memref_squeeze %dma_start3A_222 : memref<1x152x256xf32, #tpu.memory_space<hbm>> -> memref<152x256xf32, #tpu.memory_space<hbm>>
        tpu.enqueue_dma source(%arg20 : memref<152x256xf32, #tpu.memory_space<vmem>>) target(%dma_start3A_223 : memref<152x256xf32, #tpu.memory_space<hbm>>) target_semaphore(%run_scoped3A : memref<!tpu.dma_semaphore, #tpu.memory_space<semaphore_mem>>)
        %dma_wait3A_224 = arith.constant 0 : i32
        %dma_wait3A_225 = arith.constant 0 : i32
        %dma_wait3A_226 = tpu.memref_slice %arg6[%add3A, %dma_wait3A_224, %dma_wait3A_225] : memref<16x304x256xf32, #tpu.memory_space<hbm>> -> memref<1x152x256xf32, #tpu.memory_space<hbm>>
        %dma_wait3A_227 = tpu.memref_squeeze %dma_wait3A_226 : memref<1x152x256xf32, #tpu.memory_space<hbm>> -> memref<152x256xf32, #tpu.memory_space<hbm>>
        %dma_wait3A_228 = arith.constant 0 : i32
        %dma_wait3A_229 = arith.constant 0 : i32
        %dma_wait3A_230 = tpu.memref_slice %arg6[%add3A, %dma_wait3A_228, %dma_wait3A_229] : memref<16x304x256xf32, #tpu.memory_space<hbm>> -> memref<1x152x256xf32, #tpu.memory_space<hbm>>
        %dma_wait3A_231 = tpu.memref_squeeze %dma_wait3A_230 : memref<1x152x256xf32, #tpu.memory_space<hbm>> -> memref<152x256xf32, #tpu.memory_space<hbm>>
        tpu.wait_dma2 semaphore(%run_scoped3A : memref<!tpu.dma_semaphore, #tpu.memory_space<semaphore_mem>>) src(%arg20 : memref<152x256xf32, #tpu.memory_space<vmem>>) dst(%dma_wait3A_231 : memref<152x256xf32, #tpu.memory_space<hbm>>)
        tpu.yield
      }) : () -> ()
      %dma_start3A_170 = arith.constant 152 : i32
      %dma_start3A_171 = tpu.memref_slice %arg16[%dma_start3A_170] : memref<304xi32, #tpu.memory_space<vmem>> -> memref<152xi32, #tpu.memory_space<vmem>>
      %dma_start3A_172 = arith.constant 0 : i32
      %dma_start3A_173 = arith.constant 0 : i32
      %dma_start3A_174 = tpu.memref_slice %arg4[%dma_start3A_172, %dma_start3A_173] : memref<134400x256xf32, #tpu.memory_space<hbm>> -> memref<134400x256xf32, #tpu.memory_space<hbm>>
      tpu.enqueue_indirect_dma source(%dma_start3A_174 : memref<134400x256xf32, #tpu.memory_space<hbm>>) target(%arg20 : memref<152x256xf32, #tpu.memory_space<vmem>>) offsets(%dma_start3A_171 : memref<152xi32, #tpu.memory_space<vmem>>) semaphore(%arg21 : memref<!tpu.dma_semaphore, #tpu.memory_space<semaphore_mem>>)
      %dma_wait3A_175 = arith.constant 152 : i32
      %dma_wait3A_176 = tpu.memref_slice %arg16[%dma_wait3A_175] : memref<304xi32, #tpu.memory_space<vmem>> -> memref<152xi32, #tpu.memory_space<vmem>>
      %dma_wait3A_177 = arith.constant 0 : i32
      %dma_wait3A_178 = arith.constant 0 : i32
      %dma_wait3A_179 = tpu.memref_slice %arg4[%dma_wait3A_177, %dma_wait3A_178] : memref<134400x256xf32, #tpu.memory_space<hbm>> -> memref<134400x256xf32, #tpu.memory_space<hbm>>
      tpu.wait_indirect_dma semaphore(%arg21 : memref<!tpu.dma_semaphore, #tpu.memory_space<semaphore_mem>>) src(%dma_wait3A_179 : memref<134400x256xf32, #tpu.memory_space<hbm>>) dst(%arg20 : memref<152x256xf32, #tpu.memory_space<vmem>>)
      "tpu.region"() ({
        %run_scoped3A = tpu.sem_alloc : memref<!tpu.dma_semaphore, #tpu.memory_space<semaphore_mem>>
        %dma_start3A_216 = arith.constant 152 : i32
        %dma_start3A_217 = arith.constant 0 : i32
        %dma_start3A_218 = tpu.memref_slice %arg6[%add3A, %dma_start3A_216, %dma_start3A_217] : memref<16x304x256xf32, #tpu.memory_space<hbm>> -> memref<1x152x256xf32, #tpu.memory_space<hbm>>
        %dma_start3A_219 = tpu.memref_squeeze %dma_start3A_218 : memref<1x152x256xf32, #tpu.memory_space<hbm>> -> memref<152x256xf32, #tpu.memory_space<hbm>>
        %dma_start3A_220 = arith.constant 152 : i32
        %dma_start3A_221 = arith.constant 0 : i32
        %dma_start3A_222 = tpu.memref_slice %arg6[%add3A, %dma_start3A_220, %dma_start3A_221] : memref<16x304x256xf32, #tpu.memory_space<hbm>> -> memref<1x152x256xf32, #tpu.memory_space<hbm>>
        %dma_start3A_223 = tpu.memref_squeeze %dma_start3A_222 : memref<1x152x256xf32, #tpu.memory_space<hbm>> -> memref<152x256xf32, #tpu.memory_space<hbm>>
        tpu.enqueue_dma source(%arg20 : memref<152x256xf32, #tpu.memory_space<vmem>>) target(%dma_start3A_223 : memref<152x256xf32, #tpu.memory_space<hbm>>) target_semaphore(%run_scoped3A : memref<!tpu.dma_semaphore, #tpu.memory_space<semaphore_mem>>)
        %dma_wait3A_224 = arith.constant 152 : i32
        %dma_wait3A_225 = arith.constant 0 : i32
        %dma_wait3A_226 = tpu.memref_slice %arg6[%add3A, %dma_wait3A_224, %dma_wait3A_225] : memref<16x304x256xf32, #tpu.memory_space<hbm>> -> memref<1x152x256xf32, #tpu.memory_space<hbm>>
        %dma_wait3A_227 = tpu.memref_squeeze %dma_wait3A_226 : memref<1x152x256xf32, #tpu.memory_space<hbm>> -> memref<152x256xf32, #tpu.memory_space<hbm>>
        %dma_wait3A_228 = arith.constant 152 : i32
        %dma_wait3A_229 = arith.constant 0 : i32
        %dma_wait3A_230 = tpu.memref_slice %arg6[%add3A, %dma_wait3A_228, %dma_wait3A_229] : memref<16x304x256xf32, #tpu.memory_space<hbm>> -> memref<1x152x256xf32, #tpu.memory_space<hbm>>
        %dma_wait3A_231 = tpu.memref_squeeze %dma_wait3A_230 : memref<1x152x256xf32, #tpu.memory_space<hbm>> -> memref<152x256xf32, #tpu.memory_space<hbm>>
        tpu.wait_dma2 semaphore(%run_scoped3A : memref<!tpu.dma_semaphore, #tpu.memory_space<semaphore_mem>>) src(%arg20 : memref<152x256xf32, #tpu.memory_space<vmem>>) dst(%dma_wait3A_231 : memref<152x256xf32, #tpu.memory_space<hbm>>)
        tpu.yield
      }) : () -> ()
      %broadcast_in_dim3A_180 = arith.constant 0 : i32
      %broadcast_in_dim3A_181 = vector.broadcast %broadcast_in_dim3A_180 : i32 to vector<16xi32>
      %dma_start3A_182 = arith.constant 0 : i32
      %dma_start3A_183 = tpu.memref_slice %arg16[%dma_start3A_182] : memref<304xi32, #tpu.memory_space<vmem>> -> memref<152xi32, #tpu.memory_space<vmem>>
      %dma_start3A_184 = arith.constant 0 : i32
      %dma_start3A_185 = arith.constant 0 : i32
      %dma_start3A_186 = tpu.memref_slice %arg3[%dma_start3A_184, %dma_start3A_185] : memref<134400x128xf32, #tpu.memory_space<hbm>> -> memref<134400x128xf32, #tpu.memory_space<hbm>>
      tpu.enqueue_indirect_dma source(%dma_start3A_186 : memref<134400x128xf32, #tpu.memory_space<hbm>>) target(%arg19 : memref<152x128xf32, #tpu.memory_space<vmem>>) offsets(%dma_start3A_183 : memref<152xi32, #tpu.memory_space<vmem>>) semaphore(%arg21 : memref<!tpu.dma_semaphore, #tpu.memory_space<semaphore_mem>>)
      %dma_wait3A_187 = arith.constant 0 : i32
      %dma_wait3A_188 = tpu.memref_slice %arg16[%dma_wait3A_187] : memref<304xi32, #tpu.memory_space<vmem>> -> memref<152xi32, #tpu.memory_space<vmem>>
      %dma_wait3A_189 = arith.constant 0 : i32
      %dma_wait3A_190 = arith.constant 0 : i32
      %dma_wait3A_191 = tpu.memref_slice %arg3[%dma_wait3A_189, %dma_wait3A_190] : memref<134400x128xf32, #tpu.memory_space<hbm>> -> memref<134400x128xf32, #tpu.memory_space<hbm>>
      tpu.wait_indirect_dma semaphore(%arg21 : memref<!tpu.dma_semaphore, #tpu.memory_space<semaphore_mem>>) src(%dma_wait3A_191 : memref<134400x128xf32, #tpu.memory_space<hbm>>) dst(%arg19 : memref<152x128xf32, #tpu.memory_space<vmem>>)
      "tpu.region"() ({
        %run_scoped3A = tpu.sem_alloc : memref<!tpu.dma_semaphore, #tpu.memory_space<semaphore_mem>>
        %dma_start3A_216 = arith.constant 0 : i32
        %dma_start3A_217 = arith.constant 0 : i32
        %dma_start3A_218 = tpu.memref_slice %arg7[%add3A, %dma_start3A_216, %dma_start3A_217] : memref<16x304x128xf32, #tpu.memory_space<hbm>> -> memref<1x152x128xf32, #tpu.memory_space<hbm>>
        %dma_start3A_219 = tpu.memref_squeeze %dma_start3A_218 : memref<1x152x128xf32, #tpu.memory_space<hbm>> -> memref<152x128xf32, #tpu.memory_space<hbm>>
        %dma_start3A_220 = arith.constant 0 : i32
        %dma_start3A_221 = arith.constant 0 : i32
        %dma_start3A_222 = tpu.memref_slice %arg7[%add3A, %dma_start3A_220, %dma_start3A_221] : memref<16x304x128xf32, #tpu.memory_space<hbm>> -> memref<1x152x128xf32, #tpu.memory_space<hbm>>
        %dma_start3A_223 = tpu.memref_squeeze %dma_start3A_222 : memref<1x152x128xf32, #tpu.memory_space<hbm>> -> memref<152x128xf32, #tpu.memory_space<hbm>>
        tpu.enqueue_dma source(%arg19 : memref<152x128xf32, #tpu.memory_space<vmem>>) target(%dma_start3A_223 : memref<152x128xf32, #tpu.memory_space<hbm>>) target_semaphore(%run_scoped3A : memref<!tpu.dma_semaphore, #tpu.memory_space<semaphore_mem>>)
        %dma_wait3A_224 = arith.constant 0 : i32
        %dma_wait3A_225 = arith.constant 0 : i32
        %dma_wait3A_226 = tpu.memref_slice %arg7[%add3A, %dma_wait3A_224, %dma_wait3A_225] : memref<16x304x128xf32, #tpu.memory_space<hbm>> -> memref<1x152x128xf32, #tpu.memory_space<hbm>>
        %dma_wait3A_227 = tpu.memref_squeeze %dma_wait3A_226 : memref<1x152x128xf32, #tpu.memory_space<hbm>> -> memref<152x128xf32, #tpu.memory_space<hbm>>
        %dma_wait3A_228 = arith.constant 0 : i32
        %dma_wait3A_229 = arith.constant 0 : i32
        %dma_wait3A_230 = tpu.memref_slice %arg7[%add3A, %dma_wait3A_228, %dma_wait3A_229] : memref<16x304x128xf32, #tpu.memory_space<hbm>> -> memref<1x152x128xf32, #tpu.memory_space<hbm>>
        %dma_wait3A_231 = tpu.memref_squeeze %dma_wait3A_230 : memref<1x152x128xf32, #tpu.memory_space<hbm>> -> memref<152x128xf32, #tpu.memory_space<hbm>>
        tpu.wait_dma2 semaphore(%run_scoped3A : memref<!tpu.dma_semaphore, #tpu.memory_space<semaphore_mem>>) src(%arg19 : memref<152x128xf32, #tpu.memory_space<vmem>>) dst(%dma_wait3A_231 : memref<152x128xf32, #tpu.memory_space<hbm>>)
        tpu.yield
      }) : () -> ()
      %scan3A_192 = arith.constant 0 : i32
      %scan3A_193 = arith.constant 0 : i32
      %scan3A_194 = arith.constant 10 : i32
      %scan3A_195 = arith.addi %scan3A_193, %scan3A_194 : i32
      %scan3A_196 = arith.constant 1 : i32
      %scan3A_197 = scf.for %scan3A_216 = %scan3A_193 to %scan3A_195 step %scan3A_196 iter_args(%scan3A_217 = %scan3A_192) -> (i32)  : i32 {
        %mul3A_218 = arith.constant 16 : i32
        %mul3A_219 = arith.muli %scan3A_216, %mul3A_218 : i32
        %add3A_220 = vector.broadcast %mul3A_219 : i32 to vector<16xi32>
        %add3A_221 = arith.addi %add3A_220, %iota3A : vector<16xi32>
        %min3A = arith.constant 151 : i32
        %min3A_222 = vector.broadcast %min3A : i32 to vector<16xi32>
        %min3A_223 = arith.minsi %add3A_221, %min3A_222 : vector<16xi32>
        %lt3A_224 = arith.constant 152 : i32
        %lt3A_225 = vector.broadcast %lt3A_224 : i32 to vector<16xi32>
        %lt3A_226 = arith.cmpi slt, %add3A_221, %lt3A_225 : vector<16xi32>
        %add3A_227 = arith.constant 0 : i32
        %add3A_228 = vector.broadcast %add3A_227 : i32 to vector<16xi32>
        %add3A_229 = arith.addi %add3A_228, %add3A_221 : vector<16xi32>
        %mul3A_230 = arith.constant 4 : i32
        %mul3A_231 = vector.broadcast %mul3A_230 : i32 to vector<16xi32>
        %mul3A_232 = arith.muli %add3A_229, %mul3A_231 : vector<16xi32>
        %broadcast_in_dim3A_233 = arith.constant 80 : i32
        %broadcast_in_dim3A_234 = vector.broadcast %broadcast_in_dim3A_233 : i32 to vector<16xi32>
        %gather3A = tpu.vector_load_idx %arg19[%min3A_223, %broadcast_in_dim3A_234] : memref<152x128xf32, #tpu.memory_space<vmem>>[vector<16xi32>, vector<16xi32>], vector<16xf32>,
        %add3A_235 = arith.constant 0 : i32
        %add3A_236 = vector.broadcast %add3A_235 : i32 to vector<16xi32>
        %add3A_237 = arith.addi %mul3A_232, %add3A_236 : vector<16xi32>
        tpu.vector_store_idx %arg17[%broadcast_in_dim3A_181, %add3A_237], %gather3A masked %lt3A_226 : memref<1x1216xf32, #tpu.memory_space<vmem>>[vector<16xi32>, vector<16xi32>], vector<16xf32>, vector<16xi1>
        %neg3A = arith.constant 0.000000e+00 : f32
        %neg3A_238 = vector.broadcast %neg3A : f32 to vector<16xf32>
        %neg3A_239 = arith.subf %neg3A_238, %gather3A : vector<16xf32>
        %exp3A = math.exp %neg3A_239 : vector<16xf32>
        %add3A_240 = arith.constant 1.000000e+00 : f32
        %add3A_241 = vector.broadcast %add3A_240 : f32 to vector<16xf32>
        %add3A_242 = arith.addf %add3A_241, %exp3A : vector<16xf32>
        %div3A = arith.constant 1.000000e+00 : f32
        %div3A_243 = vector.broadcast %div3A : f32 to vector<16xf32>
        %div3A_244 = arith.divf %div3A_243, %add3A_242 : vector<16xf32>
        %add3A_245 = arith.constant 0 : i32
        %add3A_246 = vector.broadcast %add3A_245 : i32 to vector<16xi32>
        %add3A_247 = arith.addi %mul3A_232, %add3A_246 : vector<16xi32>
        tpu.vector_store_idx %arg18[%broadcast_in_dim3A_181, %add3A_247], %div3A_244 masked %lt3A_226 : memref<1x1216xf32, #tpu.memory_space<vmem>>[vector<16xi32>, vector<16xi32>], vector<16xf32>, vector<16xi1>
        %broadcast_in_dim3A_248 = arith.constant 81 : i32
        %broadcast_in_dim3A_249 = vector.broadcast %broadcast_in_dim3A_248 : i32 to vector<16xi32>
        %gather3A_250 = tpu.vector_load_idx %arg19[%min3A_223, %broadcast_in_dim3A_249] : memref<152x128xf32, #tpu.memory_space<vmem>>[vector<16xi32>, vector<16xi32>], vector<16xf32>,
        %add3A_251 = arith.constant 1 : i32
        %add3A_252 = vector.broadcast %add3A_251 : i32 to vector<16xi32>
        %add3A_253 = arith.addi %mul3A_232, %add3A_252 : vector<16xi32>
        tpu.vector_store_idx %arg17[%broadcast_in_dim3A_181, %add3A_253], %gather3A_250 masked %lt3A_226 : memref<1x1216xf32, #tpu.memory_space<vmem>>[vector<16xi32>, vector<16xi32>], vector<16xf32>, vector<16xi1>
        %neg3A_254 = arith.constant 0.000000e+00 : f32
        %neg3A_255 = vector.broadcast %neg3A_254 : f32 to vector<16xf32>
        %neg3A_256 = arith.subf %neg3A_255, %gather3A_250 : vector<16xf32>
        %exp3A_257 = math.exp %neg3A_256 : vector<16xf32>
        %add3A_258 = arith.constant 1.000000e+00 : f32
        %add3A_259 = vector.broadcast %add3A_258 : f32 to vector<16xf32>
        %add3A_260 = arith.addf %add3A_259, %exp3A_257 : vector<16xf32>
        %div3A_261 = arith.constant 1.000000e+00 : f32
        %div3A_262 = vector.broadcast %div3A_261 : f32 to vector<16xf32>
        %div3A_263 = arith.divf %div3A_262, %add3A_260 : vector<16xf32>
        %add3A_264 = arith.constant 1 : i32
        %add3A_265 = vector.broadcast %add3A_264 : i32 to vector<16xi32>
        %add3A_266 = arith.addi %mul3A_232, %add3A_265 : vector<16xi32>
        tpu.vector_store_idx %arg18[%broadcast_in_dim3A_181, %add3A_266], %div3A_263 masked %lt3A_226 : memref<1x1216xf32, #tpu.memory_space<vmem>>[vector<16xi32>, vector<16xi32>], vector<16xf32>, vector<16xi1>
        %broadcast_in_dim3A_267 = arith.constant 82 : i32
        %broadcast_in_dim3A_268 = vector.broadcast %broadcast_in_dim3A_267 : i32 to vector<16xi32>
        %gather3A_269 = tpu.vector_load_idx %arg19[%min3A_223, %broadcast_in_dim3A_268] : memref<152x128xf32, #tpu.memory_space<vmem>>[vector<16xi32>, vector<16xi32>], vector<16xf32>,
        %add3A_270 = arith.constant 2 : i32
        %add3A_271 = vector.broadcast %add3A_270 : i32 to vector<16xi32>
        %add3A_272 = arith.addi %mul3A_232, %add3A_271 : vector<16xi32>
        tpu.vector_store_idx %arg17[%broadcast_in_dim3A_181, %add3A_272], %gather3A_269 masked %lt3A_226 : memref<1x1216xf32, #tpu.memory_space<vmem>>[vector<16xi32>, vector<16xi32>], vector<16xf32>, vector<16xi1>
        %neg3A_273 = arith.constant 0.000000e+00 : f32
        %neg3A_274 = vector.broadcast %neg3A_273 : f32 to vector<16xf32>
        %neg3A_275 = arith.subf %neg3A_274, %gather3A_269 : vector<16xf32>
        %exp3A_276 = math.exp %neg3A_275 : vector<16xf32>
        %add3A_277 = arith.constant 1.000000e+00 : f32
        %add3A_278 = vector.broadcast %add3A_277 : f32 to vector<16xf32>
        %add3A_279 = arith.addf %add3A_278, %exp3A_276 : vector<16xf32>
        %div3A_280 = arith.constant 1.000000e+00 : f32
        %div3A_281 = vector.broadcast %div3A_280 : f32 to vector<16xf32>
        %div3A_282 = arith.divf %div3A_281, %add3A_279 : vector<16xf32>
        %add3A_283 = arith.constant 2 : i32
        %add3A_284 = vector.broadcast %add3A_283 : i32 to vector<16xi32>
        %add3A_285 = arith.addi %mul3A_232, %add3A_284 : vector<16xi32>
        tpu.vector_store_idx %arg18[%broadcast_in_dim3A_181, %add3A_285], %div3A_282 masked %lt3A_226 : memref<1x1216xf32, #tpu.memory_space<vmem>>[vector<16xi32>, vector<16xi32>], vector<16xf32>, vector<16xi1>
        %broadcast_in_dim3A_286 = arith.constant 83 : i32
        %broadcast_in_dim3A_287 = vector.broadcast %broadcast_in_dim3A_286 : i32 to vector<16xi32>
        %gather3A_288 = tpu.vector_load_idx %arg19[%min3A_223, %broadcast_in_dim3A_287] : memref<152x128xf32, #tpu.memory_space<vmem>>[vector<16xi32>, vector<16xi32>], vector<16xf32>,
        %add3A_289 = arith.constant 3 : i32
        %add3A_290 = vector.broadcast %add3A_289 : i32 to vector<16xi32>
        %add3A_291 = arith.addi %mul3A_232, %add3A_290 : vector<16xi32>
        tpu.vector_store_idx %arg17[%broadcast_in_dim3A_181, %add3A_291], %gather3A_288 masked %lt3A_226 : memref<1x1216xf32, #tpu.memory_space<vmem>>[vector<16xi32>, vector<16xi32>], vector<16xf32>, vector<16xi1>
        %neg3A_292 = arith.constant 0.000000e+00 : f32
        %neg3A_293 = vector.broadcast %neg3A_292 : f32 to vector<16xf32>
        %neg3A_294 = arith.subf %neg3A_293, %gather3A_288 : vector<16xf32>
        %exp3A_295 = math.exp %neg3A_294 : vector<16xf32>
        %add3A_296 = arith.constant 1.000000e+00 : f32
        %add3A_297 = vector.broadcast %add3A_296 : f32 to vector<16xf32>
        %add3A_298 = arith.addf %add3A_297, %exp3A_295 : vector<16xf32>
        %div3A_299 = arith.constant 1.000000e+00 : f32
        %div3A_300 = vector.broadcast %div3A_299 : f32 to vector<16xf32>
        %div3A_301 = arith.divf %div3A_300, %add3A_298 : vector<16xf32>
        %add3A_302 = arith.constant 3 : i32
        %add3A_303 = vector.broadcast %add3A_302 : i32 to vector<16xi32>
        %add3A_304 = arith.addi %mul3A_232, %add3A_303 : vector<16xi32>
        tpu.vector_store_idx %arg18[%broadcast_in_dim3A_181, %add3A_304], %div3A_301 masked %lt3A_226 : memref<1x1216xf32, #tpu.memory_space<vmem>>[vector<16xi32>, vector<16xi32>], vector<16xf32>, vector<16xi1>
        %scan3A_305 = arith.constant 0 : i32
        scf.yield %scan3A_305 : i32
      }
      %scan3A_198 = arith.constant 10 : i32
      %dma_start3A_199 = arith.constant 152 : i32
      %dma_start3A_200 = tpu.memref_slice %arg16[%dma_start3A_199] : memref<304xi32, #tpu.memory_space<vmem>> -> memref<152xi32, #tpu.memory_space<vmem>>
      %dma_start3A_201 = arith.constant 0 : i32
      %dma_start3A_202 = arith.constant 0 : i32
      %dma_start3A_203 = tpu.memref_slice %arg3[%dma_start3A_201, %dma_start3A_202] : memref<134400x128xf32, #tpu.memory_space<hbm>> -> memref<134400x128xf32, #tpu.memory_space<hbm>>
      tpu.enqueue_indirect_dma source(%dma_start3A_203 : memref<134400x128xf32, #tpu.memory_space<hbm>>) target(%arg19 : memref<152x128xf32, #tpu.memory_space<vmem>>) offsets(%dma_start3A_200 : memref<152xi32, #tpu.memory_space<vmem>>) semaphore(%arg21 : memref<!tpu.dma_semaphore, #tpu.memory_space<semaphore_mem>>)
      %dma_wait3A_204 = arith.constant 152 : i32
      %dma_wait3A_205 = tpu.memref_slice %arg16[%dma_wait3A_204] : memref<304xi32, #tpu.memory_space<vmem>> -> memref<152xi32, #tpu.memory_space<vmem>>
      %dma_wait3A_206 = arith.constant 0 : i32
      %dma_wait3A_207 = arith.constant 0 : i32
      %dma_wait3A_208 = tpu.memref_slice %arg3[%dma_wait3A_206, %dma_wait3A_207] : memref<134400x128xf32, #tpu.memory_space<hbm>> -> memref<134400x128xf32, #tpu.memory_space<hbm>>
      tpu.wait_indirect_dma semaphore(%arg21 : memref<!tpu.dma_semaphore, #tpu.memory_space<semaphore_mem>>) src(%dma_wait3A_208 : memref<134400x128xf32, #tpu.memory_space<hbm>>) dst(%arg19 : memref<152x128xf32, #tpu.memory_space<vmem>>)
      "tpu.region"() ({
        %run_scoped3A = tpu.sem_alloc : memref<!tpu.dma_semaphore, #tpu.memory_space<semaphore_mem>>
        %dma_start3A_216 = arith.constant 152 : i32
        %dma_start3A_217 = arith.constant 0 : i32
        %dma_start3A_218 = tpu.memref_slice %arg7[%add3A, %dma_start3A_216, %dma_start3A_217] : memref<16x304x128xf32, #tpu.memory_space<hbm>> -> memref<1x152x128xf32, #tpu.memory_space<hbm>>
        %dma_start3A_219 = tpu.memref_squeeze %dma_start3A_218 : memref<1x152x128xf32, #tpu.memory_space<hbm>> -> memref<152x128xf32, #tpu.memory_space<hbm>>
        %dma_start3A_220 = arith.constant 152 : i32
        %dma_start3A_221 = arith.constant 0 : i32
        %dma_start3A_222 = tpu.memref_slice %arg7[%add3A, %dma_start3A_220, %dma_start3A_221] : memref<16x304x128xf32, #tpu.memory_space<hbm>> -> memref<1x152x128xf32, #tpu.memory_space<hbm>>
        %dma_start3A_223 = tpu.memref_squeeze %dma_start3A_222 : memref<1x152x128xf32, #tpu.memory_space<hbm>> -> memref<152x128xf32, #tpu.memory_space<hbm>>
        tpu.enqueue_dma source(%arg19 : memref<152x128xf32, #tpu.memory_space<vmem>>) target(%dma_start3A_223 : memref<152x128xf32, #tpu.memory_space<hbm>>) target_semaphore(%run_scoped3A : memref<!tpu.dma_semaphore, #tpu.memory_space<semaphore_mem>>)
        %dma_wait3A_224 = arith.constant 152 : i32
        %dma_wait3A_225 = arith.constant 0 : i32
        %dma_wait3A_226 = tpu.memref_slice %arg7[%add3A, %dma_wait3A_224, %dma_wait3A_225] : memref<16x304x128xf32, #tpu.memory_space<hbm>> -> memref<1x152x128xf32, #tpu.memory_space<hbm>>
        %dma_wait3A_227 = tpu.memref_squeeze %dma_wait3A_226 : memref<1x152x128xf32, #tpu.memory_space<hbm>> -> memref<152x128xf32, #tpu.memory_space<hbm>>
        %dma_wait3A_228 = arith.constant 152 : i32
        %dma_wait3A_229 = arith.constant 0 : i32
        %dma_wait3A_230 = tpu.memref_slice %arg7[%add3A, %dma_wait3A_228, %dma_wait3A_229] : memref<16x304x128xf32, #tpu.memory_space<hbm>> -> memref<1x152x128xf32, #tpu.memory_space<hbm>>
        %dma_wait3A_231 = tpu.memref_squeeze %dma_wait3A_230 : memref<1x152x128xf32, #tpu.memory_space<hbm>> -> memref<152x128xf32, #tpu.memory_space<hbm>>
        tpu.wait_dma2 semaphore(%run_scoped3A : memref<!tpu.dma_semaphore, #tpu.memory_space<semaphore_mem>>) src(%arg19 : memref<152x128xf32, #tpu.memory_space<vmem>>) dst(%dma_wait3A_231 : memref<152x128xf32, #tpu.memory_space<hbm>>)
        tpu.yield
      }) : () -> ()
      %scan3A_209 = arith.constant 0 : i32
      %scan3A_210 = arith.constant 0 : i32
      %scan3A_211 = arith.constant 10 : i32
      %scan3A_212 = arith.addi %scan3A_210, %scan3A_211 : i32
      %scan3A_213 = arith.constant 1 : i32
      %scan3A_214 = scf.for %scan3A_216 = %scan3A_210 to %scan3A_212 step %scan3A_213 iter_args(%scan3A_217 = %scan3A_209) -> (i32)  : i32 {
        %mul3A_218 = arith.constant 16 : i32
        %mul3A_219 = arith.muli %scan3A_216, %mul3A_218 : i32
        %add3A_220 = vector.broadcast %mul3A_219 : i32 to vector<16xi32>
        %add3A_221 = arith.addi %add3A_220, %iota3A : vector<16xi32>
        %min3A = arith.constant 151 : i32
        %min3A_222 = vector.broadcast %min3A : i32 to vector<16xi32>
        %min3A_223 = arith.minsi %add3A_221, %min3A_222 : vector<16xi32>
        %lt3A_224 = arith.constant 152 : i32
        %lt3A_225 = vector.broadcast %lt3A_224 : i32 to vector<16xi32>
        %lt3A_226 = arith.cmpi slt, %add3A_221, %lt3A_225 : vector<16xi32>
        %add3A_227 = arith.constant 152 : i32
        %add3A_228 = vector.broadcast %add3A_227 : i32 to vector<16xi32>
        %add3A_229 = arith.addi %add3A_228, %add3A_221 : vector<16xi32>
        %mul3A_230 = arith.constant 4 : i32
        %mul3A_231 = vector.broadcast %mul3A_230 : i32 to vector<16xi32>
        %mul3A_232 = arith.muli %add3A_229, %mul3A_231 : vector<16xi32>
        %broadcast_in_dim3A_233 = arith.constant 80 : i32
        %broadcast_in_dim3A_234 = vector.broadcast %broadcast_in_dim3A_233 : i32 to vector<16xi32>
        %gather3A = tpu.vector_load_idx %arg19[%min3A_223, %broadcast_in_dim3A_234] : memref<152x128xf32, #tpu.memory_space<vmem>>[vector<16xi32>, vector<16xi32>], vector<16xf32>,
        %add3A_235 = arith.constant 0 : i32
        %add3A_236 = vector.broadcast %add3A_235 : i32 to vector<16xi32>
        %add3A_237 = arith.addi %mul3A_232, %add3A_236 : vector<16xi32>
        tpu.vector_store_idx %arg17[%broadcast_in_dim3A_181, %add3A_237], %gather3A masked %lt3A_226 : memref<1x1216xf32, #tpu.memory_space<vmem>>[vector<16xi32>, vector<16xi32>], vector<16xf32>, vector<16xi1>
        %neg3A = arith.constant 0.000000e+00 : f32
        %neg3A_238 = vector.broadcast %neg3A : f32 to vector<16xf32>
        %neg3A_239 = arith.subf %neg3A_238, %gather3A : vector<16xf32>
        %exp3A = math.exp %neg3A_239 : vector<16xf32>
        %add3A_240 = arith.constant 1.000000e+00 : f32
        %add3A_241 = vector.broadcast %add3A_240 : f32 to vector<16xf32>
        %add3A_242 = arith.addf %add3A_241, %exp3A : vector<16xf32>
        %div3A = arith.constant 1.000000e+00 : f32
        %div3A_243 = vector.broadcast %div3A : f32 to vector<16xf32>
        %div3A_244 = arith.divf %div3A_243, %add3A_242 : vector<16xf32>
        %add3A_245 = arith.constant 0 : i32
        %add3A_246 = vector.broadcast %add3A_245 : i32 to vector<16xi32>
        %add3A_247 = arith.addi %mul3A_232, %add3A_246 : vector<16xi32>
        tpu.vector_store_idx %arg18[%broadcast_in_dim3A_181, %add3A_247], %div3A_244 masked %lt3A_226 : memref<1x1216xf32, #tpu.memory_space<vmem>>[vector<16xi32>, vector<16xi32>], vector<16xf32>, vector<16xi1>
        %broadcast_in_dim3A_248 = arith.constant 81 : i32
        %broadcast_in_dim3A_249 = vector.broadcast %broadcast_in_dim3A_248 : i32 to vector<16xi32>
        %gather3A_250 = tpu.vector_load_idx %arg19[%min3A_223, %broadcast_in_dim3A_249] : memref<152x128xf32, #tpu.memory_space<vmem>>[vector<16xi32>, vector<16xi32>], vector<16xf32>,
        %add3A_251 = arith.constant 1 : i32
        %add3A_252 = vector.broadcast %add3A_251 : i32 to vector<16xi32>
        %add3A_253 = arith.addi %mul3A_232, %add3A_252 : vector<16xi32>
        tpu.vector_store_idx %arg17[%broadcast_in_dim3A_181, %add3A_253], %gather3A_250 masked %lt3A_226 : memref<1x1216xf32, #tpu.memory_space<vmem>>[vector<16xi32>, vector<16xi32>], vector<16xf32>, vector<16xi1>
        %neg3A_254 = arith.constant 0.000000e+00 : f32
        %neg3A_255 = vector.broadcast %neg3A_254 : f32 to vector<16xf32>
        %neg3A_256 = arith.subf %neg3A_255, %gather3A_250 : vector<16xf32>
        %exp3A_257 = math.exp %neg3A_256 : vector<16xf32>
        %add3A_258 = arith.constant 1.000000e+00 : f32
        %add3A_259 = vector.broadcast %add3A_258 : f32 to vector<16xf32>
        %add3A_260 = arith.addf %add3A_259, %exp3A_257 : vector<16xf32>
        %div3A_261 = arith.constant 1.000000e+00 : f32
        %div3A_262 = vector.broadcast %div3A_261 : f32 to vector<16xf32>
        %div3A_263 = arith.divf %div3A_262, %add3A_260 : vector<16xf32>
        %add3A_264 = arith.constant 1 : i32
        %add3A_265 = vector.broadcast %add3A_264 : i32 to vector<16xi32>
        %add3A_266 = arith.addi %mul3A_232, %add3A_265 : vector<16xi32>
        tpu.vector_store_idx %arg18[%broadcast_in_dim3A_181, %add3A_266], %div3A_263 masked %lt3A_226 : memref<1x1216xf32, #tpu.memory_space<vmem>>[vector<16xi32>, vector<16xi32>], vector<16xf32>, vector<16xi1>
        %broadcast_in_dim3A_267 = arith.constant 82 : i32
        %broadcast_in_dim3A_268 = vector.broadcast %broadcast_in_dim3A_267 : i32 to vector<16xi32>
        %gather3A_269 = tpu.vector_load_idx %arg19[%min3A_223, %broadcast_in_dim3A_268] : memref<152x128xf32, #tpu.memory_space<vmem>>[vector<16xi32>, vector<16xi32>], vector<16xf32>,
        %add3A_270 = arith.constant 2 : i32
        %add3A_271 = vector.broadcast %add3A_270 : i32 to vector<16xi32>
        %add3A_272 = arith.addi %mul3A_232, %add3A_271 : vector<16xi32>
        tpu.vector_store_idx %arg17[%broadcast_in_dim3A_181, %add3A_272], %gather3A_269 masked %lt3A_226 : memref<1x1216xf32, #tpu.memory_space<vmem>>[vector<16xi32>, vector<16xi32>], vector<16xf32>, vector<16xi1>
        %neg3A_273 = arith.constant 0.000000e+00 : f32
        %neg3A_274 = vector.broadcast %neg3A_273 : f32 to vector<16xf32>
        %neg3A_275 = arith.subf %neg3A_274, %gather3A_269 : vector<16xf32>
        %exp3A_276 = math.exp %neg3A_275 : vector<16xf32>
        %add3A_277 = arith.constant 1.000000e+00 : f32
        %add3A_278 = vector.broadcast %add3A_277 : f32 to vector<16xf32>
        %add3A_279 = arith.addf %add3A_278, %exp3A_276 : vector<16xf32>
        %div3A_280 = arith.constant 1.000000e+00 : f32
        %div3A_281 = vector.broadcast %div3A_280 : f32 to vector<16xf32>
        %div3A_282 = arith.divf %div3A_281, %add3A_279 : vector<16xf32>
        %add3A_283 = arith.constant 2 : i32
        %add3A_284 = vector.broadcast %add3A_283 : i32 to vector<16xi32>
        %add3A_285 = arith.addi %mul3A_232, %add3A_284 : vector<16xi32>
        tpu.vector_store_idx %arg18[%broadcast_in_dim3A_181, %add3A_285], %div3A_282 masked %lt3A_226 : memref<1x1216xf32, #tpu.memory_space<vmem>>[vector<16xi32>, vector<16xi32>], vector<16xf32>, vector<16xi1>
        %broadcast_in_dim3A_286 = arith.constant 83 : i32
        %broadcast_in_dim3A_287 = vector.broadcast %broadcast_in_dim3A_286 : i32 to vector<16xi32>
        %gather3A_288 = tpu.vector_load_idx %arg19[%min3A_223, %broadcast_in_dim3A_287] : memref<152x128xf32, #tpu.memory_space<vmem>>[vector<16xi32>, vector<16xi32>], vector<16xf32>,
        %add3A_289 = arith.constant 3 : i32
        %add3A_290 = vector.broadcast %add3A_289 : i32 to vector<16xi32>
        %add3A_291 = arith.addi %mul3A_232, %add3A_290 : vector<16xi32>
        tpu.vector_store_idx %arg17[%broadcast_in_dim3A_181, %add3A_291], %gather3A_288 masked %lt3A_226 : memref<1x1216xf32, #tpu.memory_space<vmem>>[vector<16xi32>, vector<16xi32>], vector<16xf32>, vector<16xi1>
        %neg3A_292 = arith.constant 0.000000e+00 : f32
        %neg3A_293 = vector.broadcast %neg3A_292 : f32 to vector<16xf32>
        %neg3A_294 = arith.subf %neg3A_293, %gather3A_288 : vector<16xf32>
        %exp3A_295 = math.exp %neg3A_294 : vector<16xf32>
        %add3A_296 = arith.constant 1.000000e+00 : f32
        %add3A_297 = vector.broadcast %add3A_296 : f32 to vector<16xf32>
        %add3A_298 = arith.addf %add3A_297, %exp3A_295 : vector<16xf32>
        %div3A_299 = arith.constant 1.000000e+00 : f32
        %div3A_300 = vector.broadcast %div3A_299 : f32 to vector<16xf32>
        %div3A_301 = arith.divf %div3A_300, %add3A_298 : vector<16xf32>
        %add3A_302 = arith.constant 3 : i32
        %add3A_303 = vector.broadcast %add3A_302 : i32 to vector<16xi32>
        %add3A_304 = arith.addi %mul3A_232, %add3A_303 : vector<16xi32>
        tpu.vector_store_idx %arg18[%broadcast_in_dim3A_181, %add3A_304], %div3A_301 masked %lt3A_226 : memref<1x1216xf32, #tpu.memory_space<vmem>>[vector<16xi32>, vector<16xi32>], vector<16xf32>, vector<16xi1>
        %scan3A_305 = arith.constant 0 : i32
        scf.yield %scan3A_305 : i32
      }
      %scan3A_215 = arith.constant 10 : i32
      "tpu.region"() ({
        %run_scoped3A = tpu.sem_alloc : memref<!tpu.dma_semaphore, #tpu.memory_space<semaphore_mem>>
        %dma_start3A_216 = arith.constant 0 : i32
        %dma_start3A_217 = arith.constant 0 : i32
        %dma_start3A_218 = tpu.memref_slice %arg5[%add3A, %dma_start3A_216, %dma_start3A_217] : memref<16x1x1216xf32, #tpu.memory_space<hbm>> -> memref<1x1x1216xf32, #tpu.memory_space<hbm>>
        %dma_start3A_219 = tpu.memref_squeeze %dma_start3A_218 : memref<1x1x1216xf32, #tpu.memory_space<hbm>> -> memref<1x1216xf32, #tpu.memory_space<hbm>>
        %dma_start3A_220 = arith.constant 0 : i32
        %dma_start3A_221 = arith.constant 0 : i32
        %dma_start3A_222 = tpu.memref_slice %arg5[%add3A, %dma_start3A_220, %dma_start3A_221] : memref<16x1x1216xf32, #tpu.memory_space<hbm>> -> memref<1x1x1216xf32, #tpu.memory_space<hbm>>
        %dma_start3A_223 = tpu.memref_squeeze %dma_start3A_222 : memref<1x1x1216xf32, #tpu.memory_space<hbm>> -> memref<1x1216xf32, #tpu.memory_space<hbm>>
        tpu.enqueue_dma source(%arg17 : memref<1x1216xf32, #tpu.memory_space<vmem>>) target(%dma_start3A_223 : memref<1x1216xf32, #tpu.memory_space<hbm>>) target_semaphore(%run_scoped3A : memref<!tpu.dma_semaphore, #tpu.memory_space<semaphore_mem>>)
        %dma_wait3A_224 = arith.constant 0 : i32
        %dma_wait3A_225 = arith.constant 0 : i32
        %dma_wait3A_226 = tpu.memref_slice %arg5[%add3A, %dma_wait3A_224, %dma_wait3A_225] : memref<16x1x1216xf32, #tpu.memory_space<hbm>> -> memref<1x1x1216xf32, #tpu.memory_space<hbm>>
        %dma_wait3A_227 = tpu.memref_squeeze %dma_wait3A_226 : memref<1x1x1216xf32, #tpu.memory_space<hbm>> -> memref<1x1216xf32, #tpu.memory_space<hbm>>
        %dma_wait3A_228 = arith.constant 0 : i32
        %dma_wait3A_229 = arith.constant 0 : i32
        %dma_wait3A_230 = tpu.memref_slice %arg5[%add3A, %dma_wait3A_228, %dma_wait3A_229] : memref<16x1x1216xf32, #tpu.memory_space<hbm>> -> memref<1x1x1216xf32, #tpu.memory_space<hbm>>
        %dma_wait3A_231 = tpu.memref_squeeze %dma_wait3A_230 : memref<1x1x1216xf32, #tpu.memory_space<hbm>> -> memref<1x1216xf32, #tpu.memory_space<hbm>>
        tpu.wait_dma2 semaphore(%run_scoped3A : memref<!tpu.dma_semaphore, #tpu.memory_space<semaphore_mem>>) src(%arg17 : memref<1x1216xf32, #tpu.memory_space<vmem>>) dst(%dma_wait3A_231 : memref<1x1216xf32, #tpu.memory_space<hbm>>)
        tpu.yield
      }) : () -> ()
      "tpu.region"() ({
        %run_scoped3A = tpu.sem_alloc : memref<!tpu.dma_semaphore, #tpu.memory_space<semaphore_mem>>
        %dma_start3A_216 = arith.constant 0 : i32
        %dma_start3A_217 = arith.constant 0 : i32
        %dma_start3A_218 = tpu.memref_slice %arg8[%add3A, %dma_start3A_216, %dma_start3A_217] : memref<16x1x1216xf32, #tpu.memory_space<hbm>> -> memref<1x1x1216xf32, #tpu.memory_space<hbm>>
        %dma_start3A_219 = tpu.memref_squeeze %dma_start3A_218 : memref<1x1x1216xf32, #tpu.memory_space<hbm>> -> memref<1x1216xf32, #tpu.memory_space<hbm>>
        %dma_start3A_220 = arith.constant 0 : i32
        %dma_start3A_221 = arith.constant 0 : i32
        %dma_start3A_222 = tpu.memref_slice %arg8[%add3A, %dma_start3A_220, %dma_start3A_221] : memref<16x1x1216xf32, #tpu.memory_space<hbm>> -> memref<1x1x1216xf32, #tpu.memory_space<hbm>>
        %dma_start3A_223 = tpu.memref_squeeze %dma_start3A_222 : memref<1x1x1216xf32, #tpu.memory_space<hbm>> -> memref<1x1216xf32, #tpu.memory_space<hbm>>
        tpu.enqueue_dma source(%arg18 : memref<1x1216xf32, #tpu.memory_space<vmem>>) target(%dma_start3A_223 : memref<1x1216xf32, #tpu.memory_space<hbm>>) target_semaphore(%run_scoped3A : memref<!tpu.dma_semaphore, #tpu.memory_space<semaphore_mem>>)
        %dma_wait3A_224 = arith.constant 0 : i32
        %dma_wait3A_225 = arith.constant 0 : i32
        %dma_wait3A_226 = tpu.memref_slice %arg8[%add3A, %dma_wait3A_224, %dma_wait3A_225] : memref<16x1x1216xf32, #tpu.memory_space<hbm>> -> memref<1x1x1216xf32, #tpu.memory_space<hbm>>
        %dma_wait3A_227 = tpu.memref_squeeze %dma_wait3A_226 : memref<1x1x1216xf32, #tpu.memory_space<hbm>> -> memref<1x1216xf32, #tpu.memory_space<hbm>>
        %dma_wait3A_228 = arith.constant 0 : i32
        %dma_wait3A_229 = arith.constant 0 : i32
        %dma_wait3A_230 = tpu.memref_slice %arg8[%add3A, %dma_wait3A_228, %dma_wait3A_229] : memref<16x1x1216xf32, #tpu.memory_space<hbm>> -> memref<1x1x1216xf32, #tpu.memory_space<hbm>>
        %dma_wait3A_231 = tpu.memref_squeeze %dma_wait3A_230 : memref<1x1x1216xf32, #tpu.memory_space<hbm>> -> memref<1x1216xf32, #tpu.memory_space<hbm>>
        tpu.wait_dma2 semaphore(%run_scoped3A : memref<!tpu.dma_semaphore, #tpu.memory_space<semaphore_mem>>) src(%arg18 : memref<1x1216xf32, #tpu.memory_space<vmem>>) dst(%dma_wait3A_231 : memref<1x1216xf32, #tpu.memory_space<hbm>>)
        tpu.yield
      }) : () -> ()
    } else {
    }
    return
  }
}

module attributes {stable_mosaic.version = 14 : i64} {
  func.func @body(%arg0: i32, %arg1: i32, %arg2: memref<1x8400x80xf32, #tpu.memory_space<vmem>>, %arg3: memref<1x8400x4xf32, #tpu.memory_space<vmem>>, %arg4: memref<1x1x1x8400xi32, #tpu.memory_space<vmem>>, %arg5: memref<1x8400x128xf32, #tpu.memory_space<vmem>>) attributes {dimension_semantics = [#tpu.dimension_semantics<arbitrary>, #tpu.dimension_semantics<arbitrary>], iteration_bounds = array<i64: 16, 1>, scalar_prefetch = 0 : i64, scratch_operands = 0 : i64, tpu.core_type = #tpu.core_type<tc>, window_params = [{transform_indices = @transform_0, window_bounds = array<i64: 1, 8400, 80>}, {transform_indices = @transform_1, window_bounds = array<i64: 1, 8400, 4>}, {transform_indices = @transform_2, window_bounds = array<i64: 1, 1, 1, 8400>}, {transform_indices = @transform_3, window_bounds = array<i64: 1, 8400, 128>}]} {
    %get3A = arith.constant 0 : index
    %get3A_0 = arith.constant 0 : index
    %get3A_1 = arith.constant 0 : index
    %get3A_2 = vector.load %arg2[%get3A, %get3A_0, %get3A_1] : memref<1x8400x80xf32, #tpu.memory_space<vmem>>, vector<1x8400x80xf32>
    %reduce_max3A = arith.constant dense<0xFF800000> : vector<1x8400xf32>
    %reduce_max3A_3 = vector.multi_reduction <maximumf>, %get3A_2, %reduce_max3A [2] : vector<1x8400x80xf32> to vector<1x8400xf32>
    %bitcast_convert_type3A = tpu.bitcast %reduce_max3A_3 : vector<1x8400xf32> -> vector<1x8400xi32>
    %shift_right_arithmetic3A = arith.constant 31 : i32
    %shift_right_arithmetic3A_4 = vector.broadcast %shift_right_arithmetic3A : i32 to vector<1x8400xi32>
    %shift_right_arithmetic3A_5 = arith.shrsi %bitcast_convert_type3A, %shift_right_arithmetic3A_4 : vector<1x8400xi32>
    %and3A = arith.constant 2147483647 : i32
    %and3A_6 = vector.broadcast %and3A : i32 to vector<1x8400xi32>
    %and3A_7 = arith.andi %shift_right_arithmetic3A_5, %and3A_6 : vector<1x8400xi32>
    %xor3A = arith.xori %bitcast_convert_type3A, %and3A_7 : vector<1x8400xi32>
    %reshape3A = vector.shape_cast %xor3A : vector<1x8400xi32> to vector<1x1x1x8400xi32>
    %swap3A = arith.constant 0 : index
    %swap3A_8 = arith.constant 0 : index
    %swap3A_9 = arith.constant 0 : index
    %swap3A_10 = arith.constant 0 : index
    %swap3A_11 = vector.load %arg4[%swap3A, %swap3A_8, %swap3A_9, %swap3A_10] : memref<1x1x1x8400xi32, #tpu.memory_space<vmem>>, vector<1x1x1x8400xi32>
    tpu.vector_store %arg4[%swap3A, %swap3A_8, %swap3A_9, %swap3A_10], %reshape3A {strides = array<i32>} : memref<1x1x1x8400xi32, #tpu.memory_space<vmem>>, vector<1x1x1x8400xi32>,
    %get3A_12 = arith.constant 0 : index
    %get3A_13 = arith.constant 0 : index
    %get3A_14 = arith.constant 0 : index
    %get3A_15 = vector.load %arg3[%get3A_12, %get3A_13, %get3A_14] : memref<1x8400x4xf32, #tpu.memory_space<vmem>>, vector<1x8400x4xf32>
    %broadcast_in_dim3A = arith.constant 0.000000e+00 : f32
    %broadcast_in_dim3A_16 = vector.broadcast %broadcast_in_dim3A : f32 to vector<1x8400x44xf32>
    %concatenate3A = tpu.concatenate %get3A_2, %get3A_15, %broadcast_in_dim3A_16 in 2 : vector<1x8400x80xf32>, vector<1x8400x4xf32>, vector<1x8400x44xf32> -> vector<1x8400x128xf32>
    %swap3A_17 = arith.constant 0 : index
    %swap3A_18 = arith.constant 0 : index
    %swap3A_19 = arith.constant 0 : index
    %swap3A_20 = vector.load %arg5[%swap3A_17, %swap3A_18, %swap3A_19] : memref<1x8400x128xf32, #tpu.memory_space<vmem>>, vector<1x8400x128xf32>
    tpu.vector_store %arg5[%swap3A_17, %swap3A_18, %swap3A_19], %concatenate3A {strides = array<i32>} : memref<1x8400x128xf32, #tpu.memory_space<vmem>>, vector<1x8400x128xf32>,
    return
  }
  func.func @transform_0(%arg0: i32, %arg1: i32) -> (i32, i32, i32) {
    %c0_i32 = arith.constant 0 : i32
    %c0_i32_0 = arith.constant 0 : i32
    return %arg0, %arg1, %c0_i32 : i32, i32, i32
  }
  func.func @transform_1(%arg0: i32, %arg1: i32) -> (i32, i32, i32) {
    %c0_i32 = arith.constant 0 : i32
    %c0_i32_0 = arith.constant 0 : i32
    return %arg0, %arg1, %c0_i32 : i32, i32, i32
  }
  func.func @transform_2(%arg0: i32, %arg1: i32) -> (i32, i32, i32, i32) {
    %c0_i32 = arith.constant 0 : i32
    %c0_i32_0 = arith.constant 0 : i32
    %c0_i32_1 = arith.constant 0 : i32
    return %arg0, %arg1, %c0_i32, %c0_i32_0 : i32, i32, i32, i32
  }
  func.func @transform_3(%arg0: i32, %arg1: i32) -> (i32, i32, i32) {
    %c0_i32 = arith.constant 0 : i32
    %c0_i32_0 = arith.constant 0 : i32
    return %arg0, %arg1, %c0_i32 : i32, i32, i32
  }
}

</mosaic_0001>

<sc_bundles>
// kernel: kernel.4.cloned.1.call-start
scs
__scs_entry_jumppad:
0x0: {  	(pc) =	sbr.rel $0x88, $3  }
0x1: {  	(tag) =	ssettag $0x0;
	lr =	simm.s32 $0x1  }
0x2: {  	[smem:$0x3F9E] =	sst lr;
	_ =	strace $0xD0000000  }
0x3: {  	_ = 	snop  }
0x4: {  	_ = 	snop  }
0x5: {  	_ = 	snop  }
0x6: {  	_ = 	snop  }
0x7: {  	_ = 	snop  }
__scs_overlays_trampoline_lowered:
0x8: {  	[smem:$0x3FAD] =	sst s0  }
0x9: {  	[smem:$0x3FAE] =	sst s1  }
0xa: {  	[smem:$0x3FAF] =	sst s2  }
0xb: {  	[smem:$0x3FB0] =	sst s3  }
0xc: {  	[smem:$0x3FB1] =	sst s4  }
0xd: {  	[smem:$0x3FB2] =	sst s5  }
0xe: {  	[smem:$0x3FB3] =	sst s6  }
0xf: {  	[smem:$0x3FB4] =	sst s7  }
0x10: {  	[smem:$0x3FB5] =	sst s8  }
0x11: {  	[smem:$0x3FB6] =	sst s9;
	s0 =	simm.s32 @!p0 $0x0  }
0x12: {  	s1 =	sld [smem:$0x3F9C];
	s0 =	simm.s32 @p0 $0x1  }
0x13: {  	[smem:$0x3FB7] =	sst s0;
	s0 =	simm.s32 @!p1 $0x0  }
0x14: {  	s2 =	sld [smem:$0x3F9B];
	s0 =	simm.s32 @p1 $0x1  }
0x15: {  	[smem:$0x3FB8] =	sst s0;
	s0 =	simm.s32 @!p2 $0x0  }
0x16: {  	s3 =	sld [smem:$0x3FDB];
	s0 =	simm.s32 @p2 $0x1  }
0x17: {  	s4 =	simm.s32 $0x1BF5;
	[smem:$0x3FBA] =	sst s0  }
0x18: {  	s0 =	sld [smem:$0x3F9D];
	_ =	swait.ge [sflag:s4], $0x0  }
0x19: {  	s7 =	sld [smem:$0x3F9E]  }
0x1a: {  	s8 =	sadd.s32 $0xFFFFE003, lr  }
0x1b: {  	s9 =	sadd.s32 $0xFFFFFEF7, lr;
	s5 =	simm.s32 $0xFFFFFFFF;
	p2 =	slt.u32 s8, $0xFFFFF086  }
0x1c: {  	p1 =	slt.u32 s9, $0xF7A;
	s5 =	simm.s32 @!p2 $0x0  }
0x1d: {  	s5 =	simm.s32 @p1 $0x1;
	p0 =	seq.s32 s7, s2  }
0x1e: {  	s7 =	smul.u32 @!p0 $0xF7A, s2;
	p2 =	seq.s32 @!p0 s5, $0x0  }
0x1f: {  	s9 =	smul.u32 $0xF7A, s1;
	s8 =	simm.s32 @!p0 $0x1BF5;
	p2 =	por !p2, p0  }
0x20: {  	[sflag:s8] =	ssyncset.s32 @!p0 $0xFFFFF086;
	s6 =	sadd.s32 @!p0 s3, s7;
	s7 =	simm.s32 @!p0 $0x108  }
0x21: {  	s3 =	sadd.s32 s3, s9;
	s6 =	sadd.s32 @!p0 $0x88, s6;
	s7 =	simm.s32 @p2 $0x1082  }
0x22: {  	[simem:s7], [sflag:s8] =	dma.local @!p0 [hbm:s6], $0xF7A  }
0x23: {  	s9 =	sor.u32 $0xD0000000, s2;
	s6 =	simm.s32 $0x108;
	_ =	swait.ge @!p0 [sflag:s8], $0x0  }
0x24: {  	s3 =	sadd.s32 $0x88, s3;
	s6 =	simm.s32 @!p1 $0x1082;
	[sflag:s4] =	ssyncset.s32 $0xFFFFF086  }
0x25: {  	[simem:s6], [sflag:s4] =	dma.local [hbm:s3], $0xF7A  }
0x26: {  	[smem:$0x3F9E] =	sst s1;
	(tag) =	ssettag s2;
	_ =	strace s9  }
0x27: {  	s1 =	sld [smem:$0x3FAE]  }
0x28: {  	s2 =	sld [smem:$0x3FAF]  }
0x29: {  	s4 =	sld [smem:$0x3FB1]  }
0x2a: {  	p0 =	seq.s32 s5, $0x0;
	s5 =	sld [smem:$0x3FB2]  }
0x2b: {  	s6 =	sld [smem:$0x3FB3]  }
0x2c: {  	s7 =	sld [smem:$0x3FB4]  }
0x2d: {  	s3 =	simm.s32 $0x108;
	s8 =	sld [smem:$0x3FB5]  }
0x2e: {  	s3 =	simm.s32 @!p0 $0x1082;
	s9 =	sld [smem:$0x3FB6]  }
0x2f: {  	lr =	sadd.s32 s0, s3;
	s0 =	sld [smem:$0x3FAD]  }
0x30: {  	s3 =	sld [smem:$0x3FB0]  }
0x31: {  	[smem:$0x3FB9] =	sst s10  }
0x32: {  	s10 =	sld [smem:$0x3FB7];
	_ =	sdelay $0x3  }
0x33: {  	p0 =	seq.s32 s10, $0x1;
	s10 =	sld [smem:$0x3FB9];
	_ =	sdelay $0x3  }
0x34: {  	[smem:$0x3FB9] =	sst s10  }
0x35: {  	s10 =	sld [smem:$0x3FB8];
	_ =	sdelay $0x3  }
0x36: {  	p1 =	seq.s32 s10, $0x1;
	s10 =	sld [smem:$0x3FB9];
	_ =	sdelay $0x3  }
0x37: {  	[smem:$0x3FB9] =	sst s10  }
0x38: {  	s10 =	sld [smem:$0x3FBA]  }
0x39: {  	_ = 	snop;
	(pc) =	sbr.ind lr, $3  }
0x3a: {  	_ = 	snop  }
0x3b: {  	_ = 	snop  }
0x3c: {  	p2 =	seq.s32 s10, $0x1;
	s10 =	sld [smem:$0x3FB9]  }
0x3d: {  	_ =	shalt  }
0x3e: {  	_ =	shalt  }
0x3f: {  	_ =	shalt  }
0x40: {  	_ =	shalt  }
0x41: {  	_ =	shalt  }
0x42: {  	_ =	shalt  }
0x43: {  	_ =	shalt  }
0x44: {  	_ =	shalt  }
0x45: {  	_ =	shalt  }
0x46: {  	_ =	shalt  }
0x47: {  	_ =	shalt  }
0x48: {  	_ =	shalt  }
0x49: {  	_ =	shalt  }
0x4a: {  	_ =	shalt  }
0x4b: {  	_ =	shalt  }
0x4c: {  	_ =	shalt  }
0x4d: {  	_ =	shalt  }
0x4e: {  	_ =	shalt  }
0x4f: {  	_ =	shalt  }
0x50: {  	_ =	shalt  }
0x51: {  	_ =	shalt  }
0x52: {  	_ =	shalt  }
0x53: {  	_ =	shalt  }
0x54: {  	_ =	shalt  }
0x55: {  	_ =	shalt  }
0x56: {  	_ =	shalt  }
0x57: {  	_ =	shalt  }
0x58: {  	_ =	shalt  }
0x59: {  	_ =	shalt  }
0x5a: {  	_ =	shalt  }
0x5b: {  	_ =	shalt  }
0x5c: {  	_ =	shalt  }
0x5d: {  	_ =	shalt  }
0x5e: {  	_ =	shalt  }
0x5f: {  	_ =	shalt  }
0x60: {  	_ =	shalt  }
0x61: {  	_ =	shalt  }
0x62: {  	_ =	shalt  }
0x63: {  	_ =	shalt  }
0x64: {  	_ =	shalt  }
0x65: {  	_ =	shalt  }
0x66: {  	_ =	shalt  }
0x67: {  	_ =	shalt  }
0x68: {  	_ =	shalt  }
0x69: {  	_ =	shalt  }
0x6a: {  	_ =	shalt  }
0x6b: {  	_ =	shalt  }
0x6c: {  	_ =	shalt  }
0x6d: {  	_ =	shalt  }
0x6e: {  	_ =	shalt  }
0x6f: {  	_ =	shalt  }
0x70: {  	_ =	shalt  }
0x71: {  	_ =	shalt  }
0x72: {  	_ =	shalt  }
0x73: {  	_ =	shalt  }
0x74: {  	_ =	shalt  }
0x75: {  	_ =	shalt  }
0x76: {  	_ =	shalt  }
0x77: {  	_ =	shalt  }
0x78: {  	_ =	shalt  }
0x79: {  	_ =	shalt  }
0x7a: {  	_ =	shalt  }
0x7b: {  	_ =	shalt  }
0x7c: {  	_ =	shalt  }
0x7d: {  	_ =	shalt  }
0x7e: {  	_ =	shalt  }
0x7f: {  	_ =	shalt  }
0x80: {  	_ =	shalt  }
0x81: {  	_ =	shalt  }
0x82: {  	_ =	shalt  }
0x83: {  	_ =	shalt  }
0x84: {  	_ =	shalt  }
0x85: {  	_ =	shalt  }
0x86: {  	_ =	shalt  }
0x87: {  	_ =	shalt  }
.Lfunc_end0:
.L_simem_size_0:
called_computation_lowered:
.L_overlay_start_0:
0x88: {  	s2 =	sld [smem:$0x3FD9]  }
0x89: {  	s3 =	sld [smem:$0x3FFE];
	_ =	sdelay $0x1  }
0x8a: {  	s1 =	srdreg.scid  }
0x8b: {  	s0 =	sand.u32 $0x1, s1  }
0x8c: {  	s14 =	sshll.u32 s0, $0xA;
	s2 =	sadd.s32 s3, s2  }
0x8d: {  	s2 =	sadd.s32 s2, s14  }
0x8e: {  	[smem:$0x3FC5] =	sst s2  }
0x8f: {  	_ = 	snop  }
0x90: {  	s2 =	sld [smem:$0x3FD0];
	_ =	sdelay $0x2  }
0x91: {  	s4 =	simm.s32 $0xA;
	s5 =	simm.s32 $0x10;
	s15 =	sld [smem:$0x3FC7]  }
0x92: {  	[smem:s5], [sflag:s4] =	dma.local [hbm:s2], $0x1  }
0x93: {  	_ =	swait.eq [sflag:s4], $0x1  }
0x94: {  	[sflag:s4] =	ssyncset.done $0x0  }
0x95: {  	s16 =	sld [smem:$0x12];
	[sflag:s4] =	ssyncadd.s32 $0xFFFFFFFF  }
0x96: {  	s17 =	sld [smem:$0x13];
	(tm) =	ssettm $0x1  }
0x97: {  	s18 =	sld [smem:$0x3FFB];
	_ =	sdelay $0x3  }
0x98: {  	_ =	strace s18  }
0x99: {  	s5 =	sld [smem:$0x3FFC];
	_ =	sdelay $0x3  }
0x9a: {  	_ =	strace s5  }
0x9b: {  	s5 =	sld [smem:$0x3FFD];
	_ =	sdelay $0x3  }
0x9c: {  	_ =	strace s5  }
0x9d: {  	_ =	strace $0x8FFFFFFF  }
0x9e: {  	s19 =	sld [smem:$0x3FDB];
	_ =	sdelay $0x1  }
0x9f: {  	s6 =	simm.s32 $_scs_section_size  }
0xa0: {  	s7 =	simm.s32 $_size__tile_overlayer_lowered;
	s8 =	simm.s32 $_tile_overlayer_lowered  }
0xa1: {  	s22 =	simm.s32 $0x1BFF;
	s21 =	sshll.u32 s8, $0x1;
	s5 =	sadd.s32 s6, s19  }
0xa2: {  	s9 =	simm.s32 $0x0;
	s20 =	sshll.u32 s7, $0x1;
	s7 =	sadd.s32 s21, s5  }
0xa3: {  	[timem:s9], [sflag:s22] =	dma.local [hbm:s7], s20  }
0xa4: {  	_ =	swait.ge [sflag:s22], s20  }
0xa5: {  	s6 =	ssub.s32 $0x0, s20;
	[sflag:s22] =	ssyncset.done $0x0  }
0xa6: {  	[sflag:s22] =	ssyncadd.s32 s6;
	_ =	sdelay $0x1  }
0xa7: {  	s23 =	simm.s32 $0x1B8B  }
0xa8: {  	_ =	swait.ge [sflag:s23], $0x1  }
0xa9: {  	[sflag:s23] =	ssyncset.done $0x0  }
0xaa: {  	s25 =	simm.s32 $0x1B8E;
	s24 =	sld [smem:$0x3FFE];
	[sflag:s23] =	ssyncadd.s32 $0xFFFFFFFF  }
0xab: {  	s26 =	simm.s32 $execute0_lowered;
	[smem:$0x3FD2] =	sst s25  }
0xac: {  	s7 =	sshll.u32 s26, $0x1;
	_ =	strace $0x80000046;
	[dreg:$0x1] =	wrdreg $0xFFFFFFFF  }
0xad: {  	s28 =	simm.s32 $_size_execute0_lowered;
	s5 =	sadd.s32 s5, s7;
	[dreg:$0x0] =	wrdreg $0x0  }
0xae: {  	s7 =	sshll.u32 s28, $0x1;
	[dreg:$0x2] =	wrdreg s5  }
0xaf: {  	[dreg:$0x3] =	wrdreg s7  }
0xb0: {  	[dreg:$0x4] =	wrdreg $0xC0  }
0xb1: {  	_ =	task [dreg:s9], $0x5FFFF  }
0xb2: {  	[dreg:$0x1] =	wrdreg $0xFFFFFFFF  }
0xb3: {  	[dreg:$0x0] =	wrdreg $0x60  }
0xb4: {  	[dreg:$0x2] =	wrdreg s16  }
0xb5: {  	[dreg:$0x3] =	wrdreg s24  }
0xb6: {  	[dreg:$0x4] =	wrdreg s15  }
0xb7: {  	[dreg:$0x5] =	wrdreg s17  }
0xb8: {  	[dreg:$0x6] =	wrdreg $0x9  }
0xb9: {  	_ =	task.clear_ibuf [dreg:s9], $0x7FFFF;
	_ =	strace $0x90000046  }
0xba: {  	s29 =	simm.s32 $0x9;
	_ =	strace $0x80000048  }
0xbb: {  	_ =	swait.ge [sflag:s29], $0x1  }
0xbc: {  	[sflag:s29] =	ssyncadd.s32 $0xFFFFFFFF  }
0xbd: {  	_ =	strace $0x90000048  }
0xbe: {  	_ =	sfence  }
0xbf: {  	s30 =	sld [smem:$0x0];
	_ =	sdelay $0x2  }
0xc0: {  	s31 =	sshll.u32 s1, $0xD;
	s1 =	sshrl.u32 s1, $0x2  }
0xc1: {  	s3 =	sand.u32 $0x4000, s31;
	s1 =	sadd.s32 s1, s30  }
0xc2: {  	s0 =	sor.u32 s3, s0;
	s1 =	sshll.u32 s1, $0x11  }
0xc3: {  	s0 =	sor.u32 s1, s0  }
0xc4: {  	s0 =	sadd.s32 $0x8F2B, s0  }
0xc5: {  	[sflag:s0] =	ssyncadd.remote.s32 $0x1  }
0xc6: {  	_ =	sfence.sel $0xFFFF  }
0xc7: {  	[dreg:$0x0] =	wrdreg $0xFFFFFFFF;
	(pc) =	sbr.abs _section_cstart, $3  }
0xc8: {  	[dreg:$0x1] =	wrdreg $0xFFFFFFFF  }
0xc9: {  	_ =	task.clear_ibuf [dreg:s9], $0x2FFFF;
	_ =	strace $0x9FFFFFFF  }
0xca: {  	(tm) =	ssettm $0x7FFFFFFF  }
0xcb: {  	_ =	shalt  }
tec
execute0_lowered:
.L_overlay_start_1:
0x0: {  	(tag) =	ssettag $0x1  }
0x1: {  	s3 =	stileid.u32  }
0x2: {  	p0 =	sgt.u32 s3, $0x7  }
.Ltmp0:
0x3: {  	_ = 	snop;
	(pc) =	sbr.rel @p0 .LBB2_41-.Ltmp0, $4  }
0x4: {  	s0 =	rddreg [dreg:$0x0]  }
0x5: {  	s2 =	rddreg [dreg:$0x1];
	s4 =	simm.s32 $0x0  }
0x6: {  	[smem:$0x7FF] =	sst s4  }
0x7: {  	s1 =	rddreg [dreg:$0x3];
	_ =	strace $0x80000047  }
0x8: {  	s3 =	srdreg.scid;
	s4 =	stileid.u32  }
0x9: {  	s3 =	sand.u32 $0x1, s3;
	s4 =	sshll.u32 s4, $0x1  }
0xa: {  	s4 =	sor.u32 s3, s4  }
0xb: {  	s10 =	sadd.s32 $0x41A800, s2;
	s5 =	smul.u32 $0x13000, s4  }
0xc: {  	s14 =	simm.s32 $0x2100;
	s15 =	simm.s32 $0x3100;
	s6 =	smul.u32 $0x9800, s4  }
0xd: {  	s16 =	simm.s32 $0x3280;
	s3 =	ssub.s32 $0x2, s3;
	s7 =	smul.u32 $0xA0, s4  }
0xe: {  	[dreg:$0x5] =	wrdreg s10;
	s8 =	smul.u32 $0x20D0, s4;
	s24 =	sshrl.u32 s3, $0x1  }
0xf: {  	s25 =	ssub.s32 s3, s24;
	s5 =	sshrl.u32 s5, $0x3;
	s6 =	sshrl.u32 s6, $0x3  }
0x10: {  	s21 =	sadd.s32 s7, s2;
	s1 =	sadd.s32 s1, s7;
	s26 =	sshrl.u32 s8, $0x3  }
0x11: {  	s31 =	smax.u32 s25, $0x1;
	s5 =	sadd.s32 s5, s2;
	[dreg:$0xa] =	wrdreg s1  }
0x12: {  	s6 =	sadd.s32 s6, s2;
	s2 =	sadd.s32 $0x26800, s21;
	[dreg:$0xd] =	wrdreg s31  }
0x13: {  	s17 =	simm.s32 $0x3400;
	s0 =	sadd.s32 s0, s26;
	[dreg:$0xb] =	wrdreg s2  }
0x14: {  	s18 =	simm.s32 $0x3580;
	s9 =	sadd.s32 $0x800, s5;
	[dreg:$0xc] =	wrdreg s0  }
0x15: {  	v0 =	vlaneseq.u32;
	v2 =	vimm.s32 $0x0;
	s28 =	simm.s32 $0x4400;
	s5 =	sadd.s32 $0x1B00, s5;
	[dreg:$0x6] =	wrdreg s9  }
0x16: {  	v4 =	vimm.s32 $0x1;
	s29 =	simm.s32 $0x3A00;
	v3 =	vmul.u32 $0x2, v0;
	v5 =	vmul.u32 $0xFFFFFFFF, v0;
	s22 =	sadd.s32 $0x27200, s6;
	[dreg:$0x7] =	wrdreg s5  }
0x17: {  	v7 =	vimm.s32 $0x80000000;
	v8 =	vimm.s32 $0xF;
	s30 =	simm.s32 $0x3F00;
	v6 =	vmul.u32 $0x100, v0;
	s23 =	sadd.s32 $0x27B80, s6;
	[dreg:$0x8] =	wrdreg s22  }
0x18: {  	v3 =	vor.u32 $0x1, v3;
	v5 =	vadd.s32 $0xF, v5;
	v1 =	vmov s8;
	s1 =	simm.s32 $0x0;
	[dreg:$0x9] =	wrdreg s23;
	s5 =	simm.s32 $0x2  }
.LBB2_2:
0x19: {  	[dreg:$0xe] =	wrdreg s1  }
0x1a: {  	s0 =	simm.s32 $0x0;
	s31 =	rddreg [dreg:$0xc]  }
0x1b: {  	[tilespmem:s0], [sflag:$0x2] =	stream.linear.gather [hbm4b:s31+s0], $0x20D0, $0x38;
	[tilespmem:$0x12800] =	vst v63  }
0x1c: {  	_ =	swait.ge [sflag:s5], $0x20D0  }
0x1d: {  	[sflag:s5] =	ssyncset.done $0x0  }
0x1e: {  	s1 =	simm.s32 $0x40;
	s2 =	simm.s32 $0x0;
	[sflag:s5] =	ssyncadd.s32 $0xFFFFDF30  }
.LBB2_3:
0x1f: {  	p0 =	sne.s32 s1, $0x3FC0;
	[tilespmem:s2+$0x2100] =	vst v2;
	s2 =	smov.u32 s1;
	s1 =	sadd.s32 $0x40, s1  }
.Ltmp1:
0x20: {  	(pc) =	sbr.rel @p0 .LBB2_3-.Ltmp1, $2  }
0x21: {  	_ =	sdelay $0x2  }
0x22: {  	s2 =	sshra.s32 s2, $0x2  }
0x23: {  	[tilespmem:s2+$0x2100] =	vst v2  }
.LBB2_5:
0x24: {  	s1 =	sshra.s32 s0, $0x2  }
0x25: {  	v9 =	vld [tilespmem:s1+$0x0];
	_ =	sdelay $0x4  }
0x26: {  	v10 =	vshrl.u32 v9, $0x1F  }
0x27: {  	v9 =	vshrl.u32 v9, $0x18;
	v10 =	vxor.u32 v3, v10  }
0x28: {  	v9 =	vand.u32 $0x7F, v9;
	v10 =	vshll.u32 v10, $0x7  }
0x29: {  	p0 =	sne.s32 s0, $0x8300;
	v9 =	vor.u32 v9, v10  }
.Ltmp2:
0x2a: {  	_ = 	snop;
	(pc) =	sbr.rel @p0 .LBB2_5-.Ltmp2, $2  }
0x2b: {  	_ =	sdelay $0x2  }
0x2c: {  	s0 =	sadd.s32 $0x40, s0;
	[tilespmem:v9+s14+$0x0] =	vst.idx.add.s32.msk $0xffff, v4  }
0x2d: {  	s0 =	simm.s32 $0x29F0  }
0x2e: {  	v9 =	vld [tilespmem:s0+$0xFFFFF800]  }
0x2f: {  	v10 =	vld [tilespmem:s0+$0xFFFFF900]  }
0x30: {  	v11 =	vld [tilespmem:s0+$0xFFFFFA00]  }
0x31: {  	v12 =	vld [tilespmem:s0+$0xFFFFFB00]  }
0x32: {  	v13 =	vld [tilespmem:s0+$0xFFFFFC00]  }
0x33: {  	v14 =	vld [tilespmem:s0+$0xFFFFFD00]  }
0x34: {  	v15 =	vld [tilespmem:s0+$0xFFFFFE00]  }
0x35: {  	s23 =	simm.s32 $0x29E0;
	v16 =	vld [tilespmem:s0+$0xFFFFFF00];
	v9 =	vadd.s32 v9, v10  }
0x36: {  	v18 =	vld [tilespmem:s23+$0xFFFFFF00];
	v9 =	vadd.s32 v11, v9  }
0x37: {  	v10 =	vld [tilespmem:s0+$0x0];
	v9 =	vadd.s32 v12, v9  }
0x38: {  	v11 =	vld [tilespmem:s0+$0x100];
	v9 =	vadd.s32 v13, v9  }
0x39: {  	v12 =	vld [tilespmem:s0+$0x200];
	v9 =	vadd.s32 v14, v9  }
0x3a: {  	v13 =	vld [tilespmem:s0+$0x300];
	v9 =	vadd.s32 v15, v9  }
0x3b: {  	v14 =	vld [tilespmem:s0+$0x400];
	v9 =	vadd.s32 v16, v9  }
0x3c: {  	v15 =	vld [tilespmem:s0+$0x500];
	v9 =	vadd.s32 v10, v9  }
0x3d: {  	v16 =	vld [tilespmem:s0+$0x600];
	v9 =	vadd.s32 v11, v9  }
0x3e: {  	v10 =	vld [tilespmem:s0+$0x700];
	v9 =	vadd.s32 v12, v9  }
0x3f: {  	v19 =	vld [tilespmem:s23+$0x0];
	v9 =	vadd.s32 v13, v9  }
0x40: {  	v20 =	vld [tilespmem:s23+$0x200];
	v9 =	vadd.s32 v14, v9  }
0x41: {  	v21 =	vld [tilespmem:s23+$0x300];
	v9 =	vadd.s32 v15, v9  }
0x42: {  	v22 =	vld [tilespmem:s23+$0x400];
	v9 =	vadd.s32 v16, v9  }
0x43: {  	v23 =	vld [tilespmem:s23+$0x700];
	v9 =	vadd.s32 v10, v9  }
0x44: {  	v11 =	vld [tilespmem:s23+$0xFFFFF800];
	v17 =	vperm.xlane v9, v5  }
0x45: {  	v12 =	vld [tilespmem:s23+$0xFFFFF900]  }
0x46: {  	v13 =	vld [tilespmem:s23+$0xFFFFFA00];
	(xrf0) =	vadd.scan.msk.s32 $0xffff, v17  }
0x47: {  	v14 =	vld [tilespmem:s23+$0xFFFFFB00]  }
0x48: {  	v15 =	vld [tilespmem:s23+$0xFFFFFC00]  }
0x49: {  	v16 =	vld [tilespmem:s23+$0xFFFFFD00]  }
0x4a: {  	s24 =	simm.s32 $0x29D0;
	v10 =	vld [tilespmem:s23+$0xFFFFFE00];
	v11 =	vadd.s32 v11, v12  }
0x4b: {  	v24 =	vld [tilespmem:s24+$0xFFFFFA00];
	v11 =	vadd.s32 v13, v11  }
0x4c: {  	v11 =	vadd.s32 v14, v11;
	v17 =	vld [tilespmem:s23+$0x100];
	v14, _, _ =	vpop (xrf0)  }
0x4d: {  	v11 =	vadd.s32 v15, v11;
	v15 =	vld [tilespmem:s24+$0xFFFFF800];
	v14 =	vperm.xlane v14, v5  }
0x4e: {  	v11 =	vadd.s32 v16, v11;
	v16 =	vld [tilespmem:s24+$0xFFFFF900]  }
0x4f: {  	s25 =	simm.s32 $0x29C0;
	v48 =	vld [tilespmem:s24+$0x100];
	v10 =	vadd.s32 v10, v11;
	v11 =	vxor.u32 $0x80000000, v14  }
0x50: {  	v50 =	vld [tilespmem:s25+$0xFFFFFF00];
	v10 =	vadd.s32 v18, v10;
	(xrf0) =	vmax.scan.msk.u32 $0xffff, v11  }
0x51: {  	v12 =	vld [tilespmem:s23+$0x500];
	v10 =	vadd.s32 v19, v10  }
0x52: {  	v51 =	vld [tilespmem:s25+$0x100];
	v10 =	vadd.s32 v17, v10  }
0x53: {  	v13 =	vld [tilespmem:s23+$0x600];
	v10 =	vadd.s32 v20, v10;
	v15 =	vadd.s32 v15, v16  }
0x54: {  	v10 =	vadd.s32 v21, v10;
	v11 =	vld [tilespmem:s24+$0xFFFFFB00]  }
0x55: {  	v18 =	vld [tilespmem:s24+$0xFFFFFC00];
	v10 =	vadd.s32 v22, v10  }
0x56: {  	v17 =	vld [tilespmem:s24+$0xFFFFFD00];
	v10 =	vadd.s32 v12, v10;
	v12 =	vadd.s32 v24, v15;
	v15, _, _ =	vpop (xrf0)  }
0x57: {  	v19 =	vld [tilespmem:s24+$0xFFFFFE00];
	(v2sf) =	vpush v15, $0xF  }
0x58: {  	v20 =	vld [tilespmem:s24+$0xFFFFFF00];
	v10 =	vadd.s32 v13, v10  }
0x59: {  	v16 =	vld [tilespmem:s24+$0x0];
	v10 =	vadd.s32 v23, v10;
	v11 =	vadd.s32 v11, v12  }
0x5a: {  	v52 =	vld [tilespmem:s25+$0x200];
	v11 =	vadd.s32 v18, v11;
	v15 =	vperm.xlane v10, v5  }
0x5b: {  	v12 =	vld [tilespmem:s24+$0x200];
	v11 =	vadd.s32 v17, v11  }
0x5c: {  	v13 =	vld [tilespmem:s24+$0x300];
	v11 =	vadd.s32 v19, v11;
	(xrf0) =	vadd.scan.msk.s32 $0xffff, v15  }
0x5d: {  	v17 =	vld [tilespmem:s24+$0x400];
	v11 =	vadd.s32 v20, v11  }
0x5e: {  	s1 =	simm.s32 $0x0;
	v9 =	vsub.s32 v14, v9;
	v18 =	vld [tilespmem:s24+$0x500];
	v11 =	vadd.s32 v16, v11  }
0x5f: {  	v9 =	vadd.s32 s1, v9;
	v15 =	vld [tilespmem:s24+$0x600];
	v11 =	vadd.s32 v48, v11  }
0x60: {  	vm0 =	vlt.s32 v9, $0x12C;
	v16 =	vld [tilespmem:s24+$0x700];
	v11 =	vadd.s32 v12, v11  }
0x61: {  	v25 =	vld [tilespmem:s25+$0x600];
	v20 =	vsel vm0, $0x1, v2;
	v11 =	vadd.s32 v13, v11  }
0x62: {  	v19 =	vld [tilespmem:s25+$0xFFFFF800];
	(xrf0) =	vadd.scan.msk.s32 $0xffff, v20;
	v11 =	vadd.s32 v17, v11;
	v17, _, _ =	vpop (xrf0)  }
0x63: {  	v12 =	vld [tilespmem:s25+$0xFFFFF900];
	v11 =	vadd.s32 v18, v11;
	v17 =	vperm.xlane v17, v5  }
0x64: {  	v13 =	vld [tilespmem:s25+$0xFFFFFA00];
	v11 =	vadd.s32 v15, v11  }
0x65: {  	v14 =	vld [tilespmem:s25+$0xFFFFFB00];
	v11 =	vadd.s32 v16, v11;
	v20 =	vxor.u32 $0x80000000, v17  }
0x66: {  	v18 =	vld [tilespmem:s25+$0xFFFFFC00];
	v49 =	vperm.xlane v11, v5;
	(xrf0) =	vmax.scan.msk.u32 $0xffff, v20;
	s2 =	spop (v2sf)  }
0x67: {  	v15 =	vld [tilespmem:s25+$0xFFFFFD00];
	s2 =	sadd.s32 $0x0, s2  }
0x68: {  	s26 =	simm.s32 $0x29B0;
	v53, _, _ =	vpop (xrf0);
	v16 =	vld [tilespmem:s25+$0xFFFFFE00];
	v12 =	vadd.s32 v19, v12;
	v10 =	vsub.s32 v17, v10;
	(xrf0) =	vadd.scan.msk.s32 $0xffff, v49;
	s3 =	sadd.s32 $0x80000000, s2  }
0x69: {  	v56 =	vld [tilespmem:s26+$0xFFFFFA00];
	v12 =	vadd.s32 v13, v12;
	(v2sf) =	vpush v53, $0xF;
	v19 =	vadd.s32 s3, v10  }
0x6a: {  	v57 =	vld [tilespmem:s26+$0xFFFFFC00];
	v12 =	vadd.s32 v14, v12;
	vm13 =	vlt.s32 v19, $0x12C  }
0x6b: {  	v20 =	vld [tilespmem:s25+$0x0];
	v12 =	vadd.s32 v18, v12;
	v14 =	vsel vm13, $0x1, v2  }
0x6c: {  	v17 =	vld [tilespmem:s25+$0x300];
	v12 =	vadd.s32 v15, v12;
	v54, _, _ =	vpop (xrf0);
	(xrf0) =	vadd.scan.msk.s32 $0xffff, v14  }
0x6d: {  	v12 =	vadd.s32 v16, v12;
	v16 =	vld [tilespmem:s26+$0xFFFFF900];
	(v2sf) =	vpush v54, $0xF  }
0x6e: {  	v10 =	vld [tilespmem:s25+$0x400];
	v18, _, _ =	vpop (xrf0)  }
0x6f: {  	v12 =	vadd.s32 v50, v12;
	v15 =	vperm.xlane v18, v5;
	v18 =	vld [tilespmem:s26+$0xFFFFF800]  }
0x70: {  	v13 =	vld [tilespmem:s25+$0x500];
	v12 =	vadd.s32 v20, v12  }
0x71: {  	v20 =	vld [tilespmem:s26+$0xFFFFFB00];
	v12 =	vadd.s32 v51, v12;
	v55 =	vxor.u32 $0x80000000, v15  }
0x72: {  	v12 =	vadd.s32 v52, v12;
	v14 =	vld [tilespmem:s25+$0x700];
	(xrf0) =	vmax.scan.msk.u32 $0xffff, v55;
	v58, _, _ =	vpop (xrf0)  }
0x73: {  	v59 =	vld [tilespmem:s26+$0xFFFFFD00];
	v12 =	vadd.s32 v17, v12;
	(v2sf) =	vpush v58, $0xF  }
0x74: {  	v17 =	vld [tilespmem:s26+$0xFFFFFE00];
	v10 =	vadd.s32 v10, v12;
	v12 =	vadd.s32 v18, v16  }
0x75: {  	v10 =	vadd.s32 v13, v10;
	v16 =	vld [tilespmem:s26+$0xFFFFFF00];
	v12 =	vadd.s32 v56, v12  }
0x76: {  	v13 =	vld [tilespmem:s26+$0x0];
	v10 =	vadd.s32 v25, v10;
	v12 =	vadd.s32 v20, v12  }
0x77: {  	v14 =	vadd.s32 v14, v10;
	v20 =	vld [tilespmem:s26+$0x100];
	v10 =	vadd.s32 v57, v12  }
0x78: {  	v60 =	vld [tilespmem:s26+$0x300];
	v18, _, _ =	vpop (xrf0);
	v10 =	vadd.s32 v59, v10;
	s4 =	spop (v2sf)  }
0x79: {  	s31 =	simm.s32 $0x29A0;
	v12 =	vld [tilespmem:s26+$0x200];
	(v2sf) =	vpush v18, $0xF;
	v18 =	vperm.xlane v14, v5;
	v10 =	vadd.s32 v17, v10;
	s0 =	ssub.s32 $0x10, s4  }
0x7a: {  	v61 =	vld [tilespmem:s31+$0xFFFFF900];
	v10 =	vadd.s32 v16, v10;
	p0 =	slt.s32 s0, $0xF  }
0x7b: {  	v17 =	vld [tilespmem:s26+$0x400];
	(xrf0) =	vadd.scan.msk.s32 $0xffff, v18;
	v10 =	vadd.s32 v13, v10;
	s0 =	simm.s32 @!p0 $0xF  }
0x7c: {  	v16 =	vld [tilespmem:s26+$0x500];
	v10 =	vadd.s32 v20, v10;
	s5 =	spop (v2sf);
	v20 =	vmov s0  }
0x7d: {  	v11 =	vsub.s32 v15, v11;
	v13 =	vld [tilespmem:s26+$0x600];
	s3 =	sadd.s32 s5, s3;
	v15 =	vadd.s32 $0x10, v20  }
0x7e: {  	v18 =	vld [tilespmem:s26+$0x700];
	v10 =	vadd.s32 v12, v10;
	s3 =	sadd.s32 $0x80000000, s3;
	v9 =	vperm.xlane v9, v15  }
0x7f: {  	v12 =	vld [tilespmem:s31+$0xFFFFF800];
	v20 =	vadd.s32 v60, v10;
	v10 =	vadd.s32 s3, v11  }
0x80: {  	v15 =	vld [tilespmem:s31+$0xFFFFFA00];
	v11 =	vadd.s32 v17, v20;
	vm14 =	vlt.s32 v10, $0x12C;
	v9 =	vxor.u32 $0x80000000, v9  }
0x81: {  	v17, _, _ =	vpop (xrf0);
	v11 =	vadd.s32 v16, v11;
	v16 =	vld [tilespmem:s31+$0xFFFFFB00];
	v20 =	vsel vm14, $0x1, v2;
	(xrf0) =	vmax.scan.msk.u32 $0xffff, v9  }
0x82: {  	v11 =	vadd.s32 v13, v11;
	v13 =	vld [tilespmem:s31+$0xFFFFFC00];
	(xrf0) =	vadd.scan.msk.s32 $0xffff, v20;
	s7 =	spop (v2sf)  }
0x83: {  	v17 =	vperm.xlane v17, v5;
	s8 =	ssub.s32 $0x10, s7  }
0x84: {  	v12 =	vadd.s32 v12, v61;
	p0 =	slt.s32 s8, $0xF  }
0x85: {  	v9 =	vld [tilespmem:s31+$0xFFFFFD00];
	v11 =	vadd.s32 v18, v11;
	v18 =	vxor.u32 $0x80000000, v17;
	v12 =	vadd.s32 v15, v12;
	s8 =	simm.s32 @!p0 $0xF  }
0x86: {  	v62 =	vld [tilespmem:s31+$0xFFFFFE00];
	(xrf0) =	vmax.scan.msk.u32 $0xffff, v18;
	v12 =	vadd.s32 v16, v12;
	v18 =	vmov s8  }
0x87: {  	v15 =	vld [tilespmem:s31+$0xFFFFFF00];
	v12 =	vadd.s32 v13, v12;
	v63, _, _ =	vpop (xrf0);
	v13 =	vadd.s32 $0x10, v18  }
0x88: {  	v14 =	vsub.s32 v17, v14;
	(v2sf) =	vpush v63, $0xF;
	v17 =	vperm.xlane v19, v13;
	v19, _, _ =	vpop (xrf0)  }
0x89: {  	s9 =	spop (v2sf);
	(v2sf) =	vpush v19, $0xF  }
0x8a: {  	v20 =	vperm.xlane v11, v5;
	v9 =	vadd.s32 v9, v12;
	s3 =	sadd.s32 s9, s3  }
0x8b: {  	p6 =	sgt.s32 s4, $0x0;
	s4 =	sadd.s32 $0x80000000, s3;
	v13 =	vadd.s32 v62, v9  }
0x8c: {  	(xrf0) =	vadd.scan.msk.s32 $0xffff, v20;
	v9 =	vadd.s32 s4, v14;
	v14 =	vadd.s32 v15, v13;
	v15, _, _ =	vpop (xrf0)  }
0x8d: {  	v16 =	vld [tilespmem:s31+$0x0];
	(v2sf) =	vpush v15, $0xF  }
0x8e: {  	v20 =	vld [tilespmem:s31+$0x100]  }
0x8f: {  	s6 =	simm.s32 $0xC0;
	s22 =	simm.s32 $0xA0;
	s21 =	simm.s32 $0x90;
	v18 =	vld [tilespmem:s31+$0x200];
	v17 =	vxor.u32 $0x80000000, v17  }
0x90: {  	s20 =	simm.s32 $0x80;
	s23 =	simm.s32 $0x70;
	s24 =	simm.s32 $0xB0;
	v12 =	vld [tilespmem:s31+$0x300];
	vm15 =	vlt.s32 v9, $0x12C  }
0x91: {  	s5 =	simm.s32 $0xD0;
	p2 =	sgt.s32 s7, $0x0;
	p0 =	por p6, p6;
	v13 =	vld [tilespmem:s31+$0x400];
	v19 =	vsel vm15, $0x1, v2;
	(xrf0) =	vmax.scan.msk.u32 $0xffff, v17  }
0x92: {  	s3 =	sadd.s32 $0xF0, s0;
	s0 =	simm.s32 $0x0;
	p1 =	por p0, p0;
	v16 =	vadd.s32 v16, v14;
	v14 =	vld [tilespmem:s31+$0x500];
	v17, _, _ =	vpop (xrf0);
	(xrf0) =	vadd.scan.msk.s32 $0xffff, v19  }
0x93: {  	s0 =	smov.u32 @p0 s3;
	p0 =	por p2, p2;
	s3 =	sadd.s32 $0xE0, s8;
	v20 =	vadd.s32 v20, v16;
	v16 =	vld [tilespmem:s31+$0x600];
	v15 =	vperm.xlane v17, v5  }
0x94: {  	s7 =	simm.s32 $0x60;
	s0 =	smov.u32 @p0 s3;
	s3 =	simm.s32 $0x2990;
	v18 =	vadd.s32 v18, v20;
	v17 =	vld [tilespmem:s31+$0x700]  }
.LBB2_7:
0x95: {  	p2 =	sne.s32 s7, $0x0;
	v19 =	vld [tilespmem:s3+$0xFFFFF800];
	v21 =	vadd.s32 v12, v18;
	v18 =	vsub.s32 v15, v11;
	v11 =	vxor.u32 $0x80000000, v15  }
0x96: {  	v15 =	vld [tilespmem:s3+$0xFFFFF900];
	v20 =	vadd.s32 v13, v21;
	(xrf0) =	vmax.scan.msk.u32 $0xffff, v11  }
0x97: {  	v13 =	vld [tilespmem:s3+$0xFFFFFA00];
	v11 =	vadd.s32 v14, v20;
	v12, _, _ =	vpop (xrf0);
	s2 =	spop (v2sf)  }
0x98: {  	v14 =	vld [tilespmem:s3+$0xFFFFFB00];
	v11 =	vadd.s32 v16, v11;
	v16, _, _ =	vpop (xrf0);
	s8 =	spop (v2sf);
	(v2sf) =	vpush v12, $0xF;
	s2 =	sxor.u32 $0x80000000, s2  }
0x99: {  	v12 =	vld [tilespmem:s3+$0xFFFFFC00];
	v11 =	vadd.s32 v17, v11;
	(v2sf) =	vpush v16, $0xF;
	p3 =	sgt.s32 s8, $0x0;
	s8 =	ssub.s32 $0x10, s8;
	s1 =	smov.u32 @p1 s2  }
0x9a: {  	p1 =	por p0, p0;
	v16 =	vld [tilespmem:s3+$0xFFFFFD00];
	v20 =	vperm.xlane v11, v5;
	p4 =	slt.s32 s8, $0xF;
	p0 =	por p3, p3  }
0x9b: {  	v15 =	vadd.s32 v19, v15;
	v19 =	vld [tilespmem:s3+$0xFFFFFE00];
	s8 =	simm.s32 @!p4 $0xF  }
0x9c: {  	v13 =	vadd.s32 v13, v15;
	v15 =	vld [tilespmem:s3+$0xFFFFFF00];
	(xrf0) =	vadd.scan.msk.s32 $0xffff, v20;
	v17, _, _ =	vpop (xrf0);
	s2 =	spop (v2sf);
	v20 =	vmov s8;
	s8 =	sadd.s32 s5, s8;
	s5 =	smov.u32 s6  }
0x9d: {  	s6 =	smov.u32 s24;
	v13 =	vadd.s32 v14, v13;
	v14 =	vld [tilespmem:s3+$0x0];
	(v2sf) =	vpush v17, $0xF;
	s2 =	sadd.s32 s2, s4;
	v17 =	vadd.s32 $0x10, v20;
	s0 =	smov.u32 @p0 s8  }
0x9e: {  	s24 =	smov.u32 s22;
	s22 =	smov.u32 s21;
	v12 =	vadd.s32 v12, v13;
	v20 =	vld [tilespmem:s3+$0x100];
	s4 =	sadd.s32 $0x80000000, s2;
	v13 =	vperm.xlane v10, v17;
	v10 =	vmov v9  }
0x9f: {  	s21 =	smov.u32 s20;
	s20 =	smov.u32 s23;
	s23 =	smov.u32 s7;
	v12 =	vadd.s32 v16, v12;
	v17 =	vld [tilespmem:s3+$0x200];
	v9 =	vadd.s32 s4, v18  }
.Ltmp3:
0xa0: {  	v16 =	vadd.s32 v19, v12;
	v12 =	vld [tilespmem:s3+$0x300];
	vm0 =	vlt.s32 v9, $0x12C;
	v19 =	vxor.u32 $0x80000000, v13;
	(pc) =	sbr.rel @p2 .LBB2_7-.Ltmp3, $4  }
0xa1: {  	v15 =	vadd.s32 v15, v16;
	v13 =	vld [tilespmem:s3+$0x400];
	v16 =	vsel vm0, $0x1, v2;
	(xrf0) =	vmax.scan.msk.u32 $0xffff, v19  }
0xa2: {  	v15 =	vadd.s32 v14, v15;
	v14 =	vld [tilespmem:s3+$0x500];
	v18, _, _ =	vpop (xrf0);
	(xrf0) =	vadd.scan.msk.s32 $0xffff, v16  }
0xa3: {  	v19 =	vadd.s32 v20, v15;
	v16 =	vld [tilespmem:s3+$0x600];
	v15 =	vperm.xlane v18, v5  }
0xa4: {  	s7 =	sadd.s32 $0xFFFFFFF0, s7;
	v18 =	vadd.s32 v17, v19;
	v17 =	vld [tilespmem:s3+$0x700];
	s3 =	sadd.s32 $0xFFFFFFF0, s3  }
0xa5: {  	v19 =	vld [tilespmem:s3+$0xFFFFF800];
	v12 =	vadd.s32 v12, v18  }
0xa6: {  	v28 =	vld [tilespmem:s3+$0xFFFFF900];
	v12 =	vadd.s32 v13, v12  }
0xa7: {  	v29 =	vld [tilespmem:s3+$0xFFFFFA00];
	v12 =	vadd.s32 v14, v12;
	s2 =	spop (v2sf)  }
0xa8: {  	v30 =	vld [tilespmem:s3+$0xFFFFFB00];
	v12 =	vadd.s32 v16, v12;
	s25 =	spop (v2sf)  }
0xa9: {  	v31 =	vld [tilespmem:s3+$0xFFFFFC00];
	[dreg:$0x15] =	wrdreg s25;
	v12 =	vadd.s32 v17, v12;
	s25 =	ssub.s32 $0x10, s25  }
0xaa: {  	v32 =	vxor.u32 $0x80000000, v15;
	v20 =	vld [tilespmem:s3+$0xFFFFFD00];
	v21 =	vperm.xlane v12, v5;
	p2 =	slt.s32 s25, $0xF  }
0xab: {  	v33 =	vld [tilespmem:s3+$0xFFFFFE00];
	(xrf0) =	vmax.scan.msk.u32 $0xffff, v32;
	s25 =	simm.s32 @!p2 $0xF  }
0xac: {  	v22 =	vld [tilespmem:s3+$0xFFFFFF00];
	(xrf0) =	vadd.scan.msk.s32 $0xffff, v21;
	s26 =	spop (v2sf);
	v34 =	vmov s25  }
0xad: {  	v23 =	vld [tilespmem:s3+$0x0];
	[dreg:$0x12] =	wrdreg s2;
	s2 =	sadd.s32 s26, s4;
	v21 =	vadd.s32 $0x10, v34  }
0xae: {  	v11 =	vsub.s32 v15, v11;
	v24 =	vld [tilespmem:s3+$0x100];
	v35, _, _ =	vpop (xrf0);
	s4 =	sadd.s32 $0x80000000, s2;
	v10 =	vperm.xlane v10, v21  }
0xaf: {  	v36 =	vld [tilespmem:s3+$0x200];
	(v2sf) =	vpush v35, $0xF;
	v11 =	vadd.s32 s4, v11  }
0xb0: {  	v38 =	vld [tilespmem:s3+$0x300];
	v37, _, _ =	vpop (xrf0);
	v18 =	vadd.s32 v19, v28;
	vm0 =	vlt.s32 v11, $0x12C;
	v10 =	vxor.u32 $0x80000000, v10  }
0xb1: {  	v41 =	vld [tilespmem:s3+$0x500];
	v13 =	vadd.s32 v29, v18;
	(v2sf) =	vpush v37, $0xF;
	v39, _, _ =	vpop (xrf0);
	(xrf0) =	vmax.scan.msk.u32 $0xffff, v10;
	v40 =	vsel vm0, $0x1, v2  }
0xb2: {  	v43 =	vld [tilespmem:s3+$0x600];
	v13 =	vadd.s32 v30, v13;
	(xrf0) =	vadd.scan.msk.s32 $0xffff, v40;
	v42, _, _ =	vpop (xrf0)  }
0xb3: {  	v44 =	vld [tilespmem:s3+$0x700];
	s31 =	sadd.s32 $0xFFFFFFF0, s3;
	v13 =	vadd.s32 v31, v13;
	v21 =	vperm.xlane v42, v5  }
0xb4: {  	v45 =	vld [tilespmem:s31+$0xFFFFF800];
	(v2sf) =	vpush v39, $0xF;
	v13 =	vadd.s32 v20, v13  }
0xb5: {  	v47 =	vld [tilespmem:s31+$0xFFFFF900];
	v13 =	vadd.s32 v33, v13;
	v46 =	vxor.u32 $0x80000000, v21  }
0xb6: {  	v13 =	vadd.s32 v22, v13;
	v10 =	vld [tilespmem:s3+$0x400];
	(xrf0) =	vmax.scan.msk.u32 $0xffff, v46  }
0xb7: {  	v48 =	vld [tilespmem:s31+$0xFFFFFA00];
	v13 =	vadd.s32 v23, v13;
	v49, _, _ =	vpop (xrf0)  }
0xb8: {  	v50 =	vld [tilespmem:s31+$0xFFFFFB00];
	v13 =	vadd.s32 v24, v13;
	(v2sf) =	vpush v49, $0xF;
	v51, _, _ =	vpop (xrf0)  }
0xb9: {  	v52 =	vld [tilespmem:s31+$0xFFFFFC00];
	v13 =	vadd.s32 v36, v13;
	(v2sf) =	vpush v51, $0xF  }
0xba: {  	v53 =	vld [tilespmem:s31+$0xFFFFFD00];
	v13 =	vadd.s32 v38, v13  }
0xbb: {  	v55 =	vld [tilespmem:s31+$0xFFFFFE00];
	v54 =	vadd.s32 v45, v47;
	v10 =	vadd.s32 v10, v13  }
0xbc: {  	v56 =	vld [tilespmem:s31+$0xFFFFFF00];
	v13 =	vadd.s32 v48, v54;
	v10 =	vadd.s32 v41, v10;
	v57, _, _ =	vpop (xrf0)  }
0xbd: {  	v58 =	vld [tilespmem:s31+$0x0];
	v13 =	vadd.s32 v50, v13;
	v10 =	vadd.s32 v43, v10;
	(v2sf) =	vpush v57, $0xF  }
0xbe: {  	v59 =	vld [tilespmem:s31+$0x100];
	v13 =	vadd.s32 v52, v13;
	v10 =	vadd.s32 v44, v10  }
0xbf: {  	v60 =	vld [tilespmem:s31+$0x200];
	s7 =	spop (v2sf);
	v13 =	vadd.s32 v53, v13;
	v18 =	vperm.xlane v10, v5  }
0xc0: {  	v61 =	vld [tilespmem:s31+$0x300];
	v13 =	vadd.s32 v55, v13;
	s8 =	spop (v2sf)  }
0xc1: {  	v62 =	vld [tilespmem:s31+$0x400];
	v13 =	vadd.s32 v56, v13;
	s12 =	ssub.s32 $0x10, s8;
	(xrf0) =	vadd.scan.msk.s32 $0xffff, v18  }
0xc2: {  	v63 =	vld [tilespmem:s31+$0x500];
	v13 =	vadd.s32 v58, v13;
	p2 =	slt.s32 s12, $0xF  }
0xc3: {  	v22 =	vld [tilespmem:s31+$0x600];
	s9 =	spop (v2sf);
	v13 =	vadd.s32 v59, v13;
	s12 =	simm.s32 @!p2 $0xF  }
0xc4: {  	v24 =	vld [tilespmem:s31+$0x700];
	s3 =	sadd.s32 s9, s4;
	v13 =	vadd.s32 v60, v13;
	v23 =	vmov s12  }
0xc5: {  	v12 =	vsub.s32 v21, v12;
	s3 =	sadd.s32 $0x80000000, s3;
	v13 =	vadd.s32 v61, v13;
	v18 =	vadd.s32 $0x10, v23  }
0xc6: {  	v12 =	vadd.s32 s3, v12;
	v13 =	vadd.s32 v62, v13;
	v9 =	vperm.xlane v9, v18  }
0xc7: {  	vm12 =	vlt.s32 v12, $0x12C;
	v13 =	vadd.s32 v63, v13;
	v25, _, _ =	vpop (xrf0);
	s10 =	spop (v2sf)  }
0xc8: {  	v13 =	vadd.s32 v22, v13;
	v9 =	vxor.u32 $0x80000000, v9;
	v14 =	vperm.xlane v25, v5;
	s11 =	spop (v2sf)  }
0xc9: {  	v26 =	vsel vm12, $0x1, v2;
	(xrf0) =	vmax.scan.msk.u32 $0xffff, v9;
	v9 =	vadd.s32 v24, v13;
	s26 =	ssub.s32 $0x10, s11  }
0xca: {  	(xrf0) =	vadd.scan.msk.s32 $0xffff, v26;
	v27 =	vxor.u32 $0x80000000, v14;
	v28 =	vperm.xlane v9, v5;
	p2 =	slt.s32 s26, $0xF  }
0xcb: {  	(xrf0) =	vmax.scan.msk.u32 $0xffff, v27;
	s26 =	simm.s32 @!p2 $0xF  }
0xcc: {  	(xrf0) =	vadd.scan.msk.s32 $0xffff, v28;
	s13 =	spop (v2sf);
	v29 =	vmov s26  }
0xcd: {  	s2 =	sadd.s32 $0xFFFFFFF0, s31;
	s3 =	sadd.s32 s13, s3;
	v13 =	vadd.s32 $0x10, v29  }
0xce: {  	v30 =	vld [tilespmem:s2+$0xFFFFF800];
	v10 =	vsub.s32 v14, v10;
	s3 =	sadd.s32 $0x80000000, s3;
	v11 =	vperm.xlane v11, v13  }
0xcf: {  	v31 =	vld [tilespmem:s2+$0xFFFFF900];
	v32, _, _ =	vpop (xrf0);
	v10 =	vadd.s32 s3, v10  }
0xd0: {  	v33 =	vld [tilespmem:s2+$0xFFFFFA00];
	v34, _, _ =	vpop (xrf0);
	vm13 =	vlt.s32 v10, $0x12C;
	v11 =	vxor.u32 $0x80000000, v11  }
0xd1: {  	v35 =	vld [tilespmem:s2+$0xFFFFFB00];
	v36, _, _ =	vpop (xrf0);
	v37 =	vsel vm13, $0x1, v2;
	(xrf0) =	vmax.scan.msk.u32 $0xffff, v11  }
0xd2: {  	v38, _, _ =	vpop (xrf0);
	v11 =	vld [tilespmem:s2+$0xFFFFFC00];
	(xrf0) =	vadd.scan.msk.s32 $0xffff, v37  }
0xd3: {  	v39 =	vld [tilespmem:s2+$0xFFFFFD00];
	v21 =	vperm.xlane v38, v5  }
0xd4: {  	v40 =	vld [tilespmem:s2+$0xFFFFFE00];
	v13 =	vadd.s32 v30, v31  }
0xd5: {  	v41 =	vld [tilespmem:s2+$0xFFFFFF00];
	(v2sf) =	vpush v32, $0xF;
	v13 =	vadd.s32 v33, v13;
	v42 =	vxor.u32 $0x80000000, v21  }
0xd6: {  	v43 =	vld [tilespmem:s2+$0x0];
	(v2sf) =	vpush v34, $0xF;
	v13 =	vadd.s32 v35, v13;
	(xrf0) =	vmax.scan.msk.u32 $0xffff, v42  }
0xd7: {  	v44 =	vld [tilespmem:s2+$0x100];
	(v2sf) =	vpush v36, $0xF;
	v11 =	vadd.s32 v11, v13;
	v45, _, _ =	vpop (xrf0)  }
0xd8: {  	v46 =	vld [tilespmem:s2+$0x200];
	v11 =	vadd.s32 v39, v11;
	v47, _, _ =	vpop (xrf0);
	(v2sf) =	vpush v45, $0xF  }
0xd9: {  	v48 =	vld [tilespmem:s2+$0x300];
	v11 =	vadd.s32 v40, v11;
	(v2sf) =	vpush v47, $0xF  }
0xda: {  	v49 =	vld [tilespmem:s2+$0x400];
	v11 =	vadd.s32 v41, v11  }
0xdb: {  	v50 =	vld [tilespmem:s2+$0x500];
	v11 =	vadd.s32 v43, v11  }
0xdc: {  	v51 =	vld [tilespmem:s2+$0x600];
	v52, _, _ =	vpop (xrf0);
	v11 =	vadd.s32 v44, v11  }
0xdd: {  	v53 =	vld [tilespmem:s2+$0x700];
	(v2sf) =	vpush v52, $0xF;
	v11 =	vadd.s32 v46, v11  }
0xde: {  	v11 =	vadd.s32 v48, v11  }
0xdf: {  	v11 =	vadd.s32 v49, v11  }
0xe0: {  	v11 =	vadd.s32 v50, v11  }
0xe1: {  	v11 =	vadd.s32 v51, v11  }
0xe2: {  	v11 =	vadd.s32 v53, v11  }
0xe3: {  	v54 =	vperm.xlane v11, v5  }
0xe4: {  	[dreg:$0x19] =	wrdreg s7;
	s19 =	spop (v2sf)  }
0xe5: {  	[smem:$0x7FB] =	sst s11;
	s11 =	spop (v2sf);
	(xrf0) =	vadd.scan.msk.s32 $0xffff, v54  }
0xe6: {  	[dreg:$0x1c] =	wrdreg s8;
	s8 =	ssub.s32 $0x10, s11;
	s7 =	spop (v2sf)  }
0xe7: {  	p2 =	slt.s32 s8, $0xF;
	s31 =	spop (v2sf)  }
0xe8: {  	s8 =	simm.s32 @!p2 $0xF;
	[smem:$0x7FD] =	sst s31;
	s31 =	spop (v2sf)  }
0xe9: {  	v55 =	vmov s8;
	s9 =	ssub.s32 $0x10, s31  }
0xea: {  	s3 =	sadd.s32 s7, s3;
	v13 =	vadd.s32 $0x10, v55;
	p2 =	slt.s32 s9, $0xF  }
0xeb: {  	v9 =	vsub.s32 v21, v9;
	s3 =	sadd.s32 $0x80000000, s3;
	v12 =	vperm.xlane v12, v13;
	v56, _, _ =	vpop (xrf0);
	s9 =	simm.s32 @!p2 $0xF  }
0xec: {  	v9 =	vadd.s32 s3, v9;
	s2 =	spop (v2sf);
	v13 =	vperm.xlane v56, v5;
	v57 =	vmov s9  }
0xed: {  	vm14 =	vlt.s32 v9, $0x12C;
	v12 =	vxor.u32 $0x80000000, v12;
	s3 =	sadd.s32 s2, s3;
	v14 =	vadd.s32 $0x10, v57  }
0xee: {  	v58 =	vsel vm14, $0x1, v2;
	(xrf0) =	vmax.scan.msk.u32 $0xffff, v12;
	s3 =	sadd.s32 $0x80000000, s3;
	v11 =	vsub.s32 v13, v11;
	v10 =	vperm.xlane v10, v14  }
0xef: {  	(xrf0) =	vadd.scan.msk.s32 $0xffff, v58;
	v59 =	vxor.u32 $0x80000000, v13;
	v11 =	vadd.s32 s3, v11  }
0xf0: {  	(xrf0) =	vmax.scan.msk.u32 $0xffff, v59;
	vm15 =	vlt.s32 v11, $0x12C;
	v10 =	vxor.u32 $0x80000000, v10  }
0xf1: {  	v60 =	vsel vm15, $0x1, v2;
	(xrf0) =	vmax.scan.msk.u32 $0xffff, v10  }
0xf2: {  	(xrf0) =	vadd.scan.msk.s32 $0xffff, v60;
	_ =	sdelay $0x1  }
0xf3: {  	v10, _, _ =	vpop (xrf0)  }
0xf4: {  	v61, _, _ =	vpop (xrf0);
	(v2sf) =	vpush v10, $0xF  }
0xf5: {  	(v2sf) =	vpush v61, $0xF;
	v10, _, _ =	vpop (xrf0)  }
0xf6: {  	(v2sf) =	vpush v10, $0xF;
	v10, _, _ =	vpop (xrf0)  }
0xf7: {  	v62, _, _ =	vpop (xrf0);
	(v2sf) =	vpush v10, $0xF  }
0xf8: {  	(v2sf) =	vpush v62, $0xF;
	_ =	sdelay $0xa  }
0xf9: {  	s13 =	spop (v2sf)  }
0xfa: {  	s7 =	spop (v2sf)  }
0xfb: {  	s4 =	spop (v2sf)  }
0xfc: {  	[smem:$0x7FC] =	sst s19;
	s19 =	spop (v2sf)  }
0xfd: {  	[dreg:$0x1f] =	wrdreg s10;
	s3 =	ssub.s32 $0x10, s7;
	s10 =	spop (v2sf)  }
0xfe: {  	p2 =	slt.s32 s3, $0xF;
	s4 =	ssub.s32 $0x10, s10  }
0xff: {  	s3 =	simm.s32 @!p2 $0xF;
	p2 =	slt.s32 s4, $0xF  }
0x100: {  	v10 =	vmov s3;
	s4 =	simm.s32 @!p2 $0xF  }
0x101: {  	v10 =	vadd.s32 $0x10, v10;
	v63 =	vmov s4  }
0x102: {  	v9 =	vperm.xlane v9, v10;
	v10 =	vadd.s32 $0x10, v63  }
0x103: {  	v10 =	vperm.xlane v11, v10  }
0x104: {  	v9 =	vxor.u32 $0x80000000, v9  }
0x105: {  	(xrf0) =	vmax.scan.msk.u32 $0xffff, v9;
	v9 =	vxor.u32 $0x80000000, v10  }
0x106: {  	(xrf0) =	vmax.scan.msk.u32 $0xffff, v9  }
0x107: {  	s2 =	rddreg [dreg:$0x15]  }
0x108: {  	p4 =	sgt.s32 s2, $0x0;
	s2 =	rddreg [dreg:$0x12]  }
0x109: {  	s2 =	sxor.u32 $0x80000000, s2  }
0x10a: {  	s1 =	smov.u32 @p1 s2;
	s2 =	sadd.s32 s5, s25;
	s5 =	rddreg [dreg:$0x1c]  }
0x10b: {  	p0 =	por p0, p0;
	p1 =	por p4, p4;
	s25 =	rddreg [dreg:$0x19];
	v9, _, _ =	vpop (xrf0)  }
0x10c: {  	s0 =	smov.u32 @p1 s2;
	s2 =	sadd.s32 s6, s12;
	s6 =	sld [smem:$0x7FB];
	(v2sf) =	vpush v9, $0xF;
	v9, _, _ =	vpop (xrf0)  }
0x10d: {  	p5 =	sgt.s32 s5, $0x0;
	s5 =	sxor.u32 $0x80000000, s25;
	s12 =	rddreg [dreg:$0x1f];
	(v2sf) =	vpush v9, $0xF  }
0x10e: {  	p1 =	por p1, p1;
	s25 =	sld [smem:$0x7FD];
	p2 =	por p5, p5  }
0x10f: {  	s1 =	smov.u32 @p0 s5;
	s0 =	smov.u32 @p2 s2;
	s2 =	sxor.u32 $0x80000000, s12  }
0x110: {  	s1 =	smov.u32 @p1 s2;
	s2 =	sadd.s32 s24, s26;
	s24 =	sld [smem:$0x7FC]  }
0x111: {  	p3 =	sgt.s32 s11, $0x0;
	p6 =	sgt.s32 s6, $0x0  }
0x112: {  	s5 =	sxor.u32 $0x80000000, s25;
	p0 =	por p6, p6;
	p1 =	por p2, p2  }
0x113: {  	s0 =	smov.u32 @p0 s2;
	p0 =	por p0, p0;
	s2 =	sxor.u32 $0x80000000, s24  }
0x114: {  	s1 =	smov.u32 @p1 s2;
	s2 =	sadd.s32 s22, s8;
	p1 =	por p3, p3  }
0x115: {  	p4 =	sgt.s32 s31, $0x0;
	s0 =	smov.u32 @p1 s2;
	s1 =	smov.u32 @p0 s5  }
0x116: {  	p0 =	por p1, p1;
	p1 =	por p4, p4;
	s2 =	sadd.s32 s21, s9  }
0x117: {  	p5 =	sgt.s32 s7, $0x0;
	s0 =	smov.u32 @p1 s2;
	s2 =	sxor.u32 $0x80000000, s13  }
0x118: {  	s1 =	smov.u32 @p0 s2;
	p0 =	por p5, p5;
	s2 =	sadd.s32 s20, s3  }
0x119: {  	p1 =	por p1, p1;
	s0 =	smov.u32 @p0 s2;
	s2 =	sxor.u32 $0x80000000, s19  }
0x11a: {  	p6 =	sgt.s32 s10, $0x0;
	p0 =	por p0, p0;
	s1 =	smov.u32 @p1 s2  }
0x11b: {  	p1 =	por p6, p6;
	s2 =	sadd.s32 s23, s4;
	s26 =	spop (v2sf)  }
0x11c: {  	s0 =	smov.u32 @p1 s2;
	s2 =	sxor.u32 $0x80000000, s26;
	s31 =	spop (v2sf)  }
0x11d: {  	s1 =	smov.u32 @p0 s2;
	p0 =	por p1, p1;
	s2 =	sxor.u32 $0x80000000, s31  }
0x11e: {  	s3 =	simm.s32 $0x0;
	s1 =	smov.u32 @p0 s2;
	s2 =	simm.s32 $0x40  }
.LBB2_9:
0x11f: {  	p0 =	sne.s32 s2, $0x3FC0;
	[tilespmem:s3+$0x2100] =	vst v2;
	s3 =	smov.u32 s2;
	s2 =	sadd.s32 $0x40, s2  }
.Ltmp4:
0x120: {  	(pc) =	sbr.rel @p0 .LBB2_9-.Ltmp4, $2  }
0x121: {  	_ =	sdelay $0x2  }
0x122: {  	s3 =	sshra.s32 s3, $0x2  }
0x123: {  	s2 =	sand.u32 $0xFF, s0  }
0x124: {  	[tilespmem:s3+$0x2100] =	vst v2;
	s3 =	simm.s32 $0x0;
	v9 =	vmov s2;
	s2 =	simm.s32 $0x40  }
.LBB2_11:
0x125: {  	p0 =	seq.s32 s2, $0x8300;
	v10 =	vld [tilespmem:s3+$0x0];
	_ =	sdelay $0x4  }
0x126: {  	v11 =	vshrl.u32 v10, $0x18  }
0x127: {  	v10 =	vshrl.u32 v10, $0x10;
	v11 =	vxor.u32 v9, v11  }
0x128: {  	v10 =	vand.u32 $0xFF, v10;
	vm0 =	veq.s32 v11, $0x80  }
0x129: {  	v10 =	vor.u32 v6, v10  }
.Ltmp5:
0x12a: {  	(pc) =	sbr.rel @!p0 .LBB2_11-.Ltmp5, $2  }
0x12b: {  	_ =	sdelay $0x2  }
0x12c: {  	s3 =	sshra.s32 s2, $0x2;
	s2 =	sadd.s32 $0x40, s2;
	[tilespmem:v10+s14+$0x0] =	vst.idx.add.s32.msk vm0, v4  }
0x12d: {  	v10 =	vld [tilespmem:s3+$0x0];
	_ =	sdelay $0x4  }
0x12e: {  	v11 =	vshrl.u32 v10, $0x18  }
0x12f: {  	v10 =	vshrl.u32 v10, $0x10;
	v9 =	vxor.u32 v9, v11  }
0x130: {  	vm0 =	veq.s32 v9, $0x80;
	v9 =	vand.u32 $0xFF, v10  }
0x131: {  	v9 =	vor.u32 v6, v9;
	_ =	sdelay $0x4  }
0x132: {  	s21 =	simm.s32 $0x29F0;
	[tilespmem:v9+s14+$0x0] =	vst.idx.add.s32.msk vm0, v4  }
0x133: {  	v10 =	vld [tilespmem:s21+$0xFFFFF800]  }
0x134: {  	v11 =	vld [tilespmem:s21+$0xFFFFF900]  }
0x135: {  	v12 =	vld [tilespmem:s21+$0xFFFFFA00]  }
0x136: {  	v13 =	vld [tilespmem:s21+$0xFFFFFB00]  }
0x137: {  	v14 =	vld [tilespmem:s21+$0xFFFFFC00]  }
0x138: {  	v15 =	vld [tilespmem:s21+$0xFFFFFD00]  }
0x139: {  	v16 =	vld [tilespmem:s21+$0xFFFFFE00]  }
0x13a: {  	s22 =	simm.s32 $0x29E0;
	v17 =	vld [tilespmem:s21+$0xFFFFFF00];
	v10 =	vadd.s32 v10, v11  }
0x13b: {  	v19 =	vld [tilespmem:s22+$0xFFFFFF00];
	v10 =	vadd.s32 v12, v10  }
0x13c: {  	v11 =	vld [tilespmem:s21+$0x0];
	v10 =	vadd.s32 v13, v10  }
0x13d: {  	v12 =	vld [tilespmem:s21+$0x100];
	v10 =	vadd.s32 v14, v10  }
0x13e: {  	v13 =	vld [tilespmem:s21+$0x200];
	v10 =	vadd.s32 v15, v10  }
0x13f: {  	v14 =	vld [tilespmem:s21+$0x300];
	v10 =	vadd.s32 v16, v10  }
0x140: {  	v15 =	vld [tilespmem:s21+$0x400];
	v10 =	vadd.s32 v17, v10  }
0x141: {  	v16 =	vld [tilespmem:s21+$0x500];
	v10 =	vadd.s32 v11, v10  }
0x142: {  	v17 =	vld [tilespmem:s21+$0x600];
	v10 =	vadd.s32 v12, v10  }
0x143: {  	v11 =	vld [tilespmem:s21+$0x700];
	v10 =	vadd.s32 v13, v10  }
0x144: {  	v20 =	vld [tilespmem:s22+$0x0];
	v10 =	vadd.s32 v14, v10  }
0x145: {  	v21 =	vld [tilespmem:s22+$0x200];
	v10 =	vadd.s32 v15, v10  }
0x146: {  	v22 =	vld [tilespmem:s22+$0x300];
	v10 =	vadd.s32 v16, v10  }
0x147: {  	v23 =	vld [tilespmem:s22+$0x400];
	v10 =	vadd.s32 v17, v10  }
0x148: {  	v24 =	vld [tilespmem:s22+$0x700];
	v10 =	vadd.s32 v11, v10  }
0x149: {  	v12 =	vld [tilespmem:s22+$0xFFFFF800];
	v18 =	vperm.xlane v10, v5  }
0x14a: {  	v13 =	vld [tilespmem:s22+$0xFFFFF900]  }
0x14b: {  	v14 =	vld [tilespmem:s22+$0xFFFFFA00];
	(xrf0) =	vadd.scan.msk.s32 $0xffff, v18  }
0x14c: {  	v15 =	vld [tilespmem:s22+$0xFFFFFB00]  }
0x14d: {  	v16 =	vld [tilespmem:s22+$0xFFFFFC00]  }
0x14e: {  	v17 =	vld [tilespmem:s22+$0xFFFFFD00]  }
0x14f: {  	s23 =	simm.s32 $0x29D0;
	v11 =	vld [tilespmem:s22+$0xFFFFFE00];
	v12 =	vadd.s32 v12, v13  }
0x150: {  	v25 =	vld [tilespmem:s23+$0xFFFFFA00];
	v12 =	vadd.s32 v14, v12  }
0x151: {  	v12 =	vadd.s32 v15, v12;
	v18 =	vld [tilespmem:s22+$0x100];
	v15, _, _ =	vpop (xrf0)  }
0x152: {  	v12 =	vadd.s32 v16, v12;
	v16 =	vld [tilespmem:s23+$0xFFFFF800];
	v15 =	vperm.xlane v15, v5  }
0x153: {  	v12 =	vadd.s32 v17, v12;
	v17 =	vld [tilespmem:s23+$0xFFFFF900]  }
0x154: {  	v37 =	vld [tilespmem:s23+$0xFFFFFF00];
	v11 =	vadd.s32 v11, v12;
	v12 =	vxor.u32 $0x80000000, v15  }
0x155: {  	v38 =	vld [tilespmem:s23+$0x100];
	v11 =	vadd.s32 v19, v11;
	(xrf0) =	vmax.scan.msk.u32 $0xffff, v12  }
0x156: {  	s24 =	simm.s32 $0x29C0;
	v13 =	vld [tilespmem:s22+$0x500];
	v11 =	vadd.s32 v20, v11  }
0x157: {  	v42 =	vld [tilespmem:s24+$0xFFFFFF00];
	v11 =	vadd.s32 v18, v11  }
0x158: {  	v14 =	vld [tilespmem:s22+$0x600];
	v11 =	vadd.s32 v21, v11;
	v16 =	vadd.s32 v16, v17  }
0x159: {  	v11 =	vadd.s32 v22, v11;
	v12 =	vld [tilespmem:s23+$0xFFFFFB00]  }
0x15a: {  	v19 =	vld [tilespmem:s23+$0xFFFFFC00];
	v11 =	vadd.s32 v23, v11  }
0x15b: {  	v18 =	vld [tilespmem:s23+$0xFFFFFD00];
	v11 =	vadd.s32 v13, v11;
	v13 =	vadd.s32 v25, v16;
	v16, _, _ =	vpop (xrf0)  }
0x15c: {  	v20 =	vld [tilespmem:s23+$0xFFFFFE00];
	(v2sf) =	vpush v16, $0xF  }
0x15d: {  	v43 =	vld [tilespmem:s24+$0x0];
	v11 =	vadd.s32 v14, v11  }
0x15e: {  	v17 =	vld [tilespmem:s23+$0x0];
	v11 =	vadd.s32 v24, v11;
	v12 =	vadd.s32 v12, v13  }
0x15f: {  	v44 =	vld [tilespmem:s24+$0x100];
	v12 =	vadd.s32 v19, v12;
	v16 =	vperm.xlane v11, v5  }
0x160: {  	v13 =	vld [tilespmem:s23+$0x200];
	v12 =	vadd.s32 v18, v12  }
0x161: {  	v14 =	vld [tilespmem:s23+$0x300];
	v12 =	vadd.s32 v20, v12;
	(xrf0) =	vadd.scan.msk.s32 $0xffff, v16  }
0x162: {  	v18 =	vld [tilespmem:s23+$0x400];
	v12 =	vadd.s32 v37, v12  }
0x163: {  	s1 =	ssub.s32 $0x12C, s1;
	s20 =	simm.s32 $0x0;
	v10 =	vsub.s32 v15, v10;
	v19 =	vld [tilespmem:s23+$0x500];
	v12 =	vadd.s32 v17, v12  }
0x164: {  	v9 =	vmov s1;
	v10 =	vadd.s32 s20, v10;
	v16 =	vld [tilespmem:s23+$0x600];
	v12 =	vadd.s32 v38, v12  }
0x165: {  	vm12 =	vlt.s32 v10, v9;
	v17 =	vld [tilespmem:s23+$0x700];
	v12 =	vadd.s32 v13, v12  }
0x166: {  	v45 =	vld [tilespmem:s24+$0x200];
	v39 =	vsel vm12, $0x1, v2;
	v12 =	vadd.s32 v14, v12  }
0x167: {  	v26 =	vld [tilespmem:s24+$0x600];
	(xrf0) =	vadd.scan.msk.s32 $0xffff, v39;
	v12 =	vadd.s32 v18, v12;
	v18, _, _ =	vpop (xrf0)  }
0x168: {  	v20 =	vld [tilespmem:s24+$0xFFFFF800];
	v12 =	vadd.s32 v19, v12;
	v18 =	vperm.xlane v18, v5  }
0x169: {  	v13 =	vld [tilespmem:s24+$0xFFFFF900];
	v12 =	vadd.s32 v16, v12  }
0x16a: {  	v14 =	vld [tilespmem:s24+$0xFFFFFA00];
	v12 =	vadd.s32 v17, v12;
	v40 =	vxor.u32 $0x80000000, v18  }
0x16b: {  	v15 =	vld [tilespmem:s24+$0xFFFFFB00];
	v41 =	vperm.xlane v12, v5;
	(xrf0) =	vmax.scan.msk.u32 $0xffff, v40;
	s2 =	spop (v2sf)  }
0x16c: {  	v19 =	vld [tilespmem:s24+$0xFFFFFC00];
	s2 =	sadd.s32 $0x0, s2  }
0x16d: {  	v16 =	vld [tilespmem:s24+$0xFFFFFD00];
	v46, _, _ =	vpop (xrf0);
	v11 =	vsub.s32 v18, v11;
	(xrf0) =	vadd.scan.msk.s32 $0xffff, v41;
	s25 =	sadd.s32 $0x80000000, s2  }
0x16e: {  	s26 =	simm.s32 $0x29B0;
	v17 =	vld [tilespmem:s24+$0xFFFFFE00];
	v13 =	vadd.s32 v20, v13;
	(v2sf) =	vpush v46, $0xF;
	v20 =	vadd.s32 s25, v11  }
0x16f: {  	v49 =	vld [tilespmem:s26+$0xFFFFFA00];
	v13 =	vadd.s32 v14, v13;
	vm13 =	vlt.s32 v20, v9  }
0x170: {  	v50 =	vld [tilespmem:s26+$0xFFFFFB00];
	v13 =	vadd.s32 v15, v13;
	v15 =	vsel vm13, $0x1, v2  }
0x171: {  	v51 =	vld [tilespmem:s26+$0xFFFFFC00];
	v13 =	vadd.s32 v19, v13;
	v47, _, _ =	vpop (xrf0);
	(xrf0) =	vadd.scan.msk.s32 $0xffff, v15  }
0x172: {  	v18 =	vld [tilespmem:s24+$0x300];
	v13 =	vadd.s32 v16, v13;
	(v2sf) =	vpush v47, $0xF  }
0x173: {  	v13 =	vadd.s32 v17, v13;
	v17 =	vld [tilespmem:s26+$0xFFFFF900];
	v19, _, _ =	vpop (xrf0)  }
0x174: {  	v11 =	vld [tilespmem:s24+$0x400];
	v16 =	vperm.xlane v19, v5  }
0x175: {  	v13 =	vadd.s32 v42, v13;
	v19 =	vld [tilespmem:s26+$0xFFFFF800]  }
0x176: {  	v14 =	vld [tilespmem:s24+$0x500];
	v13 =	vadd.s32 v43, v13;
	v48 =	vxor.u32 $0x80000000, v16  }
0x177: {  	v53 =	vld [tilespmem:s26+$0xFFFFFD00];
	v13 =	vadd.s32 v44, v13;
	(xrf0) =	vmax.scan.msk.u32 $0xffff, v48;
	v52, _, _ =	vpop (xrf0)  }
0x178: {  	v13 =	vadd.s32 v45, v13;
	v15 =	vld [tilespmem:s24+$0x700];
	(v2sf) =	vpush v52, $0xF  }
0x179: {  	v54 =	vld [tilespmem:s26+$0x100];
	v13 =	vadd.s32 v18, v13  }
0x17a: {  	v18 =	vld [tilespmem:s26+$0xFFFFFE00];
	v11 =	vadd.s32 v11, v13;
	v13 =	vadd.s32 v19, v17  }
0x17b: {  	v11 =	vadd.s32 v14, v11;
	v17 =	vld [tilespmem:s26+$0xFFFFFF00];
	v13 =	vadd.s32 v49, v13  }
0x17c: {  	v14 =	vld [tilespmem:s26+$0x0];
	v11 =	vadd.s32 v26, v11;
	v13 =	vadd.s32 v50, v13  }
0x17d: {  	v55 =	vld [tilespmem:s26+$0x300];
	v15 =	vadd.s32 v15, v11;
	v11 =	vadd.s32 v51, v13;
	v19, _, _ =	vpop (xrf0);
	s4 =	spop (v2sf)  }
0x17e: {  	s31 =	simm.s32 $0x29A0;
	v13 =	vld [tilespmem:s26+$0x200];
	v11 =	vadd.s32 v53, v11;
	(v2sf) =	vpush v19, $0xF;
	v19 =	vperm.xlane v15, v5;
	s2 =	ssub.s32 $0x10, s4  }
0x17f: {  	v58 =	vld [tilespmem:s31+$0xFFFFF900];
	v11 =	vadd.s32 v18, v11;
	p0 =	slt.s32 s2, $0xF  }
0x180: {  	v18 =	vld [tilespmem:s26+$0x400];
	v11 =	vadd.s32 v17, v11;
	(xrf0) =	vadd.scan.msk.s32 $0xffff, v19;
	s2 =	simm.s32 @!p0 $0xF  }
0x181: {  	v17 =	vld [tilespmem:s26+$0x500];
	v11 =	vadd.s32 v14, v11;
	s5 =	spop (v2sf);
	v56 =	vmov s2  }
0x182: {  	v12 =	vsub.s32 v16, v12;
	v14 =	vld [tilespmem:s26+$0x600];
	v11 =	vadd.s32 v54, v11;
	s3 =	sadd.s32 s5, s25;
	v16 =	vadd.s32 $0x10, v56  }
0x183: {  	v19 =	vld [tilespmem:s26+$0x700];
	v11 =	vadd.s32 v13, v11;
	s3 =	sadd.s32 $0x80000000, s3;
	v10 =	vperm.xlane v10, v16  }
0x184: {  	v13 =	vld [tilespmem:s31+$0xFFFFF800];
	v57 =	vadd.s32 v55, v11;
	v11 =	vadd.s32 s3, v12  }
0x185: {  	v16 =	vld [tilespmem:s31+$0xFFFFFA00];
	v12 =	vadd.s32 v18, v57;
	vm14 =	vlt.s32 v11, v9;
	v10 =	vxor.u32 $0x80000000, v10  }
0x186: {  	v18, _, _ =	vpop (xrf0);
	v12 =	vadd.s32 v17, v12;
	v17 =	vld [tilespmem:s31+$0xFFFFFB00];
	v59 =	vsel vm14, $0x1, v2;
	(xrf0) =	vmax.scan.msk.u32 $0xffff, v10  }
0x187: {  	v12 =	vadd.s32 v14, v12;
	v14 =	vld [tilespmem:s31+$0xFFFFFC00];
	(xrf0) =	vadd.scan.msk.s32 $0xffff, v59;
	s8 =	spop (v2sf)  }
0x188: {  	v18 =	vperm.xlane v18, v5;
	s9 =	ssub.s32 $0x10, s8  }
0x189: {  	v13 =	vadd.s32 v13, v58;
	p0 =	slt.s32 s9, $0xF  }
0x18a: {  	v10 =	vld [tilespmem:s31+$0xFFFFFD00];
	v12 =	vadd.s32 v19, v12;
	v19 =	vxor.u32 $0x80000000, v18;
	v13 =	vadd.s32 v16, v13;
	s9 =	simm.s32 @!p0 $0xF  }
0x18b: {  	v61 =	vld [tilespmem:s31+$0xFFFFFE00];
	(xrf0) =	vmax.scan.msk.u32 $0xffff, v19;
	v13 =	vadd.s32 v17, v13;
	v19 =	vmov s9  }
0x18c: {  	v16 =	vld [tilespmem:s31+$0xFFFFFF00];
	v13 =	vadd.s32 v14, v13;
	v63, _, _ =	vpop (xrf0);
	v14 =	vadd.s32 $0x10, v19  }
0x18d: {  	v15 =	vsub.s32 v18, v15;
	(v2sf) =	vpush v63, $0xF;
	v18 =	vperm.xlane v20, v14;
	v20, _, _ =	vpop (xrf0)  }
0x18e: {  	s10 =	spop (v2sf);
	(v2sf) =	vpush v20, $0xF  }
0x18f: {  	v60 =	vperm.xlane v12, v5;
	v10 =	vadd.s32 v10, v13;
	s3 =	sadd.s32 s10, s3  }
0x190: {  	p6 =	sgt.s32 s4, $0x0;
	s4 =	sadd.s32 $0x80000000, s3;
	v14 =	vadd.s32 v61, v10  }
0x191: {  	(xrf0) =	vadd.scan.msk.s32 $0xffff, v60;
	v10 =	vadd.s32 s4, v15;
	v15 =	vadd.s32 v16, v14;
	v16, _, _ =	vpop (xrf0)  }
0x192: {  	v17 =	vld [tilespmem:s31+$0x0];
	(v2sf) =	vpush v16, $0xF  }
0x193: {  	s6 =	simm.s32 $0xD0;
	v62 =	vld [tilespmem:s31+$0x100]  }
0x194: {  	s7 =	simm.s32 $0xC0;
	[dreg:$0xf] =	wrdreg s1;
	s21 =	simm.s32 $0x0;
	v19 =	vld [tilespmem:s31+$0x200];
	v18 =	vxor.u32 $0x80000000, v18  }
0x195: {  	s22 =	simm.s32 $0x80;
	s23 =	simm.s32 $0x90;
	s24 =	simm.s32 $0xA0;
	v13 =	vld [tilespmem:s31+$0x300];
	vm15 =	vlt.s32 v10, v9  }
0x196: {  	s26 =	simm.s32 $0x70;
	s2 =	sadd.s32 $0xF0, s2;
	p0 =	por p6, p6;
	v14 =	vld [tilespmem:s31+$0x400];
	v20 =	vsel vm15, $0x1, v2;
	(xrf0) =	vmax.scan.msk.u32 $0xffff, v18  }
0x197: {  	s5 =	simm.s32 $0xB0;
	p2 =	sgt.s32 s8, $0x0;
	s21 =	smov.u32 @p0 s2;
	v17 =	vadd.s32 v17, v15;
	v15 =	vld [tilespmem:s31+$0x500];
	v18, _, _ =	vpop (xrf0);
	(xrf0) =	vadd.scan.msk.s32 $0xffff, v20  }
0x198: {  	p1 =	por p0, p0;
	p0 =	por p2, p2;
	s2 =	sadd.s32 $0xE0, s9;
	v21 =	vadd.s32 v62, v17;
	v17 =	vld [tilespmem:s31+$0x600];
	v16 =	vperm.xlane v18, v5  }
0x199: {  	s8 =	simm.s32 $0x60;
	s3 =	simm.s32 $0x2990;
	s21 =	smov.u32 @p0 s2;
	v19 =	vadd.s32 v19, v21;
	v18 =	vld [tilespmem:s31+$0x700]  }
.LBB2_13:
0x19a: {  	p2 =	sne.s32 s8, $0x0;
	v20 =	vld [tilespmem:s3+$0xFFFFF800];
	v22 =	vadd.s32 v13, v19;
	v19 =	vsub.s32 v16, v12;
	v12 =	vxor.u32 $0x80000000, v16  }
0x19b: {  	v16 =	vld [tilespmem:s3+$0xFFFFF900];
	v21 =	vadd.s32 v14, v22;
	(xrf0) =	vmax.scan.msk.u32 $0xffff, v12  }
0x19c: {  	v14 =	vld [tilespmem:s3+$0xFFFFFA00];
	v12 =	vadd.s32 v15, v21;
	v13, _, _ =	vpop (xrf0);
	s1 =	spop (v2sf)  }
0x19d: {  	v15 =	vld [tilespmem:s3+$0xFFFFFB00];
	v12 =	vadd.s32 v17, v12;
	v17, _, _ =	vpop (xrf0);
	s2 =	spop (v2sf);
	(v2sf) =	vpush v13, $0xF;
	s1 =	sxor.u32 $0x80000000, s1  }
0x19e: {  	v13 =	vld [tilespmem:s3+$0xFFFFFC00];
	v12 =	vadd.s32 v18, v12;
	(v2sf) =	vpush v17, $0xF;
	p3 =	sgt.s32 s2, $0x0;
	s2 =	ssub.s32 $0x10, s2;
	s20 =	smov.u32 @p1 s1  }
0x19f: {  	p1 =	por p0, p0;
	v17 =	vld [tilespmem:s3+$0xFFFFFD00];
	v21 =	vperm.xlane v12, v5;
	p4 =	slt.s32 s2, $0xF;
	p0 =	por p3, p3  }
0x1a0: {  	v16 =	vadd.s32 v20, v16;
	v20 =	vld [tilespmem:s3+$0xFFFFFE00];
	s2 =	simm.s32 @!p4 $0xF  }
0x1a1: {  	v14 =	vadd.s32 v14, v16;
	v16 =	vld [tilespmem:s3+$0xFFFFFF00];
	(xrf0) =	vadd.scan.msk.s32 $0xffff, v21;
	v18, _, _ =	vpop (xrf0);
	s1 =	spop (v2sf);
	v21 =	vmov s2;
	s2 =	sadd.s32 s6, s2;
	s6 =	smov.u32 s7  }
0x1a2: {  	s7 =	smov.u32 s5;
	v14 =	vadd.s32 v15, v14;
	v15 =	vld [tilespmem:s3+$0x0];
	(v2sf) =	vpush v18, $0xF;
	s1 =	sadd.s32 s1, s4;
	v18 =	vadd.s32 $0x10, v21;
	s21 =	smov.u32 @p0 s2  }
0x1a3: {  	s5 =	smov.u32 s24;
	s24 =	smov.u32 s23;
	v13 =	vadd.s32 v13, v14;
	v21 =	vld [tilespmem:s3+$0x100];
	s4 =	sadd.s32 $0x80000000, s1;
	v14 =	vperm.xlane v11, v18;
	v11 =	vmov v10  }
0x1a4: {  	s23 =	smov.u32 s22;
	s22 =	smov.u32 s26;
	s26 =	smov.u32 s8;
	v13 =	vadd.s32 v17, v13;
	v18 =	vld [tilespmem:s3+$0x200];
	v10 =	vadd.s32 s4, v19  }
.Ltmp6:
0x1a5: {  	v17 =	vadd.s32 v20, v13;
	v13 =	vld [tilespmem:s3+$0x300];
	vm0 =	vlt.s32 v10, v9;
	v20 =	vxor.u32 $0x80000000, v14;
	(pc) =	sbr.rel @p2 .LBB2_13-.Ltmp6, $4  }
0x1a6: {  	v16 =	vadd.s32 v16, v17;
	v14 =	vld [tilespmem:s3+$0x400];
	v17 =	vsel vm0, $0x1, v2;
	(xrf0) =	vmax.scan.msk.u32 $0xffff, v20  }
0x1a7: {  	v16 =	vadd.s32 v15, v16;
	v15 =	vld [tilespmem:s3+$0x500];
	v19, _, _ =	vpop (xrf0);
	(xrf0) =	vadd.scan.msk.s32 $0xffff, v17  }
0x1a8: {  	v20 =	vadd.s32 v21, v16;
	v17 =	vld [tilespmem:s3+$0x600];
	v16 =	vperm.xlane v19, v5  }
0x1a9: {  	s8 =	sadd.s32 $0xFFFFFFF0, s8;
	v19 =	vadd.s32 v18, v20;
	v18 =	vld [tilespmem:s3+$0x700];
	s3 =	sadd.s32 $0xFFFFFFF0, s3  }
0x1aa: {  	v20 =	vld [tilespmem:s3+$0xFFFFF800];
	v13 =	vadd.s32 v13, v19  }
0x1ab: {  	v29 =	vld [tilespmem:s3+$0xFFFFF900];
	v13 =	vadd.s32 v14, v13  }
0x1ac: {  	v30 =	vld [tilespmem:s3+$0xFFFFFA00];
	v13 =	vadd.s32 v15, v13;
	s1 =	spop (v2sf)  }
0x1ad: {  	v31 =	vld [tilespmem:s3+$0xFFFFFB00];
	v13 =	vadd.s32 v17, v13;
	s11 =	spop (v2sf)  }
0x1ae: {  	v32 =	vld [tilespmem:s3+$0xFFFFFC00];
	v13 =	vadd.s32 v18, v13;
	s2 =	ssub.s32 $0x10, s11  }
0x1af: {  	v33 =	vxor.u32 $0x80000000, v16;
	v21 =	vld [tilespmem:s3+$0xFFFFFD00];
	v22 =	vperm.xlane v13, v5;
	p2 =	slt.s32 s2, $0xF  }
0x1b0: {  	v34 =	vld [tilespmem:s3+$0xFFFFFE00];
	(xrf0) =	vmax.scan.msk.u32 $0xffff, v33;
	s2 =	simm.s32 @!p2 $0xF  }
0x1b1: {  	v23 =	vld [tilespmem:s3+$0xFFFFFF00];
	(xrf0) =	vadd.scan.msk.s32 $0xffff, v22;
	s12 =	spop (v2sf);
	v35 =	vmov s2  }
0x1b2: {  	v24 =	vld [tilespmem:s3+$0x0];
	[dreg:$0x13] =	wrdreg s1;
	s1 =	sadd.s32 s12, s4;
	v22 =	vadd.s32 $0x10, v35  }
0x1b3: {  	v12 =	vsub.s32 v16, v12;
	v25 =	vld [tilespmem:s3+$0x100];
	v36, _, _ =	vpop (xrf0);
	s13 =	sadd.s32 $0x80000000, s1;
	v11 =	vperm.xlane v11, v22  }
0x1b4: {  	v37 =	vld [tilespmem:s3+$0x200];
	(v2sf) =	vpush v36, $0xF;
	v12 =	vadd.s32 s13, v12  }
0x1b5: {  	v39 =	vld [tilespmem:s3+$0x300];
	v38, _, _ =	vpop (xrf0);
	v19 =	vadd.s32 v20, v29;
	vm0 =	vlt.s32 v12, v9;
	v11 =	vxor.u32 $0x80000000, v11  }
0x1b6: {  	v42 =	vld [tilespmem:s3+$0x500];
	v14 =	vadd.s32 v30, v19;
	(v2sf) =	vpush v38, $0xF;
	v40, _, _ =	vpop (xrf0);
	(xrf0) =	vmax.scan.msk.u32 $0xffff, v11;
	v41 =	vsel vm0, $0x1, v2  }
0x1b7: {  	v44 =	vld [tilespmem:s3+$0x600];
	v14 =	vadd.s32 v31, v14;
	(xrf0) =	vadd.scan.msk.s32 $0xffff, v41;
	v43, _, _ =	vpop (xrf0)  }
0x1b8: {  	v45 =	vld [tilespmem:s3+$0x700];
	s19 =	sadd.s32 $0xFFFFFFF0, s3;
	v14 =	vadd.s32 v32, v14;
	v22 =	vperm.xlane v43, v5  }
0x1b9: {  	v46 =	vld [tilespmem:s19+$0xFFFFF800];
	(v2sf) =	vpush v40, $0xF;
	v14 =	vadd.s32 v21, v14  }
0x1ba: {  	v48 =	vld [tilespmem:s19+$0xFFFFF900];
	v14 =	vadd.s32 v34, v14;
	v47 =	vxor.u32 $0x80000000, v22  }
0x1bb: {  	v14 =	vadd.s32 v23, v14;
	v11 =	vld [tilespmem:s3+$0x400];
	(xrf0) =	vmax.scan.msk.u32 $0xffff, v47  }
0x1bc: {  	v49 =	vld [tilespmem:s19+$0xFFFFFA00];
	v14 =	vadd.s32 v24, v14;
	v50, _, _ =	vpop (xrf0)  }
0x1bd: {  	v51 =	vld [tilespmem:s19+$0xFFFFFB00];
	v14 =	vadd.s32 v25, v14;
	(v2sf) =	vpush v50, $0xF;
	v52, _, _ =	vpop (xrf0)  }
0x1be: {  	v53 =	vld [tilespmem:s19+$0xFFFFFC00];
	v14 =	vadd.s32 v37, v14;
	(v2sf) =	vpush v52, $0xF  }
0x1bf: {  	v54 =	vld [tilespmem:s19+$0xFFFFFD00];
	v14 =	vadd.s32 v39, v14  }
0x1c0: {  	v56 =	vld [tilespmem:s19+$0xFFFFFE00];
	v55 =	vadd.s32 v46, v48;
	v11 =	vadd.s32 v11, v14  }
0x1c1: {  	v57 =	vld [tilespmem:s19+$0xFFFFFF00];
	v14 =	vadd.s32 v49, v55;
	v11 =	vadd.s32 v42, v11;
	v58, _, _ =	vpop (xrf0)  }
0x1c2: {  	v59 =	vld [tilespmem:s19+$0x0];
	v14 =	vadd.s32 v51, v14;
	v11 =	vadd.s32 v44, v11;
	(v2sf) =	vpush v58, $0xF  }
0x1c3: {  	v60 =	vld [tilespmem:s19+$0x100];
	v14 =	vadd.s32 v53, v14;
	v11 =	vadd.s32 v45, v11  }
0x1c4: {  	v61 =	vld [tilespmem:s19+$0x200];
	s31 =	spop (v2sf);
	v14 =	vadd.s32 v54, v14;
	v19 =	vperm.xlane v11, v5  }
0x1c5: {  	v62 =	vld [tilespmem:s19+$0x300];
	v14 =	vadd.s32 v56, v14;
	s4 =	spop (v2sf)  }
0x1c6: {  	v63 =	vld [tilespmem:s19+$0x400];
	v14 =	vadd.s32 v57, v14;
	s10 =	ssub.s32 $0x10, s4;
	(xrf0) =	vadd.scan.msk.s32 $0xffff, v19  }
0x1c7: {  	v24 =	vld [tilespmem:s19+$0x500];
	v14 =	vadd.s32 v59, v14;
	p2 =	slt.s32 s10, $0xF  }
0x1c8: {  	v25 =	vld [tilespmem:s19+$0x600];
	s8 =	spop (v2sf);
	v14 =	vadd.s32 v60, v14;
	s10 =	simm.s32 @!p2 $0xF  }
0x1c9: {  	v27 =	vld [tilespmem:s19+$0x700];
	[dreg:$0x18] =	wrdreg s2;
	s2 =	sadd.s32 s8, s13;
	v14 =	vadd.s32 v61, v14;
	v26 =	vmov s10  }
0x1ca: {  	v13 =	vsub.s32 v22, v13;
	s2 =	sadd.s32 $0x80000000, s2;
	v14 =	vadd.s32 v62, v14;
	v19 =	vadd.s32 $0x10, v26  }
0x1cb: {  	v13 =	vadd.s32 s2, v13;
	v14 =	vadd.s32 v63, v14;
	v10 =	vperm.xlane v10, v19  }
0x1cc: {  	vm12 =	vlt.s32 v13, v9;
	v14 =	vadd.s32 v24, v14;
	v28, _, _ =	vpop (xrf0);
	s9 =	spop (v2sf)  }
0x1cd: {  	[dreg:$0x16] =	wrdreg s11;
	v14 =	vadd.s32 v25, v14;
	v10 =	vxor.u32 $0x80000000, v10;
	v15 =	vperm.xlane v28, v5;
	s11 =	spop (v2sf)  }
0x1ce: {  	v29 =	vsel vm12, $0x1, v2;
	(xrf0) =	vmax.scan.msk.u32 $0xffff, v10;
	v10 =	vadd.s32 v27, v14;
	s25 =	ssub.s32 $0x10, s11  }
0x1cf: {  	(xrf0) =	vadd.scan.msk.s32 $0xffff, v29;
	v30 =	vxor.u32 $0x80000000, v15;
	v31 =	vperm.xlane v10, v5;
	p2 =	slt.s32 s25, $0xF  }
0x1d0: {  	(xrf0) =	vmax.scan.msk.u32 $0xffff, v30;
	s25 =	simm.s32 @!p2 $0xF  }
0x1d1: {  	(xrf0) =	vadd.scan.msk.s32 $0xffff, v31;
	s12 =	spop (v2sf);
	v32 =	vmov s25  }
0x1d2: {  	s1 =	sadd.s32 $0xFFFFFFF0, s19;
	s2 =	sadd.s32 s12, s2;
	v14 =	vadd.s32 $0x10, v32  }
0x1d3: {  	v33 =	vld [tilespmem:s1+$0xFFFFF800];
	v11 =	vsub.s32 v15, v11;
	s2 =	sadd.s32 $0x80000000, s2;
	v12 =	vperm.xlane v12, v14  }
0x1d4: {  	v34 =	vld [tilespmem:s1+$0xFFFFF900];
	v35, _, _ =	vpop (xrf0);
	v11 =	vadd.s32 s2, v11  }
0x1d5: {  	v36 =	vld [tilespmem:s1+$0xFFFFFA00];
	v37, _, _ =	vpop (xrf0);
	vm13 =	vlt.s32 v11, v9;
	v12 =	vxor.u32 $0x80000000, v12  }
0x1d6: {  	v38 =	vld [tilespmem:s1+$0xFFFFFB00];
	v39, _, _ =	vpop (xrf0);
	v40 =	vsel vm13, $0x1, v2;
	(xrf0) =	vmax.scan.msk.u32 $0xffff, v12  }
0x1d7: {  	v41 =	vld [tilespmem:s1+$0xFFFFFC00];
	v42, _, _ =	vpop (xrf0);
	(xrf0) =	vadd.scan.msk.s32 $0xffff, v40  }
0x1d8: {  	v43 =	vld [tilespmem:s1+$0xFFFFFD00];
	v22 =	vperm.xlane v42, v5  }
0x1d9: {  	v44 =	vld [tilespmem:s1+$0xFFFFFE00];
	v14 =	vadd.s32 v33, v34  }
0x1da: {  	v45 =	vld [tilespmem:s1+$0xFFFFFF00];
	(v2sf) =	vpush v35, $0xF;
	v14 =	vadd.s32 v36, v14;
	v46 =	vxor.u32 $0x80000000, v22  }
0x1db: {  	v47 =	vld [tilespmem:s1+$0x0];
	(v2sf) =	vpush v37, $0xF;
	v14 =	vadd.s32 v38, v14;
	(xrf0) =	vmax.scan.msk.u32 $0xffff, v46  }
0x1dc: {  	v48 =	vld [tilespmem:s1+$0x100];
	(v2sf) =	vpush v39, $0xF;
	v12 =	vadd.s32 v41, v14;
	v49, _, _ =	vpop (xrf0)  }
0x1dd: {  	v50 =	vld [tilespmem:s1+$0x200];
	v12 =	vadd.s32 v43, v12;
	v51, _, _ =	vpop (xrf0);
	(v2sf) =	vpush v49, $0xF  }
0x1de: {  	v52 =	vld [tilespmem:s1+$0x300];
	v12 =	vadd.s32 v44, v12;
	(v2sf) =	vpush v51, $0xF  }
0x1df: {  	v53 =	vld [tilespmem:s1+$0x400];
	v12 =	vadd.s32 v45, v12  }
0x1e0: {  	v54 =	vld [tilespmem:s1+$0x500];
	v12 =	vadd.s32 v47, v12  }
0x1e1: {  	v55 =	vld [tilespmem:s1+$0x600];
	v12 =	vadd.s32 v48, v12;
	v56, _, _ =	vpop (xrf0)  }
0x1e2: {  	v57 =	vld [tilespmem:s1+$0x700];
	v12 =	vadd.s32 v50, v12;
	(v2sf) =	vpush v56, $0xF  }
0x1e3: {  	v12 =	vadd.s32 v52, v12  }
0x1e4: {  	v12 =	vadd.s32 v53, v12  }
0x1e5: {  	v12 =	vadd.s32 v54, v12  }
0x1e6: {  	v12 =	vadd.s32 v55, v12  }
0x1e7: {  	v12 =	vadd.s32 v57, v12  }
0x1e8: {  	v58 =	vperm.xlane v12, v5  }
0x1e9: {  	s13 =	spop (v2sf)  }
0x1ea: {  	[smem:$0x7F7] =	sst s11;
	s11 =	spop (v2sf);
	(xrf0) =	vadd.scan.msk.s32 $0xffff, v58  }
0x1eb: {  	[dreg:$0x1d] =	wrdreg s4;
	s4 =	ssub.s32 $0x10, s11;
	s19 =	spop (v2sf)  }
0x1ec: {  	[dreg:$0x1a] =	wrdreg s31;
	p2 =	slt.s32 s4, $0xF;
	s31 =	spop (v2sf)  }
0x1ed: {  	[smem:$0x7F9] =	sst s13;
	s4 =	simm.s32 @!p2 $0xF;
	s13 =	spop (v2sf)  }
0x1ee: {  	v59 =	vmov s4;
	[smem:$0x7FA] =	sst s31;
	s31 =	ssub.s32 $0x10, s13  }
0x1ef: {  	s2 =	sadd.s32 s19, s2;
	v14 =	vadd.s32 $0x10, v59;
	p2 =	slt.s32 s31, $0xF  }
0x1f0: {  	v10 =	vsub.s32 v22, v10;
	s2 =	sadd.s32 $0x80000000, s2;
	v13 =	vperm.xlane v13, v14;
	v60, _, _ =	vpop (xrf0);
	s31 =	simm.s32 @!p2 $0xF  }
0x1f1: {  	v10 =	vadd.s32 s2, v10;
	v14 =	vperm.xlane v60, v5;
	s1 =	spop (v2sf);
	v61 =	vmov s31  }
0x1f2: {  	vm14 =	vlt.s32 v10, v9;
	v13 =	vxor.u32 $0x80000000, v13;
	s2 =	sadd.s32 s1, s2;
	v15 =	vadd.s32 $0x10, v61  }
0x1f3: {  	v62 =	vsel vm14, $0x1, v2;
	(xrf0) =	vmax.scan.msk.u32 $0xffff, v13;
	v12 =	vsub.s32 v14, v12;
	s2 =	sadd.s32 $0x80000000, s2;
	v11 =	vperm.xlane v11, v15  }
0x1f4: {  	(xrf0) =	vadd.scan.msk.s32 $0xffff, v62;
	v63 =	vxor.u32 $0x80000000, v14;
	v12 =	vadd.s32 s2, v12  }
0x1f5: {  	(xrf0) =	vmax.scan.msk.u32 $0xffff, v63;
	vm15 =	vlt.s32 v12, v9;
	v9 =	vxor.u32 $0x80000000, v11  }
0x1f6: {  	v11 =	vsel vm15, $0x1, v2;
	(xrf0) =	vmax.scan.msk.u32 $0xffff, v9  }
0x1f7: {  	(xrf0) =	vadd.scan.msk.s32 $0xffff, v11;
	_ =	sdelay $0x1  }
0x1f8: {  	v9, _, _ =	vpop (xrf0)  }
0x1f9: {  	v11, _, _ =	vpop (xrf0);
	(v2sf) =	vpush v9, $0xF  }
0x1fa: {  	(v2sf) =	vpush v11, $0xF;
	v9, _, _ =	vpop (xrf0)  }
0x1fb: {  	(v2sf) =	vpush v9, $0xF;
	v9, _, _ =	vpop (xrf0)  }
0x1fc: {  	v11, _, _ =	vpop (xrf0);
	(v2sf) =	vpush v9, $0xF  }
0x1fd: {  	(v2sf) =	vpush v11, $0xF;
	_ =	sdelay $0xa  }
0x1fe: {  	s12 =	spop (v2sf)  }
0x1ff: {  	s8 =	spop (v2sf)  }
0x200: {  	s3 =	spop (v2sf)  }
0x201: {  	s19 =	spop (v2sf)  }
0x202: {  	[smem:$0x7F8] =	sst s9;
	s2 =	ssub.s32 $0x10, s8;
	s9 =	spop (v2sf)  }
0x203: {  	p2 =	slt.s32 s2, $0xF;
	s3 =	ssub.s32 $0x10, s9  }
0x204: {  	s2 =	simm.s32 @!p2 $0xF;
	p2 =	slt.s32 s3, $0xF  }
0x205: {  	v9 =	vmov s2;
	s3 =	simm.s32 @!p2 $0xF  }
0x206: {  	v9 =	vadd.s32 $0x10, v9;
	v11 =	vmov s3  }
0x207: {  	v9 =	vperm.xlane v10, v9;
	v10 =	vadd.s32 $0x10, v11  }
0x208: {  	v10 =	vperm.xlane v12, v10  }
0x209: {  	v9 =	vxor.u32 $0x80000000, v9  }
0x20a: {  	(xrf0) =	vmax.scan.msk.u32 $0xffff, v9;
	v9 =	vxor.u32 $0x80000000, v10  }
0x20b: {  	s1 =	rddreg [dreg:$0x16];
	(xrf0) =	vmax.scan.msk.u32 $0xffff, v9  }
0x20c: {  	p4 =	sgt.s32 s1, $0x0;
	s1 =	rddreg [dreg:$0x13]  }
0x20d: {  	s1 =	sxor.u32 $0x80000000, s1  }
0x20e: {  	p0 =	por p0, p0;
	s20 =	smov.u32 @p1 s1;
	s1 =	rddreg [dreg:$0x18]  }
0x20f: {  	p1 =	por p4, p4;
	s1 =	sadd.s32 s6, s1;
	s6 =	rddreg [dreg:$0x1d]  }
0x210: {  	s21 =	smov.u32 @p1 s1;
	s1 =	sadd.s32 s7, s10;
	s10 =	rddreg [dreg:$0x1a];
	v9, _, _ =	vpop (xrf0)  }
0x211: {  	p5 =	sgt.s32 s6, $0x0;
	s7 =	sld [smem:$0x7F8];
	s6 =	sxor.u32 $0x80000000, s10;
	(v2sf) =	vpush v9, $0xF;
	v9, _, _ =	vpop (xrf0)  }
0x212: {  	s20 =	smov.u32 @p0 s6;
	s6 =	sld [smem:$0x7F7];
	(v2sf) =	vpush v9, $0xF  }
0x213: {  	p3 =	sgt.s32 s11, $0x0  }
0x214: {  	p1 =	por p1, p1;
	s10 =	sld [smem:$0x7F9];
	p2 =	por p5, p5  }
0x215: {  	p6 =	sgt.s32 s6, $0x0;
	s21 =	smov.u32 @p2 s1;
	s1 =	sxor.u32 $0x80000000, s7  }
0x216: {  	p4 =	sgt.s32 s13, $0x0;
	p0 =	por p6, p6;
	s20 =	smov.u32 @p1 s1  }
0x217: {  	s1 =	sadd.s32 s5, s25;
	p1 =	por p2, p2;
	s25 =	sld [smem:$0x7FA]  }
0x218: {  	s21 =	smov.u32 @p0 s1;
	s1 =	sxor.u32 $0x80000000, s10;
	p0 =	por p0, p0  }
0x219: {  	s20 =	smov.u32 @p1 s1;
	s1 =	sadd.s32 s24, s4;
	p1 =	por p3, p3  }
0x21a: {  	s4 =	sxor.u32 $0x80000000, s25;
	s21 =	smov.u32 @p1 s1;
	s1 =	sadd.s32 s23, s31  }
0x21b: {  	s20 =	smov.u32 @p0 s4;
	p0 =	por p1, p1;
	p1 =	por p4, p4  }
0x21c: {  	p5 =	sgt.s32 s8, $0x0;
	s21 =	smov.u32 @p1 s1;
	s1 =	sxor.u32 $0x80000000, s12  }
0x21d: {  	s20 =	smov.u32 @p0 s1;
	p0 =	por p5, p5;
	s1 =	sadd.s32 s22, s2  }
0x21e: {  	p1 =	por p1, p1;
	s21 =	smov.u32 @p0 s1;
	s1 =	sxor.u32 $0x80000000, s19  }
0x21f: {  	p6 =	sgt.s32 s9, $0x0;
	p0 =	por p0, p0;
	s20 =	smov.u32 @p1 s1  }
0x220: {  	p1 =	por p6, p6;
	s1 =	sadd.s32 s26, s3;
	s26 =	spop (v2sf)  }
0x221: {  	s21 =	smov.u32 @p1 s1;
	s1 =	sxor.u32 $0x80000000, s26;
	s31 =	spop (v2sf)  }
0x222: {  	s20 =	smov.u32 @p0 s1;
	p0 =	por p1, p1;
	s1 =	sxor.u32 $0x80000000, s31  }
0x223: {  	s2 =	simm.s32 $0x0;
	s20 =	smov.u32 @p0 s1;
	s1 =	simm.s32 $0x40  }
.LBB2_15:
0x224: {  	p0 =	sne.s32 s1, $0x3FC0;
	[tilespmem:s2+$0x2100] =	vst v2;
	s2 =	smov.u32 s1;
	s1 =	sadd.s32 $0x40, s1  }
.Ltmp7:
0x225: {  	(pc) =	sbr.rel @p0 .LBB2_15-.Ltmp7, $2  }
0x226: {  	_ =	sdelay $0x2  }
0x227: {  	s2 =	sshra.s32 s2, $0x2  }
0x228: {  	s0 =	sshll.u32 s0, $0x18;
	s1 =	sshll.u32 s21, $0x10  }
0x229: {  	s0 =	sor.u32 s0, s1  }
0x22a: {  	[dreg:$0x10] =	wrdreg s0;
	s0 =	sshrl.u32 s0, $0x10  }
0x22b: {  	[tilespmem:s2+$0x2100] =	vst v2;
	s1 =	simm.s32 $0x0;
	v9 =	vmov s0;
	s0 =	simm.s32 $0x40  }
.LBB2_17:
0x22c: {  	p0 =	seq.s32 s0, $0x8300;
	v10 =	vld [tilespmem:s1+$0x0];
	_ =	sdelay $0x4  }
0x22d: {  	v11 =	vshrl.u32 v10, $0x10  }
0x22e: {  	v10 =	vshrl.u32 v10, $0x8;
	v11 =	vxor.u32 v9, v11  }
0x22f: {  	v10 =	vand.u32 $0xFF, v10;
	vm0 =	veq.s32 v11, $0x8000  }
0x230: {  	v10 =	vor.u32 v6, v10  }
.Ltmp8:
0x231: {  	(pc) =	sbr.rel @!p0 .LBB2_17-.Ltmp8, $2  }
0x232: {  	_ =	sdelay $0x2  }
0x233: {  	s1 =	sshra.s32 s0, $0x2;
	s0 =	sadd.s32 $0x40, s0;
	[tilespmem:v10+s14+$0x0] =	vst.idx.add.s32.msk vm0, v4  }
0x234: {  	v10 =	vld [tilespmem:s1+$0x0];
	_ =	sdelay $0x4  }
0x235: {  	v11 =	vshrl.u32 v10, $0x10  }
0x236: {  	v10 =	vshrl.u32 v10, $0x8;
	v9 =	vxor.u32 v9, v11  }
0x237: {  	vm0 =	veq.s32 v9, $0x8000;
	v9 =	vand.u32 $0xFF, v10  }
0x238: {  	v9 =	vor.u32 v6, v9;
	_ =	sdelay $0x4  }
0x239: {  	s13 =	simm.s32 $0x29F0;
	[tilespmem:v9+s14+$0x0] =	vst.idx.add.s32.msk vm0, v4  }
0x23a: {  	v10 =	vld [tilespmem:s13+$0xFFFFF800]  }
0x23b: {  	v11 =	vld [tilespmem:s13+$0xFFFFF900]  }
0x23c: {  	v12 =	vld [tilespmem:s13+$0xFFFFFA00]  }
0x23d: {  	v13 =	vld [tilespmem:s13+$0xFFFFFB00]  }
0x23e: {  	v14 =	vld [tilespmem:s13+$0xFFFFFC00]  }
0x23f: {  	v15 =	vld [tilespmem:s13+$0xFFFFFD00]  }
0x240: {  	v16 =	vld [tilespmem:s13+$0xFFFFFE00]  }
0x241: {  	s19 =	simm.s32 $0x29E0;
	v17 =	vld [tilespmem:s13+$0xFFFFFF00];
	v10 =	vadd.s32 v10, v11  }
0x242: {  	v19 =	vld [tilespmem:s19+$0xFFFFFF00];
	v10 =	vadd.s32 v12, v10  }
0x243: {  	v11 =	vld [tilespmem:s13+$0x0];
	v10 =	vadd.s32 v13, v10  }
0x244: {  	v12 =	vld [tilespmem:s13+$0x100];
	v10 =	vadd.s32 v14, v10  }
0x245: {  	v13 =	vld [tilespmem:s13+$0x200];
	v10 =	vadd.s32 v15, v10  }
0x246: {  	v14 =	vld [tilespmem:s13+$0x300];
	v10 =	vadd.s32 v16, v10  }
0x247: {  	v15 =	vld [tilespmem:s13+$0x400];
	v10 =	vadd.s32 v17, v10  }
0x248: {  	v16 =	vld [tilespmem:s13+$0x500];
	v10 =	vadd.s32 v11, v10  }
0x249: {  	v17 =	vld [tilespmem:s13+$0x600];
	v10 =	vadd.s32 v12, v10  }
0x24a: {  	v11 =	vld [tilespmem:s13+$0x700];
	v10 =	vadd.s32 v13, v10  }
0x24b: {  	v20 =	vld [tilespmem:s19+$0x0];
	v10 =	vadd.s32 v14, v10  }
0x24c: {  	v21 =	vld [tilespmem:s19+$0x200];
	v10 =	vadd.s32 v15, v10  }
0x24d: {  	v22 =	vld [tilespmem:s19+$0x300];
	v10 =	vadd.s32 v16, v10  }
0x24e: {  	v23 =	vld [tilespmem:s19+$0x400];
	v10 =	vadd.s32 v17, v10  }
0x24f: {  	v24 =	vld [tilespmem:s19+$0x700];
	v10 =	vadd.s32 v11, v10  }
0x250: {  	v12 =	vld [tilespmem:s19+$0xFFFFF800];
	v18 =	vperm.xlane v10, v5  }
0x251: {  	v13 =	vld [tilespmem:s19+$0xFFFFF900]  }
0x252: {  	v14 =	vld [tilespmem:s19+$0xFFFFFA00];
	(xrf0) =	vadd.scan.msk.s32 $0xffff, v18  }
0x253: {  	v15 =	vld [tilespmem:s19+$0xFFFFFB00]  }
0x254: {  	v16 =	vld [tilespmem:s19+$0xFFFFFC00]  }
0x255: {  	v17 =	vld [tilespmem:s19+$0xFFFFFD00]  }
0x256: {  	s21 =	simm.s32 $0x29D0;
	v11 =	vld [tilespmem:s19+$0xFFFFFE00];
	v12 =	vadd.s32 v12, v13  }
0x257: {  	v25 =	vld [tilespmem:s21+$0xFFFFFA00];
	v12 =	vadd.s32 v14, v12  }
0x258: {  	v12 =	vadd.s32 v15, v12;
	v18 =	vld [tilespmem:s19+$0x100];
	v15, _, _ =	vpop (xrf0)  }
0x259: {  	v12 =	vadd.s32 v16, v12;
	v16 =	vld [tilespmem:s21+$0xFFFFF800];
	v15 =	vperm.xlane v15, v5  }
0x25a: {  	v12 =	vadd.s32 v17, v12;
	v17 =	vld [tilespmem:s21+$0xFFFFF900]  }
0x25b: {  	v37 =	vld [tilespmem:s21+$0xFFFFFF00];
	v11 =	vadd.s32 v11, v12;
	v12 =	vxor.u32 $0x80000000, v15  }
0x25c: {  	v38 =	vld [tilespmem:s21+$0x100];
	v11 =	vadd.s32 v19, v11;
	(xrf0) =	vmax.scan.msk.u32 $0xffff, v12  }
0x25d: {  	s22 =	simm.s32 $0x29C0;
	v13 =	vld [tilespmem:s19+$0x500];
	v11 =	vadd.s32 v20, v11  }
0x25e: {  	v42 =	vld [tilespmem:s22+$0xFFFFFF00];
	v11 =	vadd.s32 v18, v11  }
0x25f: {  	v14 =	vld [tilespmem:s19+$0x600];
	v11 =	vadd.s32 v21, v11;
	v16 =	vadd.s32 v16, v17  }
0x260: {  	v11 =	vadd.s32 v22, v11;
	v12 =	vld [tilespmem:s21+$0xFFFFFB00]  }
0x261: {  	v19 =	vld [tilespmem:s21+$0xFFFFFC00];
	v11 =	vadd.s32 v23, v11  }
0x262: {  	v18 =	vld [tilespmem:s21+$0xFFFFFD00];
	v11 =	vadd.s32 v13, v11;
	v13 =	vadd.s32 v25, v16;
	v16, _, _ =	vpop (xrf0)  }
0x263: {  	v20 =	vld [tilespmem:s21+$0xFFFFFE00];
	(v2sf) =	vpush v16, $0xF  }
0x264: {  	v43 =	vld [tilespmem:s22+$0x0];
	v11 =	vadd.s32 v14, v11  }
0x265: {  	v17 =	vld [tilespmem:s21+$0x0];
	v11 =	vadd.s32 v24, v11;
	v12 =	vadd.s32 v12, v13  }
0x266: {  	v44 =	vld [tilespmem:s22+$0x100];
	v12 =	vadd.s32 v19, v12;
	v16 =	vperm.xlane v11, v5  }
0x267: {  	v13 =	vld [tilespmem:s21+$0x200];
	v12 =	vadd.s32 v18, v12  }
0x268: {  	v14 =	vld [tilespmem:s21+$0x300];
	v12 =	vadd.s32 v20, v12;
	(xrf0) =	vadd.scan.msk.s32 $0xffff, v16  }
0x269: {  	s0 =	rddreg [dreg:$0xf];
	v18 =	vld [tilespmem:s21+$0x400];
	v12 =	vadd.s32 v37, v12  }
0x26a: {  	s0 =	ssub.s32 s0, s20;
	s20 =	simm.s32 $0x0;
	v10 =	vsub.s32 v15, v10;
	v19 =	vld [tilespmem:s21+$0x500];
	v12 =	vadd.s32 v17, v12  }
0x26b: {  	v9 =	vmov s0;
	v10 =	vadd.s32 s20, v10;
	v16 =	vld [tilespmem:s21+$0x600];
	v12 =	vadd.s32 v38, v12  }
0x26c: {  	vm12 =	vlt.s32 v10, v9;
	v17 =	vld [tilespmem:s21+$0x700];
	v12 =	vadd.s32 v13, v12  }
0x26d: {  	v45 =	vld [tilespmem:s22+$0x200];
	v39 =	vsel vm12, $0x1, v2;
	v12 =	vadd.s32 v14, v12  }
0x26e: {  	v26 =	vld [tilespmem:s22+$0x600];
	(xrf0) =	vadd.scan.msk.s32 $0xffff, v39;
	v12 =	vadd.s32 v18, v12;
	v18, _, _ =	vpop (xrf0)  }
0x26f: {  	v20 =	vld [tilespmem:s22+$0xFFFFF800];
	v12 =	vadd.s32 v19, v12;
	v18 =	vperm.xlane v18, v5  }
0x270: {  	v13 =	vld [tilespmem:s22+$0xFFFFF900];
	v12 =	vadd.s32 v16, v12  }
0x271: {  	v14 =	vld [tilespmem:s22+$0xFFFFFA00];
	v12 =	vadd.s32 v17, v12;
	v40 =	vxor.u32 $0x80000000, v18  }
0x272: {  	v15 =	vld [tilespmem:s22+$0xFFFFFB00];
	v41 =	vperm.xlane v12, v5;
	(xrf0) =	vmax.scan.msk.u32 $0xffff, v40;
	s23 =	spop (v2sf)  }
0x273: {  	v19 =	vld [tilespmem:s22+$0xFFFFFC00];
	s1 =	sadd.s32 $0x0, s23  }
0x274: {  	v16 =	vld [tilespmem:s22+$0xFFFFFD00];
	v46, _, _ =	vpop (xrf0);
	v11 =	vsub.s32 v18, v11;
	(xrf0) =	vadd.scan.msk.s32 $0xffff, v41;
	s2 =	sadd.s32 $0x80000000, s1  }
0x275: {  	s24 =	simm.s32 $0x29B0;
	v17 =	vld [tilespmem:s22+$0xFFFFFE00];
	v13 =	vadd.s32 v20, v13;
	(v2sf) =	vpush v46, $0xF;
	v20 =	vadd.s32 s2, v11  }
0x276: {  	v49 =	vld [tilespmem:s24+$0xFFFFFA00];
	v13 =	vadd.s32 v14, v13;
	vm13 =	vlt.s32 v20, v9  }
0x277: {  	v50 =	vld [tilespmem:s24+$0xFFFFFB00];
	v13 =	vadd.s32 v15, v13;
	v15 =	vsel vm13, $0x1, v2  }
0x278: {  	v51 =	vld [tilespmem:s24+$0xFFFFFC00];
	v13 =	vadd.s32 v19, v13;
	v47, _, _ =	vpop (xrf0);
	(xrf0) =	vadd.scan.msk.s32 $0xffff, v15  }
0x279: {  	v18 =	vld [tilespmem:s22+$0x300];
	v13 =	vadd.s32 v16, v13;
	(v2sf) =	vpush v47, $0xF  }
0x27a: {  	v13 =	vadd.s32 v17, v13;
	v17 =	vld [tilespmem:s24+$0xFFFFF900];
	v19, _, _ =	vpop (xrf0)  }
0x27b: {  	v11 =	vld [tilespmem:s22+$0x400];
	v16 =	vperm.xlane v19, v5  }
0x27c: {  	v13 =	vadd.s32 v42, v13;
	v19 =	vld [tilespmem:s24+$0xFFFFF800]  }
0x27d: {  	v14 =	vld [tilespmem:s22+$0x500];
	v13 =	vadd.s32 v43, v13;
	v48 =	vxor.u32 $0x80000000, v16  }
0x27e: {  	v53 =	vld [tilespmem:s24+$0xFFFFFD00];
	v13 =	vadd.s32 v44, v13;
	(xrf0) =	vmax.scan.msk.u32 $0xffff, v48;
	v52, _, _ =	vpop (xrf0)  }
0x27f: {  	v13 =	vadd.s32 v45, v13;
	v15 =	vld [tilespmem:s22+$0x700];
	(v2sf) =	vpush v52, $0xF  }
0x280: {  	v54 =	vld [tilespmem:s24+$0x100];
	v13 =	vadd.s32 v18, v13  }
0x281: {  	v18 =	vld [tilespmem:s24+$0xFFFFFE00];
	v11 =	vadd.s32 v11, v13;
	v13 =	vadd.s32 v19, v17  }
0x282: {  	v11 =	vadd.s32 v14, v11;
	v17 =	vld [tilespmem:s24+$0xFFFFFF00];
	v13 =	vadd.s32 v49, v13  }
0x283: {  	v14 =	vld [tilespmem:s24+$0x0];
	v11 =	vadd.s32 v26, v11;
	v13 =	vadd.s32 v50, v13  }
0x284: {  	v55 =	vld [tilespmem:s24+$0x300];
	v15 =	vadd.s32 v15, v11;
	v11 =	vadd.s32 v51, v13;
	v19, _, _ =	vpop (xrf0);
	s3 =	spop (v2sf)  }
0x285: {  	s25 =	simm.s32 $0x29A0;
	v13 =	vld [tilespmem:s24+$0x200];
	v11 =	vadd.s32 v53, v11;
	(v2sf) =	vpush v19, $0xF;
	v19 =	vperm.xlane v15, v5;
	s1 =	ssub.s32 $0x10, s3  }
0x286: {  	v58 =	vld [tilespmem:s25+$0xFFFFF900];
	v11 =	vadd.s32 v18, v11;
	p0 =	slt.s32 s1, $0xF  }
0x287: {  	v18 =	vld [tilespmem:s24+$0x400];
	v11 =	vadd.s32 v17, v11;
	(xrf0) =	vadd.scan.msk.s32 $0xffff, v19;
	s1 =	simm.s32 @!p0 $0xF  }
0x288: {  	v17 =	vld [tilespmem:s24+$0x500];
	v11 =	vadd.s32 v14, v11;
	s4 =	spop (v2sf);
	v56 =	vmov s1  }
0x289: {  	v12 =	vsub.s32 v16, v12;
	v14 =	vld [tilespmem:s24+$0x600];
	v11 =	vadd.s32 v54, v11;
	s2 =	sadd.s32 s4, s2;
	v16 =	vadd.s32 $0x10, v56  }
0x28a: {  	v19 =	vld [tilespmem:s24+$0x700];
	v11 =	vadd.s32 v13, v11;
	s2 =	sadd.s32 $0x80000000, s2;
	v10 =	vperm.xlane v10, v16  }
0x28b: {  	v13 =	vld [tilespmem:s25+$0xFFFFF800];
	v57 =	vadd.s32 v55, v11;
	v11 =	vadd.s32 s2, v12  }
0x28c: {  	v16 =	vld [tilespmem:s25+$0xFFFFFA00];
	v12 =	vadd.s32 v18, v57;
	vm14 =	vlt.s32 v11, v9;
	v10 =	vxor.u32 $0x80000000, v10  }
0x28d: {  	v18, _, _ =	vpop (xrf0);
	v12 =	vadd.s32 v17, v12;
	v17 =	vld [tilespmem:s25+$0xFFFFFB00];
	v59 =	vsel vm14, $0x1, v2;
	(xrf0) =	vmax.scan.msk.u32 $0xffff, v10  }
0x28e: {  	v12 =	vadd.s32 v14, v12;
	v14 =	vld [tilespmem:s25+$0xFFFFFC00];
	(xrf0) =	vadd.scan.msk.s32 $0xffff, v59;
	s8 =	spop (v2sf)  }
0x28f: {  	v18 =	vperm.xlane v18, v5;
	s9 =	ssub.s32 $0x10, s8  }
0x290: {  	v13 =	vadd.s32 v13, v58;
	p0 =	slt.s32 s9, $0xF  }
0x291: {  	v10 =	vld [tilespmem:s25+$0xFFFFFD00];
	v12 =	vadd.s32 v19, v12;
	v19 =	vxor.u32 $0x80000000, v18;
	v13 =	vadd.s32 v16, v13;
	s9 =	simm.s32 @!p0 $0xF  }
0x292: {  	v61 =	vld [tilespmem:s25+$0xFFFFFE00];
	(xrf0) =	vmax.scan.msk.u32 $0xffff, v19;
	v13 =	vadd.s32 v17, v13;
	v19 =	vmov s9  }
0x293: {  	v16 =	vld [tilespmem:s25+$0xFFFFFF00];
	v13 =	vadd.s32 v14, v13;
	v63, _, _ =	vpop (xrf0);
	v14 =	vadd.s32 $0x10, v19  }
0x294: {  	v15 =	vsub.s32 v18, v15;
	(v2sf) =	vpush v63, $0xF;
	v18 =	vperm.xlane v20, v14;
	v20, _, _ =	vpop (xrf0)  }
0x295: {  	s31 =	spop (v2sf);
	(v2sf) =	vpush v20, $0xF  }
0x296: {  	v60 =	vperm.xlane v12, v5;
	v10 =	vadd.s32 v10, v13;
	s2 =	sadd.s32 s31, s2  }
0x297: {  	s4 =	sadd.s32 $0x80000000, s2;
	v14 =	vadd.s32 v61, v10  }
0x298: {  	(xrf0) =	vadd.scan.msk.s32 $0xffff, v60;
	v10 =	vadd.s32 s4, v15;
	v15 =	vadd.s32 v16, v14;
	v16, _, _ =	vpop (xrf0)  }
0x299: {  	v17 =	vld [tilespmem:s25+$0x0];
	(v2sf) =	vpush v16, $0xF  }
0x29a: {  	s6 =	simm.s32 $0xD0;
	s7 =	simm.s32 $0xC0;
	v62 =	vld [tilespmem:s25+$0x100]  }
0x29b: {  	s5 =	simm.s32 $0xB0;
	s26 =	simm.s32 $0x70;
	[dreg:$0x11] =	wrdreg s0;
	v19 =	vld [tilespmem:s25+$0x200];
	v18 =	vxor.u32 $0x80000000, v18  }
0x29c: {  	s21 =	simm.s32 $0x0;
	s23 =	simm.s32 $0x90;
	p6 =	sgt.s32 s3, $0x0;
	v13 =	vld [tilespmem:s25+$0x300];
	vm15 =	vlt.s32 v10, v9  }
0x29d: {  	s22 =	simm.s32 $0x80;
	s1 =	sadd.s32 $0xF0, s1;
	p0 =	por p6, p6;
	v14 =	vld [tilespmem:s25+$0x400];
	v20 =	vsel vm15, $0x1, v2;
	(xrf0) =	vmax.scan.msk.u32 $0xffff, v18  }
0x29e: {  	s3 =	simm.s32 $0x2990;
	p2 =	sgt.s32 s8, $0x0;
	s21 =	smov.u32 @p0 s1;
	v17 =	vadd.s32 v17, v15;
	v15 =	vld [tilespmem:s25+$0x500];
	v18, _, _ =	vpop (xrf0);
	(xrf0) =	vadd.scan.msk.s32 $0xffff, v20  }
0x29f: {  	p1 =	por p0, p0;
	p0 =	por p2, p2;
	s1 =	sadd.s32 $0xE0, s9;
	v21 =	vadd.s32 v62, v17;
	v17 =	vld [tilespmem:s25+$0x600];
	v16 =	vperm.xlane v18, v5  }
0x2a0: {  	s24 =	simm.s32 $0xA0;
	s8 =	simm.s32 $0x60;
	s21 =	smov.u32 @p0 s1;
	v19 =	vadd.s32 v19, v21;
	v18 =	vld [tilespmem:s25+$0x700]  }
.LBB2_19:
0x2a1: {  	p2 =	sne.s32 s8, $0x0;
	v20 =	vld [tilespmem:s3+$0xFFFFF800];
	v22 =	vadd.s32 v13, v19;
	v19 =	vsub.s32 v16, v12;
	v12 =	vxor.u32 $0x80000000, v16  }
0x2a2: {  	v16 =	vld [tilespmem:s3+$0xFFFFF900];
	v21 =	vadd.s32 v14, v22;
	(xrf0) =	vmax.scan.msk.u32 $0xffff, v12  }
0x2a3: {  	v14 =	vld [tilespmem:s3+$0xFFFFFA00];
	v12 =	vadd.s32 v15, v21;
	v13, _, _ =	vpop (xrf0);
	s0 =	spop (v2sf)  }
0x2a4: {  	v15 =	vld [tilespmem:s3+$0xFFFFFB00];
	v12 =	vadd.s32 v17, v12;
	v17, _, _ =	vpop (xrf0);
	s1 =	spop (v2sf);
	(v2sf) =	vpush v13, $0xF;
	s0 =	sxor.u32 $0x80000000, s0  }
0x2a5: {  	v13 =	vld [tilespmem:s3+$0xFFFFFC00];
	v12 =	vadd.s32 v18, v12;
	(v2sf) =	vpush v17, $0xF;
	p3 =	sgt.s32 s1, $0x0;
	s1 =	ssub.s32 $0x10, s1;
	s20 =	smov.u32 @p1 s0  }
0x2a6: {  	p1 =	por p0, p0;
	v17 =	vld [tilespmem:s3+$0xFFFFFD00];
	v21 =	vperm.xlane v12, v5;
	p4 =	slt.s32 s1, $0xF;
	p0 =	por p3, p3  }
0x2a7: {  	v16 =	vadd.s32 v20, v16;
	v20 =	vld [tilespmem:s3+$0xFFFFFE00];
	s1 =	simm.s32 @!p4 $0xF  }
0x2a8: {  	v14 =	vadd.s32 v14, v16;
	v16 =	vld [tilespmem:s3+$0xFFFFFF00];
	(xrf0) =	vadd.scan.msk.s32 $0xffff, v21;
	v18, _, _ =	vpop (xrf0);
	s0 =	spop (v2sf);
	v21 =	vmov s1;
	s1 =	sadd.s32 s6, s1;
	s6 =	smov.u32 s7  }
0x2a9: {  	s7 =	smov.u32 s5;
	v14 =	vadd.s32 v15, v14;
	v15 =	vld [tilespmem:s3+$0x0];
	(v2sf) =	vpush v18, $0xF;
	s0 =	sadd.s32 s0, s4;
	v18 =	vadd.s32 $0x10, v21;
	s21 =	smov.u32 @p0 s1  }
0x2aa: {  	s5 =	smov.u32 s24;
	s24 =	smov.u32 s23;
	v13 =	vadd.s32 v13, v14;
	v21 =	vld [tilespmem:s3+$0x100];
	s4 =	sadd.s32 $0x80000000, s0;
	v14 =	vperm.xlane v11, v18;
	v11 =	vmov v10  }
0x2ab: {  	s23 =	smov.u32 s22;
	s22 =	smov.u32 s26;
	s26 =	smov.u32 s8;
	v13 =	vadd.s32 v17, v13;
	v18 =	vld [tilespmem:s3+$0x200];
	v10 =	vadd.s32 s4, v19  }
.Ltmp9:
0x2ac: {  	v17 =	vadd.s32 v20, v13;
	v13 =	vld [tilespmem:s3+$0x300];
	vm0 =	vlt.s32 v10, v9;
	v20 =	vxor.u32 $0x80000000, v14;
	(pc) =	sbr.rel @p2 .LBB2_19-.Ltmp9, $4  }
0x2ad: {  	v16 =	vadd.s32 v16, v17;
	v14 =	vld [tilespmem:s3+$0x400];
	v17 =	vsel vm0, $0x1, v2;
	(xrf0) =	vmax.scan.msk.u32 $0xffff, v20  }
0x2ae: {  	v16 =	vadd.s32 v15, v16;
	v15 =	vld [tilespmem:s3+$0x500];
	v19, _, _ =	vpop (xrf0);
	(xrf0) =	vadd.scan.msk.s32 $0xffff, v17  }
0x2af: {  	v20 =	vadd.s32 v21, v16;
	v17 =	vld [tilespmem:s3+$0x600];
	v16 =	vperm.xlane v19, v5  }
0x2b0: {  	s8 =	sadd.s32 $0xFFFFFFF0, s8;
	v19 =	vadd.s32 v18, v20;
	v18 =	vld [tilespmem:s3+$0x700];
	s3 =	sadd.s32 $0xFFFFFFF0, s3  }
0x2b1: {  	v20 =	vld [tilespmem:s3+$0xFFFFF800];
	v13 =	vadd.s32 v13, v19  }
0x2b2: {  	v29 =	vld [tilespmem:s3+$0xFFFFF900];
	v13 =	vadd.s32 v14, v13  }
0x2b3: {  	v30 =	vld [tilespmem:s3+$0xFFFFFA00];
	v13 =	vadd.s32 v15, v13;
	s0 =	spop (v2sf)  }
0x2b4: {  	v31 =	vld [tilespmem:s3+$0xFFFFFB00];
	v13 =	vadd.s32 v17, v13;
	s11 =	spop (v2sf)  }
0x2b5: {  	v32 =	vld [tilespmem:s3+$0xFFFFFC00];
	v13 =	vadd.s32 v18, v13;
	s19 =	ssub.s32 $0x10, s11  }
0x2b6: {  	v33 =	vxor.u32 $0x80000000, v16;
	v21 =	vld [tilespmem:s3+$0xFFFFFD00];
	v22 =	vperm.xlane v13, v5;
	p2 =	slt.s32 s19, $0xF  }
0x2b7: {  	v34 =	vld [tilespmem:s3+$0xFFFFFE00];
	(xrf0) =	vmax.scan.msk.u32 $0xffff, v33;
	s19 =	simm.s32 @!p2 $0xF  }
0x2b8: {  	v23 =	vld [tilespmem:s3+$0xFFFFFF00];
	(xrf0) =	vadd.scan.msk.s32 $0xffff, v22;
	s12 =	spop (v2sf);
	v35 =	vmov s19  }
0x2b9: {  	v24 =	vld [tilespmem:s3+$0x0];
	[dreg:$0x14] =	wrdreg s0;
	s0 =	sadd.s32 s12, s4;
	v22 =	vadd.s32 $0x10, v35  }
0x2ba: {  	v12 =	vsub.s32 v16, v12;
	v25 =	vld [tilespmem:s3+$0x100];
	v36, _, _ =	vpop (xrf0);
	s1 =	sadd.s32 $0x80000000, s0;
	v11 =	vperm.xlane v11, v22  }
0x2bb: {  	v37 =	vld [tilespmem:s3+$0x200];
	(v2sf) =	vpush v36, $0xF;
	v12 =	vadd.s32 s1, v12  }
0x2bc: {  	v39 =	vld [tilespmem:s3+$0x300];
	v38, _, _ =	vpop (xrf0);
	v19 =	vadd.s32 v20, v29;
	vm0 =	vlt.s32 v12, v9;
	v11 =	vxor.u32 $0x80000000, v11  }
0x2bd: {  	v42 =	vld [tilespmem:s3+$0x500];
	v14 =	vadd.s32 v30, v19;
	(v2sf) =	vpush v38, $0xF;
	v40, _, _ =	vpop (xrf0);
	(xrf0) =	vmax.scan.msk.u32 $0xffff, v11;
	v41 =	vsel vm0, $0x1, v2  }
0x2be: {  	v44 =	vld [tilespmem:s3+$0x600];
	v14 =	vadd.s32 v31, v14;
	(xrf0) =	vadd.scan.msk.s32 $0xffff, v41;
	v43, _, _ =	vpop (xrf0)  }
0x2bf: {  	v45 =	vld [tilespmem:s3+$0x700];
	s13 =	sadd.s32 $0xFFFFFFF0, s3;
	v14 =	vadd.s32 v32, v14;
	v22 =	vperm.xlane v43, v5  }
0x2c0: {  	v46 =	vld [tilespmem:s13+$0xFFFFF800];
	(v2sf) =	vpush v40, $0xF;
	v14 =	vadd.s32 v21, v14  }
0x2c1: {  	v48 =	vld [tilespmem:s13+$0xFFFFF900];
	v14 =	vadd.s32 v34, v14;
	v47 =	vxor.u32 $0x80000000, v22  }
0x2c2: {  	v14 =	vadd.s32 v23, v14;
	v11 =	vld [tilespmem:s3+$0x400];
	(xrf0) =	vmax.scan.msk.u32 $0xffff, v47  }
0x2c3: {  	v49 =	vld [tilespmem:s13+$0xFFFFFA00];
	v14 =	vadd.s32 v24, v14;
	v50, _, _ =	vpop (xrf0)  }
0x2c4: {  	v51 =	vld [tilespmem:s13+$0xFFFFFB00];
	v14 =	vadd.s32 v25, v14;
	(v2sf) =	vpush v50, $0xF;
	v52, _, _ =	vpop (xrf0)  }
0x2c5: {  	v53 =	vld [tilespmem:s13+$0xFFFFFC00];
	v14 =	vadd.s32 v37, v14;
	(v2sf) =	vpush v52, $0xF  }
0x2c6: {  	v54 =	vld [tilespmem:s13+$0xFFFFFD00];
	v14 =	vadd.s32 v39, v14  }
0x2c7: {  	v56 =	vld [tilespmem:s13+$0xFFFFFE00];
	v55 =	vadd.s32 v46, v48;
	v11 =	vadd.s32 v11, v14  }
0x2c8: {  	v57 =	vld [tilespmem:s13+$0xFFFFFF00];
	v14 =	vadd.s32 v49, v55;
	v11 =	vadd.s32 v42, v11;
	v58, _, _ =	vpop (xrf0)  }
0x2c9: {  	v59 =	vld [tilespmem:s13+$0x0];
	v14 =	vadd.s32 v51, v14;
	v11 =	vadd.s32 v44, v11;
	(v2sf) =	vpush v58, $0xF  }
0x2ca: {  	v60 =	vld [tilespmem:s13+$0x100];
	v14 =	vadd.s32 v53, v14;
	v11 =	vadd.s32 v45, v11  }
0x2cb: {  	v61 =	vld [tilespmem:s13+$0x200];
	s2 =	spop (v2sf);
	v14 =	vadd.s32 v54, v14;
	v19 =	vperm.xlane v11, v5  }
0x2cc: {  	v62 =	vld [tilespmem:s13+$0x300];
	v14 =	vadd.s32 v56, v14;
	s31 =	spop (v2sf)  }
0x2cd: {  	v63 =	vld [tilespmem:s13+$0x400];
	v14 =	vadd.s32 v57, v14;
	s9 =	ssub.s32 $0x10, s31;
	(xrf0) =	vadd.scan.msk.s32 $0xffff, v19  }
0x2ce: {  	v24 =	vld [tilespmem:s13+$0x500];
	v14 =	vadd.s32 v59, v14;
	p2 =	slt.s32 s9, $0xF  }
0x2cf: {  	v25 =	vld [tilespmem:s13+$0x600];
	s3 =	spop (v2sf);
	v14 =	vadd.s32 v60, v14;
	s9 =	simm.s32 @!p2 $0xF  }
0x2d0: {  	v27 =	vld [tilespmem:s13+$0x700];
	s1 =	sadd.s32 s3, s1;
	v14 =	vadd.s32 v61, v14;
	v26 =	vmov s9  }
0x2d1: {  	v13 =	vsub.s32 v22, v13;
	s1 =	sadd.s32 $0x80000000, s1;
	v14 =	vadd.s32 v62, v14;
	v19 =	vadd.s32 $0x10, v26  }
0x2d2: {  	v13 =	vadd.s32 s1, v13;
	v14 =	vadd.s32 v63, v14;
	v10 =	vperm.xlane v10, v19  }
0x2d3: {  	vm12 =	vlt.s32 v13, v9;
	v14 =	vadd.s32 v24, v14;
	v28, _, _ =	vpop (xrf0);
	s4 =	spop (v2sf)  }
0x2d4: {  	v14 =	vadd.s32 v25, v14;
	v10 =	vxor.u32 $0x80000000, v10;
	v15 =	vperm.xlane v28, v5;
	s8 =	spop (v2sf)  }
0x2d5: {  	v29 =	vsel vm12, $0x1, v2;
	(xrf0) =	vmax.scan.msk.u32 $0xffff, v10;
	v10 =	vadd.s32 v27, v14;
	s25 =	ssub.s32 $0x10, s8  }
0x2d6: {  	(xrf0) =	vadd.scan.msk.s32 $0xffff, v29;
	v30 =	vxor.u32 $0x80000000, v15;
	v31 =	vperm.xlane v10, v5;
	p2 =	slt.s32 s25, $0xF  }
0x2d7: {  	(xrf0) =	vmax.scan.msk.u32 $0xffff, v30;
	s25 =	simm.s32 @!p2 $0xF  }
0x2d8: {  	(xrf0) =	vadd.scan.msk.s32 $0xffff, v31;
	s10 =	spop (v2sf);
	v32 =	vmov s25  }
0x2d9: {  	s0 =	sadd.s32 $0xFFFFFFF0, s13;
	s1 =	sadd.s32 s10, s1;
	v14 =	vadd.s32 $0x10, v32  }
0x2da: {  	v33 =	vld [tilespmem:s0+$0xFFFFF800];
	v11 =	vsub.s32 v15, v11;
	s1 =	sadd.s32 $0x80000000, s1;
	v12 =	vperm.xlane v12, v14  }
0x2db: {  	v34 =	vld [tilespmem:s0+$0xFFFFF900];
	v35, _, _ =	vpop (xrf0);
	v11 =	vadd.s32 s1, v11  }
0x2dc: {  	v36 =	vld [tilespmem:s0+$0xFFFFFA00];
	v37, _, _ =	vpop (xrf0);
	vm13 =	vlt.s32 v11, v9;
	v12 =	vxor.u32 $0x80000000, v12  }
0x2dd: {  	v38 =	vld [tilespmem:s0+$0xFFFFFB00];
	v39, _, _ =	vpop (xrf0);
	v40 =	vsel vm13, $0x1, v2;
	(xrf0) =	vmax.scan.msk.u32 $0xffff, v12  }
0x2de: {  	v41 =	vld [tilespmem:s0+$0xFFFFFC00];
	v42, _, _ =	vpop (xrf0);
	(xrf0) =	vadd.scan.msk.s32 $0xffff, v40  }
0x2df: {  	v43 =	vld [tilespmem:s0+$0xFFFFFD00];
	v22 =	vperm.xlane v42, v5  }
0x2e0: {  	v44 =	vld [tilespmem:s0+$0xFFFFFE00];
	v14 =	vadd.s32 v33, v34  }
0x2e1: {  	v45 =	vld [tilespmem:s0+$0xFFFFFF00];
	(v2sf) =	vpush v35, $0xF;
	v14 =	vadd.s32 v36, v14;
	v46 =	vxor.u32 $0x80000000, v22  }
0x2e2: {  	v47 =	vld [tilespmem:s0+$0x0];
	(v2sf) =	vpush v37, $0xF;
	v14 =	vadd.s32 v38, v14;
	(xrf0) =	vmax.scan.msk.u32 $0xffff, v46  }
0x2e3: {  	v48 =	vld [tilespmem:s0+$0x100];
	(v2sf) =	vpush v39, $0xF;
	v12 =	vadd.s32 v41, v14;
	v49, _, _ =	vpop (xrf0)  }
0x2e4: {  	v50 =	vld [tilespmem:s0+$0x200];
	v12 =	vadd.s32 v43, v12;
	v51, _, _ =	vpop (xrf0);
	(v2sf) =	vpush v49, $0xF  }
0x2e5: {  	v52 =	vld [tilespmem:s0+$0x300];
	v12 =	vadd.s32 v44, v12;
	(v2sf) =	vpush v51, $0xF  }
0x2e6: {  	v53 =	vld [tilespmem:s0+$0x400];
	v12 =	vadd.s32 v45, v12  }
0x2e7: {  	v54 =	vld [tilespmem:s0+$0x500];
	v12 =	vadd.s32 v47, v12  }
0x2e8: {  	v55 =	vld [tilespmem:s0+$0x600];
	v12 =	vadd.s32 v48, v12;
	v56, _, _ =	vpop (xrf0)  }
0x2e9: {  	v57 =	vld [tilespmem:s0+$0x700];
	v12 =	vadd.s32 v50, v12;
	(v2sf) =	vpush v56, $0xF  }
0x2ea: {  	v12 =	vadd.s32 v52, v12  }
0x2eb: {  	v12 =	vadd.s32 v53, v12  }
0x2ec: {  	v12 =	vadd.s32 v54, v12  }
0x2ed: {  	v12 =	vadd.s32 v55, v12  }
0x2ee: {  	v12 =	vadd.s32 v57, v12  }
0x2ef: {  	v58 =	vperm.xlane v12, v5  }
0x2f0: {  	[dreg:$0x17] =	wrdreg s11;
	s11 =	spop (v2sf)  }
0x2f1: {  	s10 =	spop (v2sf);
	(xrf0) =	vadd.scan.msk.s32 $0xffff, v58  }
0x2f2: {  	s3 =	ssub.s32 $0x10, s10;
	s12 =	spop (v2sf)  }
0x2f3: {  	[dreg:$0x1e] =	wrdreg s31;
	p2 =	slt.s32 s3, $0xF;
	s31 =	spop (v2sf)  }
0x2f4: {  	s3 =	simm.s32 @!p2 $0xF;
	s13 =	spop (v2sf)  }
0x2f5: {  	v59 =	vmov s3;
	[smem:$0x7F6] =	sst s31;
	s31 =	ssub.s32 $0x10, s13  }
0x2f6: {  	s1 =	sadd.s32 s12, s1;
	v14 =	vadd.s32 $0x10, v59;
	p2 =	slt.s32 s31, $0xF  }
0x2f7: {  	v10 =	vsub.s32 v22, v10;
	s1 =	sadd.s32 $0x80000000, s1;
	v13 =	vperm.xlane v13, v14;
	v60, _, _ =	vpop (xrf0);
	s31 =	simm.s32 @!p2 $0xF  }
0x2f8: {  	v10 =	vadd.s32 s1, v10;
	v14 =	vperm.xlane v60, v5;
	s0 =	spop (v2sf);
	v61 =	vmov s31  }
0x2f9: {  	vm14 =	vlt.s32 v10, v9;
	v13 =	vxor.u32 $0x80000000, v13;
	s1 =	sadd.s32 s0, s1;
	v15 =	vadd.s32 $0x10, v61  }
0x2fa: {  	v62 =	vsel vm14, $0x1, v2;
	(xrf0) =	vmax.scan.msk.u32 $0xffff, v13;
	v12 =	vsub.s32 v14, v12;
	s1 =	sadd.s32 $0x80000000, s1;
	v11 =	vperm.xlane v11, v15  }
0x2fb: {  	(xrf0) =	vadd.scan.msk.s32 $0xffff, v62;
	v63 =	vxor.u32 $0x80000000, v14;
	v12 =	vadd.s32 s1, v12  }
0x2fc: {  	(xrf0) =	vmax.scan.msk.u32 $0xffff, v63;
	vm15 =	vlt.s32 v12, v9;
	v9 =	vxor.u32 $0x80000000, v11  }
0x2fd: {  	v11 =	vsel vm15, $0x1, v2;
	(xrf0) =	vmax.scan.msk.u32 $0xffff, v9  }
0x2fe: {  	(xrf0) =	vadd.scan.msk.s32 $0xffff, v11;
	_ =	sdelay $0x1  }
0x2ff: {  	v9, _, _ =	vpop (xrf0)  }
0x300: {  	v11, _, _ =	vpop (xrf0);
	(v2sf) =	vpush v9, $0xF  }
0x301: {  	(v2sf) =	vpush v11, $0xF;
	v9, _, _ =	vpop (xrf0)  }
0x302: {  	(v2sf) =	vpush v9, $0xF;
	v9, _, _ =	vpop (xrf0)  }
0x303: {  	v11, _, _ =	vpop (xrf0);
	(v2sf) =	vpush v9, $0xF  }
0x304: {  	(v2sf) =	vpush v11, $0xF;
	_ =	sdelay $0xa  }
0x305: {  	[smem:$0x7F5] =	sst s11;
	s11 =	spop (v2sf)  }
0x306: {  	[smem:$0x7F4] =	sst s4;
	s4 =	spop (v2sf)  }
0x307: {  	[dreg:$0x1b] =	wrdreg s2;
	s2 =	spop (v2sf)  }
0x308: {  	s12 =	spop (v2sf)  }
0x309: {  	[smem:$0x7F3] =	sst s8;
	s1 =	ssub.s32 $0x10, s4;
	s8 =	spop (v2sf)  }
0x30a: {  	p2 =	slt.s32 s1, $0xF;
	s2 =	ssub.s32 $0x10, s8  }
0x30b: {  	s1 =	simm.s32 @!p2 $0xF;
	p2 =	slt.s32 s2, $0xF  }
0x30c: {  	v9 =	vmov s1;
	s2 =	simm.s32 @!p2 $0xF  }
0x30d: {  	v9 =	vadd.s32 $0x10, v9;
	v11 =	vmov s2  }
0x30e: {  	v9 =	vperm.xlane v10, v9;
	v10 =	vadd.s32 $0x10, v11  }
0x30f: {  	v10 =	vperm.xlane v12, v10  }
0x310: {  	v9 =	vxor.u32 $0x80000000, v9  }
0x311: {  	(xrf0) =	vmax.scan.msk.u32 $0xffff, v9;
	v9 =	vxor.u32 $0x80000000, v10  }
0x312: {  	(xrf0) =	vmax.scan.msk.u32 $0xffff, v9  }
0x313: {  	s0 =	rddreg [dreg:$0x17]  }
0x314: {  	p4 =	sgt.s32 s0, $0x0;
	s0 =	rddreg [dreg:$0x14]  }
0x315: {  	s0 =	sxor.u32 $0x80000000, s0  }
0x316: {  	s20 =	smov.u32 @p1 s0;
	s0 =	sadd.s32 s6, s19;
	s6 =	rddreg [dreg:$0x1e]  }
0x317: {  	p1 =	por p4, p4;
	s19 =	rddreg [dreg:$0x1b];
	v9, _, _ =	vpop (xrf0)  }
0x318: {  	s21 =	smov.u32 @p1 s0;
	s0 =	sadd.s32 s7, s9;
	s7 =	sld [smem:$0x7F3];
	(v2sf) =	vpush v9, $0xF;
	v9, _, _ =	vpop (xrf0)  }
0x319: {  	p0 =	por p0, p0;
	p3 =	sgt.s32 s10, $0x0;
	s9 =	sld [smem:$0x7F4];
	(v2sf) =	vpush v9, $0xF  }
0x31a: {  	p5 =	sgt.s32 s6, $0x0;
	s6 =	sxor.u32 $0x80000000, s19;
	p1 =	por p1, p1  }
0x31b: {  	s19 =	sld [smem:$0x7F5];
	s20 =	smov.u32 @p0 s6;
	p2 =	por p5, p5  }
0x31c: {  	p6 =	sgt.s32 s7, $0x0;
	s21 =	smov.u32 @p2 s0;
	s0 =	sxor.u32 $0x80000000, s9  }
0x31d: {  	p4 =	sgt.s32 s13, $0x0;
	p0 =	por p6, p6;
	s20 =	smov.u32 @p1 s0  }
0x31e: {  	s0 =	sadd.s32 s5, s25;
	p1 =	por p2, p2;
	s25 =	sld [smem:$0x7F6]  }
0x31f: {  	s21 =	smov.u32 @p0 s0;
	s0 =	sxor.u32 $0x80000000, s19;
	p0 =	por p0, p0  }
0x320: {  	s20 =	smov.u32 @p1 s0;
	s0 =	sadd.s32 s24, s3;
	p1 =	por p3, p3  }
0x321: {  	s3 =	sxor.u32 $0x80000000, s25;
	s21 =	smov.u32 @p1 s0;
	s0 =	sadd.s32 s23, s31  }
0x322: {  	s20 =	smov.u32 @p0 s3;
	p0 =	por p1, p1;
	p1 =	por p4, p4  }
0x323: {  	p5 =	sgt.s32 s4, $0x0;
	s21 =	smov.u32 @p1 s0;
	s0 =	sxor.u32 $0x80000000, s11  }
0x324: {  	s20 =	smov.u32 @p0 s0;
	p0 =	por p5, p5;
	s0 =	sadd.s32 s22, s1  }
0x325: {  	p1 =	por p1, p1;
	s21 =	smov.u32 @p0 s0;
	s0 =	sxor.u32 $0x80000000, s12  }
0x326: {  	p6 =	sgt.s32 s8, $0x0;
	p0 =	por p0, p0;
	s20 =	smov.u32 @p1 s0  }
0x327: {  	p1 =	por p6, p6;
	s0 =	sadd.s32 s26, s2;
	s26 =	spop (v2sf)  }
0x328: {  	s21 =	smov.u32 @p1 s0;
	s0 =	sxor.u32 $0x80000000, s26;
	s31 =	spop (v2sf)  }
0x329: {  	s20 =	smov.u32 @p0 s0;
	p0 =	por p1, p1;
	s0 =	sxor.u32 $0x80000000, s31  }
0x32a: {  	s1 =	simm.s32 $0x0;
	s20 =	smov.u32 @p0 s0;
	s0 =	simm.s32 $0x40  }
.LBB2_21:
0x32b: {  	p0 =	sne.s32 s0, $0x3FC0;
	[tilespmem:s1+$0x2100] =	vst v2;
	s1 =	smov.u32 s0;
	s0 =	sadd.s32 $0x40, s0  }
.Ltmp10:
0x32c: {  	(pc) =	sbr.rel @p0 .LBB2_21-.Ltmp10, $2  }
0x32d: {  	_ =	sdelay $0x2  }
0x32e: {  	s1 =	sshra.s32 s1, $0x2  }
0x32f: {  	s0 =	sshll.u32 s21, $0x8;
	s2 =	rddreg [dreg:$0x10]  }
0x330: {  	s0 =	sor.u32 s2, s0  }
0x331: {  	s2 =	sshrl.u32 s0, $0x8  }
0x332: {  	[tilespmem:s1+$0x2100] =	vst v2;
	s1 =	simm.s32 $0x40;
	v9 =	vmov s2;
	s2 =	simm.s32 $0x0  }
.LBB2_23:
0x333: {  	p0 =	seq.s32 s1, $0x8300;
	v10 =	vld [tilespmem:s2+$0x0];
	_ =	sdelay $0x4  }
0x334: {  	v11 =	vshrl.u32 v10, $0x8  }
0x335: {  	v11 =	vxor.u32 v9, v11  }
0x336: {  	v10 =	vand.u32 $0xFF, v10;
	vm0 =	veq.s32 v11, $0x800000  }
0x337: {  	v10 =	vor.u32 v6, v10  }
.Ltmp11:
0x338: {  	(pc) =	sbr.rel @!p0 .LBB2_23-.Ltmp11, $2  }
0x339: {  	_ =	sdelay $0x2  }
0x33a: {  	s2 =	sshra.s32 s1, $0x2;
	s1 =	sadd.s32 $0x40, s1;
	[tilespmem:v10+s14+$0x0] =	vst.idx.add.s32.msk vm0, v4  }
0x33b: {  	v10 =	vld [tilespmem:s2+$0x0];
	_ =	sdelay $0x4  }
0x33c: {  	v11 =	vshrl.u32 v10, $0x8  }
0x33d: {  	v9 =	vxor.u32 v9, v11  }
0x33e: {  	vm0 =	veq.s32 v9, $0x800000;
	v9 =	vand.u32 $0xFF, v10  }
0x33f: {  	v9 =	vor.u32 v6, v9;
	_ =	sdelay $0x4  }
0x340: {  	s24 =	simm.s32 $0x29F0;
	[tilespmem:v9+s14+$0x0] =	vst.idx.add.s32.msk vm0, v4  }
0x341: {  	v10 =	vld [tilespmem:s24+$0xFFFFF800]  }
0x342: {  	v11 =	vld [tilespmem:s24+$0xFFFFF900]  }
0x343: {  	v12 =	vld [tilespmem:s24+$0xFFFFFA00]  }
0x344: {  	v13 =	vld [tilespmem:s24+$0xFFFFFB00]  }
0x345: {  	v14 =	vld [tilespmem:s24+$0xFFFFFC00]  }
0x346: {  	v15 =	vld [tilespmem:s24+$0xFFFFFD00]  }
0x347: {  	v10 =	vadd.s32 v10, v11;
	v11 =	vld [tilespmem:s24+$0xFFFFFE00]  }
0x348: {  	v10 =	vadd.s32 v12, v10;
	v12 =	vld [tilespmem:s24+$0xFFFFFF00]  }
0x349: {  	v10 =	vadd.s32 v13, v10;
	v13 =	vld [tilespmem:s24+$0x0]  }
0x34a: {  	v10 =	vadd.s32 v14, v10;
	v14 =	vld [tilespmem:s24+$0x100]  }
0x34b: {  	v10 =	vadd.s32 v15, v10;
	v15 =	vld [tilespmem:s24+$0x200]  }
0x34c: {  	v10 =	vadd.s32 v11, v10;
	v11 =	vld [tilespmem:s24+$0x300]  }
0x34d: {  	v10 =	vadd.s32 v12, v10;
	v12 =	vld [tilespmem:s24+$0x400]  }
0x34e: {  	v10 =	vadd.s32 v13, v10;
	v13 =	vld [tilespmem:s24+$0x500]  }
0x34f: {  	v10 =	vadd.s32 v14, v10;
	v14 =	vld [tilespmem:s24+$0x600]  }
0x350: {  	s25 =	simm.s32 $0x29E0;
	v10 =	vadd.s32 v15, v10;
	v15 =	vld [tilespmem:s24+$0x700]  }
0x351: {  	v16 =	vld [tilespmem:s25+$0xFFFFF800];
	v10 =	vadd.s32 v11, v10  }
0x352: {  	v18 =	vld [tilespmem:s25+$0xFFFFFE00];
	v10 =	vadd.s32 v12, v10  }
0x353: {  	v11 =	vld [tilespmem:s25+$0xFFFFF900];
	v10 =	vadd.s32 v13, v10  }
0x354: {  	v12 =	vld [tilespmem:s25+$0xFFFFFA00];
	v10 =	vadd.s32 v14, v10  }
0x355: {  	v13 =	vld [tilespmem:s25+$0xFFFFFB00];
	v10 =	vadd.s32 v15, v10  }
0x356: {  	v14 =	vld [tilespmem:s25+$0xFFFFFC00];
	v17 =	vperm.xlane v10, v5  }
0x357: {  	v15 =	vld [tilespmem:s25+$0xFFFFFD00]  }
0x358: {  	v19 =	vld [tilespmem:s25+$0xFFFFFF00];
	v11 =	vadd.s32 v16, v11;
	(xrf0) =	vadd.scan.msk.s32 $0xffff, v17  }
0x359: {  	v16 =	vld [tilespmem:s25+$0x100];
	v11 =	vadd.s32 v12, v11  }
0x35a: {  	v17 =	vld [tilespmem:s25+$0x0];
	v11 =	vadd.s32 v13, v11  }
0x35b: {  	v12 =	vld [tilespmem:s25+$0x200];
	v11 =	vadd.s32 v14, v11  }
0x35c: {  	v13 =	vld [tilespmem:s25+$0x300];
	v11 =	vadd.s32 v15, v11  }
0x35d: {  	v14 =	vld [tilespmem:s25+$0x400];
	v11 =	vadd.s32 v18, v11  }
0x35e: {  	v15 =	vld [tilespmem:s25+$0x500];
	v11 =	vadd.s32 v19, v11;
	v20, _, _ =	vpop (xrf0)  }
0x35f: {  	v18 =	vld [tilespmem:s25+$0x600];
	v11 =	vadd.s32 v17, v11;
	v20 =	vperm.xlane v20, v5  }
0x360: {  	s26 =	simm.s32 $0x29D0;
	v19 =	vld [tilespmem:s25+$0x700];
	v11 =	vadd.s32 v16, v11  }
0x361: {  	v17 =	vld [tilespmem:s26+$0xFFFFF800];
	v11 =	vadd.s32 v12, v11;
	v21 =	vxor.u32 $0x80000000, v20  }
0x362: {  	v16 =	vld [tilespmem:s26+$0xFFFFF900];
	v11 =	vadd.s32 v13, v11;
	(xrf0) =	vmax.scan.msk.u32 $0xffff, v21  }
0x363: {  	v12 =	vld [tilespmem:s26+$0xFFFFFA00];
	v11 =	vadd.s32 v14, v11  }
0x364: {  	v13 =	vld [tilespmem:s26+$0xFFFFFB00];
	v11 =	vadd.s32 v15, v11  }
0x365: {  	v14 =	vld [tilespmem:s26+$0xFFFFFC00];
	v11 =	vadd.s32 v18, v11  }
0x366: {  	v15 =	vld [tilespmem:s26+$0xFFFFFD00];
	v19 =	vadd.s32 v19, v11  }
0x367: {  	v18 =	vld [tilespmem:s26+$0xFFFFFE00];
	v16 =	vadd.s32 v17, v16;
	v22 =	vperm.xlane v19, v5  }
0x368: {  	v23 =	vld [tilespmem:s26+$0x0];
	v12 =	vadd.s32 v12, v16;
	v21, _, _ =	vpop (xrf0)  }
0x369: {  	v58 =	vld [tilespmem:s26+$0x100];
	v12 =	vadd.s32 v13, v12;
	(xrf0) =	vadd.scan.msk.s32 $0xffff, v22;
	(v2sf) =	vpush v21, $0xF  }
0x36a: {  	s3 =	simm.s32 $0x29C0;
	v11 =	vld [tilespmem:s26+$0xFFFFFF00];
	v12 =	vadd.s32 v14, v12  }
0x36b: {  	s1 =	rddreg [dreg:$0x11];
	v59 =	vld [tilespmem:s3+$0xFFFFF800];
	v12 =	vadd.s32 v15, v12  }
0x36c: {  	s1 =	ssub.s32 s1, s20;
	v61 =	vld [tilespmem:s3+$0xFFFFFA00];
	v12 =	vadd.s32 v18, v12  }
0x36d: {  	v9 =	vmov s1;
	s1 =	simm.s32 $0x0;
	v10 =	vsub.s32 v20, v10;
	v17 =	vld [tilespmem:s26+$0x200]  }
0x36e: {  	v10 =	vadd.s32 s1, v10;
	v16 =	vld [tilespmem:s26+$0x300]  }
0x36f: {  	vm0 =	vlt.s32 v10, v9;
	v13 =	vld [tilespmem:s26+$0x400];
	v11 =	vadd.s32 v11, v12;
	v12, _, _ =	vpop (xrf0)  }
0x370: {  	v14 =	vld [tilespmem:s26+$0x500];
	v60 =	vperm.xlane v12, v5;
	v12 =	vsel vm0, $0x1, v2  }
0x371: {  	v15 =	vld [tilespmem:s26+$0x600];
	v10 =	vadd.s32 v23, v11;
	(xrf0) =	vadd.scan.msk.s32 $0xffff, v12  }
0x372: {  	v11 =	vld [tilespmem:s3+$0xFFFFF900];
	v10 =	vadd.s32 v58, v10  }
0x373: {  	v18 =	vld [tilespmem:s26+$0x700];
	v10 =	vadd.s32 v17, v10  }
0x374: {  	v17 =	vld [tilespmem:s3+$0xFFFFFB00];
	v10 =	vadd.s32 v16, v10;
	v12 =	vxor.u32 $0x80000000, v60  }
0x375: {  	v10 =	vadd.s32 v13, v10;
	(xrf0) =	vmax.scan.msk.u32 $0xffff, v12  }
0x376: {  	v10 =	vadd.s32 v14, v10  }
0x377: {  	v11 =	vadd.s32 v59, v11;
	v10 =	vadd.s32 v15, v10;
	v14, _, _ =	vpop (xrf0)  }
0x378: {  	v16 =	vld [tilespmem:s3+$0xFFFFFC00];
	v10 =	vadd.s32 v18, v10;
	v12 =	vadd.s32 v61, v11;
	s31 =	spop (v2sf);
	(v2sf) =	vpush v14, $0xF  }
0x379: {  	v62 =	vld [tilespmem:s3+$0xFFFFFD00];
	v13 =	vadd.s32 v17, v12;
	v17 =	vperm.xlane v10, v5  }
0x37a: {  	v63 =	vld [tilespmem:s3+$0xFFFFFE00]  }
0x37b: {  	v11 =	vld [tilespmem:s3+$0xFFFFFF00];
	(xrf0) =	vadd.scan.msk.s32 $0xffff, v17;
	v18, _, _ =	vpop (xrf0)  }
0x37c: {  	v12 =	vld [tilespmem:s3+$0x0];
	s2 =	sadd.s32 $0x0, s31;
	(v2sf) =	vpush v18, $0xF  }
0x37d: {  	v15 =	vsub.s32 v60, v19;
	v16 =	vadd.s32 v16, v13;
	v13 =	vld [tilespmem:s3+$0x100];
	s4 =	sadd.s32 $0x80000000, s2  }
0x37e: {  	s5 =	simm.s32 $0xF0;
	s9 =	simm.s32 $0xE0;
	s8 =	simm.s32 $0xD0;
	v16 =	vadd.s32 v62, v16;
	v14 =	vld [tilespmem:s3+$0x200];
	v19 =	vadd.s32 s4, v15  }
0x37f: {  	s7 =	simm.s32 $0xC0;
	s6 =	simm.s32 $0xB0;
	v16 =	vadd.s32 v63, v16;
	s2 =	simm.s32 $0xA0;
	v15 =	vld [tilespmem:s3+$0x300];
	vm0 =	vlt.s32 v19, v9  }
.LBB2_25:
0x380: {  	p0 =	sne.s32 s2, $0x0;
	v11 =	vadd.s32 v11, v16;
	v16 =	vld [tilespmem:s3+$0x400];
	v17 =	vsel vm0, $0x1, v2  }
0x381: {  	v11 =	vadd.s32 v12, v11;
	v12 =	vld [tilespmem:s3+$0x500];
	v18, _, _ =	vpop (xrf0);
	(xrf0) =	vadd.scan.msk.s32 $0xffff, v17  }
0x382: {  	v11 =	vadd.s32 v13, v11;
	v13 =	vld [tilespmem:s3+$0x600];
	v17 =	vperm.xlane v18, v5  }
0x383: {  	v11 =	vadd.s32 v14, v11;
	v14 =	vld [tilespmem:s3+$0x700];
	s3 =	sadd.s32 $0xFFFFFFF0, s3  }
0x384: {  	v18 =	vld [tilespmem:s3+$0xFFFFF800];
	v11 =	vadd.s32 v15, v11;
	v15 =	vsub.s32 v17, v10;
	v10 =	vxor.u32 $0x80000000, v17  }
0x385: {  	v17 =	vld [tilespmem:s3+$0xFFFFF900];
	v19 =	vadd.s32 v16, v11;
	(xrf0) =	vmax.scan.msk.u32 $0xffff, v10  }
0x386: {  	v16 =	vld [tilespmem:s3+$0xFFFFFA00];
	v10 =	vadd.s32 v12, v19  }
0x387: {  	v12 =	vld [tilespmem:s3+$0xFFFFFB00];
	v10 =	vadd.s32 v13, v10;
	v11, _, _ =	vpop (xrf0);
	s10 =	spop (v2sf)  }
0x388: {  	v13 =	vld [tilespmem:s3+$0xFFFFFC00];
	v10 =	vadd.s32 v14, v10;
	(v2sf) =	vpush v11, $0xF;
	p1 =	sgt.s32 s10, $0x0;
	s10 =	ssub.s32 $0x10, s10  }
0x389: {  	v14 =	vld [tilespmem:s3+$0xFFFFFD00];
	v19 =	vperm.xlane v10, v5;
	p2 =	slt.s32 s10, $0xF  }
0x38a: {  	v11 =	vadd.s32 v18, v17;
	v17 =	vld [tilespmem:s3+$0xFFFFFE00];
	s10 =	simm.s32 @!p2 $0xF  }
.Ltmp12:
0x38b: {  	v16 =	vadd.s32 v16, v11;
	v11 =	vld [tilespmem:s3+$0xFFFFFF00];
	(xrf0) =	vadd.scan.msk.s32 $0xffff, v19;
	v18, _, _ =	vpop (xrf0);
	s11 =	spop (v2sf);
	s5 =	sadd.s32 s5, s10;
	(pc) =	sbr.rel @p0 .LBB2_25-.Ltmp12, $4  }
0x38c: {  	v16 =	vadd.s32 v12, v16;
	v12 =	vld [tilespmem:s3+$0x0];
	(v2sf) =	vpush v18, $0xF;
	s4 =	sadd.s32 s11, s4;
	s1 =	smov.u32 @p1 s5;
	s5 =	smov.u32 s9  }
0x38d: {  	s9 =	smov.u32 s8;
	s8 =	smov.u32 s7;
	v16 =	vadd.s32 v13, v16;
	v13 =	vld [tilespmem:s3+$0x100];
	s4 =	sadd.s32 $0x80000000, s4  }
0x38e: {  	s7 =	smov.u32 s6;
	s6 =	smov.u32 s2;
	v16 =	vadd.s32 v14, v16;
	v14 =	vld [tilespmem:s3+$0x200];
	v18 =	vadd.s32 s4, v15  }
0x38f: {  	s2 =	sadd.s32 $0xFFFFFFF0, s2;
	v16 =	vadd.s32 v17, v16;
	v15 =	vld [tilespmem:s3+$0x300];
	vm0 =	vlt.s32 v18, v9  }
0x390: {  	v11 =	vadd.s32 v11, v16;
	v34 =	vld [tilespmem:s3+$0x400]  }
0x391: {  	v35 =	vld [tilespmem:s3+$0x500];
	v11 =	vadd.s32 v12, v11  }
0x392: {  	v36 =	vld [tilespmem:s3+$0x600];
	v11 =	vadd.s32 v13, v11  }
0x393: {  	v37 =	vld [tilespmem:s3+$0x700];
	v11 =	vadd.s32 v14, v11  }
0x394: {  	v11 =	vadd.s32 v15, v11  }
0x395: {  	v11 =	vadd.s32 v34, v11  }
0x396: {  	v38, _, _ =	vpop (xrf0);
	v11 =	vadd.s32 v35, v11  }
0x397: {  	v39 =	vperm.xlane v38, v5;
	v11 =	vadd.s32 v36, v11  }
0x398: {  	v40 =	vsel vm0, $0x1, v2;
	v11 =	vadd.s32 v37, v11  }
0x399: {  	(xrf0) =	vadd.scan.msk.s32 $0xffff, v40;
	v41 =	vxor.u32 $0x80000000, v39;
	v14 =	vperm.xlane v11, v5  }
0x39a: {  	(xrf0) =	vmax.scan.msk.u32 $0xffff, v41  }
0x39b: {  	(xrf0) =	vadd.scan.msk.s32 $0xffff, v14  }
0x39c: {  	s2 =	sadd.s32 $0xFFFFFFF0, s3  }
0x39d: {  	v42 =	vld [tilespmem:s2+$0xFFFFF800];
	s21 =	spop (v2sf)  }
0x39e: {  	v43 =	vld [tilespmem:s2+$0xFFFFF900];
	s10 =	spop (v2sf)  }
0x39f: {  	v44 =	vld [tilespmem:s2+$0xFFFFFA00];
	v45, _, _ =	vpop (xrf0);
	s4 =	sadd.s32 s10, s4  }
0x3a0: {  	v46 =	vld [tilespmem:s2+$0xFFFFFB00];
	v10 =	vsub.s32 v39, v10;
	v17, _, _ =	vpop (xrf0);
	s10 =	sadd.s32 $0x80000000, s4  }
0x3a1: {  	v18 =	vld [tilespmem:s2+$0xFFFFFC00];
	v10 =	vadd.s32 s10, v10;
	v19, _, _ =	vpop (xrf0)  }
0x3a2: {  	v20 =	vld [tilespmem:s2+$0xFFFFFD00];
	vm12 =	vlt.s32 v10, v9;
	v10 =	vperm.xlane v19, v5  }
0x3a3: {  	v47 =	vld [tilespmem:s2+$0xFFFFFE00];
	v13 =	vadd.s32 v42, v43;
	v48 =	vsel vm12, $0x1, v2  }
0x3a4: {  	v49 =	vld [tilespmem:s2+$0xFFFFFF00];
	v13 =	vadd.s32 v44, v13;
	(xrf0) =	vadd.scan.msk.s32 $0xffff, v48;
	v50 =	vxor.u32 $0x80000000, v10  }
0x3a5: {  	v51 =	vld [tilespmem:s2+$0x0];
	v12 =	vadd.s32 v46, v13;
	(xrf0) =	vmax.scan.msk.u32 $0xffff, v50  }
0x3a6: {  	v52 =	vld [tilespmem:s2+$0x100];
	v12 =	vadd.s32 v18, v12  }
0x3a7: {  	v53 =	vld [tilespmem:s2+$0x200];
	v12 =	vadd.s32 v20, v12  }
0x3a8: {  	v54 =	vld [tilespmem:s2+$0x300];
	v12 =	vadd.s32 v47, v12  }
0x3a9: {  	v55 =	vld [tilespmem:s2+$0x400];
	(v2sf) =	vpush v45, $0xF;
	v12 =	vadd.s32 v49, v12  }
0x3aa: {  	v56 =	vld [tilespmem:s2+$0x500];
	(v2sf) =	vpush v17, $0xF;
	v12 =	vadd.s32 v51, v12;
	v57, _, _ =	vpop (xrf0)  }
0x3ab: {  	v58 =	vld [tilespmem:s2+$0x600];
	v12 =	vadd.s32 v52, v12;
	(v2sf) =	vpush v57, $0xF;
	v59, _, _ =	vpop (xrf0)  }
0x3ac: {  	v60 =	vld [tilespmem:s2+$0x700];
	v12 =	vadd.s32 v53, v12;
	(v2sf) =	vpush v59, $0xF  }
0x3ad: {  	v12 =	vadd.s32 v54, v12  }
0x3ae: {  	v12 =	vadd.s32 v55, v12  }
0x3af: {  	v12 =	vadd.s32 v56, v12  }
0x3b0: {  	v12 =	vadd.s32 v58, v12  }
0x3b1: {  	v12 =	vadd.s32 v60, v12  }
0x3b2: {  	v61 =	vperm.xlane v12, v5  }
0x3b3: {  	[tilespmem:$0x3100] =	vst v7  }
0x3b4: {  	[tilespmem:$0x3280] =	vst v2;
	(xrf0) =	vadd.scan.msk.s32 $0xffff, v61  }
0x3b5: {  	[tilespmem:$0x3110] =	vst v7  }
0x3b6: {  	[tilespmem:$0x3290] =	vst v2  }
0x3b7: {  	[tilespmem:$0x3120] =	vst v7  }
0x3b8: {  	[tilespmem:$0x32A0] =	vst v2;
	s22 =	spop (v2sf)  }
0x3b9: {  	[tilespmem:$0x3130] =	vst v7;
	s23 =	spop (v2sf)  }
0x3ba: {  	[tilespmem:$0x32B0] =	vst v2;
	s10 =	sadd.s32 s23, s10;
	v13, _, _ =	vpop (xrf0);
	s24 =	spop (v2sf)  }
0x3bb: {  	[tilespmem:$0x3140] =	vst v7;
	v10 =	vsub.s32 v10, v11;
	s10 =	sadd.s32 $0x80000000, s10;
	v11 =	vperm.xlane v13, v5;
	s11 =	spop (v2sf)  }
0x3bc: {  	[tilespmem:$0x32C0] =	vst v2;
	v10 =	vadd.s32 s10, v10;
	s10 =	sadd.s32 s11, s10  }
0x3bd: {  	[tilespmem:$0x3150] =	vst v7;
	vm13 =	vlt.s32 v10, v9;
	v10 =	vsub.s32 v11, v12;
	s10 =	sadd.s32 $0x80000000, s10  }
0x3be: {  	[tilespmem:$0x32D0] =	vst v2;
	v62 =	vsel vm13, $0x1, v2;
	v10 =	vadd.s32 s10, v10  }
0x3bf: {  	[tilespmem:$0x3160] =	vst v7;
	(xrf0) =	vadd.scan.msk.s32 $0xffff, v62;
	v11 =	vxor.u32 $0x80000000, v11;
	vm14 =	vlt.s32 v10, v9  }
0x3c0: {  	[tilespmem:$0x32E0] =	vst v2;
	(xrf0) =	vmax.scan.msk.u32 $0xffff, v11;
	v9 =	vsel vm14, $0x1, v2  }
0x3c1: {  	[tilespmem:$0x3170] =	vst v7;
	(xrf0) =	vadd.scan.msk.s32 $0xffff, v9  }
0x3c2: {  	[tilespmem:$0x32F0] =	vst v2  }
0x3c3: {  	[tilespmem:$0x3180] =	vst v7  }
0x3c4: {  	[tilespmem:$0x3300] =	vst v2  }
0x3c5: {  	[tilespmem:$0x3190] =	vst v7;
	v9, _, _ =	vpop (xrf0)  }
0x3c6: {  	[tilespmem:$0x3310] =	vst v2;
	(v2sf) =	vpush v9, $0xF;
	v9, _, _ =	vpop (xrf0)  }
0x3c7: {  	[tilespmem:$0x31A0] =	vst v7;
	(v2sf) =	vpush v9, $0xF;
	v9, _, _ =	vpop (xrf0)  }
0x3c8: {  	[tilespmem:$0x3320] =	vst v2;
	(v2sf) =	vpush v9, $0xF  }
0x3c9: {  	[tilespmem:$0x31B0] =	vst v7  }
0x3ca: {  	[tilespmem:$0x3330] =	vst v2  }
0x3cb: {  	[tilespmem:$0x31C0] =	vst v7  }
0x3cc: {  	[tilespmem:$0x3340] =	vst v2  }
0x3cd: {  	[tilespmem:$0x31D0] =	vst v7  }
0x3ce: {  	[tilespmem:$0x3350] =	vst v2  }
0x3cf: {  	[tilespmem:$0x31E0] =	vst v7  }
0x3d0: {  	[tilespmem:$0x3360] =	vst v2;
	s10 =	ssub.s32 $0x10, s21  }
0x3d1: {  	[tilespmem:$0x31F0] =	vst v7;
	s11 =	ssub.s32 $0x10, s22;
	p0 =	slt.s32 s10, $0xF  }
0x3d2: {  	[tilespmem:$0x3370] =	vst v2;
	s4 =	ssub.s32 $0x10, s24;
	p1 =	slt.s32 s11, $0xF;
	s10 =	simm.s32 @!p0 $0xF  }
0x3d3: {  	[tilespmem:$0x3200] =	vst v7;
	s11 =	simm.s32 @!p1 $0xF;
	p0 =	sgt.s32 s21, $0x0;
	s3 =	sadd.s32 s5, s10  }
0x3d4: {  	[tilespmem:$0x3380] =	vst v2;
	s1 =	smov.u32 @p0 s3;
	p0 =	sgt.s32 s22, $0x0;
	s3 =	sadd.s32 s9, s11  }
0x3d5: {  	[tilespmem:$0x3210] =	vst v7;
	s1 =	smov.u32 @p0 s3;
	p0 =	slt.s32 s4, $0xF;
	s25 =	spop (v2sf)  }
0x3d6: {  	[tilespmem:$0x3390] =	vst v2;
	p1 =	sgt.s32 s24, $0x0;
	s4 =	simm.s32 @!p0 $0xF;
	s26 =	spop (v2sf)  }
0x3d7: {  	[tilespmem:$0x3220] =	vst v7;
	s2 =	sadd.s32 s8, s4;
	s3 =	ssub.s32 $0x10, s25;
	s31 =	spop (v2sf)  }
0x3d8: {  	[tilespmem:$0x33A0] =	vst v2;
	s1 =	smov.u32 @p1 s2;
	p0 =	slt.s32 s3, $0xF;
	s8 =	ssub.s32 $0x10, s31  }
0x3d9: {  	[tilespmem:$0x3230] =	vst v7;
	s2 =	simm.s32 $0x0;
	s3 =	simm.s32 @!p0 $0xF;
	p0 =	slt.s32 s8, $0xF  }
0x3da: {  	[tilespmem:$0x33B0] =	vst v2;
	p1 =	sgt.s32 s25, $0x0;
	s3 =	sadd.s32 s7, s3;
	s8 =	simm.s32 @!p0 $0xF  }
0x3db: {  	v10 =	vld [tilespmem:s2+$0x0];
	s1 =	smov.u32 @p1 s3;
	p0 =	sgt.s32 s31, $0x0;
	s3 =	sadd.s32 s6, s8  }
0x3dc: {  	s1 =	smov.u32 @p0 s3  }
0x3dd: {  	s0 =	sor.u32 s0, s1  }
0x3de: {  	s0 =	sxor.u32 $0x80000000, s0  }
0x3df: {  	v9 =	vmov s0  }
0x3e0: {  	vm15 =	vge.s32 v10, v9  }
0x3e1: {  	v11 =	vsel vm15, $0x1, v2  }
0x3e2: {  	(xrf0) =	vadd.scan.msk.s32 $0xffff, v11;
	_ =	sdelay $0x5  }
0x3e3: {  	v63, _, _ =	vpop (xrf0)  }
0x3e4: {  	v11 =	vsub.s32 v63, v11;
	v12 =	vxor.u32 $0x80000000, v63  }
0x3e5: {  	v11 =	vadd.s32 s2, v11;
	(xrf0) =	vmax.scan.msk.u32 $0xffff, v12  }
0x3e6: {  	vm1 =	vlt.s32 v11, $0x140  }
0x3e7: {  	vm0 =	vmand vm15, vm1;
	_ =	sdelay $0x3  }
0x3e8: {  	v12, _, _ =	vpop (xrf0)  }
0x3e9: {  	(v2sf) =	vpush v12, $0xF  }
0x3ea: {  	[tilespmem:v11+s15+$0x0] =	vst.idx.msk vm0, v10;
	v10 =	vor.u32 s2, v0  }
0x3eb: {  	s0 =	simm.s32 $0x10;
	[tilespmem:v11+s16+$0x0] =	vst.idx.msk vm0, v10  }
0x3ec: {  	s3 =	simm.s32 $0x10;
	s1 =	simm.s32 $0x20;
	v10 =	vld [tilespmem:s0+$0x0]  }
.LBB2_27:
0x3ed: {  	p0 =	sne.s32 s1, $0x20C0;
	_ =	sdelay $0x3  }
0x3ee: {  	vm0 =	vge.s32 v10, v9  }
0x3ef: {  	v11 =	vsel vm0, $0x1, v2  }
0x3f0: {  	(xrf0) =	vadd.scan.msk.s32 $0xffff, v11;
	_ =	sdelay $0x4  }
0x3f1: {  	s4 =	spop (v2sf)  }
0x3f2: {  	v12, _, _ =	vpop (xrf0);
	s2 =	sadd.s32 s4, s2  }
0x3f3: {  	v11 =	vsub.s32 v12, v11;
	v12 =	vxor.u32 $0x80000000, v12;
	s2 =	sadd.s32 $0x80000000, s2  }
0x3f4: {  	v11 =	vadd.s32 s2, v11;
	(xrf0) =	vmax.scan.msk.u32 $0xffff, v12  }
0x3f5: {  	vm1 =	vlt.s32 v11, $0x140  }
0x3f6: {  	vm0 =	vmand vm0, vm1;
	_ =	sdelay $0x3  }
.Ltmp13:
0x3f7: {  	v12, _, _ =	vpop (xrf0);
	(pc) =	sbr.rel @p0 .LBB2_27-.Ltmp13, $4  }
0x3f8: {  	(v2sf) =	vpush v12, $0xF  }
0x3f9: {  	[tilespmem:v11+s15+$0x0] =	vst.idx.msk vm0, v10;
	v10 =	vor.u32 s0, v0;
	s0 =	smov.u32 s1  }
0x3fa: {  	s3 =	sadd.s32 $0x10, s3;
	[tilespmem:v11+s16+$0x0] =	vst.idx.msk vm0, v10  }
0x3fb: {  	s1 =	sadd.s32 $0x10, s1;
	v10 =	vld [tilespmem:s3+$0x0]  }
0x3fc: {  	_ =	sdelay $0x3  }
0x3fd: {  	vm0 =	vge.s32 v10, v9  }
0x3fe: {  	v9 =	vsel vm0, $0x1, v2  }
0x3ff: {  	(xrf0) =	vadd.scan.msk.s32 $0xffff, v9;
	_ =	sdelay $0x4  }
0x400: {  	s1 =	spop (v2sf)  }
0x401: {  	v11, _, _ =	vpop (xrf0);
	s1 =	sadd.s32 s1, s2  }
0x402: {  	v9 =	vsub.s32 v11, v9;
	s1 =	sadd.s32 $0x80000000, s1  }
0x403: {  	v9 =	vadd.s32 s1, v9  }
0x404: {  	vm1 =	vlt.s32 v9, $0x140  }
0x405: {  	vm0 =	vmand vm0, vm1;
	_ =	sdelay $0x5  }
0x406: {  	[tilespmem:v9+s15+$0x0] =	vst.idx.msk vm0, v10;
	v10 =	vor.u32 s0, v0  }
0x407: {  	[tilespmem:v9+s16+$0x0] =	vst.idx.msk vm0, v10  }
0x408: {  	v9 =	vld [tilespmem:$0x3100]  }
0x409: {  	v10 =	vld [tilespmem:$0x3110]  }
0x40a: {  	v12 =	vld [tilespmem:$0x3120]  }
0x40b: {  	v13 =	vld [tilespmem:$0x3130]  }
0x40c: {  	v14 =	vld [tilespmem:$0x3140]  }
0x40d: {  	v15 =	vld [tilespmem:$0x3150]  }
0x40e: {  	v16 =	vld [tilespmem:$0x3160];
	v9 =	vand.u32 $0x1, v9;
	v10 =	vand.u32 $0x1, v10  }
0x40f: {  	v51 =	vld [tilespmem:$0x3170];
	v9 =	vadd.s32 v9, v10;
	v10 =	vand.u32 $0x1, v12  }
0x410: {  	v52 =	vld [tilespmem:$0x3180];
	v9 =	vadd.s32 v9, v10;
	v10 =	vand.u32 $0x1, v13  }
0x411: {  	v53 =	vld [tilespmem:$0x3190];
	v9 =	vadd.s32 v9, v10;
	v10 =	vand.u32 $0x1, v14  }
0x412: {  	v54 =	vld [tilespmem:$0x31A0];
	v9 =	vadd.s32 v9, v10;
	v10 =	vand.u32 $0x1, v15  }
0x413: {  	v55 =	vld [tilespmem:$0x31B0];
	v9 =	vadd.s32 v9, v10;
	v10 =	vand.u32 $0x1, v16  }
0x414: {  	v56 =	vld [tilespmem:$0x31C0];
	v9 =	vadd.s32 v9, v10;
	v10 =	vand.u32 $0x1, v51  }
0x415: {  	v57 =	vld [tilespmem:$0x31D0];
	v9 =	vadd.s32 v9, v10;
	v10 =	vand.u32 $0x1, v52  }
0x416: {  	v58 =	vld [tilespmem:$0x31E0];
	v9 =	vadd.s32 v9, v10;
	v10 =	vand.u32 $0x1, v53  }
0x417: {  	v59 =	vld [tilespmem:$0x31F0];
	v9 =	vadd.s32 v9, v10;
	v10 =	vand.u32 $0x1, v54  }
0x418: {  	v60 =	vld [tilespmem:$0x3200];
	v9 =	vadd.s32 v9, v10;
	v10 =	vand.u32 $0x1, v55  }
0x419: {  	v61 =	vld [tilespmem:$0x3210];
	v9 =	vadd.s32 v9, v10;
	v10 =	vand.u32 $0x1, v56  }
0x41a: {  	v62 =	vld [tilespmem:$0x3220];
	v9 =	vadd.s32 v9, v10;
	v10 =	vand.u32 $0x1, v57  }
0x41b: {  	v63 =	vld [tilespmem:$0x3230];
	v9 =	vadd.s32 v9, v10;
	v10 =	vand.u32 $0x1, v58  }
0x41c: {  	v9 =	vadd.s32 v9, v10;
	v10 =	vand.u32 $0x1, v59  }
0x41d: {  	v9 =	vadd.s32 v9, v10;
	v10 =	vand.u32 $0x1, v60  }
0x41e: {  	v9 =	vadd.s32 v9, v10;
	v10 =	vand.u32 $0x1, v61  }
0x41f: {  	v9 =	vadd.s32 v9, v10;
	v10 =	vand.u32 $0x1, v62  }
0x420: {  	v9 =	vadd.s32 v9, v10;
	v10 =	vxor.u32 $0x80000000, v11;
	v11 =	vand.u32 $0x1, v63  }
0x421: {  	(xrf0) =	vmax.scan.msk.u32 $0xffff, v10;
	v9 =	vadd.s32 v9, v11  }
0x422: {  	(xrf0) =	vadd.scan.msk.s32 $0xffff, v9;
	_ =	sdelay $0x4  }
0x423: {  	v9, _, _ =	vpop (xrf0)  }
0x424: {  	(v2sf) =	vpush v9, $0xF;
	v9, _, _ =	vpop (xrf0)  }
0x425: {  	(v2sf) =	vpush v9, $0xF;
	_ =	sdelay $0xd  }
0x426: {  	s31 =	spop (v2sf)  }
0x427: {  	s0 =	simm.s32 $0x0;
	s2 =	spop (v2sf)  }
.LBB2_29:
0x428: {  	s1 =	sshll.u32 s0, $0x1;
	s3 =	sshllo.u32 s0, $0x1;
	v11 =	vmov s2;
	s2 =	simm.s32 $0x0;
	v12 =	vimm.s32 $0x0;
	v15 =	vimm.s32 $0x0  }
0x429: {  	v13 =	vimm.s32 $0x0;
	v14 =	vmov s1;
	v9 =	vmov s3;
	v10 =	vld [tilespmem:s2+$0x3100];
	s3 =	simm.s32 $0x40  }
.LBB2_30:
0x42a: {  	p0 =	sne.s32 s3, $0x4C0;
	_ =	sdelay $0x3  }
0x42b: {  	v16 =	vxor.u32 $0x7FFFFFFF, v10  }
0x42c: {  	v17 =	vshrl.u32 v16, v14;
	v16 =	vshrl.u32 v16, v9  }
0x42d: {  	v17 =	vand.u32 $0x1, v17;
	v16 =	vandn.u32 $0x1, v16  }
0x42e: {  	v18 =	vxor.u32 $0x1, v17;
	v12 =	vadd.s32 v12, v16;
	(xrf0) =	vadd.scan.msk.s32 $0xffff, v17  }
0x42f: {  	(xrf0) =	vadd.scan.msk.s32 $0xffff, v18;
	_ =	sdelay $0x4  }
0x430: {  	v16 =	vadd.s32 v11, v15;
	v19, _, _ =	vpop (xrf0)  }
0x431: {  	v18 =	vsub.s32 v13, v18;
	v16 =	vsub.s32 v16, v17;
	v20 =	vperm.xlane v19, v8;
	v21, _, _ =	vpop (xrf0)  }
0x432: {  	vm0 =	veq.s32 v17, $0x0;
	v16 =	vadd.s32 v19, v16;
	v17 =	vadd.s32 v21, v18  }
0x433: {  	v16 =	vsel vm0, v17, v16;
	v17 =	vperm.xlane v21, v8;
	v15 =	vadd.s32 v15, v20  }
0x434: {  	v18 =	vld [tilespmem:s2+$0x3280]  }
0x435: {  	v13 =	vadd.s32 v13, v17  }
.Ltmp14:
0x436: {  	(pc) =	sbr.rel @p0 .LBB2_30-.Ltmp14, $4  }
0x437: {  	_ = 	snop  }
0x438: {  	[tilespmem:v16+s17+$0x0] =	vst.idx.msk $0xffff, v10  }
0x439: {  	s2 =	sshra.s32 s3, $0x2;
	[tilespmem:v16+s18+$0x0] =	vst.idx.msk $0xffff, v18  }
0x43a: {  	s3 =	sadd.s32 $0x40, s3;
	v10 =	vld [tilespmem:s2+$0x3100]  }
0x43b: {  	_ =	sdelay $0x3  }
0x43c: {  	v16 =	vxor.u32 $0x7FFFFFFF, v10  }
0x43d: {  	v14 =	vshrl.u32 v16, v14  }
0x43e: {  	v14 =	vand.u32 $0x1, v14  }
0x43f: {  	v17 =	vxor.u32 $0x1, v14;
	(xrf0) =	vadd.scan.msk.s32 $0xffff, v14  }
0x440: {  	(xrf0) =	vadd.scan.msk.s32 $0xffff, v17;
	_ =	sdelay $0x1  }
0x441: {  	v16 =	vshrl.u32 v16, v9  }
0x442: {  	v16 =	vandn.u32 $0x1, v16;
	_ =	sdelay $0x1  }
0x443: {  	v11 =	vadd.s32 v11, v15;
	v15, _, _ =	vpop (xrf0)  }
0x444: {  	v12 =	vadd.s32 v12, v16;
	v11 =	vsub.s32 v11, v14;
	v13 =	vsub.s32 v13, v17;
	v16, _, _ =	vpop (xrf0)  }
0x445: {  	vm0 =	veq.s32 v14, $0x0;
	v11 =	vadd.s32 v15, v11;
	v13 =	vadd.s32 v16, v13  }
0x446: {  	(xrf0) =	vadd.scan.msk.s32 $0xffff, v12;
	v11 =	vsel vm0, v13, v11  }
0x447: {  	v12 =	vld [tilespmem:s2+$0x3280];
	_ =	sdelay $0x2  }
0x448: {  	s1 =	smin.u32 s1, $0x1D  }
0x449: {  	s1 =	sadd.s32 $0x2, s1;
	[tilespmem:v11+s17+$0x0] =	vst.idx.msk $0xffff, v10  }
0x44a: {  	v14 =	vimm.s32 $0x0;
	v15 =	vmov s1;
	s1 =	simm.s32 $0x0;
	v10, _, _ =	vpop (xrf0);
	[tilespmem:v11+s18+$0x0] =	vst.idx.msk $0xffff, v12  }
0x44b: {  	s2 =	simm.s32 $0x40;
	v13 =	vimm.s32 $0x0;
	v10 =	vbroadcast v10, $0xF;
	v12 =	vimm.s32 $0x0;
	v11 =	vld [tilespmem:s1+$0x3400]  }
.LBB2_32:
0x44c: {  	p0 =	sne.s32 s2, $0x4C0;
	_ =	sdelay $0x3  }
0x44d: {  	v16 =	vxor.u32 $0x7FFFFFFF, v11  }
0x44e: {  	v17 =	vshrl.u32 v16, v9;
	v16 =	vshrl.u32 v16, v15  }
0x44f: {  	v17 =	vand.u32 $0x1, v17;
	v16 =	vandn.u32 $0x1, v16  }
0x450: {  	v18 =	vxor.u32 $0x1, v17;
	v14 =	vadd.s32 v14, v16;
	(xrf0) =	vadd.scan.msk.s32 $0xffff, v17  }
0x451: {  	(xrf0) =	vadd.scan.msk.s32 $0xffff, v18;
	_ =	sdelay $0x4  }
0x452: {  	v16 =	vadd.s32 v10, v12;
	v19, _, _ =	vpop (xrf0)  }
0x453: {  	v18 =	vsub.s32 v13, v18;
	v16 =	vsub.s32 v16, v17;
	v20 =	vperm.xlane v19, v8;
	v21, _, _ =	vpop (xrf0)  }
0x454: {  	vm0 =	veq.s32 v17, $0x0;
	v16 =	vadd.s32 v19, v16;
	v17 =	vadd.s32 v21, v18  }
0x455: {  	v16 =	vsel vm0, v17, v16;
	v17 =	vperm.xlane v21, v8;
	v12 =	vadd.s32 v12, v20  }
0x456: {  	v18 =	vld [tilespmem:s1+$0x3580]  }
0x457: {  	v13 =	vadd.s32 v13, v17  }
.Ltmp15:
0x458: {  	(pc) =	sbr.rel @p0 .LBB2_32-.Ltmp15, $4  }
0x459: {  	_ = 	snop  }
0x45a: {  	[tilespmem:v16+s15+$0x0] =	vst.idx.msk $0xffff, v11  }
0x45b: {  	s1 =	sshra.s32 s2, $0x2;
	[tilespmem:v16+s16+$0x0] =	vst.idx.msk $0xffff, v18  }
0x45c: {  	s2 =	sadd.s32 $0x40, s2;
	v11 =	vld [tilespmem:s1+$0x3400]  }
0x45d: {  	_ =	sdelay $0x3  }
0x45e: {  	v16 =	vxor.u32 $0x7FFFFFFF, v11  }
0x45f: {  	v9 =	vshrl.u32 v16, v9  }
0x460: {  	v15 =	vshrl.u32 v16, v15;
	v9 =	vand.u32 $0x1, v9  }
0x461: {  	v15 =	vandn.u32 $0x1, v15;
	v60 =	vxor.u32 $0x1, v9;
	(xrf0) =	vadd.scan.msk.s32 $0xffff, v9  }
0x462: {  	v14 =	vadd.s32 v14, v15;
	(xrf0) =	vadd.scan.msk.s32 $0xffff, v60  }
0x463: {  	(xrf0) =	vadd.scan.msk.s32 $0xffff, v14;
	_ =	sdelay $0x3  }
0x464: {  	v61, _, _ =	vpop (xrf0)  }
0x465: {  	v62, _, _ =	vpop (xrf0)  }
0x466: {  	v17, _, _ =	vpop (xrf0)  }
0x467: {  	(v2sf) =	vpush v17, $0xF;
	_ =	sdelay $0x5  }
0x468: {  	v10 =	vadd.s32 v10, v12  }
0x469: {  	v10 =	vsub.s32 v10, v9;
	v63 =	vsub.s32 v13, v60  }
0x46a: {  	vm0 =	veq.s32 v9, $0x0;
	v10 =	vadd.s32 v61, v10;
	v9 =	vadd.s32 v62, v63  }
0x46b: {  	s0 =	sadd.s32 $0x1, s0;
	v9 =	vsel vm0, v9, v10  }
0x46c: {  	p0 =	sne.s32 s0, $0x10;
	v10 =	vld [tilespmem:s1+$0x3580]  }
.Ltmp16:
0x46d: {  	_ = 	snop;
	(pc) =	sbr.rel @p0 .LBB2_29-.Ltmp16, $3  }
0x46e: {  	_ =	sdelay $0x1  }
0x46f: {  	[tilespmem:v9+s15+$0x0] =	vst.idx.msk $0xffff, v11  }
0x470: {  	[tilespmem:v9+s16+$0x0] =	vst.idx.msk $0xffff, v10;
	s2 =	spop (v2sf)  }
0x471: {  	s0 =	simm.s32 $0x0  }
0x472: {  	s1 =	simm.s32 $0x40;
	v9 =	vld [tilespmem:s0+$0x3280]  }
.LBB2_35:
0x473: {  	p0 =	sne.s32 s1, $0x480  }
.Ltmp17:
0x474: {  	_ = 	snop;
	(pc) =	sbr.rel @p0 .LBB2_35-.Ltmp17, $3  }
0x475: {  	_ =	sdelay $0x1  }
0x476: {  	s2 =	sshra.s32 s1, $0x2;
	s1 =	sadd.s32 $0x40, s1;
	[tilespmem:s0+$0x3700] =	vst v9;
	v10 =	vadd.s32 v1, v9  }
0x477: {  	v9 =	vld [tilespmem:s2+$0x3280];
	[tilespmem:s0+$0x3880] =	vst v10;
	s0 =	smov.u32 s2  }
0x478: {  	_ =	sdelay $0x3  }
0x479: {  	[tilespmem:s0+$0x3700] =	vst v9;
	v9 =	vadd.s32 v1, v9  }
0x47a: {  	[tilespmem:s0+$0x3880] =	vst v9  }
0x47b: {  	v9 =	vld [tilespmem:$0x3880];
	_ =	sdelay $0x4  }
0x47c: {  	v10 =	vshll.u32 v9, $0x1  }
0x47d: {  	v9 =	vand.u32 $0x7, v9;
	v10 =	vand.u32 $0xFFFFFFF0, v10  }
0x47e: {  	v12 =	vor.u32 v9, v10;
	v9 =	vand.u32 $0x7, v0;
	v10 =	vshrl.u32 v0, $0x3  }
0x47f: {  	v13 =	vperm.xlane v12, v9;
	v10 =	vmul.u32 $0x8, v10  }
0x480: {  	v11 =	vor.u32 $0x8, v0  }
0x481: {  	v12 =	vperm.xlane v12, v11;
	v13 =	vadd.s32 v10, v13;
	_ =	sdelay $0x1  }
0x482: {  	v12 =	vadd.s32 v10, v12;
	_ =	sdelay $0x1  }
0x483: {  	vm0 =	vmmov $0xffff;
	s1 =	rddreg [dreg:$0x2];
	s2 =	simm.s32 $0x9000;
	s0 =	simm.s32 $0x0  }
0x484: {  	[tilespmem:s2], [sflag:$0x1] =	stream.indirect_vreg.gather [hbm4b:s1+s0], $0x80, v13, vm0, $0xb8;
	[tilespmem:$0x12800] =	vst v63  }
0x485: {  	s4 =	simm.s32 $0x9800  }
0x486: {  	[tilespmem:s4], [sflag:$0x1] =	stream.indirect_vreg.gather [hbm4b:s1+s0], $0x80, v12, vm0, $0xb8;
	[tilespmem:$0x12800] =	vst v63  }
0x487: {  	v12 =	vld [tilespmem:$0x3890];
	_ =	sdelay $0x4  }
0x488: {  	v13 =	vshll.u32 v12, $0x1  }
0x489: {  	v12 =	vand.u32 $0x7, v12;
	v13 =	vand.u32 $0xFFFFFFF0, v13  }
0x48a: {  	v12 =	vor.u32 v12, v13  }
0x48b: {  	v13 =	vperm.xlane v12, v9;
	_ =	sdelay $0x1  }
0x48c: {  	v12 =	vperm.xlane v12, v11;
	v13 =	vadd.s32 v10, v13;
	_ =	sdelay $0x1  }
0x48d: {  	v12 =	vadd.s32 v10, v12;
	_ =	sdelay $0x1  }
0x48e: {  	s6 =	simm.s32 $0xA000  }
0x48f: {  	[tilespmem:s6], [sflag:$0x1] =	stream.indirect_vreg.gather [hbm4b:s1+s0], $0x80, v13, vm0, $0xb8;
	[tilespmem:$0x12800] =	vst v63  }
0x490: {  	s7 =	simm.s32 $0xA800  }
0x491: {  	[tilespmem:s7], [sflag:$0x1] =	stream.indirect_vreg.gather [hbm4b:s1+s0], $0x80, v12, vm0, $0xb8;
	[tilespmem:$0x12800] =	vst v63  }
0x492: {  	v12 =	vld [tilespmem:$0x38A0];
	_ =	sdelay $0x4  }
0x493: {  	v13 =	vshll.u32 v12, $0x1  }
0x494: {  	v12 =	vand.u32 $0x7, v12;
	v13 =	vand.u32 $0xFFFFFFF0, v13  }
0x495: {  	v12 =	vor.u32 v12, v13  }
0x496: {  	v13 =	vperm.xlane v12, v9;
	_ =	sdelay $0x1  }
0x497: {  	v12 =	vperm.xlane v12, v11;
	v13 =	vadd.s32 v10, v13;
	_ =	sdelay $0x1  }
0x498: {  	v12 =	vadd.s32 v10, v12;
	_ =	sdelay $0x1  }
0x499: {  	s9 =	simm.s32 $0xB000  }
0x49a: {  	[tilespmem:s9], [sflag:$0x1] =	stream.indirect_vreg.gather [hbm4b:s1+s0], $0x80, v13, vm0, $0xb8;
	[tilespmem:$0x12800] =	vst v63  }
0x49b: {  	s10 =	simm.s32 $0xB800  }
0x49c: {  	[tilespmem:s10], [sflag:$0x1] =	stream.indirect_vreg.gather [hbm4b:s1+s0], $0x80, v12, vm0, $0xb8;
	[tilespmem:$0x12800] =	vst v63  }
0x49d: {  	v12 =	vld [tilespmem:$0x38B0];
	_ =	sdelay $0x4  }
0x49e: {  	v13 =	vshll.u32 v12, $0x1  }
0x49f: {  	v12 =	vand.u32 $0x7, v12;
	v13 =	vand.u32 $0xFFFFFFF0, v13  }
0x4a0: {  	v12 =	vor.u32 v12, v13  }
0x4a1: {  	v13 =	vperm.xlane v12, v9;
	_ =	sdelay $0x1  }
0x4a2: {  	v12 =	vperm.xlane v12, v11;
	v13 =	vadd.s32 v10, v13;
	_ =	sdelay $0x1  }
0x4a3: {  	v12 =	vadd.s32 v10, v12;
	_ =	sdelay $0x1  }
0x4a4: {  	s11 =	simm.s32 $0xC000  }
0x4a5: {  	[tilespmem:s11], [sflag:$0x1] =	stream.indirect_vreg.gather [hbm4b:s1+s0], $0x80, v13, vm0, $0xb8;
	[tilespmem:$0x12800] =	vst v63  }
0x4a6: {  	s12 =	simm.s32 $0xC800  }
0x4a7: {  	[tilespmem:s12], [sflag:$0x1] =	stream.indirect_vreg.gather [hbm4b:s1+s0], $0x80, v12, vm0, $0xb8;
	[tilespmem:$0x12800] =	vst v63  }
0x4a8: {  	v12 =	vld [tilespmem:$0x38C0];
	_ =	sdelay $0x4  }
0x4a9: {  	v13 =	vshll.u32 v12, $0x1  }
0x4aa: {  	v12 =	vand.u32 $0x7, v12;
	v13 =	vand.u32 $0xFFFFFFF0, v13  }
0x4ab: {  	v12 =	vor.u32 v12, v13  }
0x4ac: {  	v13 =	vperm.xlane v12, v9;
	_ =	sdelay $0x1  }
0x4ad: {  	v12 =	vperm.xlane v12, v11;
	v13 =	vadd.s32 v10, v13;
	_ =	sdelay $0x1  }
0x4ae: {  	v12 =	vadd.s32 v10, v12;
	_ =	sdelay $0x1  }
0x4af: {  	s13 =	simm.s32 $0xD000  }
0x4b0: {  	[tilespmem:s13], [sflag:$0x1] =	stream.indirect_vreg.gather [hbm4b:s1+s0], $0x80, v13, vm0, $0xb8;
	[tilespmem:$0x12800] =	vst v63  }
0x4b1: {  	s19 =	simm.s32 $0xD800  }
0x4b2: {  	[tilespmem:s19], [sflag:$0x1] =	stream.indirect_vreg.gather [hbm4b:s1+s0], $0x80, v12, vm0, $0xb8;
	[tilespmem:$0x12800] =	vst v63  }
0x4b3: {  	v12 =	vld [tilespmem:$0x38D0];
	_ =	sdelay $0x4  }
0x4b4: {  	v13 =	vshll.u32 v12, $0x1  }
0x4b5: {  	v12 =	vand.u32 $0x7, v12;
	v13 =	vand.u32 $0xFFFFFFF0, v13  }
0x4b6: {  	v12 =	vor.u32 v12, v13  }
0x4b7: {  	v13 =	vperm.xlane v12, v9;
	_ =	sdelay $0x1  }
0x4b8: {  	v12 =	vperm.xlane v12, v11;
	v13 =	vadd.s32 v10, v13;
	_ =	sdelay $0x1  }
0x4b9: {  	v12 =	vadd.s32 v10, v12;
	_ =	sdelay $0x1  }
0x4ba: {  	s20 =	simm.s32 $0xE000  }
0x4bb: {  	[tilespmem:s20], [sflag:$0x1] =	stream.indirect_vreg.gather [hbm4b:s1+s0], $0x80, v13, vm0, $0xb8;
	[tilespmem:$0x12800] =	vst v63  }
0x4bc: {  	s21 =	simm.s32 $0xE800  }
0x4bd: {  	[tilespmem:s21], [sflag:$0x1] =	stream.indirect_vreg.gather [hbm4b:s1+s0], $0x80, v12, vm0, $0xb8;
	[tilespmem:$0x12800] =	vst v63  }
0x4be: {  	v12 =	vld [tilespmem:$0x38E0];
	_ =	sdelay $0x4  }
0x4bf: {  	v13 =	vshll.u32 v12, $0x1  }
0x4c0: {  	v12 =	vand.u32 $0x7, v12;
	v13 =	vand.u32 $0xFFFFFFF0, v13  }
0x4c1: {  	v12 =	vor.u32 v12, v13  }
0x4c2: {  	v13 =	vperm.xlane v12, v9;
	_ =	sdelay $0x1  }
0x4c3: {  	v12 =	vperm.xlane v12, v11;
	v13 =	vadd.s32 v10, v13;
	_ =	sdelay $0x1  }
0x4c4: {  	v12 =	vadd.s32 v10, v12;
	_ =	sdelay $0x1  }
0x4c5: {  	s22 =	simm.s32 $0xF000  }
0x4c6: {  	[tilespmem:s22], [sflag:$0x1] =	stream.indirect_vreg.gather [hbm4b:s1+s0], $0x80, v13, vm0, $0xb8;
	[tilespmem:$0x12800] =	vst v63  }
0x4c7: {  	s23 =	simm.s32 $0xF800  }
0x4c8: {  	[tilespmem:s23], [sflag:$0x1] =	stream.indirect_vreg.gather [hbm4b:s1+s0], $0x80, v12, vm0, $0xb8;
	[tilespmem:$0x12800] =	vst v63  }
0x4c9: {  	v12 =	vld [tilespmem:$0x38F0];
	_ =	sdelay $0x4  }
0x4ca: {  	v13 =	vshll.u32 v12, $0x1  }
0x4cb: {  	v12 =	vand.u32 $0x7, v12;
	v13 =	vand.u32 $0xFFFFFFF0, v13  }
0x4cc: {  	v12 =	vor.u32 v12, v13  }
0x4cd: {  	v13 =	vperm.xlane v12, v9;
	_ =	sdelay $0x1  }
0x4ce: {  	v12 =	vperm.xlane v12, v11;
	v13 =	vadd.s32 v10, v13;
	_ =	sdelay $0x1  }
0x4cf: {  	v12 =	vadd.s32 v10, v12;
	_ =	sdelay $0x1  }
0x4d0: {  	s24 =	simm.s32 $0x10000  }
0x4d1: {  	[tilespmem:s24], [sflag:$0x1] =	stream.indirect_vreg.gather [hbm4b:s1+s0], $0x80, v13, vm0, $0xb8;
	[tilespmem:$0x12800] =	vst v63  }
0x4d2: {  	s25 =	simm.s32 $0x10800  }
0x4d3: {  	[tilespmem:s25], [sflag:$0x1] =	stream.indirect_vreg.gather [hbm4b:s1+s0], $0x80, v12, vm0, $0xb8;
	[tilespmem:$0x12800] =	vst v63  }
0x4d4: {  	v12 =	vld [tilespmem:$0x3900];
	_ =	sdelay $0x4  }
0x4d5: {  	v13 =	vshll.u32 v12, $0x1  }
0x4d6: {  	v12 =	vand.u32 $0x7, v12;
	v13 =	vand.u32 $0xFFFFFFF0, v13  }
0x4d7: {  	v12 =	vor.u32 v12, v13  }
0x4d8: {  	v13 =	vperm.xlane v12, v9;
	_ =	sdelay $0x1  }
0x4d9: {  	v12 =	vperm.xlane v12, v11;
	v13 =	vadd.s32 v10, v13;
	_ =	sdelay $0x1  }
0x4da: {  	v12 =	vadd.s32 v10, v12;
	_ =	sdelay $0x1  }
0x4db: {  	s26 =	simm.s32 $0x11000  }
0x4dc: {  	[tilespmem:s26], [sflag:$0x1] =	stream.indirect_vreg.gather [hbm4b:s1+s0], $0x80, v13, vm0, $0xb8;
	[tilespmem:$0x12800] =	vst v63  }
0x4dd: {  	s31 =	simm.s32 $0x11800  }
0x4de: {  	[tilespmem:s31], [sflag:$0x1] =	stream.indirect_vreg.gather [hbm4b:s1+s0], $0x80, v12, vm0, $0xb8;
	[tilespmem:$0x12800] =	vst v63  }
0x4df: {  	v12 =	vld.msk [tilespmem:$0x3910], $0xff;
	_ =	sdelay $0x4  }
0x4e0: {  	v13 =	vshll.u32 v12, $0x1  }
0x4e1: {  	v12 =	vand.u32 $0x7, v12;
	v13 =	vand.u32 $0xFFFFFFF0, v13  }
0x4e2: {  	v12 =	vor.u32 v12, v13  }
0x4e3: {  	v12 =	vperm.xlane v12, v9;
	_ =	sdelay $0x1  }
0x4e4: {  	v12 =	vadd.s32 v10, v12;
	_ =	sdelay $0x3  }
0x4e5: {  	s8 =	simm.s32 $0x12000;
	s3 =	simm.s32 $0x1  }
0x4e6: {  	[tilespmem:s8], [sflag:$0x1] =	stream.indirect_vreg.gather [hbm4b:s1+s0], $0x80, v12, vm0, $0xb8;
	[tilespmem:$0x12800] =	vst v63  }
0x4e7: {  	_ =	swait.ge [sflag:s3], $0x9800  }
0x4e8: {  	[sflag:s3] =	ssyncset.done $0x0  }
0x4e9: {  	s4 =	simm.s32 $0x9000;
	s5 =	rddreg [dreg:$0x6];
	[sflag:s3] =	ssyncadd.s32 $0xFFFF6800  }
0x4ea: {  	[hbm4b:s5+s0] =	stream.linear.scatter [tilespmem:s4], [sflag:$0x2], $0x9800, $0x38;
	[tilespmem:$0x12800] =	vst v63  }
0x4eb: {  	s5 =	simm.s32 $0x2  }
0x4ec: {  	_ =	swait.ge [sflag:s5], $0x9800  }
0x4ed: {  	[sflag:s5] =	ssyncset.done $0x0  }
0x4ee: {  	[sflag:s5] =	ssyncadd.s32 $0xFFFF6800  }
0x4ef: {  	v12 =	vld [tilespmem:$0x3918];
	_ =	sdelay $0x4  }
0x4f0: {  	v13 =	vshll.u32 v12, $0x1  }
0x4f1: {  	v12 =	vand.u32 $0x7, v12;
	v13 =	vand.u32 $0xFFFFFFF0, v13  }
0x4f2: {  	v12 =	vor.u32 v12, v13  }
0x4f3: {  	v13 =	vperm.xlane v12, v9;
	_ =	sdelay $0x1  }
0x4f4: {  	v12 =	vperm.xlane v12, v11;
	v13 =	vadd.s32 v10, v13;
	_ =	sdelay $0x1  }
0x4f5: {  	v12 =	vadd.s32 v10, v12;
	_ =	sdelay $0x2  }
0x4f6: {  	[tilespmem:s4], [sflag:$0x1] =	stream.indirect_vreg.gather [hbm4b:s1+s0], $0x80, v13, vm0, $0xb8;
	[tilespmem:$0x12800] =	vst v63  }
0x4f7: {  	s4 =	simm.s32 $0x9800  }
0x4f8: {  	[tilespmem:s4], [sflag:$0x1] =	stream.indirect_vreg.gather [hbm4b:s1+s0], $0x80, v12, vm0, $0xb8;
	[tilespmem:$0x12800] =	vst v63  }
0x4f9: {  	v12 =	vld [tilespmem:$0x3928];
	_ =	sdelay $0x4  }
0x4fa: {  	v13 =	vshll.u32 v12, $0x1  }
0x4fb: {  	v12 =	vand.u32 $0x7, v12;
	v13 =	vand.u32 $0xFFFFFFF0, v13  }
0x4fc: {  	v12 =	vor.u32 v12, v13  }
0x4fd: {  	v13 =	vperm.xlane v12, v9;
	_ =	sdelay $0x1  }
0x4fe: {  	v12 =	vperm.xlane v12, v11;
	v13 =	vadd.s32 v10, v13;
	_ =	sdelay $0x1  }
0x4ff: {  	v12 =	vadd.s32 v10, v12;
	_ =	sdelay $0x2  }
0x500: {  	[tilespmem:s6], [sflag:$0x1] =	stream.indirect_vreg.gather [hbm4b:s1+s0], $0x80, v13, vm0, $0xb8;
	[tilespmem:$0x12800] =	vst v63  }
0x501: {  	_ = 	snop  }
0x502: {  	[tilespmem:s7], [sflag:$0x1] =	stream.indirect_vreg.gather [hbm4b:s1+s0], $0x80, v12, vm0, $0xb8;
	[tilespmem:$0x12800] =	vst v63  }
0x503: {  	v12 =	vld [tilespmem:$0x3938];
	_ =	sdelay $0x4  }
0x504: {  	v13 =	vshll.u32 v12, $0x1  }
0x505: {  	v12 =	vand.u32 $0x7, v12;
	v13 =	vand.u32 $0xFFFFFFF0, v13  }
0x506: {  	v12 =	vor.u32 v12, v13  }
0x507: {  	v13 =	vperm.xlane v12, v9;
	_ =	sdelay $0x1  }
0x508: {  	v12 =	vperm.xlane v12, v11;
	v13 =	vadd.s32 v10, v13;
	_ =	sdelay $0x1  }
0x509: {  	v12 =	vadd.s32 v10, v12;
	_ =	sdelay $0x2  }
0x50a: {  	[tilespmem:s9], [sflag:$0x1] =	stream.indirect_vreg.gather [hbm4b:s1+s0], $0x80, v13, vm0, $0xb8;
	[tilespmem:$0x12800] =	vst v63  }
0x50b: {  	_ = 	snop  }
0x50c: {  	[tilespmem:s10], [sflag:$0x1] =	stream.indirect_vreg.gather [hbm4b:s1+s0], $0x80, v12, vm0, $0xb8;
	[tilespmem:$0x12800] =	vst v63  }
0x50d: {  	v12 =	vld [tilespmem:$0x3948];
	_ =	sdelay $0x4  }
0x50e: {  	v13 =	vshll.u32 v12, $0x1  }
0x50f: {  	v12 =	vand.u32 $0x7, v12;
	v13 =	vand.u32 $0xFFFFFFF0, v13  }
0x510: {  	v12 =	vor.u32 v12, v13  }
0x511: {  	v13 =	vperm.xlane v12, v9;
	_ =	sdelay $0x1  }
0x512: {  	v12 =	vperm.xlane v12, v11;
	v13 =	vadd.s32 v10, v13;
	_ =	sdelay $0x1  }
0x513: {  	v12 =	vadd.s32 v10, v12;
	_ =	sdelay $0x2  }
0x514: {  	[tilespmem:s11], [sflag:$0x1] =	stream.indirect_vreg.gather [hbm4b:s1+s0], $0x80, v13, vm0, $0xb8;
	[tilespmem:$0x12800] =	vst v63  }
0x515: {  	_ = 	snop  }
0x516: {  	[tilespmem:s12], [sflag:$0x1] =	stream.indirect_vreg.gather [hbm4b:s1+s0], $0x80, v12, vm0, $0xb8;
	[tilespmem:$0x12800] =	vst v63  }
0x517: {  	v12 =	vld [tilespmem:$0x3958];
	_ =	sdelay $0x4  }
0x518: {  	v13 =	vshll.u32 v12, $0x1  }
0x519: {  	v12 =	vand.u32 $0x7, v12;
	v13 =	vand.u32 $0xFFFFFFF0, v13  }
0x51a: {  	v12 =	vor.u32 v12, v13  }
0x51b: {  	v13 =	vperm.xlane v12, v9;
	_ =	sdelay $0x1  }
0x51c: {  	v12 =	vperm.xlane v12, v11;
	v13 =	vadd.s32 v10, v13;
	_ =	sdelay $0x1  }
0x51d: {  	v12 =	vadd.s32 v10, v12;
	_ =	sdelay $0x2  }
0x51e: {  	[tilespmem:s13], [sflag:$0x1] =	stream.indirect_vreg.gather [hbm4b:s1+s0], $0x80, v13, vm0, $0xb8;
	[tilespmem:$0x12800] =	vst v63  }
0x51f: {  	_ = 	snop  }
0x520: {  	[tilespmem:s19], [sflag:$0x1] =	stream.indirect_vreg.gather [hbm4b:s1+s0], $0x80, v12, vm0, $0xb8;
	[tilespmem:$0x12800] =	vst v63  }
0x521: {  	v12 =	vld [tilespmem:$0x3968];
	_ =	sdelay $0x4  }
0x522: {  	v13 =	vshll.u32 v12, $0x1  }
0x523: {  	v12 =	vand.u32 $0x7, v12;
	v13 =	vand.u32 $0xFFFFFFF0, v13  }
0x524: {  	v12 =	vor.u32 v12, v13  }
0x525: {  	v13 =	vperm.xlane v12, v9;
	_ =	sdelay $0x1  }
0x526: {  	v12 =	vperm.xlane v12, v11;
	v13 =	vadd.s32 v10, v13;
	_ =	sdelay $0x1  }
0x527: {  	v12 =	vadd.s32 v10, v12;
	_ =	sdelay $0x2  }
0x528: {  	[tilespmem:s20], [sflag:$0x1] =	stream.indirect_vreg.gather [hbm4b:s1+s0], $0x80, v13, vm0, $0xb8;
	[tilespmem:$0x12800] =	vst v63  }
0x529: {  	_ = 	snop  }
0x52a: {  	[tilespmem:s21], [sflag:$0x1] =	stream.indirect_vreg.gather [hbm4b:s1+s0], $0x80, v12, vm0, $0xb8;
	[tilespmem:$0x12800] =	vst v63  }
0x52b: {  	v12 =	vld [tilespmem:$0x3978];
	_ =	sdelay $0x4  }
0x52c: {  	v13 =	vshll.u32 v12, $0x1  }
0x52d: {  	v12 =	vand.u32 $0x7, v12;
	v13 =	vand.u32 $0xFFFFFFF0, v13  }
0x52e: {  	v12 =	vor.u32 v12, v13  }
0x52f: {  	v13 =	vperm.xlane v12, v9;
	_ =	sdelay $0x1  }
0x530: {  	v12 =	vperm.xlane v12, v11;
	v13 =	vadd.s32 v10, v13;
	_ =	sdelay $0x1  }
0x531: {  	v12 =	vadd.s32 v10, v12;
	_ =	sdelay $0x2  }
0x532: {  	[tilespmem:s22], [sflag:$0x1] =	stream.indirect_vreg.gather [hbm4b:s1+s0], $0x80, v13, vm0, $0xb8;
	[tilespmem:$0x12800] =	vst v63  }
0x533: {  	_ = 	snop  }
0x534: {  	[tilespmem:s23], [sflag:$0x1] =	stream.indirect_vreg.gather [hbm4b:s1+s0], $0x80, v12, vm0, $0xb8;
	[tilespmem:$0x12800] =	vst v63  }
0x535: {  	v12 =	vld [tilespmem:$0x3988];
	_ =	sdelay $0x4  }
0x536: {  	v13 =	vshll.u32 v12, $0x1  }
0x537: {  	v12 =	vand.u32 $0x7, v12;
	v13 =	vand.u32 $0xFFFFFFF0, v13  }
0x538: {  	v12 =	vor.u32 v12, v13  }
0x539: {  	v13 =	vperm.xlane v12, v9;
	_ =	sdelay $0x1  }
0x53a: {  	v12 =	vperm.xlane v12, v11;
	v13 =	vadd.s32 v10, v13;
	_ =	sdelay $0x1  }
0x53b: {  	v12 =	vadd.s32 v10, v12;
	_ =	sdelay $0x2  }
0x53c: {  	[tilespmem:s24], [sflag:$0x1] =	stream.indirect_vreg.gather [hbm4b:s1+s0], $0x80, v13, vm0, $0xb8;
	[tilespmem:$0x12800] =	vst v63  }
0x53d: {  	_ = 	snop  }
0x53e: {  	[tilespmem:s25], [sflag:$0x1] =	stream.indirect_vreg.gather [hbm4b:s1+s0], $0x80, v12, vm0, $0xb8;
	[tilespmem:$0x12800] =	vst v63  }
0x53f: {  	v12 =	vld [tilespmem:$0x3998];
	_ =	sdelay $0x4  }
0x540: {  	v13 =	vshll.u32 v12, $0x1  }
0x541: {  	v12 =	vand.u32 $0x7, v12;
	v13 =	vand.u32 $0xFFFFFFF0, v13  }
0x542: {  	v12 =	vor.u32 v12, v13  }
0x543: {  	v13 =	vperm.xlane v12, v9;
	_ =	sdelay $0x1  }
0x544: {  	v11 =	vperm.xlane v12, v11;
	v13 =	vadd.s32 v10, v13;
	_ =	sdelay $0x1  }
0x545: {  	v11 =	vadd.s32 v10, v11;
	_ =	sdelay $0x2  }
0x546: {  	[tilespmem:s26], [sflag:$0x1] =	stream.indirect_vreg.gather [hbm4b:s1+s0], $0x80, v13, vm0, $0xb8;
	[tilespmem:$0x12800] =	vst v63  }
0x547: {  	_ = 	snop  }
0x548: {  	[tilespmem:s31], [sflag:$0x1] =	stream.indirect_vreg.gather [hbm4b:s1+s0], $0x80, v11, vm0, $0xb8;
	[tilespmem:$0x12800] =	vst v63  }
0x549: {  	v11 =	vld.msk [tilespmem:$0x39A8], $0xff;
	_ =	sdelay $0x4  }
0x54a: {  	v12 =	vshll.u32 v11, $0x1  }
0x54b: {  	v11 =	vand.u32 $0x7, v11;
	v12 =	vand.u32 $0xFFFFFFF0, v12  }
0x54c: {  	v11 =	vor.u32 v11, v12  }
0x54d: {  	v9 =	vperm.xlane v11, v9;
	_ =	sdelay $0x1  }
0x54e: {  	v9 =	vadd.s32 v10, v9;
	_ =	sdelay $0x4  }
0x54f: {  	[tilespmem:s8], [sflag:$0x1] =	stream.indirect_vreg.gather [hbm4b:s1+s0], $0x80, v9, vm0, $0xb8;
	[tilespmem:$0x12800] =	vst v63  }
0x550: {  	_ =	swait.ge [sflag:s3], $0x9800  }
0x551: {  	[sflag:s3] =	ssyncset.done $0x0  }
0x552: {  	s2 =	simm.s32 $0x9000;
	s24 =	rddreg [dreg:$0x7];
	[sflag:s3] =	ssyncadd.s32 $0xFFFF6800  }
0x553: {  	[hbm4b:s24+s0] =	stream.linear.scatter [tilespmem:s2], [sflag:$0x2], $0x9800, $0x38;
	[tilespmem:$0x12800] =	vst v63  }
0x554: {  	_ =	swait.ge [sflag:s5], $0x9800  }
0x555: {  	s25 =	simm.s32 $0x3880;
	[sflag:s5] =	ssyncset.done $0x0  }
0x556: {  	v9 =	vor.u32 s0, v0;
	s2 =	simm.s32 $0x98;
	s10 =	rddreg [dreg:$0x5];
	[sflag:s5] =	ssyncadd.s32 $0xFFFF6800  }
0x557: {  	vm0 =	vlt.s32 v9, $0x97;
	[tilespmem:s28], [sflag:$0x1] =	stream.indirect.gather [hbm4b:s10+s2], $0x80, s25, s2, $0xb8;
	[tilespmem:$0x12800] =	vst v63  }
0x558: {  	v10 =	vnsel vm0, $0x97, v9;
	_ =	swait.ge [sflag:s3], $0x4C00  }
0x559: {  	v10 =	vshll.u32 v10, $0x7;
	[sflag:s3] =	ssyncset.done $0x0  }
0x55a: {  	v11 =	vor.u32 $0x50, v10;
	s26 =	rddreg [dreg:$0x8];
	[sflag:s3] =	ssyncadd.s32 $0xFFFFB400  }
0x55b: {  	[hbm4b:s26+s0] =	stream.linear.scatter [tilespmem:s28], [sflag:$0x2], $0x4C00, $0x38;
	[tilespmem:$0x12800] =	vst v63  }
0x55c: {  	_ =	swait.ge [sflag:s5], $0x4C00  }
0x55d: {  	[sflag:s5] =	ssyncset.done $0x0  }
0x55e: {  	[sflag:s5] =	ssyncadd.s32 $0xFFFFB400  }
0x55f: {  	v11 =	vld.idx.msk [tilespmem:v11+s28+$0x0], $0xffff;
	_ =	sdelay $0x4  }
0x560: {  	v12 =	vsub.f32 $0.0e+00, v11;
	_ =	sdelay $0x1  }
0x561: {  	v12 =	vmul.f32 $1.442695020e+00, v12;
	_ =	sdelay $0x1  }
0x562: {  	(erf) = vpow2.f32 v12;
	_ =	sdelay $0x8  }
0x563: {  	v12 =	vpop (erf)  }
0x564: {  	v12 =	vadd.f32 $1.000000000e+00, v12;
	_ =	sdelay $0x1  }
0x565: {  	(erf) = vrcp.f32 v12;
	_ =	sdelay $0x2  }
0x566: {  	vm0 =	vlt.u32 v9, $0x98  }
0x567: {  	v9 =	vshll.u32 v9, $0x2;
	_ =	sdelay $0x1  }
0x568: {  	v12 =	vor.u32 $0x51, v10;
	_ =	sdelay $0x2  }
0x569: {  	[tilespmem:v9+s29+$0x0] =	vst.idx.msk vm0, v11;
	v11 =	vpop (erf)  }
0x56a: {  	[tilespmem:v9+s30+$0x0] =	vst.idx.msk vm0, v11  }
0x56b: {  	v11 =	vld.idx.msk [tilespmem:v12+s28+$0x0], $0xffff;
	_ =	sdelay $0x4  }
0x56c: {  	v12 =	vsub.f32 $0.0e+00, v11;
	_ =	sdelay $0x1  }
0x56d: {  	v12 =	vmul.f32 $1.442695020e+00, v12;
	_ =	sdelay $0x1  }
0x56e: {  	(erf) = vpow2.f32 v12;
	_ =	sdelay $0x8  }
0x56f: {  	v12 =	vpop (erf)  }
0x570: {  	v12 =	vadd.f32 $1.000000000e+00, v12;
	_ =	sdelay $0x1  }
0x571: {  	(erf) = vrcp.f32 v12;
	_ =	sdelay $0x3  }
0x572: {  	v12 =	vor.u32 $0x1, v9;
	_ =	sdelay $0x1  }
0x573: {  	v13 =	vor.u32 $0x52, v10;
	_ =	sdelay $0x2  }
0x574: {  	[tilespmem:v12+s29+$0x0] =	vst.idx.msk vm0, v11;
	v11 =	vpop (erf)  }
0x575: {  	[tilespmem:v12+s30+$0x0] =	vst.idx.msk vm0, v11  }
0x576: {  	v11 =	vld.idx.msk [tilespmem:v13+s28+$0x0], $0xffff;
	_ =	sdelay $0x4  }
0x577: {  	v12 =	vsub.f32 $0.0e+00, v11;
	_ =	sdelay $0x1  }
0x578: {  	v12 =	vmul.f32 $1.442695020e+00, v12;
	_ =	sdelay $0x1  }
0x579: {  	(erf) = vpow2.f32 v12;
	_ =	sdelay $0x8  }
0x57a: {  	v12 =	vpop (erf)  }
0x57b: {  	v12 =	vadd.f32 $1.000000000e+00, v12;
	_ =	sdelay $0x1  }
0x57c: {  	(erf) = vrcp.f32 v12;
	_ =	sdelay $0x3  }
0x57d: {  	v12 =	vor.u32 $0x2, v9;
	_ =	sdelay $0x1  }
0x57e: {  	v10 =	vor.u32 $0x53, v10;
	_ =	sdelay $0x2  }
0x57f: {  	[tilespmem:v12+s29+$0x0] =	vst.idx.msk vm0, v11;
	v11 =	vpop (erf)  }
0x580: {  	[tilespmem:v12+s30+$0x0] =	vst.idx.msk vm0, v11  }
0x581: {  	v12 =	vld.idx.msk [tilespmem:v10+s28+$0x0], $0xffff;
	_ =	sdelay $0x4  }
0x582: {  	v10 =	vsub.f32 $0.0e+00, v12;
	_ =	sdelay $0x1  }
0x583: {  	v10 =	vmul.f32 $1.442695020e+00, v10;
	_ =	sdelay $0x1  }
0x584: {  	(erf) = vpow2.f32 v10;
	_ =	sdelay $0x8  }
0x585: {  	v10 =	vpop (erf)  }
0x586: {  	v10 =	vadd.f32 $1.000000000e+00, v10;
	_ =	sdelay $0x1  }
0x587: {  	(erf) = vrcp.f32 v10  }
0x588: {  	s31 =	simm.s32 $0x10;
	v11 =	vor.u32 $0x3, v9  }
0x589: {  	v10 =	vor.u32 s31, v0  }
0x58a: {  	vm1 =	vlt.s32 v10, $0x97  }
0x58b: {  	v9 =	vnsel vm1, $0x97, v10  }
0x58c: {  	v9 =	vshll.u32 v9, $0x7  }
0x58d: {  	[tilespmem:v11+s29+$0x0] =	vst.idx.msk vm0, v12;
	v12 =	vor.u32 $0x50, v9;
	_ =	sdelay $0x2  }
0x58e: {  	s0 =	simm.s32 $0x20;
	v13 =	vpop (erf)  }
.LBB2_37:
0x58f: {  	p0 =	sne.s32 s0, $0x90;
	[tilespmem:v11+s30+$0x0] =	vst.idx.msk vm0, v13;
	s1 =	smov.u32 s0;
	s0 =	sadd.s32 $0x10, s0  }
0x590: {  	v11 =	vld.idx.msk [tilespmem:v12+s28+$0x0], $0xffff;
	_ =	sdelay $0x5  }
0x591: {  	v12 =	vsub.f32 $0.0e+00, v11;
	_ =	sdelay $0x1  }
0x592: {  	v12 =	vmul.f32 $1.442695020e+00, v12;
	_ =	sdelay $0x1  }
0x593: {  	(erf) = vpow2.f32 v12;
	_ =	sdelay $0x8  }
0x594: {  	v12 =	vpop (erf)  }
0x595: {  	v12 =	vadd.f32 $1.000000000e+00, v12;
	_ =	sdelay $0x1  }
0x596: {  	(erf) = vrcp.f32 v12;
	_ =	sdelay $0x2  }
0x597: {  	vm0 =	vlt.u32 v10, $0x98  }
0x598: {  	v10 =	vshll.u32 v10, $0x2;
	_ =	sdelay $0x1  }
0x599: {  	v12 =	vor.u32 $0x51, v9;
	_ =	sdelay $0x2  }
0x59a: {  	[tilespmem:v10+s29+$0x0] =	vst.idx.msk vm0, v11;
	v11 =	vpop (erf)  }
0x59b: {  	[tilespmem:v10+s30+$0x0] =	vst.idx.msk vm0, v11  }
0x59c: {  	v11 =	vld.idx.msk [tilespmem:v12+s28+$0x0], $0xffff;
	_ =	sdelay $0x5  }
0x59d: {  	v12 =	vsub.f32 $0.0e+00, v11;
	_ =	sdelay $0x1  }
0x59e: {  	v12 =	vmul.f32 $1.442695020e+00, v12;
	_ =	sdelay $0x1  }
0x59f: {  	(erf) = vpow2.f32 v12;
	_ =	sdelay $0x8  }
0x5a0: {  	v12 =	vpop (erf)  }
0x5a1: {  	v12 =	vadd.f32 $1.000000000e+00, v12;
	_ =	sdelay $0x1  }
0x5a2: {  	(erf) = vrcp.f32 v12;
	_ =	sdelay $0x3  }
0x5a3: {  	v12 =	vor.u32 $0x1, v10;
	_ =	sdelay $0x1  }
0x5a4: {  	v13 =	vor.u32 $0x52, v9;
	_ =	sdelay $0x2  }
0x5a5: {  	[tilespmem:v12+s29+$0x0] =	vst.idx.msk vm0, v11;
	v11 =	vpop (erf)  }
0x5a6: {  	[tilespmem:v12+s30+$0x0] =	vst.idx.msk vm0, v11  }
0x5a7: {  	v11 =	vld.idx.msk [tilespmem:v13+s28+$0x0], $0xffff  }
0x5a8: {  	v12 =	vor.u32 $0x2, v10;
	_ =	sdelay $0x4  }
0x5a9: {  	[tilespmem:v12+s29+$0x0] =	vst.idx.msk vm0, v11;
	v11 =	vsub.f32 $0.0e+00, v11;
	_ =	sdelay $0x1  }
0x5aa: {  	v11 =	vmul.f32 $1.442695020e+00, v11;
	_ =	sdelay $0x1  }
0x5ab: {  	(erf) = vpow2.f32 v11;
	_ =	sdelay $0x8  }
0x5ac: {  	v11 =	vpop (erf)  }
0x5ad: {  	v11 =	vadd.f32 $1.000000000e+00, v11;
	_ =	sdelay $0x1  }
0x5ae: {  	(erf) = vrcp.f32 v11;
	_ =	sdelay $0x5  }
0x5af: {  	v9 =	vor.u32 $0x53, v9;
	_ =	sdelay $0x2  }
0x5b0: {  	v11 =	vpop (erf)  }
0x5b1: {  	[tilespmem:v12+s30+$0x0] =	vst.idx.msk vm0, v11  }
0x5b2: {  	v9 =	vld.idx.msk [tilespmem:v9+s28+$0x0], $0xffff  }
0x5b3: {  	v11 =	vor.u32 $0x3, v10;
	_ =	sdelay $0x4  }
0x5b4: {  	[tilespmem:v11+s29+$0x0] =	vst.idx.msk vm0, v9;
	v9 =	vsub.f32 $0.0e+00, v9;
	_ =	sdelay $0x1  }
0x5b5: {  	v9 =	vmul.f32 $1.442695020e+00, v9;
	_ =	sdelay $0x1  }
0x5b6: {  	(erf) = vpow2.f32 v9;
	_ =	sdelay $0x8  }
0x5b7: {  	v9 =	vpop (erf)  }
0x5b8: {  	v9 =	vadd.f32 $1.000000000e+00, v9;
	_ =	sdelay $0x1  }
0x5b9: {  	(erf) = vrcp.f32 v9;
	_ =	sdelay $0x1  }
0x5ba: {  	v10 =	vor.u32 s1, v0  }
0x5bb: {  	vm1 =	vlt.s32 v10, $0x97  }
0x5bc: {  	v9 =	vnsel vm1, $0x97, v10  }
.Ltmp18:
0x5bd: {  	v9 =	vshll.u32 v9, $0x7;
	(pc) =	sbr.rel @p0 .LBB2_37-.Ltmp18, $2  }
0x5be: {  	v12 =	vor.u32 $0x50, v9;
	_ =	sdelay $0x2  }
0x5bf: {  	v13 =	vpop (erf)  }
0x5c0: {  	_ =	sdelay $0x4  }
0x5c1: {  	[tilespmem:v11+s30+$0x0] =	vst.idx.msk vm0, v13  }
0x5c2: {  	v11 =	vld.idx.msk [tilespmem:v12+s28+$0x0], $0xffff;
	_ =	sdelay $0x4  }
0x5c3: {  	v12 =	vsub.f32 $0.0e+00, v11;
	_ =	sdelay $0x1  }
0x5c4: {  	v12 =	vmul.f32 $1.442695020e+00, v12;
	_ =	sdelay $0x1  }
0x5c5: {  	(erf) = vpow2.f32 v12;
	_ =	sdelay $0x8  }
0x5c6: {  	v12 =	vpop (erf)  }
0x5c7: {  	v12 =	vadd.f32 $1.000000000e+00, v12;
	_ =	sdelay $0x1  }
0x5c8: {  	(erf) = vrcp.f32 v12;
	_ =	sdelay $0x2  }
0x5c9: {  	vm0 =	vlt.u32 v10, $0x98  }
0x5ca: {  	v10 =	vshll.u32 v10, $0x2;
	_ =	sdelay $0x1  }
0x5cb: {  	v12 =	vor.u32 $0x51, v9;
	_ =	sdelay $0x2  }
0x5cc: {  	[tilespmem:v10+s29+$0x0] =	vst.idx.msk vm0, v11;
	v11 =	vpop (erf)  }
0x5cd: {  	[tilespmem:v10+s30+$0x0] =	vst.idx.msk vm0, v11  }
0x5ce: {  	v11 =	vld.idx.msk [tilespmem:v12+s28+$0x0], $0xffff;
	_ =	sdelay $0x4  }
0x5cf: {  	v12 =	vsub.f32 $0.0e+00, v11;
	_ =	sdelay $0x1  }
0x5d0: {  	v12 =	vmul.f32 $1.442695020e+00, v12;
	_ =	sdelay $0x1  }
0x5d1: {  	(erf) = vpow2.f32 v12;
	_ =	sdelay $0x8  }
0x5d2: {  	v12 =	vpop (erf)  }
0x5d3: {  	v12 =	vadd.f32 $1.000000000e+00, v12;
	_ =	sdelay $0x1  }
0x5d4: {  	(erf) = vrcp.f32 v12;
	_ =	sdelay $0x3  }
0x5d5: {  	v12 =	vor.u32 $0x1, v10;
	_ =	sdelay $0x1  }
0x5d6: {  	v13 =	vor.u32 $0x52, v9;
	_ =	sdelay $0x2  }
0x5d7: {  	[tilespmem:v12+s29+$0x0] =	vst.idx.msk vm0, v11;
	v11 =	vpop (erf)  }
0x5d8: {  	[tilespmem:v12+s30+$0x0] =	vst.idx.msk vm0, v11  }
0x5d9: {  	v11 =	vld.idx.msk [tilespmem:v13+s28+$0x0], $0xffff;
	_ =	sdelay $0x4  }
0x5da: {  	v12 =	vsub.f32 $0.0e+00, v11;
	_ =	sdelay $0x1  }
0x5db: {  	v12 =	vmul.f32 $1.442695020e+00, v12;
	_ =	sdelay $0x1  }
0x5dc: {  	(erf) = vpow2.f32 v12;
	_ =	sdelay $0x8  }
0x5dd: {  	v12 =	vpop (erf)  }
0x5de: {  	v12 =	vadd.f32 $1.000000000e+00, v12;
	_ =	sdelay $0x1  }
0x5df: {  	(erf) = vrcp.f32 v12;
	_ =	sdelay $0x3  }
0x5e0: {  	v12 =	vor.u32 $0x2, v10;
	_ =	sdelay $0x1  }
0x5e1: {  	v9 =	vor.u32 $0x53, v9;
	_ =	sdelay $0x2  }
0x5e2: {  	[tilespmem:v12+s29+$0x0] =	vst.idx.msk vm0, v11;
	v11 =	vpop (erf)  }
0x5e3: {  	[tilespmem:v12+s30+$0x0] =	vst.idx.msk vm0, v11  }
0x5e4: {  	v9 =	vld.idx.msk [tilespmem:v9+s28+$0x0], $0xffff;
	_ =	sdelay $0x4  }
0x5e5: {  	v11 =	vsub.f32 $0.0e+00, v9;
	_ =	sdelay $0x1  }
0x5e6: {  	v11 =	vmul.f32 $1.442695020e+00, v11;
	_ =	sdelay $0x1  }
0x5e7: {  	(erf) = vpow2.f32 v11;
	_ =	sdelay $0x8  }
0x5e8: {  	v11 =	vpop (erf)  }
0x5e9: {  	v11 =	vadd.f32 $1.000000000e+00, v11;
	_ =	sdelay $0x1  }
0x5ea: {  	(erf) = vrcp.f32 v11;
	_ =	sdelay $0x3  }
0x5eb: {  	v10 =	vor.u32 $0x3, v10;
	_ =	sdelay $0x4  }
0x5ec: {  	s0 =	simm.s32 $0x0;
	[tilespmem:v10+s29+$0x0] =	vst.idx.msk vm0, v9;
	v9 =	vpop (erf)  }
0x5ed: {  	s1 =	simm.s32 $0x3918;
	s26 =	simm.s32 $0x1;
	[tilespmem:v10+s30+$0x0] =	vst.idx.msk vm0, v9;
	v9 =	vor.u32 s0, v0  }
0x5ee: {  	[tilespmem:s28], [sflag:$0x1] =	stream.indirect.gather [hbm4b:s10+s2], $0x80, s1, s2, $0xb8;
	vm0 =	vlt.s32 v9, $0x97;
	[tilespmem:$0x12800] =	vst v63  }
0x5ef: {  	_ =	swait.ge [sflag:s26], $0x4C00;
	v10 =	vnsel vm0, $0x97, v9  }
0x5f0: {  	[sflag:s26] =	ssyncset.done $0x0;
	v10 =	vshll.u32 v10, $0x7  }
0x5f1: {  	s31 =	rddreg [dreg:$0x9];
	[sflag:s26] =	ssyncadd.s32 $0xFFFFB400;
	v11 =	vor.u32 $0x50, v10  }
0x5f2: {  	[hbm4b:s31+s0] =	stream.linear.scatter [tilespmem:s28], [sflag:$0x2], $0x4C00, $0x38;
	[tilespmem:$0x12800] =	vst v63  }
0x5f3: {  	_ =	swait.ge [sflag:s5], $0x4C00  }
0x5f4: {  	[sflag:s5] =	ssyncset.done $0x0  }
0x5f5: {  	[sflag:s5] =	ssyncadd.s32 $0xFFFFB400  }
0x5f6: {  	v11 =	vld.idx.msk [tilespmem:v11+s28+$0x0], $0xffff;
	_ =	sdelay $0x4  }
0x5f7: {  	v12 =	vsub.f32 $0.0e+00, v11;
	_ =	sdelay $0x1  }
0x5f8: {  	v12 =	vmul.f32 $1.442695020e+00, v12;
	_ =	sdelay $0x1  }
0x5f9: {  	(erf) = vpow2.f32 v12;
	_ =	sdelay $0x8  }
0x5fa: {  	v12 =	vpop (erf)  }
0x5fb: {  	v12 =	vadd.f32 $1.000000000e+00, v12;
	_ =	sdelay $0x1  }
0x5fc: {  	(erf) = vrcp.f32 v12  }
0x5fd: {  	v12 =	vmul.u32 $0x4, v0  }
0x5fe: {  	v13 =	vmov s0  }
0x5ff: {  	v13 =	vshll.u32 v13, $0x2;
	vm0 =	vlt.u32 v9, $0x98;
	v9 =	vadd.s32 $0x260, v12  }
0x600: {  	v12 =	vadd.s32 v9, v13;
	_ =	sdelay $0x1  }
0x601: {  	v13 =	vor.u32 $0x51, v10;
	_ =	sdelay $0x2  }
0x602: {  	[tilespmem:v12+s29+$0x0] =	vst.idx.msk vm0, v11;
	v11 =	vpop (erf)  }
0x603: {  	[tilespmem:v12+s30+$0x0] =	vst.idx.msk vm0, v11  }
0x604: {  	v11 =	vld.idx.msk [tilespmem:v13+s28+$0x0], $0xffff;
	_ =	sdelay $0x4  }
0x605: {  	v13 =	vsub.f32 $0.0e+00, v11;
	_ =	sdelay $0x1  }
0x606: {  	v13 =	vmul.f32 $1.442695020e+00, v13;
	_ =	sdelay $0x1  }
0x607: {  	(erf) = vpow2.f32 v13;
	_ =	sdelay $0x8  }
0x608: {  	v13 =	vpop (erf)  }
0x609: {  	v13 =	vadd.f32 $1.000000000e+00, v13;
	_ =	sdelay $0x1  }
0x60a: {  	(erf) = vrcp.f32 v13;
	_ =	sdelay $0x3  }
0x60b: {  	v13 =	vor.u32 $0x1, v12;
	_ =	sdelay $0x1  }
0x60c: {  	v14 =	vor.u32 $0x52, v10;
	_ =	sdelay $0x2  }
0x60d: {  	[tilespmem:v13+s29+$0x0] =	vst.idx.msk vm0, v11;
	v11 =	vpop (erf)  }
0x60e: {  	[tilespmem:v13+s30+$0x0] =	vst.idx.msk vm0, v11  }
0x60f: {  	v11 =	vld.idx.msk [tilespmem:v14+s28+$0x0], $0xffff;
	_ =	sdelay $0x4  }
0x610: {  	v13 =	vsub.f32 $0.0e+00, v11;
	_ =	sdelay $0x1  }
0x611: {  	v13 =	vmul.f32 $1.442695020e+00, v13;
	_ =	sdelay $0x1  }
0x612: {  	(erf) = vpow2.f32 v13;
	_ =	sdelay $0x8  }
0x613: {  	v13 =	vpop (erf)  }
0x614: {  	v13 =	vadd.f32 $1.000000000e+00, v13;
	_ =	sdelay $0x1  }
0x615: {  	(erf) = vrcp.f32 v13;
	_ =	sdelay $0x3  }
0x616: {  	v13 =	vor.u32 $0x2, v12;
	_ =	sdelay $0x1  }
0x617: {  	v10 =	vor.u32 $0x53, v10;
	_ =	sdelay $0x2  }
0x618: {  	[tilespmem:v13+s29+$0x0] =	vst.idx.msk vm0, v11;
	v11 =	vpop (erf)  }
0x619: {  	[tilespmem:v13+s30+$0x0] =	vst.idx.msk vm0, v11  }
0x61a: {  	v13 =	vld.idx.msk [tilespmem:v10+s28+$0x0], $0xffff;
	_ =	sdelay $0x4  }
0x61b: {  	v10 =	vsub.f32 $0.0e+00, v13;
	_ =	sdelay $0x1  }
0x61c: {  	v10 =	vmul.f32 $1.442695020e+00, v10;
	_ =	sdelay $0x1  }
0x61d: {  	(erf) = vpow2.f32 v10;
	_ =	sdelay $0x8  }
0x61e: {  	v10 =	vpop (erf)  }
0x61f: {  	v10 =	vadd.f32 $1.000000000e+00, v10;
	_ =	sdelay $0x1  }
0x620: {  	(erf) = vrcp.f32 v10  }
0x621: {  	s0 =	simm.s32 $0x10;
	v12 =	vor.u32 $0x3, v12  }
0x622: {  	v11 =	vor.u32 s0, v0  }
0x623: {  	vm1 =	vlt.s32 v11, $0x97  }
0x624: {  	v10 =	vnsel vm1, $0x97, v11  }
0x625: {  	v10 =	vshll.u32 v10, $0x7  }
0x626: {  	[tilespmem:v12+s29+$0x0] =	vst.idx.msk vm0, v13;
	v13 =	vor.u32 $0x50, v10;
	_ =	sdelay $0x2  }
0x627: {  	s1 =	simm.s32 $0x20;
	v14 =	vpop (erf)  }
.LBB2_39:
0x628: {  	p0 =	sne.s32 s1, $0x90;
	[tilespmem:v12+s30+$0x0] =	vst.idx.msk vm0, v14;
	s2 =	smov.u32 s1;
	s1 =	sadd.s32 $0x10, s1  }
0x629: {  	v12 =	vld.idx.msk [tilespmem:v13+s28+$0x0], $0xffff;
	_ =	sdelay $0x5  }
0x62a: {  	v13 =	vsub.f32 $0.0e+00, v12;
	_ =	sdelay $0x1  }
0x62b: {  	v13 =	vmul.f32 $1.442695020e+00, v13;
	_ =	sdelay $0x1  }
0x62c: {  	(erf) = vpow2.f32 v13;
	_ =	sdelay $0x8  }
0x62d: {  	v13 =	vpop (erf)  }
0x62e: {  	v13 =	vadd.f32 $1.000000000e+00, v13;
	_ =	sdelay $0x1  }
0x62f: {  	(erf) = vrcp.f32 v13;
	_ =	sdelay $0x1  }
0x630: {  	v13 =	vmov s0;
	s0 =	smov.u32 s2  }
0x631: {  	vm0 =	vlt.u32 v11, $0x98;
	v11 =	vshll.u32 v13, $0x2  }
0x632: {  	v11 =	vadd.s32 v9, v11;
	_ =	sdelay $0x1  }
0x633: {  	v13 =	vor.u32 $0x51, v10;
	_ =	sdelay $0x2  }
0x634: {  	[tilespmem:v11+s29+$0x0] =	vst.idx.msk vm0, v12;
	v12 =	vpop (erf)  }
0x635: {  	[tilespmem:v11+s30+$0x0] =	vst.idx.msk vm0, v12  }
0x636: {  	v12 =	vld.idx.msk [tilespmem:v13+s28+$0x0], $0xffff;
	_ =	sdelay $0x5  }
0x637: {  	v13 =	vsub.f32 $0.0e+00, v12;
	_ =	sdelay $0x1  }
0x638: {  	v13 =	vmul.f32 $1.442695020e+00, v13;
	_ =	sdelay $0x1  }
0x639: {  	(erf) = vpow2.f32 v13;
	_ =	sdelay $0x8  }
0x63a: {  	v13 =	vpop (erf)  }
0x63b: {  	v13 =	vadd.f32 $1.000000000e+00, v13;
	_ =	sdelay $0x1  }
0x63c: {  	(erf) = vrcp.f32 v13;
	_ =	sdelay $0x3  }
0x63d: {  	v13 =	vor.u32 $0x1, v11;
	_ =	sdelay $0x1  }
0x63e: {  	v14 =	vor.u32 $0x52, v10;
	_ =	sdelay $0x2  }
0x63f: {  	[tilespmem:v13+s29+$0x0] =	vst.idx.msk vm0, v12;
	v12 =	vpop (erf)  }
0x640: {  	[tilespmem:v13+s30+$0x0] =	vst.idx.msk vm0, v12  }
0x641: {  	v12 =	vld.idx.msk [tilespmem:v14+s28+$0x0], $0xffff  }
0x642: {  	v13 =	vor.u32 $0x2, v11;
	_ =	sdelay $0x4  }
0x643: {  	[tilespmem:v13+s29+$0x0] =	vst.idx.msk vm0, v12;
	v12 =	vsub.f32 $0.0e+00, v12;
	_ =	sdelay $0x1  }
0x644: {  	v12 =	vmul.f32 $1.442695020e+00, v12;
	_ =	sdelay $0x1  }
0x645: {  	(erf) = vpow2.f32 v12;
	_ =	sdelay $0x8  }
0x646: {  	v12 =	vpop (erf)  }
0x647: {  	v12 =	vadd.f32 $1.000000000e+00, v12;
	_ =	sdelay $0x1  }
0x648: {  	(erf) = vrcp.f32 v12;
	_ =	sdelay $0x5  }
0x649: {  	v10 =	vor.u32 $0x53, v10;
	_ =	sdelay $0x2  }
0x64a: {  	v12 =	vpop (erf)  }
0x64b: {  	[tilespmem:v13+s30+$0x0] =	vst.idx.msk vm0, v12  }
0x64c: {  	v10 =	vld.idx.msk [tilespmem:v10+s28+$0x0], $0xffff  }
0x64d: {  	v12 =	vor.u32 $0x3, v11;
	_ =	sdelay $0x4  }
0x64e: {  	[tilespmem:v12+s29+$0x0] =	vst.idx.msk vm0, v10;
	v10 =	vsub.f32 $0.0e+00, v10;
	_ =	sdelay $0x1  }
0x64f: {  	v10 =	vmul.f32 $1.442695020e+00, v10;
	_ =	sdelay $0x1  }
0x650: {  	(erf) = vpow2.f32 v10;
	_ =	sdelay $0x8  }
0x651: {  	v10 =	vpop (erf)  }
0x652: {  	v10 =	vadd.f32 $1.000000000e+00, v10;
	_ =	sdelay $0x1  }
0x653: {  	(erf) = vrcp.f32 v10;
	_ =	sdelay $0x1  }
0x654: {  	v11 =	vor.u32 s0, v0  }
0x655: {  	vm1 =	vlt.s32 v11, $0x97  }
0x656: {  	v10 =	vnsel vm1, $0x97, v11  }
.Ltmp19:
0x657: {  	v10 =	vshll.u32 v10, $0x7;
	(pc) =	sbr.rel @p0 .LBB2_39-.Ltmp19, $2  }
0x658: {  	v13 =	vor.u32 $0x50, v10;
	_ =	sdelay $0x2  }
0x659: {  	v14 =	vpop (erf)  }
0x65a: {  	_ =	sdelay $0x4  }
0x65b: {  	[tilespmem:v12+s30+$0x0] =	vst.idx.msk vm0, v14  }
0x65c: {  	v12 =	vld.idx.msk [tilespmem:v13+s28+$0x0], $0xffff;
	_ =	sdelay $0x4  }
0x65d: {  	v13 =	vsub.f32 $0.0e+00, v12;
	_ =	sdelay $0x1  }
0x65e: {  	v13 =	vmul.f32 $1.442695020e+00, v13;
	_ =	sdelay $0x1  }
0x65f: {  	(erf) = vpow2.f32 v13;
	_ =	sdelay $0x8  }
0x660: {  	v13 =	vpop (erf)  }
0x661: {  	v13 =	vadd.f32 $1.000000000e+00, v13;
	_ =	sdelay $0x1  }
0x662: {  	(erf) = vrcp.f32 v13;
	_ =	sdelay $0x1  }
0x663: {  	v57 =	vmov s0  }
0x664: {  	vm15 =	vlt.u32 v11, $0x98;
	v11 =	vshll.u32 v57, $0x2  }
0x665: {  	v9 =	vadd.s32 v9, v11;
	_ =	sdelay $0x1  }
0x666: {  	v11 =	vor.u32 $0x51, v10;
	_ =	sdelay $0x2  }
0x667: {  	[tilespmem:v9+s29+$0x0] =	vst.idx.msk vm15, v12;
	v58 =	vpop (erf)  }
0x668: {  	[tilespmem:v9+s30+$0x0] =	vst.idx.msk vm15, v58  }
0x669: {  	v11 =	vld.idx.msk [tilespmem:v11+s28+$0x0], $0xffff;
	_ =	sdelay $0x4  }
0x66a: {  	v59 =	vsub.f32 $0.0e+00, v11;
	_ =	sdelay $0x1  }
0x66b: {  	v12 =	vmul.f32 $1.442695020e+00, v59;
	_ =	sdelay $0x1  }
0x66c: {  	(erf) = vpow2.f32 v12;
	_ =	sdelay $0x8  }
0x66d: {  	v12 =	vpop (erf)  }
0x66e: {  	v12 =	vadd.f32 $1.000000000e+00, v12;
	_ =	sdelay $0x1  }
0x66f: {  	(erf) = vrcp.f32 v12;
	_ =	sdelay $0x3  }
0x670: {  	v60 =	vor.u32 $0x1, v9;
	_ =	sdelay $0x1  }
0x671: {  	v61 =	vor.u32 $0x52, v10;
	_ =	sdelay $0x2  }
0x672: {  	[tilespmem:v60+s29+$0x0] =	vst.idx.msk vm15, v11;
	v11 =	vpop (erf)  }
0x673: {  	[tilespmem:v60+s30+$0x0] =	vst.idx.msk vm15, v11  }
0x674: {  	v11 =	vld.idx.msk [tilespmem:v61+s28+$0x0], $0xffff;
	_ =	sdelay $0x4  }
0x675: {  	v62 =	vsub.f32 $0.0e+00, v11;
	_ =	sdelay $0x1  }
0x676: {  	v12 =	vmul.f32 $1.442695020e+00, v62;
	_ =	sdelay $0x1  }
0x677: {  	(erf) = vpow2.f32 v12;
	_ =	sdelay $0x8  }
0x678: {  	v12 =	vpop (erf)  }
0x679: {  	v12 =	vadd.f32 $1.000000000e+00, v12;
	_ =	sdelay $0x1  }
0x67a: {  	(erf) = vrcp.f32 v12;
	_ =	sdelay $0x3  }
0x67b: {  	v63 =	vor.u32 $0x2, v9;
	_ =	sdelay $0x1  }
0x67c: {  	v10 =	vor.u32 $0x53, v10;
	_ =	sdelay $0x2  }
0x67d: {  	[tilespmem:v63+s29+$0x0] =	vst.idx.msk vm15, v11;
	v11 =	vpop (erf)  }
0x67e: {  	[tilespmem:v63+s30+$0x0] =	vst.idx.msk vm15, v11  }
0x67f: {  	v10 =	vld.idx.msk [tilespmem:v10+s28+$0x0], $0xffff;
	_ =	sdelay $0x4  }
0x680: {  	v11 =	vsub.f32 $0.0e+00, v10;
	_ =	sdelay $0x1  }
0x681: {  	v11 =	vmul.f32 $1.442695020e+00, v11;
	_ =	sdelay $0x1  }
0x682: {  	(erf) = vpow2.f32 v11;
	_ =	sdelay $0x8  }
0x683: {  	v11 =	vpop (erf)  }
0x684: {  	v11 =	vadd.f32 $1.000000000e+00, v11;
	_ =	sdelay $0x1  }
0x685: {  	(erf) = vrcp.f32 v11;
	_ =	sdelay $0x3  }
0x686: {  	v9 =	vor.u32 $0x3, v9;
	_ =	sdelay $0x4  }
0x687: {  	[tilespmem:v9+s29+$0x0] =	vst.idx.msk vm15, v10;
	v10 =	vpop (erf)  }
0x688: {  	s24 =	simm.s32 $0x0;
	s1 =	rddreg [dreg:$0xa];
	[tilespmem:v9+s30+$0x0] =	vst.idx.msk vm15, v10  }
0x689: {  	[hbm4b:s1+s24] =	stream.linear.scatter [tilespmem:s29], [sflag:$0x2], $0x500, $0x38;
	[tilespmem:$0x12800] =	vst v63  }
0x68a: {  	_ =	swait.ge [sflag:s5], $0x500  }
0x68b: {  	[sflag:s5] =	ssyncset.done $0x0  }
0x68c: {  	s25 =	rddreg [dreg:$0xb];
	[sflag:s5] =	ssyncadd.s32 $0xFFFFFB00  }
0x68d: {  	[hbm4b:s25+s24] =	stream.linear.scatter [tilespmem:s30], [sflag:$0x2], $0x500, $0x38;
	[tilespmem:$0x12800] =	vst v63  }
0x68e: {  	_ =	swait.ge [sflag:s5], $0x500  }
0x68f: {  	s26 =	rddreg [dreg:$0xe]  }
0x690: {  	s31 =	rddreg [dreg:$0xd];
	s1 =	sadd.s32 $0x1, s26  }
0x691: {  	p0 =	sne.s32 s1, s31  }
.Ltmp20:
0x692: {  	_ = 	snop;
	(pc) =	sbr.rel @p0 .LBB2_2-.Ltmp20, $3  }
0x693: {  	_ =	sdelay $0x1  }
0x694: {  	[sflag:s5] =	ssyncset.done $0x0  }
0x695: {  	[sflag:s5] =	ssyncadd.s32 $0xFFFFFB00  }
.LBB2_41:
0x696: {  	_ =	sfence.sel $0x180000  }
0x697: {  	[bflag:$0x0] =	sbarrier.arrive $0xFFFF  }
0x698: {  	_ =	strace $0x90000047  }
0x699: {  	s0 =	stileid.u32;
	[bflag:$0x2] =	sbarrier.arrive $0xFFFF  }
0x69a: {  	p0 =	sne.s32 s0, $0x0;
	s0 =	rddreg [dreg:$0x4]  }
0x69b: {  	s0 =	sadd.s32 @!p0 $0x100000, s0  }
0x69c: {  	[sflag:s0] =	ssyncadd.tile.s32 @!p0 $0x1;
	_ =	shalt  }
.Lfunc_end2:
_tile_overlayer_lowered:
.L_overlay_start_2:
0x69d: {  	(tag) =	ssettag $0x2  }
0x69e: {  	s0 =	rddreg [dreg:$0x0];
	s2 =	stileid.u32  }
0x69f: {  	s1 =	rddreg [dreg:$0x1];
	p0 =	sne.s32 s2, $0x0  }
0x6a0: {  	s3 =	rddreg [dreg:$0x2];
	[bflag:$0x3] =	sbarrier.arrive $0xFFFF;
	s2 =	simm.s32 @!p0 $0x1C02  }
0x6a1: {  	[timem:s3], [sflag:s2] =	dma.local @!p0 [hbm:s0], s1  }
0x6a2: {  	s0 =	simm.s32 @!p0 $0x2  }
0x6a3: {  	_ =	swait.ge @!p0 [sflag:s0], s1  }
0x6a4: {  	s1 =	ssub.s32 @!p0 $0x0, s1;
	[sflag:s0] =	ssyncset.done @!p0 $0x0  }
0x6a5: {  	[sflag:s0] =	ssyncadd.s32 @!p0 s1  }
0x6a6: {  	[bflag:$0x3] =	sbarrier.arrive $0xFFFF  }
0x6a7: {  	_ =	shalt  }

</sc_bundles>
